<compile_context>
chip_gen: v7x
topology: tpu7x:2x2x1
jax: 0.10.2.dev20260603
libtpu: 0.0.44.dev20260713+nightly
codegen_flags: <defaults>
</compile_context>

<pallas_src>
import functools

import jax
import jax.numpy as jnp
from jax import lax
from jax.experimental import pallas as pl
from jax.experimental.pallas import tpu as pltpu
from jax.experimental.pallas import tpu_sc as plsc

_NC = 2
_NS = 16
_L = 16
_NW = _NC * _NS


@functools.partial(jax.jit, static_argnums=(3, 4, 5))
def _gather_project(tableT, wb, xf, LEN, D, VP):
    B = xf.shape[0]
    per_w = B // _NW
    chunk = 64
    n_chunks = per_w // chunk
    n_full = LEN // _L
    tail = LEN - n_full * _L
    mesh = plsc.VectorSubcoreMesh(core_axis_name="c", subcore_axis_name="s")

    @functools.partial(
        pl.kernel,
        out_type=jax.ShapeDtypeStruct((B, LEN), jnp.float32),
        mesh=mesh,
        compiler_params=pltpu.CompilerParams(needs_layout_passes=False),
        scratch_types=[
            pltpu.VMEM((D, VP), jnp.float32),
            pltpu.VMEM((D + 1, 128), jnp.float32),
            pltpu.VMEM((VP,), jnp.float32),
            pltpu.VMEM((2, chunk, LEN), jnp.int32),
            pltpu.VMEM((2, chunk, LEN), jnp.float32),
            pltpu.SemaphoreType.DMA,
            pltpu.SemaphoreType.DMA,
            pltpu.SemaphoreType.DMA,
            pltpu.SemaphoreType.DMA,
        ],
    )
    def body(tableT_hbm, wb_hbm, x_hbm, out_hbm, tableT_v, wb_v, proj_v,
             idx_v, val_v, in_sem0, in_sem1, out_sem0, out_sem1):
        wid = lax.axis_index("s") * _NC + lax.axis_index("c")
        row0 = wid * per_w
        in_sems = [in_sem0, in_sem1]
        out_sems = [out_sem0, out_sem1]
        in_desc = [None, None]
        out_desc = [None, None]

        in_desc[0] = pltpu.async_copy(
            x_hbm.at[pl.ds(row0, chunk), :], idx_v.at[0], in_sems[0])

        pltpu.sync_copy(tableT_hbm, tableT_v)
        pltpu.sync_copy(wb_hbm, wb_v)
        bias = wb_v[D, pl.ds(0, _L)]
        w_bcast = [wb_v[d, pl.ds(0, _L)] for d in range(D)]
        for g in range(VP // _L):
            acc = bias
            for d in range(D):
                acc = acc + tableT_v[d, pl.ds(g * _L, _L)] * w_bcast[d]
            proj_v[pl.ds(g * _L, _L)] = acc

        col_starts = [c * _L for c in range(n_full)]
        if tail:
            col_starts.append(LEN - _L)

        for kk in range(n_chunks):
            buf = kk % 2
            nbuf = (kk + 1) % 2
            if kk + 1 < n_chunks:
                in_desc[nbuf] = pltpu.async_copy(
                    x_hbm.at[pl.ds(row0 + (kk + 1) * chunk, chunk), :],
                    idx_v.at[nbuf], in_sems[nbuf])
            in_desc[buf].wait()
            if out_desc[buf] is not None:
                out_desc[buf].wait()

            @plsc.parallel_loop(0, chunk, 1, unroll=2)
            def gather_row(r):
                for c0 in col_starts:
                    iv = idx_v[buf, r, pl.ds(c0, _L)]
                    val_v[buf, r, pl.ds(c0, _L)] = plsc.load_gather(
                        proj_v, [iv])

            out_desc[buf] = pltpu.async_copy(
                val_v.at[buf],
                out_hbm.at[pl.ds(row0 + kk * chunk, chunk), :], out_sems[buf])

        for buf in range(2):
            if out_desc[buf] is not None:
                out_desc[buf].wait()

    return body(tableT, wb, xf)


def kernel(x, embed_table, lin_w, lin_b):
    B, L = x.shape
    V, D = embed_table.shape
    VP = -(-V // 128) * 128
    xf = x.astype(jnp.int32)
    tableT = jnp.zeros((D, VP), jnp.float32).at[:, :V].set(
        embed_table.T.astype(jnp.float32))
    wvals = jnp.concatenate(
        [lin_w[0].astype(jnp.float32), lin_b.astype(jnp.float32)])
    wb = jnp.broadcast_to(wvals[:, None], (D + 1, 128))
    out = _gather_project(tableT, wb, xf, L, D, VP)
    return out.reshape(B, L, 1)

# --- scband reference (transcript-rebuilt; emitter-appended) ---
"""Pipeline reference for scband-model-embed-in-no-get-16174846837270 (READ-ONLY COPY).

The authoritative reference and input builder live on the scoring server;
editing this copy changes nothing except your own understanding.
"""

import jax, jax.numpy as jnp
import numpy as np

VOCAB = 100
EMBED_DIM = 10
OUT_DIM = 1
BATCH = 16384
HIST = 200


def setup_inputs(seed: int = 0) -> dict:
    key = jax.random.key(seed)
    k_idx, k_emb, k_w, k_b = jax.random.split(key, 4)
    x = jax.random.randint(k_idx, (BATCH, HIST), 0, VOCAB, dtype=jnp.int64 if jax.config.jax_enable_x64 else jnp.int32)
    embed_table = jax.random.normal(k_emb, (VOCAB, EMBED_DIM), dtype=jnp.float32)
    # torch Linear init: uniform(-1/sqrt(in), 1/sqrt(in))
    bound = 1.0 / np.sqrt(EMBED_DIM)
    lin_w = jax.random.uniform(k_w, (OUT_DIM, EMBED_DIM), dtype=jnp.float32, minval=-bound, maxval=bound)
    lin_b = jax.random.uniform(k_b, (OUT_DIM,), dtype=jnp.float32, minval=-bound, maxval=bound)
    return {"x": x, "embed_table": embed_table, "lin_w": lin_w, "lin_b": lin_b}


def reference(x, embed_table, lin_w, lin_b):
    # embedding lookup: gather rows of the table
    emb = jnp.take(embed_table, x, axis=0)          # [B, L, EMBED_DIM]
    # linear layer: emb @ W^T + b
    out = jnp.einsum('bld,od->blo', emb, lin_w) + lin_b  # [B, L, 1]
    return out

if __name__ == "__main__":
    import jax
    _d = setup_inputs()
    print(jax.jit(kernel)(*tuple(_d.values())))

</pallas_src>

<mosaic_0001>
#map = affine_map<(d0, d1) -> (0, 0)>
module attributes {stable_mosaic.version = 14 : i64} {
  func.func @body(%arg0: i32, %arg1: i32, %arg2: memref<10x128xf32, #tpu.memory_space<hbm>>, %arg3: memref<11x128xf32, #tpu.memory_space<hbm>>, %arg4: memref<16384x200xi32, #tpu.memory_space<hbm>>, %arg5: memref<16384x200xf32, #tpu.memory_space<hbm>>, %arg6: memref<10x128xf32, #tpu.memory_space<vmem>>, %arg7: memref<11x128xf32, #tpu.memory_space<vmem>>, %arg8: memref<128xf32, #tpu.memory_space<vmem>>, %arg9: memref<2x64x200xi32, #tpu.memory_space<vmem>>, %arg10: memref<2x64x200xf32, #tpu.memory_space<vmem>>, %arg11: memref<!tpu.dma_semaphore, #tpu.memory_space<semaphore_mem>>, %arg12: memref<!tpu.dma_semaphore, #tpu.memory_space<semaphore_mem>>, %arg13: memref<!tpu.dma_semaphore, #tpu.memory_space<semaphore_mem>>, %arg14: memref<!tpu.dma_semaphore, #tpu.memory_space<semaphore_mem>>) attributes {dimension_semantics = [#tpu.dimension_semantics<core_parallel>, #tpu.dimension_semantics<subcore_parallel>], iteration_bounds = array<i64: 2, 16>, scalar_prefetch = 0 : i64, scratch_operands = 9 : i64, tpu.core_type = #tpu.core_type<sc_vector_subcore>, window_params = [{transform_indices = #map}, {transform_indices = #map}, {transform_indices = #map}, {transform_indices = #map}]} {
    %mul3A = arith.constant 2 : i32
    %mul3A_0 = arith.muli %arg1, %mul3A : i32
    %add3A = arith.addi %mul3A_0, %arg0 : i32
    %mul3A_1 = arith.constant 512 : i32
    %mul3A_2 = arith.muli %add3A, %mul3A_1 : i32
    %dma_start3A = arith.constant 0 : i32
    %dma_start3A_3 = arith.constant 0 : i32
    %dma_start3A_4 = arith.constant 0 : i32
    %dma_start3A_5 = tpu.memref_slice %arg9[%dma_start3A, %dma_start3A_3, %dma_start3A_4] : memref<2x64x200xi32, #tpu.memory_space<vmem>> -> memref<1x64x200xi32, #tpu.memory_space<vmem>>
    %dma_start3A_6 = tpu.memref_squeeze %dma_start3A_5 : memref<1x64x200xi32, #tpu.memory_space<vmem>> -> memref<64x200xi32, #tpu.memory_space<vmem>>
    %dma_start3A_7 = arith.constant 0 : i32
    %dma_start3A_8 = tpu.memref_slice %arg4[%mul3A_2, %dma_start3A_7] : memref<16384x200xi32, #tpu.memory_space<hbm>> -> memref<64x200xi32, #tpu.memory_space<hbm>>
    %dma_start3A_9 = arith.constant 0 : i32
    %dma_start3A_10 = arith.constant 0 : i32
    %dma_start3A_11 = tpu.memref_slice %arg9[%dma_start3A, %dma_start3A_9, %dma_start3A_10] : memref<2x64x200xi32, #tpu.memory_space<vmem>> -> memref<1x64x200xi32, #tpu.memory_space<vmem>>
    %dma_start3A_12 = tpu.memref_squeeze %dma_start3A_11 : memref<1x64x200xi32, #tpu.memory_space<vmem>> -> memref<64x200xi32, #tpu.memory_space<vmem>>
    %dma_start3A_13 = arith.constant 0 : i32
    %dma_start3A_14 = tpu.memref_slice %arg4[%mul3A_2, %dma_start3A_13] : memref<16384x200xi32, #tpu.memory_space<hbm>> -> memref<64x200xi32, #tpu.memory_space<hbm>>
    tpu.enqueue_dma source(%dma_start3A_14 : memref<64x200xi32, #tpu.memory_space<hbm>>) target(%dma_start3A_12 : memref<64x200xi32, #tpu.memory_space<vmem>>) target_semaphore(%arg11 : memref<!tpu.dma_semaphore, #tpu.memory_space<semaphore_mem>>)
    "tpu.region"() ({
      %run_scoped3A = tpu.sem_alloc : memref<!tpu.dma_semaphore, #tpu.memory_space<semaphore_mem>>
      tpu.enqueue_dma source(%arg2 : memref<10x128xf32, #tpu.memory_space<hbm>>) target(%arg6 : memref<10x128xf32, #tpu.memory_space<vmem>>) target_semaphore(%run_scoped3A : memref<!tpu.dma_semaphore, #tpu.memory_space<semaphore_mem>>)
      tpu.wait_dma2 semaphore(%run_scoped3A : memref<!tpu.dma_semaphore, #tpu.memory_space<semaphore_mem>>) src(%arg2 : memref<10x128xf32, #tpu.memory_space<hbm>>) dst(%arg6 : memref<10x128xf32, #tpu.memory_space<vmem>>)
      tpu.yield
    }) : () -> ()
    "tpu.region"() ({
      %run_scoped3A = tpu.sem_alloc : memref<!tpu.dma_semaphore, #tpu.memory_space<semaphore_mem>>
      tpu.enqueue_dma source(%arg3 : memref<11x128xf32, #tpu.memory_space<hbm>>) target(%arg7 : memref<11x128xf32, #tpu.memory_space<vmem>>) target_semaphore(%run_scoped3A : memref<!tpu.dma_semaphore, #tpu.memory_space<semaphore_mem>>)
      tpu.wait_dma2 semaphore(%run_scoped3A : memref<!tpu.dma_semaphore, #tpu.memory_space<semaphore_mem>>) src(%arg3 : memref<11x128xf32, #tpu.memory_space<hbm>>) dst(%arg7 : memref<11x128xf32, #tpu.memory_space<vmem>>)
      tpu.yield
    }) : () -> ()
    %get3A = arith.constant 10 : i32
    %get3A_15 = arith.index_cast %get3A : i32 to index
    %get3A_16 = arith.constant 0 : index
    %get3A_17 = tpu.vector_load %arg7[%get3A_15, %get3A_16] {strides = array<i32>} : memref<11x128xf32, #tpu.memory_space<vmem>>, vector<16xf32>,
    %get3A_18 = arith.constant 0 : i32
    %get3A_19 = arith.index_cast %get3A_18 : i32 to index
    %get3A_20 = arith.constant 0 : index
    %get3A_21 = tpu.vector_load %arg7[%get3A_19, %get3A_20] {strides = array<i32>} : memref<11x128xf32, #tpu.memory_space<vmem>>, vector<16xf32>,
    %get3A_22 = arith.constant 1 : i32
    %get3A_23 = arith.index_cast %get3A_22 : i32 to index
    %get3A_24 = arith.constant 0 : index
    %get3A_25 = tpu.vector_load %arg7[%get3A_23, %get3A_24] {strides = array<i32>} : memref<11x128xf32, #tpu.memory_space<vmem>>, vector<16xf32>,
    %get3A_26 = arith.constant 2 : i32
    %get3A_27 = arith.index_cast %get3A_26 : i32 to index
    %get3A_28 = arith.constant 0 : index
    %get3A_29 = tpu.vector_load %arg7[%get3A_27, %get3A_28] {strides = array<i32>} : memref<11x128xf32, #tpu.memory_space<vmem>>, vector<16xf32>,
    %get3A_30 = arith.constant 3 : i32
    %get3A_31 = arith.index_cast %get3A_30 : i32 to index
    %get3A_32 = arith.constant 0 : index
    %get3A_33 = tpu.vector_load %arg7[%get3A_31, %get3A_32] {strides = array<i32>} : memref<11x128xf32, #tpu.memory_space<vmem>>, vector<16xf32>,
    %get3A_34 = arith.constant 4 : i32
    %get3A_35 = arith.index_cast %get3A_34 : i32 to index
    %get3A_36 = arith.constant 0 : index
    %get3A_37 = tpu.vector_load %arg7[%get3A_35, %get3A_36] {strides = array<i32>} : memref<11x128xf32, #tpu.memory_space<vmem>>, vector<16xf32>,
    %get3A_38 = arith.constant 5 : i32
    %get3A_39 = arith.index_cast %get3A_38 : i32 to index
    %get3A_40 = arith.constant 0 : index
    %get3A_41 = tpu.vector_load %arg7[%get3A_39, %get3A_40] {strides = array<i32>} : memref<11x128xf32, #tpu.memory_space<vmem>>, vector<16xf32>,
    %get3A_42 = arith.constant 6 : i32
    %get3A_43 = arith.index_cast %get3A_42 : i32 to index
    %get3A_44 = arith.constant 0 : index
    %get3A_45 = tpu.vector_load %arg7[%get3A_43, %get3A_44] {strides = array<i32>} : memref<11x128xf32, #tpu.memory_space<vmem>>, vector<16xf32>,
    %get3A_46 = arith.constant 7 : i32
    %get3A_47 = arith.index_cast %get3A_46 : i32 to index
    %get3A_48 = arith.constant 0 : index
    %get3A_49 = tpu.vector_load %arg7[%get3A_47, %get3A_48] {strides = array<i32>} : memref<11x128xf32, #tpu.memory_space<vmem>>, vector<16xf32>,
    %get3A_50 = arith.constant 8 : i32
    %get3A_51 = arith.index_cast %get3A_50 : i32 to index
    %get3A_52 = arith.constant 0 : index
    %get3A_53 = tpu.vector_load %arg7[%get3A_51, %get3A_52] {strides = array<i32>} : memref<11x128xf32, #tpu.memory_space<vmem>>, vector<16xf32>,
    %get3A_54 = arith.constant 9 : i32
    %get3A_55 = arith.index_cast %get3A_54 : i32 to index
    %get3A_56 = arith.constant 0 : index
    %get3A_57 = tpu.vector_load %arg7[%get3A_55, %get3A_56] {strides = array<i32>} : memref<11x128xf32, #tpu.memory_space<vmem>>, vector<16xf32>,
    %get3A_58 = arith.constant 0 : i32
    %get3A_59 = arith.index_cast %get3A_58 : i32 to index
    %get3A_60 = arith.constant 0 : index
    %get3A_61 = tpu.vector_load %arg6[%get3A_59, %get3A_60] {strides = array<i32>} : memref<10x128xf32, #tpu.memory_space<vmem>>, vector<16xf32>,
    %mul3A_62 = arith.mulf %get3A_61, %get3A_21 : vector<16xf32>
    %add3A_63 = arith.addf %get3A_17, %mul3A_62 : vector<16xf32>
    %get3A_64 = arith.constant 1 : i32
    %get3A_65 = arith.index_cast %get3A_64 : i32 to index
    %get3A_66 = arith.constant 0 : index
    %get3A_67 = tpu.vector_load %arg6[%get3A_65, %get3A_66] {strides = array<i32>} : memref<10x128xf32, #tpu.memory_space<vmem>>, vector<16xf32>,
    %mul3A_68 = arith.mulf %get3A_67, %get3A_25 : vector<16xf32>
    %add3A_69 = arith.addf %add3A_63, %mul3A_68 : vector<16xf32>
    %get3A_70 = arith.constant 2 : i32
    %get3A_71 = arith.index_cast %get3A_70 : i32 to index
    %get3A_72 = arith.constant 0 : index
    %get3A_73 = tpu.vector_load %arg6[%get3A_71, %get3A_72] {strides = array<i32>} : memref<10x128xf32, #tpu.memory_space<vmem>>, vector<16xf32>,
    %mul3A_74 = arith.mulf %get3A_73, %get3A_29 : vector<16xf32>
    %add3A_75 = arith.addf %add3A_69, %mul3A_74 : vector<16xf32>
    %get3A_76 = arith.constant 3 : i32
    %get3A_77 = arith.index_cast %get3A_76 : i32 to index
    %get3A_78 = arith.constant 0 : index
    %get3A_79 = tpu.vector_load %arg6[%get3A_77, %get3A_78] {strides = array<i32>} : memref<10x128xf32, #tpu.memory_space<vmem>>, vector<16xf32>,
    %mul3A_80 = arith.mulf %get3A_79, %get3A_33 : vector<16xf32>
    %add3A_81 = arith.addf %add3A_75, %mul3A_80 : vector<16xf32>
    %get3A_82 = arith.constant 4 : i32
    %get3A_83 = arith.index_cast %get3A_82 : i32 to index
    %get3A_84 = arith.constant 0 : index
    %get3A_85 = tpu.vector_load %arg6[%get3A_83, %get3A_84] {strides = array<i32>} : memref<10x128xf32, #tpu.memory_space<vmem>>, vector<16xf32>,
    %mul3A_86 = arith.mulf %get3A_85, %get3A_37 : vector<16xf32>
    %add3A_87 = arith.addf %add3A_81, %mul3A_86 : vector<16xf32>
    %get3A_88 = arith.constant 5 : i32
    %get3A_89 = arith.index_cast %get3A_88 : i32 to index
    %get3A_90 = arith.constant 0 : index
    %get3A_91 = tpu.vector_load %arg6[%get3A_89, %get3A_90] {strides = array<i32>} : memref<10x128xf32, #tpu.memory_space<vmem>>, vector<16xf32>,
    %mul3A_92 = arith.mulf %get3A_91, %get3A_41 : vector<16xf32>
    %add3A_93 = arith.addf %add3A_87, %mul3A_92 : vector<16xf32>
    %get3A_94 = arith.constant 6 : i32
    %get3A_95 = arith.index_cast %get3A_94 : i32 to index
    %get3A_96 = arith.constant 0 : index
    %get3A_97 = tpu.vector_load %arg6[%get3A_95, %get3A_96] {strides = array<i32>} : memref<10x128xf32, #tpu.memory_space<vmem>>, vector<16xf32>,
    %mul3A_98 = arith.mulf %get3A_97, %get3A_45 : vector<16xf32>
    %add3A_99 = arith.addf %add3A_93, %mul3A_98 : vector<16xf32>
    %get3A_100 = arith.constant 7 : i32
    %get3A_101 = arith.index_cast %get3A_100 : i32 to index
    %get3A_102 = arith.constant 0 : index
    %get3A_103 = tpu.vector_load %arg6[%get3A_101, %get3A_102] {strides = array<i32>} : memref<10x128xf32, #tpu.memory_space<vmem>>, vector<16xf32>,
    %mul3A_104 = arith.mulf %get3A_103, %get3A_49 : vector<16xf32>
    %add3A_105 = arith.addf %add3A_99, %mul3A_104 : vector<16xf32>
    %get3A_106 = arith.constant 8 : i32
    %get3A_107 = arith.index_cast %get3A_106 : i32 to index
    %get3A_108 = arith.constant 0 : index
    %get3A_109 = tpu.vector_load %arg6[%get3A_107, %get3A_108] {strides = array<i32>} : memref<10x128xf32, #tpu.memory_space<vmem>>, vector<16xf32>,
    %mul3A_110 = arith.mulf %get3A_109, %get3A_53 : vector<16xf32>
    %add3A_111 = arith.addf %add3A_105, %mul3A_110 : vector<16xf32>
    %get3A_112 = arith.constant 9 : i32
    %get3A_113 = arith.index_cast %get3A_112 : i32 to index
    %get3A_114 = arith.constant 0 : index
    %get3A_115 = tpu.vector_load %arg6[%get3A_113, %get3A_114] {strides = array<i32>} : memref<10x128xf32, #tpu.memory_space<vmem>>, vector<16xf32>,
    %mul3A_116 = arith.mulf %get3A_115, %get3A_57 : vector<16xf32>
    %add3A_117 = arith.addf %add3A_111, %mul3A_116 : vector<16xf32>
    %swap3A = arith.constant 0 : index
    %swap3A_118 = tpu.vector_load %arg8[%swap3A] {strides = array<i32>} : memref<128xf32, #tpu.memory_space<vmem>>, vector<16xf32>,
    tpu.vector_store %arg8[%swap3A], %add3A_117 {strides = array<i32>} : memref<128xf32, #tpu.memory_space<vmem>>, vector<16xf32>,
    %get3A_119 = arith.constant 0 : i32
    %get3A_120 = arith.index_cast %get3A_119 : i32 to index
    %get3A_121 = arith.constant 16 : index
    %get3A_122 = tpu.vector_load %arg6[%get3A_120, %get3A_121] {strides = array<i32>} : memref<10x128xf32, #tpu.memory_space<vmem>>, vector<16xf32>,
    %mul3A_123 = arith.mulf %get3A_122, %get3A_21 : vector<16xf32>
    %add3A_124 = arith.addf %get3A_17, %mul3A_123 : vector<16xf32>
    %get3A_125 = arith.constant 1 : i32
    %get3A_126 = arith.index_cast %get3A_125 : i32 to index
    %get3A_127 = arith.constant 16 : index
    %get3A_128 = tpu.vector_load %arg6[%get3A_126, %get3A_127] {strides = array<i32>} : memref<10x128xf32, #tpu.memory_space<vmem>>, vector<16xf32>,
    %mul3A_129 = arith.mulf %get3A_128, %get3A_25 : vector<16xf32>
    %add3A_130 = arith.addf %add3A_124, %mul3A_129 : vector<16xf32>
    %get3A_131 = arith.constant 2 : i32
    %get3A_132 = arith.index_cast %get3A_131 : i32 to index
    %get3A_133 = arith.constant 16 : index
    %get3A_134 = tpu.vector_load %arg6[%get3A_132, %get3A_133] {strides = array<i32>} : memref<10x128xf32, #tpu.memory_space<vmem>>, vector<16xf32>,
    %mul3A_135 = arith.mulf %get3A_134, %get3A_29 : vector<16xf32>
    %add3A_136 = arith.addf %add3A_130, %mul3A_135 : vector<16xf32>
    %get3A_137 = arith.constant 3 : i32
    %get3A_138 = arith.index_cast %get3A_137 : i32 to index
    %get3A_139 = arith.constant 16 : index
    %get3A_140 = tpu.vector_load %arg6[%get3A_138, %get3A_139] {strides = array<i32>} : memref<10x128xf32, #tpu.memory_space<vmem>>, vector<16xf32>,
    %mul3A_141 = arith.mulf %get3A_140, %get3A_33 : vector<16xf32>
    %add3A_142 = arith.addf %add3A_136, %mul3A_141 : vector<16xf32>
    %get3A_143 = arith.constant 4 : i32
    %get3A_144 = arith.index_cast %get3A_143 : i32 to index
    %get3A_145 = arith.constant 16 : index
    %get3A_146 = tpu.vector_load %arg6[%get3A_144, %get3A_145] {strides = array<i32>} : memref<10x128xf32, #tpu.memory_space<vmem>>, vector<16xf32>,
    %mul3A_147 = arith.mulf %get3A_146, %get3A_37 : vector<16xf32>
    %add3A_148 = arith.addf %add3A_142, %mul3A_147 : vector<16xf32>
    %get3A_149 = arith.constant 5 : i32
    %get3A_150 = arith.index_cast %get3A_149 : i32 to index
    %get3A_151 = arith.constant 16 : index
    %get3A_152 = tpu.vector_load %arg6[%get3A_150, %get3A_151] {strides = array<i32>} : memref<10x128xf32, #tpu.memory_space<vmem>>, vector<16xf32>,
    %mul3A_153 = arith.mulf %get3A_152, %get3A_41 : vector<16xf32>
    %add3A_154 = arith.addf %add3A_148, %mul3A_153 : vector<16xf32>
    %get3A_155 = arith.constant 6 : i32
    %get3A_156 = arith.index_cast %get3A_155 : i32 to index
    %get3A_157 = arith.constant 16 : index
    %get3A_158 = tpu.vector_load %arg6[%get3A_156, %get3A_157] {strides = array<i32>} : memref<10x128xf32, #tpu.memory_space<vmem>>, vector<16xf32>,
    %mul3A_159 = arith.mulf %get3A_158, %get3A_45 : vector<16xf32>
    %add3A_160 = arith.addf %add3A_154, %mul3A_159 : vector<16xf32>
    %get3A_161 = arith.constant 7 : i32
    %get3A_162 = arith.index_cast %get3A_161 : i32 to index
    %get3A_163 = arith.constant 16 : index
    %get3A_164 = tpu.vector_load %arg6[%get3A_162, %get3A_163] {strides = array<i32>} : memref<10x128xf32, #tpu.memory_space<vmem>>, vector<16xf32>,
    %mul3A_165 = arith.mulf %get3A_164, %get3A_49 : vector<16xf32>
    %add3A_166 = arith.addf %add3A_160, %mul3A_165 : vector<16xf32>
    %get3A_167 = arith.constant 8 : i32
    %get3A_168 = arith.index_cast %get3A_167 : i32 to index
    %get3A_169 = arith.constant 16 : index
    %get3A_170 = tpu.vector_load %arg6[%get3A_168, %get3A_169] {strides = array<i32>} : memref<10x128xf32, #tpu.memory_space<vmem>>, vector<16xf32>,
    %mul3A_171 = arith.mulf %get3A_170, %get3A_53 : vector<16xf32>
    %add3A_172 = arith.addf %add3A_166, %mul3A_171 : vector<16xf32>
    %get3A_173 = arith.constant 9 : i32
    %get3A_174 = arith.index_cast %get3A_173 : i32 to index
    %get3A_175 = arith.constant 16 : index
    %get3A_176 = tpu.vector_load %arg6[%get3A_174, %get3A_175] {strides = array<i32>} : memref<10x128xf32, #tpu.memory_space<vmem>>, vector<16xf32>,
    %mul3A_177 = arith.mulf %get3A_176, %get3A_57 : vector<16xf32>
    %add3A_178 = arith.addf %add3A_172, %mul3A_177 : vector<16xf32>
    %swap3A_179 = arith.constant 16 : index
    %swap3A_180 = tpu.vector_load %arg8[%swap3A_179] {strides = array<i32>} : memref<128xf32, #tpu.memory_space<vmem>>, vector<16xf32>,
    tpu.vector_store %arg8[%swap3A_179], %add3A_178 {strides = array<i32>} : memref<128xf32, #tpu.memory_space<vmem>>, vector<16xf32>,
    %get3A_181 = arith.constant 0 : i32
    %get3A_182 = arith.index_cast %get3A_181 : i32 to index
    %get3A_183 = arith.constant 32 : index
    %get3A_184 = tpu.vector_load %arg6[%get3A_182, %get3A_183] {strides = array<i32>} : memref<10x128xf32, #tpu.memory_space<vmem>>, vector<16xf32>,
    %mul3A_185 = arith.mulf %get3A_184, %get3A_21 : vector<16xf32>
    %add3A_186 = arith.addf %get3A_17, %mul3A_185 : vector<16xf32>
    %get3A_187 = arith.constant 1 : i32
    %get3A_188 = arith.index_cast %get3A_187 : i32 to index
    %get3A_189 = arith.constant 32 : index
    %get3A_190 = tpu.vector_load %arg6[%get3A_188, %get3A_189] {strides = array<i32>} : memref<10x128xf32, #tpu.memory_space<vmem>>, vector<16xf32>,
    %mul3A_191 = arith.mulf %get3A_190, %get3A_25 : vector<16xf32>
    %add3A_192 = arith.addf %add3A_186, %mul3A_191 : vector<16xf32>
    %get3A_193 = arith.constant 2 : i32
    %get3A_194 = arith.index_cast %get3A_193 : i32 to index
    %get3A_195 = arith.constant 32 : index
    %get3A_196 = tpu.vector_load %arg6[%get3A_194, %get3A_195] {strides = array<i32>} : memref<10x128xf32, #tpu.memory_space<vmem>>, vector<16xf32>,
    %mul3A_197 = arith.mulf %get3A_196, %get3A_29 : vector<16xf32>
    %add3A_198 = arith.addf %add3A_192, %mul3A_197 : vector<16xf32>
    %get3A_199 = arith.constant 3 : i32
    %get3A_200 = arith.index_cast %get3A_199 : i32 to index
    %get3A_201 = arith.constant 32 : index
    %get3A_202 = tpu.vector_load %arg6[%get3A_200, %get3A_201] {strides = array<i32>} : memref<10x128xf32, #tpu.memory_space<vmem>>, vector<16xf32>,
    %mul3A_203 = arith.mulf %get3A_202, %get3A_33 : vector<16xf32>
    %add3A_204 = arith.addf %add3A_198, %mul3A_203 : vector<16xf32>
    %get3A_205 = arith.constant 4 : i32
    %get3A_206 = arith.index_cast %get3A_205 : i32 to index
    %get3A_207 = arith.constant 32 : index
    %get3A_208 = tpu.vector_load %arg6[%get3A_206, %get3A_207] {strides = array<i32>} : memref<10x128xf32, #tpu.memory_space<vmem>>, vector<16xf32>,
    %mul3A_209 = arith.mulf %get3A_208, %get3A_37 : vector<16xf32>
    %add3A_210 = arith.addf %add3A_204, %mul3A_209 : vector<16xf32>
    %get3A_211 = arith.constant 5 : i32
    %get3A_212 = arith.index_cast %get3A_211 : i32 to index
    %get3A_213 = arith.constant 32 : index
    %get3A_214 = tpu.vector_load %arg6[%get3A_212, %get3A_213] {strides = array<i32>} : memref<10x128xf32, #tpu.memory_space<vmem>>, vector<16xf32>,
    %mul3A_215 = arith.mulf %get3A_214, %get3A_41 : vector<16xf32>
    %add3A_216 = arith.addf %add3A_210, %mul3A_215 : vector<16xf32>
    %get3A_217 = arith.constant 6 : i32
    %get3A_218 = arith.index_cast %get3A_217 : i32 to index
    %get3A_219 = arith.constant 32 : index
    %get3A_220 = tpu.vector_load %arg6[%get3A_218, %get3A_219] {strides = array<i32>} : memref<10x128xf32, #tpu.memory_space<vmem>>, vector<16xf32>,
    %mul3A_221 = arith.mulf %get3A_220, %get3A_45 : vector<16xf32>
    %add3A_222 = arith.addf %add3A_216, %mul3A_221 : vector<16xf32>
    %get3A_223 = arith.constant 7 : i32
    %get3A_224 = arith.index_cast %get3A_223 : i32 to index
    %get3A_225 = arith.constant 32 : index
    %get3A_226 = tpu.vector_load %arg6[%get3A_224, %get3A_225] {strides = array<i32>} : memref<10x128xf32, #tpu.memory_space<vmem>>, vector<16xf32>,
    %mul3A_227 = arith.mulf %get3A_226, %get3A_49 : vector<16xf32>
    %add3A_228 = arith.addf %add3A_222, %mul3A_227 : vector<16xf32>
    %get3A_229 = arith.constant 8 : i32
    %get3A_230 = arith.index_cast %get3A_229 : i32 to index
    %get3A_231 = arith.constant 32 : index
    %get3A_232 = tpu.vector_load %arg6[%get3A_230, %get3A_231] {strides = array<i32>} : memref<10x128xf32, #tpu.memory_space<vmem>>, vector<16xf32>,
    %mul3A_233 = arith.mulf %get3A_232, %get3A_53 : vector<16xf32>
    %add3A_234 = arith.addf %add3A_228, %mul3A_233 : vector<16xf32>
    %get3A_235 = arith.constant 9 : i32
    %get3A_236 = arith.index_cast %get3A_235 : i32 to index
    %get3A_237 = arith.constant 32 : index
    %get3A_238 = tpu.vector_load %arg6[%get3A_236, %get3A_237] {strides = array<i32>} : memref<10x128xf32, #tpu.memory_space<vmem>>, vector<16xf32>,
    %mul3A_239 = arith.mulf %get3A_238, %get3A_57 : vector<16xf32>
    %add3A_240 = arith.addf %add3A_234, %mul3A_239 : vector<16xf32>
    %swap3A_241 = arith.constant 32 : index
    %swap3A_242 = tpu.vector_load %arg8[%swap3A_241] {strides = array<i32>} : memref<128xf32, #tpu.memory_space<vmem>>, vector<16xf32>,
    tpu.vector_store %arg8[%swap3A_241], %add3A_240 {strides = array<i32>} : memref<128xf32, #tpu.memory_space<vmem>>, vector<16xf32>,
    %get3A_243 = arith.constant 0 : i32
    %get3A_244 = arith.index_cast %get3A_243 : i32 to index
    %get3A_245 = arith.constant 48 : index
    %get3A_246 = tpu.vector_load %arg6[%get3A_244, %get3A_245] {strides = array<i32>} : memref<10x128xf32, #tpu.memory_space<vmem>>, vector<16xf32>,
    %mul3A_247 = arith.mulf %get3A_246, %get3A_21 : vector<16xf32>
    %add3A_248 = arith.addf %get3A_17, %mul3A_247 : vector<16xf32>
    %get3A_249 = arith.constant 1 : i32
    %get3A_250 = arith.index_cast %get3A_249 : i32 to index
    %get3A_251 = arith.constant 48 : index
    %get3A_252 = tpu.vector_load %arg6[%get3A_250, %get3A_251] {strides = array<i32>} : memref<10x128xf32, #tpu.memory_space<vmem>>, vector<16xf32>,
    %mul3A_253 = arith.mulf %get3A_252, %get3A_25 : vector<16xf32>
    %add3A_254 = arith.addf %add3A_248, %mul3A_253 : vector<16xf32>
    %get3A_255 = arith.constant 2 : i32
    %get3A_256 = arith.index_cast %get3A_255 : i32 to index
    %get3A_257 = arith.constant 48 : index
    %get3A_258 = tpu.vector_load %arg6[%get3A_256, %get3A_257] {strides = array<i32>} : memref<10x128xf32, #tpu.memory_space<vmem>>, vector<16xf32>,
    %mul3A_259 = arith.mulf %get3A_258, %get3A_29 : vector<16xf32>
    %add3A_260 = arith.addf %add3A_254, %mul3A_259 : vector<16xf32>
    %get3A_261 = arith.constant 3 : i32
    %get3A_262 = arith.index_cast %get3A_261 : i32 to index
    %get3A_263 = arith.constant 48 : index
    %get3A_264 = tpu.vector_load %arg6[%get3A_262, %get3A_263] {strides = array<i32>} : memref<10x128xf32, #tpu.memory_space<vmem>>, vector<16xf32>,
    %mul3A_265 = arith.mulf %get3A_264, %get3A_33 : vector<16xf32>
    %add3A_266 = arith.addf %add3A_260, %mul3A_265 : vector<16xf32>
    %get3A_267 = arith.constant 4 : i32
    %get3A_268 = arith.index_cast %get3A_267 : i32 to index
    %get3A_269 = arith.constant 48 : index
    %get3A_270 = tpu.vector_load %arg6[%get3A_268, %get3A_269] {strides = array<i32>} : memref<10x128xf32, #tpu.memory_space<vmem>>, vector<16xf32>,
    %mul3A_271 = arith.mulf %get3A_270, %get3A_37 : vector<16xf32>
    %add3A_272 = arith.addf %add3A_266, %mul3A_271 : vector<16xf32>
    %get3A_273 = arith.constant 5 : i32
    %get3A_274 = arith.index_cast %get3A_273 : i32 to index
    %get3A_275 = arith.constant 48 : index
    %get3A_276 = tpu.vector_load %arg6[%get3A_274, %get3A_275] {strides = array<i32>} : memref<10x128xf32, #tpu.memory_space<vmem>>, vector<16xf32>,
    %mul3A_277 = arith.mulf %get3A_276, %get3A_41 : vector<16xf32>
    %add3A_278 = arith.addf %add3A_272, %mul3A_277 : vector<16xf32>
    %get3A_279 = arith.constant 6 : i32
    %get3A_280 = arith.index_cast %get3A_279 : i32 to index
    %get3A_281 = arith.constant 48 : index
    %get3A_282 = tpu.vector_load %arg6[%get3A_280, %get3A_281] {strides = array<i32>} : memref<10x128xf32, #tpu.memory_space<vmem>>, vector<16xf32>,
    %mul3A_283 = arith.mulf %get3A_282, %get3A_45 : vector<16xf32>
    %add3A_284 = arith.addf %add3A_278, %mul3A_283 : vector<16xf32>
    %get3A_285 = arith.constant 7 : i32
    %get3A_286 = arith.index_cast %get3A_285 : i32 to index
    %get3A_287 = arith.constant 48 : index
    %get3A_288 = tpu.vector_load %arg6[%get3A_286, %get3A_287] {strides = array<i32>} : memref<10x128xf32, #tpu.memory_space<vmem>>, vector<16xf32>,
    %mul3A_289 = arith.mulf %get3A_288, %get3A_49 : vector<16xf32>
    %add3A_290 = arith.addf %add3A_284, %mul3A_289 : vector<16xf32>
    %get3A_291 = arith.constant 8 : i32
    %get3A_292 = arith.index_cast %get3A_291 : i32 to index
    %get3A_293 = arith.constant 48 : index
    %get3A_294 = tpu.vector_load %arg6[%get3A_292, %get3A_293] {strides = array<i32>} : memref<10x128xf32, #tpu.memory_space<vmem>>, vector<16xf32>,
    %mul3A_295 = arith.mulf %get3A_294, %get3A_53 : vector<16xf32>
    %add3A_296 = arith.addf %add3A_290, %mul3A_295 : vector<16xf32>
    %get3A_297 = arith.constant 9 : i32
    %get3A_298 = arith.index_cast %get3A_297 : i32 to index
    %get3A_299 = arith.constant 48 : index
    %get3A_300 = tpu.vector_load %arg6[%get3A_298, %get3A_299] {strides = array<i32>} : memref<10x128xf32, #tpu.memory_space<vmem>>, vector<16xf32>,
    %mul3A_301 = arith.mulf %get3A_300, %get3A_57 : vector<16xf32>
    %add3A_302 = arith.addf %add3A_296, %mul3A_301 : vector<16xf32>
    %swap3A_303 = arith.constant 48 : index
    %swap3A_304 = tpu.vector_load %arg8[%swap3A_303] {strides = array<i32>} : memref<128xf32, #tpu.memory_space<vmem>>, vector<16xf32>,
    tpu.vector_store %arg8[%swap3A_303], %add3A_302 {strides = array<i32>} : memref<128xf32, #tpu.memory_space<vmem>>, vector<16xf32>,
    %get3A_305 = arith.constant 0 : i32
    %get3A_306 = arith.index_cast %get3A_305 : i32 to index
    %get3A_307 = arith.constant 64 : index
    %get3A_308 = tpu.vector_load %arg6[%get3A_306, %get3A_307] {strides = array<i32>} : memref<10x128xf32, #tpu.memory_space<vmem>>, vector<16xf32>,
    %mul3A_309 = arith.mulf %get3A_308, %get3A_21 : vector<16xf32>
    %add3A_310 = arith.addf %get3A_17, %mul3A_309 : vector<16xf32>
    %get3A_311 = arith.constant 1 : i32
    %get3A_312 = arith.index_cast %get3A_311 : i32 to index
    %get3A_313 = arith.constant 64 : index
    %get3A_314 = tpu.vector_load %arg6[%get3A_312, %get3A_313] {strides = array<i32>} : memref<10x128xf32, #tpu.memory_space<vmem>>, vector<16xf32>,
    %mul3A_315 = arith.mulf %get3A_314, %get3A_25 : vector<16xf32>
    %add3A_316 = arith.addf %add3A_310, %mul3A_315 : vector<16xf32>
    %get3A_317 = arith.constant 2 : i32
    %get3A_318 = arith.index_cast %get3A_317 : i32 to index
    %get3A_319 = arith.constant 64 : index
    %get3A_320 = tpu.vector_load %arg6[%get3A_318, %get3A_319] {strides = array<i32>} : memref<10x128xf32, #tpu.memory_space<vmem>>, vector<16xf32>,
    %mul3A_321 = arith.mulf %get3A_320, %get3A_29 : vector<16xf32>
    %add3A_322 = arith.addf %add3A_316, %mul3A_321 : vector<16xf32>
    %get3A_323 = arith.constant 3 : i32
    %get3A_324 = arith.index_cast %get3A_323 : i32 to index
    %get3A_325 = arith.constant 64 : index
    %get3A_326 = tpu.vector_load %arg6[%get3A_324, %get3A_325] {strides = array<i32>} : memref<10x128xf32, #tpu.memory_space<vmem>>, vector<16xf32>,
    %mul3A_327 = arith.mulf %get3A_326, %get3A_33 : vector<16xf32>
    %add3A_328 = arith.addf %add3A_322, %mul3A_327 : vector<16xf32>
    %get3A_329 = arith.constant 4 : i32
    %get3A_330 = arith.index_cast %get3A_329 : i32 to index
    %get3A_331 = arith.constant 64 : index
    %get3A_332 = tpu.vector_load %arg6[%get3A_330, %get3A_331] {strides = array<i32>} : memref<10x128xf32, #tpu.memory_space<vmem>>, vector<16xf32>,
    %mul3A_333 = arith.mulf %get3A_332, %get3A_37 : vector<16xf32>
    %add3A_334 = arith.addf %add3A_328, %mul3A_333 : vector<16xf32>
    %get3A_335 = arith.constant 5 : i32
    %get3A_336 = arith.index_cast %get3A_335 : i32 to index
    %get3A_337 = arith.constant 64 : index
    %get3A_338 = tpu.vector_load %arg6[%get3A_336, %get3A_337] {strides = array<i32>} : memref<10x128xf32, #tpu.memory_space<vmem>>, vector<16xf32>,
    %mul3A_339 = arith.mulf %get3A_338, %get3A_41 : vector<16xf32>
    %add3A_340 = arith.addf %add3A_334, %mul3A_339 : vector<16xf32>
    %get3A_341 = arith.constant 6 : i32
    %get3A_342 = arith.index_cast %get3A_341 : i32 to index
    %get3A_343 = arith.constant 64 : index
    %get3A_344 = tpu.vector_load %arg6[%get3A_342, %get3A_343] {strides = array<i32>} : memref<10x128xf32, #tpu.memory_space<vmem>>, vector<16xf32>,
    %mul3A_345 = arith.mulf %get3A_344, %get3A_45 : vector<16xf32>
    %add3A_346 = arith.addf %add3A_340, %mul3A_345 : vector<16xf32>
    %get3A_347 = arith.constant 7 : i32
    %get3A_348 = arith.index_cast %get3A_347 : i32 to index
    %get3A_349 = arith.constant 64 : index
    %get3A_350 = tpu.vector_load %arg6[%get3A_348, %get3A_349] {strides = array<i32>} : memref<10x128xf32, #tpu.memory_space<vmem>>, vector<16xf32>,
    %mul3A_351 = arith.mulf %get3A_350, %get3A_49 : vector<16xf32>
    %add3A_352 = arith.addf %add3A_346, %mul3A_351 : vector<16xf32>
    %get3A_353 = arith.constant 8 : i32
    %get3A_354 = arith.index_cast %get3A_353 : i32 to index
    %get3A_355 = arith.constant 64 : index
    %get3A_356 = tpu.vector_load %arg6[%get3A_354, %get3A_355] {strides = array<i32>} : memref<10x128xf32, #tpu.memory_space<vmem>>, vector<16xf32>,
    %mul3A_357 = arith.mulf %get3A_356, %get3A_53 : vector<16xf32>
    %add3A_358 = arith.addf %add3A_352, %mul3A_357 : vector<16xf32>
    %get3A_359 = arith.constant 9 : i32
    %get3A_360 = arith.index_cast %get3A_359 : i32 to index
    %get3A_361 = arith.constant 64 : index
    %get3A_362 = tpu.vector_load %arg6[%get3A_360, %get3A_361] {strides = array<i32>} : memref<10x128xf32, #tpu.memory_space<vmem>>, vector<16xf32>,
    %mul3A_363 = arith.mulf %get3A_362, %get3A_57 : vector<16xf32>
    %add3A_364 = arith.addf %add3A_358, %mul3A_363 : vector<16xf32>
    %swap3A_365 = arith.constant 64 : index
    %swap3A_366 = tpu.vector_load %arg8[%swap3A_365] {strides = array<i32>} : memref<128xf32, #tpu.memory_space<vmem>>, vector<16xf32>,
    tpu.vector_store %arg8[%swap3A_365], %add3A_364 {strides = array<i32>} : memref<128xf32, #tpu.memory_space<vmem>>, vector<16xf32>,
    %get3A_367 = arith.constant 0 : i32
    %get3A_368 = arith.index_cast %get3A_367 : i32 to index
    %get3A_369 = arith.constant 80 : index
    %get3A_370 = tpu.vector_load %arg6[%get3A_368, %get3A_369] {strides = array<i32>} : memref<10x128xf32, #tpu.memory_space<vmem>>, vector<16xf32>,
    %mul3A_371 = arith.mulf %get3A_370, %get3A_21 : vector<16xf32>
    %add3A_372 = arith.addf %get3A_17, %mul3A_371 : vector<16xf32>
    %get3A_373 = arith.constant 1 : i32
    %get3A_374 = arith.index_cast %get3A_373 : i32 to index
    %get3A_375 = arith.constant 80 : index
    %get3A_376 = tpu.vector_load %arg6[%get3A_374, %get3A_375] {strides = array<i32>} : memref<10x128xf32, #tpu.memory_space<vmem>>, vector<16xf32>,
    %mul3A_377 = arith.mulf %get3A_376, %get3A_25 : vector<16xf32>
    %add3A_378 = arith.addf %add3A_372, %mul3A_377 : vector<16xf32>
    %get3A_379 = arith.constant 2 : i32
    %get3A_380 = arith.index_cast %get3A_379 : i32 to index
    %get3A_381 = arith.constant 80 : index
    %get3A_382 = tpu.vector_load %arg6[%get3A_380, %get3A_381] {strides = array<i32>} : memref<10x128xf32, #tpu.memory_space<vmem>>, vector<16xf32>,
    %mul3A_383 = arith.mulf %get3A_382, %get3A_29 : vector<16xf32>
    %add3A_384 = arith.addf %add3A_378, %mul3A_383 : vector<16xf32>
    %get3A_385 = arith.constant 3 : i32
    %get3A_386 = arith.index_cast %get3A_385 : i32 to index
    %get3A_387 = arith.constant 80 : index
    %get3A_388 = tpu.vector_load %arg6[%get3A_386, %get3A_387] {strides = array<i32>} : memref<10x128xf32, #tpu.memory_space<vmem>>, vector<16xf32>,
    %mul3A_389 = arith.mulf %get3A_388, %get3A_33 : vector<16xf32>
    %add3A_390 = arith.addf %add3A_384, %mul3A_389 : vector<16xf32>
    %get3A_391 = arith.constant 4 : i32
    %get3A_392 = arith.index_cast %get3A_391 : i32 to index
    %get3A_393 = arith.constant 80 : index
    %get3A_394 = tpu.vector_load %arg6[%get3A_392, %get3A_393] {strides = array<i32>} : memref<10x128xf32, #tpu.memory_space<vmem>>, vector<16xf32>,
    %mul3A_395 = arith.mulf %get3A_394, %get3A_37 : vector<16xf32>
    %add3A_396 = arith.addf %add3A_390, %mul3A_395 : vector<16xf32>
    %get3A_397 = arith.constant 5 : i32
    %get3A_398 = arith.index_cast %get3A_397 : i32 to index
    %get3A_399 = arith.constant 80 : index
    %get3A_400 = tpu.vector_load %arg6[%get3A_398, %get3A_399] {strides = array<i32>} : memref<10x128xf32, #tpu.memory_space<vmem>>, vector<16xf32>,
    %mul3A_401 = arith.mulf %get3A_400, %get3A_41 : vector<16xf32>
    %add3A_402 = arith.addf %add3A_396, %mul3A_401 : vector<16xf32>
    %get3A_403 = arith.constant 6 : i32
    %get3A_404 = arith.index_cast %get3A_403 : i32 to index
    %get3A_405 = arith.constant 80 : index
    %get3A_406 = tpu.vector_load %arg6[%get3A_404, %get3A_405] {strides = array<i32>} : memref<10x128xf32, #tpu.memory_space<vmem>>, vector<16xf32>,
    %mul3A_407 = arith.mulf %get3A_406, %get3A_45 : vector<16xf32>
    %add3A_408 = arith.addf %add3A_402, %mul3A_407 : vector<16xf32>
    %get3A_409 = arith.constant 7 : i32
    %get3A_410 = arith.index_cast %get3A_409 : i32 to index
    %get3A_411 = arith.constant 80 : index
    %get3A_412 = tpu.vector_load %arg6[%get3A_410, %get3A_411] {strides = array<i32>} : memref<10x128xf32, #tpu.memory_space<vmem>>, vector<16xf32>,
    %mul3A_413 = arith.mulf %get3A_412, %get3A_49 : vector<16xf32>
    %add3A_414 = arith.addf %add3A_408, %mul3A_413 : vector<16xf32>
    %get3A_415 = arith.constant 8 : i32
    %get3A_416 = arith.index_cast %get3A_415 : i32 to index
    %get3A_417 = arith.constant 80 : index
    %get3A_418 = tpu.vector_load %arg6[%get3A_416, %get3A_417] {strides = array<i32>} : memref<10x128xf32, #tpu.memory_space<vmem>>, vector<16xf32>,
    %mul3A_419 = arith.mulf %get3A_418, %get3A_53 : vector<16xf32>
    %add3A_420 = arith.addf %add3A_414, %mul3A_419 : vector<16xf32>
    %get3A_421 = arith.constant 9 : i32
    %get3A_422 = arith.index_cast %get3A_421 : i32 to index
    %get3A_423 = arith.constant 80 : index
    %get3A_424 = tpu.vector_load %arg6[%get3A_422, %get3A_423] {strides = array<i32>} : memref<10x128xf32, #tpu.memory_space<vmem>>, vector<16xf32>,
    %mul3A_425 = arith.mulf %get3A_424, %get3A_57 : vector<16xf32>
    %add3A_426 = arith.addf %add3A_420, %mul3A_425 : vector<16xf32>
    %swap3A_427 = arith.constant 80 : index
    %swap3A_428 = tpu.vector_load %arg8[%swap3A_427] {strides = array<i32>} : memref<128xf32, #tpu.memory_space<vmem>>, vector<16xf32>,
    tpu.vector_store %arg8[%swap3A_427], %add3A_426 {strides = array<i32>} : memref<128xf32, #tpu.memory_space<vmem>>, vector<16xf32>,
    %get3A_429 = arith.constant 0 : i32
    %get3A_430 = arith.index_cast %get3A_429 : i32 to index
    %get3A_431 = arith.constant 96 : index
    %get3A_432 = tpu.vector_load %arg6[%get3A_430, %get3A_431] {strides = array<i32>} : memref<10x128xf32, #tpu.memory_space<vmem>>, vector<16xf32>,
    %mul3A_433 = arith.mulf %get3A_432, %get3A_21 : vector<16xf32>
    %add3A_434 = arith.addf %get3A_17, %mul3A_433 : vector<16xf32>
    %get3A_435 = arith.constant 1 : i32
    %get3A_436 = arith.index_cast %get3A_435 : i32 to index
    %get3A_437 = arith.constant 96 : index
    %get3A_438 = tpu.vector_load %arg6[%get3A_436, %get3A_437] {strides = array<i32>} : memref<10x128xf32, #tpu.memory_space<vmem>>, vector<16xf32>,
    %mul3A_439 = arith.mulf %get3A_438, %get3A_25 : vector<16xf32>
    %add3A_440 = arith.addf %add3A_434, %mul3A_439 : vector<16xf32>
    %get3A_441 = arith.constant 2 : i32
    %get3A_442 = arith.index_cast %get3A_441 : i32 to index
    %get3A_443 = arith.constant 96 : index
    %get3A_444 = tpu.vector_load %arg6[%get3A_442, %get3A_443] {strides = array<i32>} : memref<10x128xf32, #tpu.memory_space<vmem>>, vector<16xf32>,
    %mul3A_445 = arith.mulf %get3A_444, %get3A_29 : vector<16xf32>
    %add3A_446 = arith.addf %add3A_440, %mul3A_445 : vector<16xf32>
    %get3A_447 = arith.constant 3 : i32
    %get3A_448 = arith.index_cast %get3A_447 : i32 to index
    %get3A_449 = arith.constant 96 : index
    %get3A_450 = tpu.vector_load %arg6[%get3A_448, %get3A_449] {strides = array<i32>} : memref<10x128xf32, #tpu.memory_space<vmem>>, vector<16xf32>,
    %mul3A_451 = arith.mulf %get3A_450, %get3A_33 : vector<16xf32>
    %add3A_452 = arith.addf %add3A_446, %mul3A_451 : vector<16xf32>
    %get3A_453 = arith.constant 4 : i32
    %get3A_454 = arith.index_cast %get3A_453 : i32 to index
    %get3A_455 = arith.constant 96 : index
    %get3A_456 = tpu.vector_load %arg6[%get3A_454, %get3A_455] {strides = array<i32>} : memref<10x128xf32, #tpu.memory_space<vmem>>, vector<16xf32>,
    %mul3A_457 = arith.mulf %get3A_456, %get3A_37 : vector<16xf32>
    %add3A_458 = arith.addf %add3A_452, %mul3A_457 : vector<16xf32>
    %get3A_459 = arith.constant 5 : i32
    %get3A_460 = arith.index_cast %get3A_459 : i32 to index
    %get3A_461 = arith.constant 96 : index
    %get3A_462 = tpu.vector_load %arg6[%get3A_460, %get3A_461] {strides = array<i32>} : memref<10x128xf32, #tpu.memory_space<vmem>>, vector<16xf32>,
    %mul3A_463 = arith.mulf %get3A_462, %get3A_41 : vector<16xf32>
    %add3A_464 = arith.addf %add3A_458, %mul3A_463 : vector<16xf32>
    %get3A_465 = arith.constant 6 : i32
    %get3A_466 = arith.index_cast %get3A_465 : i32 to index
    %get3A_467 = arith.constant 96 : index
    %get3A_468 = tpu.vector_load %arg6[%get3A_466, %get3A_467] {strides = array<i32>} : memref<10x128xf32, #tpu.memory_space<vmem>>, vector<16xf32>,
    %mul3A_469 = arith.mulf %get3A_468, %get3A_45 : vector<16xf32>
    %add3A_470 = arith.addf %add3A_464, %mul3A_469 : vector<16xf32>
    %get3A_471 = arith.constant 7 : i32
    %get3A_472 = arith.index_cast %get3A_471 : i32 to index
    %get3A_473 = arith.constant 96 : index
    %get3A_474 = tpu.vector_load %arg6[%get3A_472, %get3A_473] {strides = array<i32>} : memref<10x128xf32, #tpu.memory_space<vmem>>, vector<16xf32>,
    %mul3A_475 = arith.mulf %get3A_474, %get3A_49 : vector<16xf32>
    %add3A_476 = arith.addf %add3A_470, %mul3A_475 : vector<16xf32>
    %get3A_477 = arith.constant 8 : i32
    %get3A_478 = arith.index_cast %get3A_477 : i32 to index
    %get3A_479 = arith.constant 96 : index
    %get3A_480 = tpu.vector_load %arg6[%get3A_478, %get3A_479] {strides = array<i32>} : memref<10x128xf32, #tpu.memory_space<vmem>>, vector<16xf32>,
    %mul3A_481 = arith.mulf %get3A_480, %get3A_53 : vector<16xf32>
    %add3A_482 = arith.addf %add3A_476, %mul3A_481 : vector<16xf32>
    %get3A_483 = arith.constant 9 : i32
    %get3A_484 = arith.index_cast %get3A_483 : i32 to index
    %get3A_485 = arith.constant 96 : index
    %get3A_486 = tpu.vector_load %arg6[%get3A_484, %get3A_485] {strides = array<i32>} : memref<10x128xf32, #tpu.memory_space<vmem>>, vector<16xf32>,
    %mul3A_487 = arith.mulf %get3A_486, %get3A_57 : vector<16xf32>
    %add3A_488 = arith.addf %add3A_482, %mul3A_487 : vector<16xf32>
    %swap3A_489 = arith.constant 96 : index
    %swap3A_490 = tpu.vector_load %arg8[%swap3A_489] {strides = array<i32>} : memref<128xf32, #tpu.memory_space<vmem>>, vector<16xf32>,
    tpu.vector_store %arg8[%swap3A_489], %add3A_488 {strides = array<i32>} : memref<128xf32, #tpu.memory_space<vmem>>, vector<16xf32>,
    %get3A_491 = arith.constant 0 : i32
    %get3A_492 = arith.index_cast %get3A_491 : i32 to index
    %get3A_493 = arith.constant 112 : index
    %get3A_494 = tpu.vector_load %arg6[%get3A_492, %get3A_493] {strides = array<i32>} : memref<10x128xf32, #tpu.memory_space<vmem>>, vector<16xf32>,
    %mul3A_495 = arith.mulf %get3A_494, %get3A_21 : vector<16xf32>
    %add3A_496 = arith.addf %get3A_17, %mul3A_495 : vector<16xf32>
    %get3A_497 = arith.constant 1 : i32
    %get3A_498 = arith.index_cast %get3A_497 : i32 to index
    %get3A_499 = arith.constant 112 : index
    %get3A_500 = tpu.vector_load %arg6[%get3A_498, %get3A_499] {strides = array<i32>} : memref<10x128xf32, #tpu.memory_space<vmem>>, vector<16xf32>,
    %mul3A_501 = arith.mulf %get3A_500, %get3A_25 : vector<16xf32>
    %add3A_502 = arith.addf %add3A_496, %mul3A_501 : vector<16xf32>
    %get3A_503 = arith.constant 2 : i32
    %get3A_504 = arith.index_cast %get3A_503 : i32 to index
    %get3A_505 = arith.constant 112 : index
    %get3A_506 = tpu.vector_load %arg6[%get3A_504, %get3A_505] {strides = array<i32>} : memref<10x128xf32, #tpu.memory_space<vmem>>, vector<16xf32>,
    %mul3A_507 = arith.mulf %get3A_506, %get3A_29 : vector<16xf32>
    %add3A_508 = arith.addf %add3A_502, %mul3A_507 : vector<16xf32>
    %get3A_509 = arith.constant 3 : i32
    %get3A_510 = arith.index_cast %get3A_509 : i32 to index
    %get3A_511 = arith.constant 112 : index
    %get3A_512 = tpu.vector_load %arg6[%get3A_510, %get3A_511] {strides = array<i32>} : memref<10x128xf32, #tpu.memory_space<vmem>>, vector<16xf32>,
    %mul3A_513 = arith.mulf %get3A_512, %get3A_33 : vector<16xf32>
    %add3A_514 = arith.addf %add3A_508, %mul3A_513 : vector<16xf32>
    %get3A_515 = arith.constant 4 : i32
    %get3A_516 = arith.index_cast %get3A_515 : i32 to index
    %get3A_517 = arith.constant 112 : index
    %get3A_518 = tpu.vector_load %arg6[%get3A_516, %get3A_517] {strides = array<i32>} : memref<10x128xf32, #tpu.memory_space<vmem>>, vector<16xf32>,
    %mul3A_519 = arith.mulf %get3A_518, %get3A_37 : vector<16xf32>
    %add3A_520 = arith.addf %add3A_514, %mul3A_519 : vector<16xf32>
    %get3A_521 = arith.constant 5 : i32
    %get3A_522 = arith.index_cast %get3A_521 : i32 to index
    %get3A_523 = arith.constant 112 : index
    %get3A_524 = tpu.vector_load %arg6[%get3A_522, %get3A_523] {strides = array<i32>} : memref<10x128xf32, #tpu.memory_space<vmem>>, vector<16xf32>,
    %mul3A_525 = arith.mulf %get3A_524, %get3A_41 : vector<16xf32>
    %add3A_526 = arith.addf %add3A_520, %mul3A_525 : vector<16xf32>
    %get3A_527 = arith.constant 6 : i32
    %get3A_528 = arith.index_cast %get3A_527 : i32 to index
    %get3A_529 = arith.constant 112 : index
    %get3A_530 = tpu.vector_load %arg6[%get3A_528, %get3A_529] {strides = array<i32>} : memref<10x128xf32, #tpu.memory_space<vmem>>, vector<16xf32>,
    %mul3A_531 = arith.mulf %get3A_530, %get3A_45 : vector<16xf32>
    %add3A_532 = arith.addf %add3A_526, %mul3A_531 : vector<16xf32>
    %get3A_533 = arith.constant 7 : i32
    %get3A_534 = arith.index_cast %get3A_533 : i32 to index
    %get3A_535 = arith.constant 112 : index
    %get3A_536 = tpu.vector_load %arg6[%get3A_534, %get3A_535] {strides = array<i32>} : memref<10x128xf32, #tpu.memory_space<vmem>>, vector<16xf32>,
    %mul3A_537 = arith.mulf %get3A_536, %get3A_49 : vector<16xf32>
    %add3A_538 = arith.addf %add3A_532, %mul3A_537 : vector<16xf32>
    %get3A_539 = arith.constant 8 : i32
    %get3A_540 = arith.index_cast %get3A_539 : i32 to index
    %get3A_541 = arith.constant 112 : index
    %get3A_542 = tpu.vector_load %arg6[%get3A_540, %get3A_541] {strides = array<i32>} : memref<10x128xf32, #tpu.memory_space<vmem>>, vector<16xf32>,
    %mul3A_543 = arith.mulf %get3A_542, %get3A_53 : vector<16xf32>
    %add3A_544 = arith.addf %add3A_538, %mul3A_543 : vector<16xf32>
    %get3A_545 = arith.constant 9 : i32
    %get3A_546 = arith.index_cast %get3A_545 : i32 to index
    %get3A_547 = arith.constant 112 : index
    %get3A_548 = tpu.vector_load %arg6[%get3A_546, %get3A_547] {strides = array<i32>} : memref<10x128xf32, #tpu.memory_space<vmem>>, vector<16xf32>,
    %mul3A_549 = arith.mulf %get3A_548, %get3A_57 : vector<16xf32>
    %add3A_550 = arith.addf %add3A_544, %mul3A_549 : vector<16xf32>
    %swap3A_551 = arith.constant 112 : index
    %swap3A_552 = tpu.vector_load %arg8[%swap3A_551] {strides = array<i32>} : memref<128xf32, #tpu.memory_space<vmem>>, vector<16xf32>,
    tpu.vector_store %arg8[%swap3A_551], %add3A_550 {strides = array<i32>} : memref<128xf32, #tpu.memory_space<vmem>>, vector<16xf32>,
    %add3A_553 = arith.constant 64 : i32
    %add3A_554 = arith.addi %mul3A_2, %add3A_553 : i32
    %dma_start3A_555 = arith.constant 1 : i32
    %dma_start3A_556 = arith.constant 0 : i32
    %dma_start3A_557 = arith.constant 0 : i32
    %dma_start3A_558 = tpu.memref_slice %arg9[%dma_start3A_555, %dma_start3A_556, %dma_start3A_557] : memref<2x64x200xi32, #tpu.memory_space<vmem>> -> memref<1x64x200xi32, #tpu.memory_space<vmem>>
    %dma_start3A_559 = tpu.memref_squeeze %dma_start3A_558 : memref<1x64x200xi32, #tpu.memory_space<vmem>> -> memref<64x200xi32, #tpu.memory_space<vmem>>
    %dma_start3A_560 = arith.constant 0 : i32
    %dma_start3A_561 = tpu.memref_slice %arg4[%add3A_554, %dma_start3A_560] : memref<16384x200xi32, #tpu.memory_space<hbm>> -> memref<64x200xi32, #tpu.memory_space<hbm>>
    %dma_start3A_562 = arith.constant 0 : i32
    %dma_start3A_563 = arith.constant 0 : i32
    %dma_start3A_564 = tpu.memref_slice %arg9[%dma_start3A_555, %dma_start3A_562, %dma_start3A_563] : memref<2x64x200xi32, #tpu.memory_space<vmem>> -> memref<1x64x200xi32, #tpu.memory_space<vmem>>
    %dma_start3A_565 = tpu.memref_squeeze %dma_start3A_564 : memref<1x64x200xi32, #tpu.memory_space<vmem>> -> memref<64x200xi32, #tpu.memory_space<vmem>>
    %dma_start3A_566 = arith.constant 0 : i32
    %dma_start3A_567 = tpu.memref_slice %arg4[%add3A_554, %dma_start3A_566] : memref<16384x200xi32, #tpu.memory_space<hbm>> -> memref<64x200xi32, #tpu.memory_space<hbm>>
    tpu.enqueue_dma source(%dma_start3A_567 : memref<64x200xi32, #tpu.memory_space<hbm>>) target(%dma_start3A_565 : memref<64x200xi32, #tpu.memory_space<vmem>>) target_semaphore(%arg12 : memref<!tpu.dma_semaphore, #tpu.memory_space<semaphore_mem>>)
    %dma_wait3A = arith.constant 0 : i32
    %dma_wait3A_568 = arith.constant 0 : i32
    %dma_wait3A_569 = arith.constant 0 : i32
    %dma_wait3A_570 = tpu.memref_slice %arg9[%dma_wait3A, %dma_wait3A_568, %dma_wait3A_569] : memref<2x64x200xi32, #tpu.memory_space<vmem>> -> memref<1x64x200xi32, #tpu.memory_space<vmem>>
    %dma_wait3A_571 = tpu.memref_squeeze %dma_wait3A_570 : memref<1x64x200xi32, #tpu.memory_space<vmem>> -> memref<64x200xi32, #tpu.memory_space<vmem>>
    %dma_wait3A_572 = arith.constant 0 : i32
    %dma_wait3A_573 = tpu.memref_slice %arg4[%mul3A_2, %dma_wait3A_572] : memref<16384x200xi32, #tpu.memory_space<hbm>> -> memref<64x200xi32, #tpu.memory_space<hbm>>
    %dma_wait3A_574 = arith.constant 0 : i32
    %dma_wait3A_575 = arith.constant 0 : i32
    %dma_wait3A_576 = tpu.memref_slice %arg9[%dma_wait3A, %dma_wait3A_574, %dma_wait3A_575] : memref<2x64x200xi32, #tpu.memory_space<vmem>> -> memref<1x64x200xi32, #tpu.memory_space<vmem>>
    %dma_wait3A_577 = tpu.memref_squeeze %dma_wait3A_576 : memref<1x64x200xi32, #tpu.memory_space<vmem>> -> memref<64x200xi32, #tpu.memory_space<vmem>>
    %dma_wait3A_578 = arith.constant 0 : i32
    %dma_wait3A_579 = tpu.memref_slice %arg4[%mul3A_2, %dma_wait3A_578] : memref<16384x200xi32, #tpu.memory_space<hbm>> -> memref<64x200xi32, #tpu.memory_space<hbm>>
    tpu.wait_dma2 semaphore(%arg11 : memref<!tpu.dma_semaphore, #tpu.memory_space<semaphore_mem>>) src(%dma_wait3A_579 : memref<64x200xi32, #tpu.memory_space<hbm>>) dst(%dma_wait3A_577 : memref<64x200xi32, #tpu.memory_space<vmem>>)
    %parallel_loop3A = arith.constant 0 : i32
    %parallel_loop3A_580 = arith.constant 64 : i32
    %parallel_loop3A_581 = arith.constant 1 : i32
    scf.for %parallel_loop3A_1008 = %parallel_loop3A to %parallel_loop3A_580 step %parallel_loop3A_581  : i32 {
      %parallel_loop3A_1009 = arith.constant 0 : i32
      %parallel_loop3A_1010 = arith.index_cast %parallel_loop3A_1009 : i32 to index
      %parallel_loop3A_1011 = arith.index_cast %parallel_loop3A_1008 : i32 to index
      %parallel_loop3A_1012 = arith.constant 0 : index
      %parallel_loop3A_1013 = tpu.vector_load %arg9[%parallel_loop3A_1010, %parallel_loop3A_1011, %parallel_loop3A_1012] {strides = array<i32>} : memref<2x64x200xi32, #tpu.memory_space<vmem>>, vector<16xi32>,
      %parallel_loop3A_1014 = tpu.vector_load_idx %arg8[%parallel_loop3A_1013] : memref<128xf32, #tpu.memory_space<vmem>>[vector<16xi32>], vector<16xf32>,
      %parallel_loop3A_1015 = arith.constant 0 : i32
      %parallel_loop3A_1016 = arith.index_cast %parallel_loop3A_1015 : i32 to index
      %parallel_loop3A_1017 = arith.index_cast %parallel_loop3A_1008 : i32 to index
      %parallel_loop3A_1018 = arith.constant 0 : index
      %parallel_loop3A_1019 = tpu.vector_load %arg10[%parallel_loop3A_1016, %parallel_loop3A_1017, %parallel_loop3A_1018] {strides = array<i32>} : memref<2x64x200xf32, #tpu.memory_space<vmem>>, vector<16xf32>,
      tpu.vector_store %arg10[%parallel_loop3A_1016, %parallel_loop3A_1017, %parallel_loop3A_1018], %parallel_loop3A_1014 {strides = array<i32>} : memref<2x64x200xf32, #tpu.memory_space<vmem>>, vector<16xf32>,
      %parallel_loop3A_1020 = arith.constant 0 : i32
      %parallel_loop3A_1021 = arith.index_cast %parallel_loop3A_1020 : i32 to index
      %parallel_loop3A_1022 = arith.index_cast %parallel_loop3A_1008 : i32 to index
      %parallel_loop3A_1023 = arith.constant 16 : index
      %parallel_loop3A_1024 = tpu.vector_load %arg9[%parallel_loop3A_1021, %parallel_loop3A_1022, %parallel_loop3A_1023] {strides = array<i32>} : memref<2x64x200xi32, #tpu.memory_space<vmem>>, vector<16xi32>,
      %parallel_loop3A_1025 = tpu.vector_load_idx %arg8[%parallel_loop3A_1024] : memref<128xf32, #tpu.memory_space<vmem>>[vector<16xi32>], vector<16xf32>,
      %parallel_loop3A_1026 = arith.constant 0 : i32
      %parallel_loop3A_1027 = arith.index_cast %parallel_loop3A_1026 : i32 to index
      %parallel_loop3A_1028 = arith.index_cast %parallel_loop3A_1008 : i32 to index
      %parallel_loop3A_1029 = arith.constant 16 : index
      %parallel_loop3A_1030 = tpu.vector_load %arg10[%parallel_loop3A_1027, %parallel_loop3A_1028, %parallel_loop3A_1029] {strides = array<i32>} : memref<2x64x200xf32, #tpu.memory_space<vmem>>, vector<16xf32>,
      tpu.vector_store %arg10[%parallel_loop3A_1027, %parallel_loop3A_1028, %parallel_loop3A_1029], %parallel_loop3A_1025 {strides = array<i32>} : memref<2x64x200xf32, #tpu.memory_space<vmem>>, vector<16xf32>,
      %parallel_loop3A_1031 = arith.constant 0 : i32
      %parallel_loop3A_1032 = arith.index_cast %parallel_loop3A_1031 : i32 to index
      %parallel_loop3A_1033 = arith.index_cast %parallel_loop3A_1008 : i32 to index
      %parallel_loop3A_1034 = arith.constant 32 : index
      %parallel_loop3A_1035 = tpu.vector_load %arg9[%parallel_loop3A_1032, %parallel_loop3A_1033, %parallel_loop3A_1034] {strides = array<i32>} : memref<2x64x200xi32, #tpu.memory_space<vmem>>, vector<16xi32>,
      %parallel_loop3A_1036 = tpu.vector_load_idx %arg8[%parallel_loop3A_1035] : memref<128xf32, #tpu.memory_space<vmem>>[vector<16xi32>], vector<16xf32>,
      %parallel_loop3A_1037 = arith.constant 0 : i32
      %parallel_loop3A_1038 = arith.index_cast %parallel_loop3A_1037 : i32 to index
      %parallel_loop3A_1039 = arith.index_cast %parallel_loop3A_1008 : i32 to index
      %parallel_loop3A_1040 = arith.constant 32 : index
      %parallel_loop3A_1041 = tpu.vector_load %arg10[%parallel_loop3A_1038, %parallel_loop3A_1039, %parallel_loop3A_1040] {strides = array<i32>} : memref<2x64x200xf32, #tpu.memory_space<vmem>>, vector<16xf32>,
      tpu.vector_store %arg10[%parallel_loop3A_1038, %parallel_loop3A_1039, %parallel_loop3A_1040], %parallel_loop3A_1036 {strides = array<i32>} : memref<2x64x200xf32, #tpu.memory_space<vmem>>, vector<16xf32>,
      %parallel_loop3A_1042 = arith.constant 0 : i32
      %parallel_loop3A_1043 = arith.index_cast %parallel_loop3A_1042 : i32 to index
      %parallel_loop3A_1044 = arith.index_cast %parallel_loop3A_1008 : i32 to index
      %parallel_loop3A_1045 = arith.constant 48 : index
      %parallel_loop3A_1046 = tpu.vector_load %arg9[%parallel_loop3A_1043, %parallel_loop3A_1044, %parallel_loop3A_1045] {strides = array<i32>} : memref<2x64x200xi32, #tpu.memory_space<vmem>>, vector<16xi32>,
      %parallel_loop3A_1047 = tpu.vector_load_idx %arg8[%parallel_loop3A_1046] : memref<128xf32, #tpu.memory_space<vmem>>[vector<16xi32>], vector<16xf32>,
      %parallel_loop3A_1048 = arith.constant 0 : i32
      %parallel_loop3A_1049 = arith.index_cast %parallel_loop3A_1048 : i32 to index
      %parallel_loop3A_1050 = arith.index_cast %parallel_loop3A_1008 : i32 to index
      %parallel_loop3A_1051 = arith.constant 48 : index
      %parallel_loop3A_1052 = tpu.vector_load %arg10[%parallel_loop3A_1049, %parallel_loop3A_1050, %parallel_loop3A_1051] {strides = array<i32>} : memref<2x64x200xf32, #tpu.memory_space<vmem>>, vector<16xf32>,
      tpu.vector_store %arg10[%parallel_loop3A_1049, %parallel_loop3A_1050, %parallel_loop3A_1051], %parallel_loop3A_1047 {strides = array<i32>} : memref<2x64x200xf32, #tpu.memory_space<vmem>>, vector<16xf32>,
      %parallel_loop3A_1053 = arith.constant 0 : i32
      %parallel_loop3A_1054 = arith.index_cast %parallel_loop3A_1053 : i32 to index
      %parallel_loop3A_1055 = arith.index_cast %parallel_loop3A_1008 : i32 to index
      %parallel_loop3A_1056 = arith.constant 64 : index
      %parallel_loop3A_1057 = tpu.vector_load %arg9[%parallel_loop3A_1054, %parallel_loop3A_1055, %parallel_loop3A_1056] {strides = array<i32>} : memref<2x64x200xi32, #tpu.memory_space<vmem>>, vector<16xi32>,
      %parallel_loop3A_1058 = tpu.vector_load_idx %arg8[%parallel_loop3A_1057] : memref<128xf32, #tpu.memory_space<vmem>>[vector<16xi32>], vector<16xf32>,
      %parallel_loop3A_1059 = arith.constant 0 : i32
      %parallel_loop3A_1060 = arith.index_cast %parallel_loop3A_1059 : i32 to index
      %parallel_loop3A_1061 = arith.index_cast %parallel_loop3A_1008 : i32 to index
      %parallel_loop3A_1062 = arith.constant 64 : index
      %parallel_loop3A_1063 = tpu.vector_load %arg10[%parallel_loop3A_1060, %parallel_loop3A_1061, %parallel_loop3A_1062] {strides = array<i32>} : memref<2x64x200xf32, #tpu.memory_space<vmem>>, vector<16xf32>,
      tpu.vector_store %arg10[%parallel_loop3A_1060, %parallel_loop3A_1061, %parallel_loop3A_1062], %parallel_loop3A_1058 {strides = array<i32>} : memref<2x64x200xf32, #tpu.memory_space<vmem>>, vector<16xf32>,
      %parallel_loop3A_1064 = arith.constant 0 : i32
      %parallel_loop3A_1065 = arith.index_cast %parallel_loop3A_1064 : i32 to index
      %parallel_loop3A_1066 = arith.index_cast %parallel_loop3A_1008 : i32 to index
      %parallel_loop3A_1067 = arith.constant 80 : index
      %parallel_loop3A_1068 = tpu.vector_load %arg9[%parallel_loop3A_1065, %parallel_loop3A_1066, %parallel_loop3A_1067] {strides = array<i32>} : memref<2x64x200xi32, #tpu.memory_space<vmem>>, vector<16xi32>,
      %parallel_loop3A_1069 = tpu.vector_load_idx %arg8[%parallel_loop3A_1068] : memref<128xf32, #tpu.memory_space<vmem>>[vector<16xi32>], vector<16xf32>,
      %parallel_loop3A_1070 = arith.constant 0 : i32
      %parallel_loop3A_1071 = arith.index_cast %parallel_loop3A_1070 : i32 to index
      %parallel_loop3A_1072 = arith.index_cast %parallel_loop3A_1008 : i32 to index
      %parallel_loop3A_1073 = arith.constant 80 : index
      %parallel_loop3A_1074 = tpu.vector_load %arg10[%parallel_loop3A_1071, %parallel_loop3A_1072, %parallel_loop3A_1073] {strides = array<i32>} : memref<2x64x200xf32, #tpu.memory_space<vmem>>, vector<16xf32>,
      tpu.vector_store %arg10[%parallel_loop3A_1071, %parallel_loop3A_1072, %parallel_loop3A_1073], %parallel_loop3A_1069 {strides = array<i32>} : memref<2x64x200xf32, #tpu.memory_space<vmem>>, vector<16xf32>,
      %parallel_loop3A_1075 = arith.constant 0 : i32
      %parallel_loop3A_1076 = arith.index_cast %parallel_loop3A_1075 : i32 to index
      %parallel_loop3A_1077 = arith.index_cast %parallel_loop3A_1008 : i32 to index
      %parallel_loop3A_1078 = arith.constant 96 : index
      %parallel_loop3A_1079 = tpu.vector_load %arg9[%parallel_loop3A_1076, %parallel_loop3A_1077, %parallel_loop3A_1078] {strides = array<i32>} : memref<2x64x200xi32, #tpu.memory_space<vmem>>, vector<16xi32>,
      %parallel_loop3A_1080 = tpu.vector_load_idx %arg8[%parallel_loop3A_1079] : memref<128xf32, #tpu.memory_space<vmem>>[vector<16xi32>], vector<16xf32>,
      %parallel_loop3A_1081 = arith.constant 0 : i32
      %parallel_loop3A_1082 = arith.index_cast %parallel_loop3A_1081 : i32 to index
      %parallel_loop3A_1083 = arith.index_cast %parallel_loop3A_1008 : i32 to index
      %parallel_loop3A_1084 = arith.constant 96 : index
      %parallel_loop3A_1085 = tpu.vector_load %arg10[%parallel_loop3A_1082, %parallel_loop3A_1083, %parallel_loop3A_1084] {strides = array<i32>} : memref<2x64x200xf32, #tpu.memory_space<vmem>>, vector<16xf32>,
      tpu.vector_store %arg10[%parallel_loop3A_1082, %parallel_loop3A_1083, %parallel_loop3A_1084], %parallel_loop3A_1080 {strides = array<i32>} : memref<2x64x200xf32, #tpu.memory_space<vmem>>, vector<16xf32>,
      %parallel_loop3A_1086 = arith.constant 0 : i32
      %parallel_loop3A_1087 = arith.index_cast %parallel_loop3A_1086 : i32 to index
      %parallel_loop3A_1088 = arith.index_cast %parallel_loop3A_1008 : i32 to index
      %parallel_loop3A_1089 = arith.constant 112 : index
      %parallel_loop3A_1090 = tpu.vector_load %arg9[%parallel_loop3A_1087, %parallel_loop3A_1088, %parallel_loop3A_1089] {strides = array<i32>} : memref<2x64x200xi32, #tpu.memory_space<vmem>>, vector<16xi32>,
      %parallel_loop3A_1091 = tpu.vector_load_idx %arg8[%parallel_loop3A_1090] : memref<128xf32, #tpu.memory_space<vmem>>[vector<16xi32>], vector<16xf32>,
      %parallel_loop3A_1092 = arith.constant 0 : i32
      %parallel_loop3A_1093 = arith.index_cast %parallel_loop3A_1092 : i32 to index
      %parallel_loop3A_1094 = arith.index_cast %parallel_loop3A_1008 : i32 to index
      %parallel_loop3A_1095 = arith.constant 112 : index
      %parallel_loop3A_1096 = tpu.vector_load %arg10[%parallel_loop3A_1093, %parallel_loop3A_1094, %parallel_loop3A_1095] {strides = array<i32>} : memref<2x64x200xf32, #tpu.memory_space<vmem>>, vector<16xf32>,
      tpu.vector_store %arg10[%parallel_loop3A_1093, %parallel_loop3A_1094, %parallel_loop3A_1095], %parallel_loop3A_1091 {strides = array<i32>} : memref<2x64x200xf32, #tpu.memory_space<vmem>>, vector<16xf32>,
      %parallel_loop3A_1097 = arith.constant 0 : i32
      %parallel_loop3A_1098 = arith.index_cast %parallel_loop3A_1097 : i32 to index
      %parallel_loop3A_1099 = arith.index_cast %parallel_loop3A_1008 : i32 to index
      %parallel_loop3A_1100 = arith.constant 128 : index
      %parallel_loop3A_1101 = tpu.vector_load %arg9[%parallel_loop3A_1098, %parallel_loop3A_1099, %parallel_loop3A_1100] {strides = array<i32>} : memref<2x64x200xi32, #tpu.memory_space<vmem>>, vector<16xi32>,
      %parallel_loop3A_1102 = tpu.vector_load_idx %arg8[%parallel_loop3A_1101] : memref<128xf32, #tpu.memory_space<vmem>>[vector<16xi32>], vector<16xf32>,
      %parallel_loop3A_1103 = arith.constant 0 : i32
      %parallel_loop3A_1104 = arith.index_cast %parallel_loop3A_1103 : i32 to index
      %parallel_loop3A_1105 = arith.index_cast %parallel_loop3A_1008 : i32 to index
      %parallel_loop3A_1106 = arith.constant 128 : index
      %parallel_loop3A_1107 = tpu.vector_load %arg10[%parallel_loop3A_1104, %parallel_loop3A_1105, %parallel_loop3A_1106] {strides = array<i32>} : memref<2x64x200xf32, #tpu.memory_space<vmem>>, vector<16xf32>,
      tpu.vector_store %arg10[%parallel_loop3A_1104, %parallel_loop3A_1105, %parallel_loop3A_1106], %parallel_loop3A_1102 {strides = array<i32>} : memref<2x64x200xf32, #tpu.memory_space<vmem>>, vector<16xf32>,
      %parallel_loop3A_1108 = arith.constant 0 : i32
      %parallel_loop3A_1109 = arith.index_cast %parallel_loop3A_1108 : i32 to index
      %parallel_loop3A_1110 = arith.index_cast %parallel_loop3A_1008 : i32 to index
      %parallel_loop3A_1111 = arith.constant 144 : index
      %parallel_loop3A_1112 = tpu.vector_load %arg9[%parallel_loop3A_1109, %parallel_loop3A_1110, %parallel_loop3A_1111] {strides = array<i32>} : memref<2x64x200xi32, #tpu.memory_space<vmem>>, vector<16xi32>,
      %parallel_loop3A_1113 = tpu.vector_load_idx %arg8[%parallel_loop3A_1112] : memref<128xf32, #tpu.memory_space<vmem>>[vector<16xi32>], vector<16xf32>,
      %parallel_loop3A_1114 = arith.constant 0 : i32
      %parallel_loop3A_1115 = arith.index_cast %parallel_loop3A_1114 : i32 to index
      %parallel_loop3A_1116 = arith.index_cast %parallel_loop3A_1008 : i32 to index
      %parallel_loop3A_1117 = arith.constant 144 : index
      %parallel_loop3A_1118 = tpu.vector_load %arg10[%parallel_loop3A_1115, %parallel_loop3A_1116, %parallel_loop3A_1117] {strides = array<i32>} : memref<2x64x200xf32, #tpu.memory_space<vmem>>, vector<16xf32>,
      tpu.vector_store %arg10[%parallel_loop3A_1115, %parallel_loop3A_1116, %parallel_loop3A_1117], %parallel_loop3A_1113 {strides = array<i32>} : memref<2x64x200xf32, #tpu.memory_space<vmem>>, vector<16xf32>,
      %parallel_loop3A_1119 = arith.constant 0 : i32
      %parallel_loop3A_1120 = arith.index_cast %parallel_loop3A_1119 : i32 to index
      %parallel_loop3A_1121 = arith.index_cast %parallel_loop3A_1008 : i32 to index
      %parallel_loop3A_1122 = arith.constant 160 : index
      %parallel_loop3A_1123 = tpu.vector_load %arg9[%parallel_loop3A_1120, %parallel_loop3A_1121, %parallel_loop3A_1122] {strides = array<i32>} : memref<2x64x200xi32, #tpu.memory_space<vmem>>, vector<16xi32>,
      %parallel_loop3A_1124 = tpu.vector_load_idx %arg8[%parallel_loop3A_1123] : memref<128xf32, #tpu.memory_space<vmem>>[vector<16xi32>], vector<16xf32>,
      %parallel_loop3A_1125 = arith.constant 0 : i32
      %parallel_loop3A_1126 = arith.index_cast %parallel_loop3A_1125 : i32 to index
      %parallel_loop3A_1127 = arith.index_cast %parallel_loop3A_1008 : i32 to index
      %parallel_loop3A_1128 = arith.constant 160 : index
      %parallel_loop3A_1129 = tpu.vector_load %arg10[%parallel_loop3A_1126, %parallel_loop3A_1127, %parallel_loop3A_1128] {strides = array<i32>} : memref<2x64x200xf32, #tpu.memory_space<vmem>>, vector<16xf32>,
      tpu.vector_store %arg10[%parallel_loop3A_1126, %parallel_loop3A_1127, %parallel_loop3A_1128], %parallel_loop3A_1124 {strides = array<i32>} : memref<2x64x200xf32, #tpu.memory_space<vmem>>, vector<16xf32>,
      %parallel_loop3A_1130 = arith.constant 0 : i32
      %parallel_loop3A_1131 = arith.index_cast %parallel_loop3A_1130 : i32 to index
      %parallel_loop3A_1132 = arith.index_cast %parallel_loop3A_1008 : i32 to index
      %parallel_loop3A_1133 = arith.constant 176 : index
      %parallel_loop3A_1134 = tpu.vector_load %arg9[%parallel_loop3A_1131, %parallel_loop3A_1132, %parallel_loop3A_1133] {strides = array<i32>} : memref<2x64x200xi32, #tpu.memory_space<vmem>>, vector<16xi32>,
      %parallel_loop3A_1135 = tpu.vector_load_idx %arg8[%parallel_loop3A_1134] : memref<128xf32, #tpu.memory_space<vmem>>[vector<16xi32>], vector<16xf32>,
      %parallel_loop3A_1136 = arith.constant 0 : i32
      %parallel_loop3A_1137 = arith.index_cast %parallel_loop3A_1136 : i32 to index
      %parallel_loop3A_1138 = arith.index_cast %parallel_loop3A_1008 : i32 to index
      %parallel_loop3A_1139 = arith.constant 176 : index
      %parallel_loop3A_1140 = tpu.vector_load %arg10[%parallel_loop3A_1137, %parallel_loop3A_1138, %parallel_loop3A_1139] {strides = array<i32>} : memref<2x64x200xf32, #tpu.memory_space<vmem>>, vector<16xf32>,
      tpu.vector_store %arg10[%parallel_loop3A_1137, %parallel_loop3A_1138, %parallel_loop3A_1139], %parallel_loop3A_1135 {strides = array<i32>} : memref<2x64x200xf32, #tpu.memory_space<vmem>>, vector<16xf32>,
      %parallel_loop3A_1141 = arith.constant 0 : i32
      %parallel_loop3A_1142 = arith.index_cast %parallel_loop3A_1141 : i32 to index
      %parallel_loop3A_1143 = arith.index_cast %parallel_loop3A_1008 : i32 to index
      %parallel_loop3A_1144 = arith.constant 184 : index
      %parallel_loop3A_1145 = tpu.vector_load %arg9[%parallel_loop3A_1142, %parallel_loop3A_1143, %parallel_loop3A_1144] {strides = array<i32>} : memref<2x64x200xi32, #tpu.memory_space<vmem>>, vector<16xi32>,
      %parallel_loop3A_1146 = tpu.vector_load_idx %arg8[%parallel_loop3A_1145] : memref<128xf32, #tpu.memory_space<vmem>>[vector<16xi32>], vector<16xf32>,
      %parallel_loop3A_1147 = arith.constant 0 : i32
      %parallel_loop3A_1148 = arith.index_cast %parallel_loop3A_1147 : i32 to index
      %parallel_loop3A_1149 = arith.index_cast %parallel_loop3A_1008 : i32 to index
      %parallel_loop3A_1150 = arith.constant 184 : index
      %parallel_loop3A_1151 = tpu.vector_load %arg10[%parallel_loop3A_1148, %parallel_loop3A_1149, %parallel_loop3A_1150] {strides = array<i32>} : memref<2x64x200xf32, #tpu.memory_space<vmem>>, vector<16xf32>,
      tpu.vector_store %arg10[%parallel_loop3A_1148, %parallel_loop3A_1149, %parallel_loop3A_1150], %parallel_loop3A_1146 {strides = array<i32>} : memref<2x64x200xf32, #tpu.memory_space<vmem>>, vector<16xf32>,
    } {sc.loop_unroll_factor = 2 : i64, sc.parallel_access}
    %add3A_582 = arith.constant 0 : i32
    %add3A_583 = arith.addi %mul3A_2, %add3A_582 : i32
    %dma_start3A_584 = arith.constant 0 : i32
    %dma_start3A_585 = arith.constant 0 : i32
    %dma_start3A_586 = arith.constant 0 : i32
    %dma_start3A_587 = tpu.memref_slice %arg10[%dma_start3A_584, %dma_start3A_585, %dma_start3A_586] : memref<2x64x200xf32, #tpu.memory_space<vmem>> -> memref<1x64x200xf32, #tpu.memory_space<vmem>>
    %dma_start3A_588 = tpu.memref_squeeze %dma_start3A_587 : memref<1x64x200xf32, #tpu.memory_space<vmem>> -> memref<64x200xf32, #tpu.memory_space<vmem>>
    %dma_start3A_589 = arith.constant 0 : i32
    %dma_start3A_590 = tpu.memref_slice %arg5[%add3A_583, %dma_start3A_589] : memref<16384x200xf32, #tpu.memory_space<hbm>> -> memref<64x200xf32, #tpu.memory_space<hbm>>
    %dma_start3A_591 = arith.constant 0 : i32
    %dma_start3A_592 = tpu.memref_slice %arg5[%add3A_583, %dma_start3A_591] : memref<16384x200xf32, #tpu.memory_space<hbm>> -> memref<64x200xf32, #tpu.memory_space<hbm>>
    %dma_start3A_593 = arith.constant 0 : i32
    %dma_start3A_594 = arith.constant 0 : i32
    %dma_start3A_595 = tpu.memref_slice %arg10[%dma_start3A_584, %dma_start3A_593, %dma_start3A_594] : memref<2x64x200xf32, #tpu.memory_space<vmem>> -> memref<1x64x200xf32, #tpu.memory_space<vmem>>
    %dma_start3A_596 = tpu.memref_squeeze %dma_start3A_595 : memref<1x64x200xf32, #tpu.memory_space<vmem>> -> memref<64x200xf32, #tpu.memory_space<vmem>>
    tpu.enqueue_dma source(%dma_start3A_596 : memref<64x200xf32, #tpu.memory_space<vmem>>) target(%dma_start3A_592 : memref<64x200xf32, #tpu.memory_space<hbm>>) target_semaphore(%arg13 : memref<!tpu.dma_semaphore, #tpu.memory_space<semaphore_mem>>)
    %add3A_597 = arith.constant 128 : i32
    %add3A_598 = arith.addi %mul3A_2, %add3A_597 : i32
    %dma_start3A_599 = arith.constant 0 : i32
    %dma_start3A_600 = arith.constant 0 : i32
    %dma_start3A_601 = arith.constant 0 : i32
    %dma_start3A_602 = tpu.memref_slice %arg9[%dma_start3A_599, %dma_start3A_600, %dma_start3A_601] : memref<2x64x200xi32, #tpu.memory_space<vmem>> -> memref<1x64x200xi32, #tpu.memory_space<vmem>>
    %dma_start3A_603 = tpu.memref_squeeze %dma_start3A_602 : memref<1x64x200xi32, #tpu.memory_space<vmem>> -> memref<64x200xi32, #tpu.memory_space<vmem>>
    %dma_start3A_604 = arith.constant 0 : i32
    %dma_start3A_605 = tpu.memref_slice %arg4[%add3A_598, %dma_start3A_604] : memref<16384x200xi32, #tpu.memory_space<hbm>> -> memref<64x200xi32, #tpu.memory_space<hbm>>
    %dma_start3A_606 = arith.constant 0 : i32
    %dma_start3A_607 = arith.constant 0 : i32
    %dma_start3A_608 = tpu.memref_slice %arg9[%dma_start3A_599, %dma_start3A_606, %dma_start3A_607] : memref<2x64x200xi32, #tpu.memory_space<vmem>> -> memref<1x64x200xi32, #tpu.memory_space<vmem>>
    %dma_start3A_609 = tpu.memref_squeeze %dma_start3A_608 : memref<1x64x200xi32, #tpu.memory_space<vmem>> -> memref<64x200xi32, #tpu.memory_space<vmem>>
    %dma_start3A_610 = arith.constant 0 : i32
    %dma_start3A_611 = tpu.memref_slice %arg4[%add3A_598, %dma_start3A_610] : memref<16384x200xi32, #tpu.memory_space<hbm>> -> memref<64x200xi32, #tpu.memory_space<hbm>>
    tpu.enqueue_dma source(%dma_start3A_611 : memref<64x200xi32, #tpu.memory_space<hbm>>) target(%dma_start3A_609 : memref<64x200xi32, #tpu.memory_space<vmem>>) target_semaphore(%arg11 : memref<!tpu.dma_semaphore, #tpu.memory_space<semaphore_mem>>)
    %dma_wait3A_612 = arith.constant 1 : i32
    %dma_wait3A_613 = arith.constant 0 : i32
    %dma_wait3A_614 = arith.constant 0 : i32
    %dma_wait3A_615 = tpu.memref_slice %arg9[%dma_wait3A_612, %dma_wait3A_613, %dma_wait3A_614] : memref<2x64x200xi32, #tpu.memory_space<vmem>> -> memref<1x64x200xi32, #tpu.memory_space<vmem>>
    %dma_wait3A_616 = tpu.memref_squeeze %dma_wait3A_615 : memref<1x64x200xi32, #tpu.memory_space<vmem>> -> memref<64x200xi32, #tpu.memory_space<vmem>>
    %dma_wait3A_617 = arith.constant 0 : i32
    %dma_wait3A_618 = tpu.memref_slice %arg4[%add3A_554, %dma_wait3A_617] : memref<16384x200xi32, #tpu.memory_space<hbm>> -> memref<64x200xi32, #tpu.memory_space<hbm>>
    %dma_wait3A_619 = arith.constant 0 : i32
    %dma_wait3A_620 = arith.constant 0 : i32
    %dma_wait3A_621 = tpu.memref_slice %arg9[%dma_wait3A_612, %dma_wait3A_619, %dma_wait3A_620] : memref<2x64x200xi32, #tpu.memory_space<vmem>> -> memref<1x64x200xi32, #tpu.memory_space<vmem>>
    %dma_wait3A_622 = tpu.memref_squeeze %dma_wait3A_621 : memref<1x64x200xi32, #tpu.memory_space<vmem>> -> memref<64x200xi32, #tpu.memory_space<vmem>>
    %dma_wait3A_623 = arith.constant 0 : i32
    %dma_wait3A_624 = tpu.memref_slice %arg4[%add3A_554, %dma_wait3A_623] : memref<16384x200xi32, #tpu.memory_space<hbm>> -> memref<64x200xi32, #tpu.memory_space<hbm>>
    tpu.wait_dma2 semaphore(%arg12 : memref<!tpu.dma_semaphore, #tpu.memory_space<semaphore_mem>>) src(%dma_wait3A_624 : memref<64x200xi32, #tpu.memory_space<hbm>>) dst(%dma_wait3A_622 : memref<64x200xi32, #tpu.memory_space<vmem>>)
    %parallel_loop3A_625 = arith.constant 0 : i32
    %parallel_loop3A_626 = arith.constant 64 : i32
    %parallel_loop3A_627 = arith.constant 1 : i32
    scf.for %parallel_loop3A_1008 = %parallel_loop3A_625 to %parallel_loop3A_626 step %parallel_loop3A_627  : i32 {
      %parallel_loop3A_1009 = arith.constant 1 : i32
      %parallel_loop3A_1010 = arith.index_cast %parallel_loop3A_1009 : i32 to index
      %parallel_loop3A_1011 = arith.index_cast %parallel_loop3A_1008 : i32 to index
      %parallel_loop3A_1012 = arith.constant 0 : index
      %parallel_loop3A_1013 = tpu.vector_load %arg9[%parallel_loop3A_1010, %parallel_loop3A_1011, %parallel_loop3A_1012] {strides = array<i32>} : memref<2x64x200xi32, #tpu.memory_space<vmem>>, vector<16xi32>,
      %parallel_loop3A_1014 = tpu.vector_load_idx %arg8[%parallel_loop3A_1013] : memref<128xf32, #tpu.memory_space<vmem>>[vector<16xi32>], vector<16xf32>,
      %parallel_loop3A_1015 = arith.constant 1 : i32
      %parallel_loop3A_1016 = arith.index_cast %parallel_loop3A_1015 : i32 to index
      %parallel_loop3A_1017 = arith.index_cast %parallel_loop3A_1008 : i32 to index
      %parallel_loop3A_1018 = arith.constant 0 : index
      %parallel_loop3A_1019 = tpu.vector_load %arg10[%parallel_loop3A_1016, %parallel_loop3A_1017, %parallel_loop3A_1018] {strides = array<i32>} : memref<2x64x200xf32, #tpu.memory_space<vmem>>, vector<16xf32>,
      tpu.vector_store %arg10[%parallel_loop3A_1016, %parallel_loop3A_1017, %parallel_loop3A_1018], %parallel_loop3A_1014 {strides = array<i32>} : memref<2x64x200xf32, #tpu.memory_space<vmem>>, vector<16xf32>,
      %parallel_loop3A_1020 = arith.constant 1 : i32
      %parallel_loop3A_1021 = arith.index_cast %parallel_loop3A_1020 : i32 to index
      %parallel_loop3A_1022 = arith.index_cast %parallel_loop3A_1008 : i32 to index
      %parallel_loop3A_1023 = arith.constant 16 : index
      %parallel_loop3A_1024 = tpu.vector_load %arg9[%parallel_loop3A_1021, %parallel_loop3A_1022, %parallel_loop3A_1023] {strides = array<i32>} : memref<2x64x200xi32, #tpu.memory_space<vmem>>, vector<16xi32>,
      %parallel_loop3A_1025 = tpu.vector_load_idx %arg8[%parallel_loop3A_1024] : memref<128xf32, #tpu.memory_space<vmem>>[vector<16xi32>], vector<16xf32>,
      %parallel_loop3A_1026 = arith.constant 1 : i32
      %parallel_loop3A_1027 = arith.index_cast %parallel_loop3A_1026 : i32 to index
      %parallel_loop3A_1028 = arith.index_cast %parallel_loop3A_1008 : i32 to index
      %parallel_loop3A_1029 = arith.constant 16 : index
      %parallel_loop3A_1030 = tpu.vector_load %arg10[%parallel_loop3A_1027, %parallel_loop3A_1028, %parallel_loop3A_1029] {strides = array<i32>} : memref<2x64x200xf32, #tpu.memory_space<vmem>>, vector<16xf32>,
      tpu.vector_store %arg10[%parallel_loop3A_1027, %parallel_loop3A_1028, %parallel_loop3A_1029], %parallel_loop3A_1025 {strides = array<i32>} : memref<2x64x200xf32, #tpu.memory_space<vmem>>, vector<16xf32>,
      %parallel_loop3A_1031 = arith.constant 1 : i32
      %parallel_loop3A_1032 = arith.index_cast %parallel_loop3A_1031 : i32 to index
      %parallel_loop3A_1033 = arith.index_cast %parallel_loop3A_1008 : i32 to index
      %parallel_loop3A_1034 = arith.constant 32 : index
      %parallel_loop3A_1035 = tpu.vector_load %arg9[%parallel_loop3A_1032, %parallel_loop3A_1033, %parallel_loop3A_1034] {strides = array<i32>} : memref<2x64x200xi32, #tpu.memory_space<vmem>>, vector<16xi32>,
      %parallel_loop3A_1036 = tpu.vector_load_idx %arg8[%parallel_loop3A_1035] : memref<128xf32, #tpu.memory_space<vmem>>[vector<16xi32>], vector<16xf32>,
      %parallel_loop3A_1037 = arith.constant 1 : i32
      %parallel_loop3A_1038 = arith.index_cast %parallel_loop3A_1037 : i32 to index
      %parallel_loop3A_1039 = arith.index_cast %parallel_loop3A_1008 : i32 to index
      %parallel_loop3A_1040 = arith.constant 32 : index
      %parallel_loop3A_1041 = tpu.vector_load %arg10[%parallel_loop3A_1038, %parallel_loop3A_1039, %parallel_loop3A_1040] {strides = array<i32>} : memref<2x64x200xf32, #tpu.memory_space<vmem>>, vector<16xf32>,
      tpu.vector_store %arg10[%parallel_loop3A_1038, %parallel_loop3A_1039, %parallel_loop3A_1040], %parallel_loop3A_1036 {strides = array<i32>} : memref<2x64x200xf32, #tpu.memory_space<vmem>>, vector<16xf32>,
      %parallel_loop3A_1042 = arith.constant 1 : i32
      %parallel_loop3A_1043 = arith.index_cast %parallel_loop3A_1042 : i32 to index
      %parallel_loop3A_1044 = arith.index_cast %parallel_loop3A_1008 : i32 to index
      %parallel_loop3A_1045 = arith.constant 48 : index
      %parallel_loop3A_1046 = tpu.vector_load %arg9[%parallel_loop3A_1043, %parallel_loop3A_1044, %parallel_loop3A_1045] {strides = array<i32>} : memref<2x64x200xi32, #tpu.memory_space<vmem>>, vector<16xi32>,
      %parallel_loop3A_1047 = tpu.vector_load_idx %arg8[%parallel_loop3A_1046] : memref<128xf32, #tpu.memory_space<vmem>>[vector<16xi32>], vector<16xf32>,
      %parallel_loop3A_1048 = arith.constant 1 : i32
      %parallel_loop3A_1049 = arith.index_cast %parallel_loop3A_1048 : i32 to index
      %parallel_loop3A_1050 = arith.index_cast %parallel_loop3A_1008 : i32 to index
      %parallel_loop3A_1051 = arith.constant 48 : index
      %parallel_loop3A_1052 = tpu.vector_load %arg10[%parallel_loop3A_1049, %parallel_loop3A_1050, %parallel_loop3A_1051] {strides = array<i32>} : memref<2x64x200xf32, #tpu.memory_space<vmem>>, vector<16xf32>,
      tpu.vector_store %arg10[%parallel_loop3A_1049, %parallel_loop3A_1050, %parallel_loop3A_1051], %parallel_loop3A_1047 {strides = array<i32>} : memref<2x64x200xf32, #tpu.memory_space<vmem>>, vector<16xf32>,
      %parallel_loop3A_1053 = arith.constant 1 : i32
      %parallel_loop3A_1054 = arith.index_cast %parallel_loop3A_1053 : i32 to index
      %parallel_loop3A_1055 = arith.index_cast %parallel_loop3A_1008 : i32 to index
      %parallel_loop3A_1056 = arith.constant 64 : index
      %parallel_loop3A_1057 = tpu.vector_load %arg9[%parallel_loop3A_1054, %parallel_loop3A_1055, %parallel_loop3A_1056] {strides = array<i32>} : memref<2x64x200xi32, #tpu.memory_space<vmem>>, vector<16xi32>,
      %parallel_loop3A_1058 = tpu.vector_load_idx %arg8[%parallel_loop3A_1057] : memref<128xf32, #tpu.memory_space<vmem>>[vector<16xi32>], vector<16xf32>,
      %parallel_loop3A_1059 = arith.constant 1 : i32
      %parallel_loop3A_1060 = arith.index_cast %parallel_loop3A_1059 : i32 to index
      %parallel_loop3A_1061 = arith.index_cast %parallel_loop3A_1008 : i32 to index
      %parallel_loop3A_1062 = arith.constant 64 : index
      %parallel_loop3A_1063 = tpu.vector_load %arg10[%parallel_loop3A_1060, %parallel_loop3A_1061, %parallel_loop3A_1062] {strides = array<i32>} : memref<2x64x200xf32, #tpu.memory_space<vmem>>, vector<16xf32>,
      tpu.vector_store %arg10[%parallel_loop3A_1060, %parallel_loop3A_1061, %parallel_loop3A_1062], %parallel_loop3A_1058 {strides = array<i32>} : memref<2x64x200xf32, #tpu.memory_space<vmem>>, vector<16xf32>,
      %parallel_loop3A_1064 = arith.constant 1 : i32
      %parallel_loop3A_1065 = arith.index_cast %parallel_loop3A_1064 : i32 to index
      %parallel_loop3A_1066 = arith.index_cast %parallel_loop3A_1008 : i32 to index
      %parallel_loop3A_1067 = arith.constant 80 : index
      %parallel_loop3A_1068 = tpu.vector_load %arg9[%parallel_loop3A_1065, %parallel_loop3A_1066, %parallel_loop3A_1067] {strides = array<i32>} : memref<2x64x200xi32, #tpu.memory_space<vmem>>, vector<16xi32>,
      %parallel_loop3A_1069 = tpu.vector_load_idx %arg8[%parallel_loop3A_1068] : memref<128xf32, #tpu.memory_space<vmem>>[vector<16xi32>], vector<16xf32>,
      %parallel_loop3A_1070 = arith.constant 1 : i32
      %parallel_loop3A_1071 = arith.index_cast %parallel_loop3A_1070 : i32 to index
      %parallel_loop3A_1072 = arith.index_cast %parallel_loop3A_1008 : i32 to index
      %parallel_loop3A_1073 = arith.constant 80 : index
      %parallel_loop3A_1074 = tpu.vector_load %arg10[%parallel_loop3A_1071, %parallel_loop3A_1072, %parallel_loop3A_1073] {strides = array<i32>} : memref<2x64x200xf32, #tpu.memory_space<vmem>>, vector<16xf32>,
      tpu.vector_store %arg10[%parallel_loop3A_1071, %parallel_loop3A_1072, %parallel_loop3A_1073], %parallel_loop3A_1069 {strides = array<i32>} : memref<2x64x200xf32, #tpu.memory_space<vmem>>, vector<16xf32>,
      %parallel_loop3A_1075 = arith.constant 1 : i32
      %parallel_loop3A_1076 = arith.index_cast %parallel_loop3A_1075 : i32 to index
      %parallel_loop3A_1077 = arith.index_cast %parallel_loop3A_1008 : i32 to index
      %parallel_loop3A_1078 = arith.constant 96 : index
      %parallel_loop3A_1079 = tpu.vector_load %arg9[%parallel_loop3A_1076, %parallel_loop3A_1077, %parallel_loop3A_1078] {strides = array<i32>} : memref<2x64x200xi32, #tpu.memory_space<vmem>>, vector<16xi32>,
      %parallel_loop3A_1080 = tpu.vector_load_idx %arg8[%parallel_loop3A_1079] : memref<128xf32, #tpu.memory_space<vmem>>[vector<16xi32>], vector<16xf32>,
      %parallel_loop3A_1081 = arith.constant 1 : i32
      %parallel_loop3A_1082 = arith.index_cast %parallel_loop3A_1081 : i32 to index
      %parallel_loop3A_1083 = arith.index_cast %parallel_loop3A_1008 : i32 to index
      %parallel_loop3A_1084 = arith.constant 96 : index
      %parallel_loop3A_1085 = tpu.vector_load %arg10[%parallel_loop3A_1082, %parallel_loop3A_1083, %parallel_loop3A_1084] {strides = array<i32>} : memref<2x64x200xf32, #tpu.memory_space<vmem>>, vector<16xf32>,
      tpu.vector_store %arg10[%parallel_loop3A_1082, %parallel_loop3A_1083, %parallel_loop3A_1084], %parallel_loop3A_1080 {strides = array<i32>} : memref<2x64x200xf32, #tpu.memory_space<vmem>>, vector<16xf32>,
      %parallel_loop3A_1086 = arith.constant 1 : i32
      %parallel_loop3A_1087 = arith.index_cast %parallel_loop3A_1086 : i32 to index
      %parallel_loop3A_1088 = arith.index_cast %parallel_loop3A_1008 : i32 to index
      %parallel_loop3A_1089 = arith.constant 112 : index
      %parallel_loop3A_1090 = tpu.vector_load %arg9[%parallel_loop3A_1087, %parallel_loop3A_1088, %parallel_loop3A_1089] {strides = array<i32>} : memref<2x64x200xi32, #tpu.memory_space<vmem>>, vector<16xi32>,
      %parallel_loop3A_1091 = tpu.vector_load_idx %arg8[%parallel_loop3A_1090] : memref<128xf32, #tpu.memory_space<vmem>>[vector<16xi32>], vector<16xf32>,
      %parallel_loop3A_1092 = arith.constant 1 : i32
      %parallel_loop3A_1093 = arith.index_cast %parallel_loop3A_1092 : i32 to index
      %parallel_loop3A_1094 = arith.index_cast %parallel_loop3A_1008 : i32 to index
      %parallel_loop3A_1095 = arith.constant 112 : index
      %parallel_loop3A_1096 = tpu.vector_load %arg10[%parallel_loop3A_1093, %parallel_loop3A_1094, %parallel_loop3A_1095] {strides = array<i32>} : memref<2x64x200xf32, #tpu.memory_space<vmem>>, vector<16xf32>,
      tpu.vector_store %arg10[%parallel_loop3A_1093, %parallel_loop3A_1094, %parallel_loop3A_1095], %parallel_loop3A_1091 {strides = array<i32>} : memref<2x64x200xf32, #tpu.memory_space<vmem>>, vector<16xf32>,
      %parallel_loop3A_1097 = arith.constant 1 : i32
      %parallel_loop3A_1098 = arith.index_cast %parallel_loop3A_1097 : i32 to index
      %parallel_loop3A_1099 = arith.index_cast %parallel_loop3A_1008 : i32 to index
      %parallel_loop3A_1100 = arith.constant 128 : index
      %parallel_loop3A_1101 = tpu.vector_load %arg9[%parallel_loop3A_1098, %parallel_loop3A_1099, %parallel_loop3A_1100] {strides = array<i32>} : memref<2x64x200xi32, #tpu.memory_space<vmem>>, vector<16xi32>,
      %parallel_loop3A_1102 = tpu.vector_load_idx %arg8[%parallel_loop3A_1101] : memref<128xf32, #tpu.memory_space<vmem>>[vector<16xi32>], vector<16xf32>,
      %parallel_loop3A_1103 = arith.constant 1 : i32
      %parallel_loop3A_1104 = arith.index_cast %parallel_loop3A_1103 : i32 to index
      %parallel_loop3A_1105 = arith.index_cast %parallel_loop3A_1008 : i32 to index
      %parallel_loop3A_1106 = arith.constant 128 : index
      %parallel_loop3A_1107 = tpu.vector_load %arg10[%parallel_loop3A_1104, %parallel_loop3A_1105, %parallel_loop3A_1106] {strides = array<i32>} : memref<2x64x200xf32, #tpu.memory_space<vmem>>, vector<16xf32>,
      tpu.vector_store %arg10[%parallel_loop3A_1104, %parallel_loop3A_1105, %parallel_loop3A_1106], %parallel_loop3A_1102 {strides = array<i32>} : memref<2x64x200xf32, #tpu.memory_space<vmem>>, vector<16xf32>,
      %parallel_loop3A_1108 = arith.constant 1 : i32
      %parallel_loop3A_1109 = arith.index_cast %parallel_loop3A_1108 : i32 to index
      %parallel_loop3A_1110 = arith.index_cast %parallel_loop3A_1008 : i32 to index
      %parallel_loop3A_1111 = arith.constant 144 : index
      %parallel_loop3A_1112 = tpu.vector_load %arg9[%parallel_loop3A_1109, %parallel_loop3A_1110, %parallel_loop3A_1111] {strides = array<i32>} : memref<2x64x200xi32, #tpu.memory_space<vmem>>, vector<16xi32>,
      %parallel_loop3A_1113 = tpu.vector_load_idx %arg8[%parallel_loop3A_1112] : memref<128xf32, #tpu.memory_space<vmem>>[vector<16xi32>], vector<16xf32>,
      %parallel_loop3A_1114 = arith.constant 1 : i32
      %parallel_loop3A_1115 = arith.index_cast %parallel_loop3A_1114 : i32 to index
      %parallel_loop3A_1116 = arith.index_cast %parallel_loop3A_1008 : i32 to index
      %parallel_loop3A_1117 = arith.constant 144 : index
      %parallel_loop3A_1118 = tpu.vector_load %arg10[%parallel_loop3A_1115, %parallel_loop3A_1116, %parallel_loop3A_1117] {strides = array<i32>} : memref<2x64x200xf32, #tpu.memory_space<vmem>>, vector<16xf32>,
      tpu.vector_store %arg10[%parallel_loop3A_1115, %parallel_loop3A_1116, %parallel_loop3A_1117], %parallel_loop3A_1113 {strides = array<i32>} : memref<2x64x200xf32, #tpu.memory_space<vmem>>, vector<16xf32>,
      %parallel_loop3A_1119 = arith.constant 1 : i32
      %parallel_loop3A_1120 = arith.index_cast %parallel_loop3A_1119 : i32 to index
      %parallel_loop3A_1121 = arith.index_cast %parallel_loop3A_1008 : i32 to index
      %parallel_loop3A_1122 = arith.constant 160 : index
      %parallel_loop3A_1123 = tpu.vector_load %arg9[%parallel_loop3A_1120, %parallel_loop3A_1121, %parallel_loop3A_1122] {strides = array<i32>} : memref<2x64x200xi32, #tpu.memory_space<vmem>>, vector<16xi32>,
      %parallel_loop3A_1124 = tpu.vector_load_idx %arg8[%parallel_loop3A_1123] : memref<128xf32, #tpu.memory_space<vmem>>[vector<16xi32>], vector<16xf32>,
      %parallel_loop3A_1125 = arith.constant 1 : i32
      %parallel_loop3A_1126 = arith.index_cast %parallel_loop3A_1125 : i32 to index
      %parallel_loop3A_1127 = arith.index_cast %parallel_loop3A_1008 : i32 to index
      %parallel_loop3A_1128 = arith.constant 160 : index
      %parallel_loop3A_1129 = tpu.vector_load %arg10[%parallel_loop3A_1126, %parallel_loop3A_1127, %parallel_loop3A_1128] {strides = array<i32>} : memref<2x64x200xf32, #tpu.memory_space<vmem>>, vector<16xf32>,
      tpu.vector_store %arg10[%parallel_loop3A_1126, %parallel_loop3A_1127, %parallel_loop3A_1128], %parallel_loop3A_1124 {strides = array<i32>} : memref<2x64x200xf32, #tpu.memory_space<vmem>>, vector<16xf32>,
      %parallel_loop3A_1130 = arith.constant 1 : i32
      %parallel_loop3A_1131 = arith.index_cast %parallel_loop3A_1130 : i32 to index
      %parallel_loop3A_1132 = arith.index_cast %parallel_loop3A_1008 : i32 to index
      %parallel_loop3A_1133 = arith.constant 176 : index
      %parallel_loop3A_1134 = tpu.vector_load %arg9[%parallel_loop3A_1131, %parallel_loop3A_1132, %parallel_loop3A_1133] {strides = array<i32>} : memref<2x64x200xi32, #tpu.memory_space<vmem>>, vector<16xi32>,
      %parallel_loop3A_1135 = tpu.vector_load_idx %arg8[%parallel_loop3A_1134] : memref<128xf32, #tpu.memory_space<vmem>>[vector<16xi32>], vector<16xf32>,
      %parallel_loop3A_1136 = arith.constant 1 : i32
      %parallel_loop3A_1137 = arith.index_cast %parallel_loop3A_1136 : i32 to index
      %parallel_loop3A_1138 = arith.index_cast %parallel_loop3A_1008 : i32 to index
      %parallel_loop3A_1139 = arith.constant 176 : index
      %parallel_loop3A_1140 = tpu.vector_load %arg10[%parallel_loop3A_1137, %parallel_loop3A_1138, %parallel_loop3A_1139] {strides = array<i32>} : memref<2x64x200xf32, #tpu.memory_space<vmem>>, vector<16xf32>,
      tpu.vector_store %arg10[%parallel_loop3A_1137, %parallel_loop3A_1138, %parallel_loop3A_1139], %parallel_loop3A_1135 {strides = array<i32>} : memref<2x64x200xf32, #tpu.memory_space<vmem>>, vector<16xf32>,
      %parallel_loop3A_1141 = arith.constant 1 : i32
      %parallel_loop3A_1142 = arith.index_cast %parallel_loop3A_1141 : i32 to index
      %parallel_loop3A_1143 = arith.index_cast %parallel_loop3A_1008 : i32 to index
      %parallel_loop3A_1144 = arith.constant 184 : index
      %parallel_loop3A_1145 = tpu.vector_load %arg9[%parallel_loop3A_1142, %parallel_loop3A_1143, %parallel_loop3A_1144] {strides = array<i32>} : memref<2x64x200xi32, #tpu.memory_space<vmem>>, vector<16xi32>,
      %parallel_loop3A_1146 = tpu.vector_load_idx %arg8[%parallel_loop3A_1145] : memref<128xf32, #tpu.memory_space<vmem>>[vector<16xi32>], vector<16xf32>,
      %parallel_loop3A_1147 = arith.constant 1 : i32
      %parallel_loop3A_1148 = arith.index_cast %parallel_loop3A_1147 : i32 to index
      %parallel_loop3A_1149 = arith.index_cast %parallel_loop3A_1008 : i32 to index
      %parallel_loop3A_1150 = arith.constant 184 : index
      %parallel_loop3A_1151 = tpu.vector_load %arg10[%parallel_loop3A_1148, %parallel_loop3A_1149, %parallel_loop3A_1150] {strides = array<i32>} : memref<2x64x200xf32, #tpu.memory_space<vmem>>, vector<16xf32>,
      tpu.vector_store %arg10[%parallel_loop3A_1148, %parallel_loop3A_1149, %parallel_loop3A_1150], %parallel_loop3A_1146 {strides = array<i32>} : memref<2x64x200xf32, #tpu.memory_space<vmem>>, vector<16xf32>,
    } {sc.loop_unroll_factor = 2 : i64, sc.parallel_access}
    %add3A_628 = arith.constant 64 : i32
    %add3A_629 = arith.addi %mul3A_2, %add3A_628 : i32
    %dma_start3A_630 = arith.constant 1 : i32
    %dma_start3A_631 = arith.constant 0 : i32
    %dma_start3A_632 = arith.constant 0 : i32
    %dma_start3A_633 = tpu.memref_slice %arg10[%dma_start3A_630, %dma_start3A_631, %dma_start3A_632] : memref<2x64x200xf32, #tpu.memory_space<vmem>> -> memref<1x64x200xf32, #tpu.memory_space<vmem>>
    %dma_start3A_634 = tpu.memref_squeeze %dma_start3A_633 : memref<1x64x200xf32, #tpu.memory_space<vmem>> -> memref<64x200xf32, #tpu.memory_space<vmem>>
    %dma_start3A_635 = arith.constant 0 : i32
    %dma_start3A_636 = tpu.memref_slice %arg5[%add3A_629, %dma_start3A_635] : memref<16384x200xf32, #tpu.memory_space<hbm>> -> memref<64x200xf32, #tpu.memory_space<hbm>>
    %dma_start3A_637 = arith.constant 0 : i32
    %dma_start3A_638 = tpu.memref_slice %arg5[%add3A_629, %dma_start3A_637] : memref<16384x200xf32, #tpu.memory_space<hbm>> -> memref<64x200xf32, #tpu.memory_space<hbm>>
    %dma_start3A_639 = arith.constant 0 : i32
    %dma_start3A_640 = arith.constant 0 : i32
    %dma_start3A_641 = tpu.memref_slice %arg10[%dma_start3A_630, %dma_start3A_639, %dma_start3A_640] : memref<2x64x200xf32, #tpu.memory_space<vmem>> -> memref<1x64x200xf32, #tpu.memory_space<vmem>>
    %dma_start3A_642 = tpu.memref_squeeze %dma_start3A_641 : memref<1x64x200xf32, #tpu.memory_space<vmem>> -> memref<64x200xf32, #tpu.memory_space<vmem>>
    tpu.enqueue_dma source(%dma_start3A_642 : memref<64x200xf32, #tpu.memory_space<vmem>>) target(%dma_start3A_638 : memref<64x200xf32, #tpu.memory_space<hbm>>) target_semaphore(%arg14 : memref<!tpu.dma_semaphore, #tpu.memory_space<semaphore_mem>>)
    %add3A_643 = arith.constant 192 : i32
    %add3A_644 = arith.addi %mul3A_2, %add3A_643 : i32
    %dma_start3A_645 = arith.constant 1 : i32
    %dma_start3A_646 = arith.constant 0 : i32
    %dma_start3A_647 = arith.constant 0 : i32
    %dma_start3A_648 = tpu.memref_slice %arg9[%dma_start3A_645, %dma_start3A_646, %dma_start3A_647] : memref<2x64x200xi32, #tpu.memory_space<vmem>> -> memref<1x64x200xi32, #tpu.memory_space<vmem>>
    %dma_start3A_649 = tpu.memref_squeeze %dma_start3A_648 : memref<1x64x200xi32, #tpu.memory_space<vmem>> -> memref<64x200xi32, #tpu.memory_space<vmem>>
    %dma_start3A_650 = arith.constant 0 : i32
    %dma_start3A_651 = tpu.memref_slice %arg4[%add3A_644, %dma_start3A_650] : memref<16384x200xi32, #tpu.memory_space<hbm>> -> memref<64x200xi32, #tpu.memory_space<hbm>>
    %dma_start3A_652 = arith.constant 0 : i32
    %dma_start3A_653 = arith.constant 0 : i32
    %dma_start3A_654 = tpu.memref_slice %arg9[%dma_start3A_645, %dma_start3A_652, %dma_start3A_653] : memref<2x64x200xi32, #tpu.memory_space<vmem>> -> memref<1x64x200xi32, #tpu.memory_space<vmem>>
    %dma_start3A_655 = tpu.memref_squeeze %dma_start3A_654 : memref<1x64x200xi32, #tpu.memory_space<vmem>> -> memref<64x200xi32, #tpu.memory_space<vmem>>
    %dma_start3A_656 = arith.constant 0 : i32
    %dma_start3A_657 = tpu.memref_slice %arg4[%add3A_644, %dma_start3A_656] : memref<16384x200xi32, #tpu.memory_space<hbm>> -> memref<64x200xi32, #tpu.memory_space<hbm>>
    tpu.enqueue_dma source(%dma_start3A_657 : memref<64x200xi32, #tpu.memory_space<hbm>>) target(%dma_start3A_655 : memref<64x200xi32, #tpu.memory_space<vmem>>) target_semaphore(%arg12 : memref<!tpu.dma_semaphore, #tpu.memory_space<semaphore_mem>>)
    %dma_wait3A_658 = arith.constant 0 : i32
    %dma_wait3A_659 = arith.constant 0 : i32
    %dma_wait3A_660 = arith.constant 0 : i32
    %dma_wait3A_661 = tpu.memref_slice %arg9[%dma_wait3A_658, %dma_wait3A_659, %dma_wait3A_660] : memref<2x64x200xi32, #tpu.memory_space<vmem>> -> memref<1x64x200xi32, #tpu.memory_space<vmem>>
    %dma_wait3A_662 = tpu.memref_squeeze %dma_wait3A_661 : memref<1x64x200xi32, #tpu.memory_space<vmem>> -> memref<64x200xi32, #tpu.memory_space<vmem>>
    %dma_wait3A_663 = arith.constant 0 : i32
    %dma_wait3A_664 = tpu.memref_slice %arg4[%add3A_598, %dma_wait3A_663] : memref<16384x200xi32, #tpu.memory_space<hbm>> -> memref<64x200xi32, #tpu.memory_space<hbm>>
    %dma_wait3A_665 = arith.constant 0 : i32
    %dma_wait3A_666 = arith.constant 0 : i32
    %dma_wait3A_667 = tpu.memref_slice %arg9[%dma_wait3A_658, %dma_wait3A_665, %dma_wait3A_666] : memref<2x64x200xi32, #tpu.memory_space<vmem>> -> memref<1x64x200xi32, #tpu.memory_space<vmem>>
    %dma_wait3A_668 = tpu.memref_squeeze %dma_wait3A_667 : memref<1x64x200xi32, #tpu.memory_space<vmem>> -> memref<64x200xi32, #tpu.memory_space<vmem>>
    %dma_wait3A_669 = arith.constant 0 : i32
    %dma_wait3A_670 = tpu.memref_slice %arg4[%add3A_598, %dma_wait3A_669] : memref<16384x200xi32, #tpu.memory_space<hbm>> -> memref<64x200xi32, #tpu.memory_space<hbm>>
    tpu.wait_dma2 semaphore(%arg11 : memref<!tpu.dma_semaphore, #tpu.memory_space<semaphore_mem>>) src(%dma_wait3A_670 : memref<64x200xi32, #tpu.memory_space<hbm>>) dst(%dma_wait3A_668 : memref<64x200xi32, #tpu.memory_space<vmem>>)
    %dma_wait3A_671 = arith.constant 0 : i32
    %dma_wait3A_672 = arith.constant 0 : i32
    %dma_wait3A_673 = arith.constant 0 : i32
    %dma_wait3A_674 = tpu.memref_slice %arg10[%dma_wait3A_671, %dma_wait3A_672, %dma_wait3A_673] : memref<2x64x200xf32, #tpu.memory_space<vmem>> -> memref<1x64x200xf32, #tpu.memory_space<vmem>>
    %dma_wait3A_675 = tpu.memref_squeeze %dma_wait3A_674 : memref<1x64x200xf32, #tpu.memory_space<vmem>> -> memref<64x200xf32, #tpu.memory_space<vmem>>
    %dma_wait3A_676 = arith.constant 0 : i32
    %dma_wait3A_677 = tpu.memref_slice %arg5[%add3A_583, %dma_wait3A_676] : memref<16384x200xf32, #tpu.memory_space<hbm>> -> memref<64x200xf32, #tpu.memory_space<hbm>>
    %dma_wait3A_678 = arith.constant 0 : i32
    %dma_wait3A_679 = tpu.memref_slice %arg5[%add3A_583, %dma_wait3A_678] : memref<16384x200xf32, #tpu.memory_space<hbm>> -> memref<64x200xf32, #tpu.memory_space<hbm>>
    %dma_wait3A_680 = arith.constant 0 : i32
    %dma_wait3A_681 = arith.constant 0 : i32
    %dma_wait3A_682 = tpu.memref_slice %arg10[%dma_wait3A_671, %dma_wait3A_680, %dma_wait3A_681] : memref<2x64x200xf32, #tpu.memory_space<vmem>> -> memref<1x64x200xf32, #tpu.memory_space<vmem>>
    %dma_wait3A_683 = tpu.memref_squeeze %dma_wait3A_682 : memref<1x64x200xf32, #tpu.memory_space<vmem>> -> memref<64x200xf32, #tpu.memory_space<vmem>>
    tpu.wait_dma2 semaphore(%arg13 : memref<!tpu.dma_semaphore, #tpu.memory_space<semaphore_mem>>) src(%dma_wait3A_683 : memref<64x200xf32, #tpu.memory_space<vmem>>) dst(%dma_wait3A_679 : memref<64x200xf32, #tpu.memory_space<hbm>>)
    %parallel_loop3A_684 = arith.constant 0 : i32
    %parallel_loop3A_685 = arith.constant 64 : i32
    %parallel_loop3A_686 = arith.constant 1 : i32
    scf.for %parallel_loop3A_1008 = %parallel_loop3A_684 to %parallel_loop3A_685 step %parallel_loop3A_686  : i32 {
      %parallel_loop3A_1009 = arith.constant 0 : i32
      %parallel_loop3A_1010 = arith.index_cast %parallel_loop3A_1009 : i32 to index
      %parallel_loop3A_1011 = arith.index_cast %parallel_loop3A_1008 : i32 to index
      %parallel_loop3A_1012 = arith.constant 0 : index
      %parallel_loop3A_1013 = tpu.vector_load %arg9[%parallel_loop3A_1010, %parallel_loop3A_1011, %parallel_loop3A_1012] {strides = array<i32>} : memref<2x64x200xi32, #tpu.memory_space<vmem>>, vector<16xi32>,
      %parallel_loop3A_1014 = tpu.vector_load_idx %arg8[%parallel_loop3A_1013] : memref<128xf32, #tpu.memory_space<vmem>>[vector<16xi32>], vector<16xf32>,
      %parallel_loop3A_1015 = arith.constant 0 : i32
      %parallel_loop3A_1016 = arith.index_cast %parallel_loop3A_1015 : i32 to index
      %parallel_loop3A_1017 = arith.index_cast %parallel_loop3A_1008 : i32 to index
      %parallel_loop3A_1018 = arith.constant 0 : index
      %parallel_loop3A_1019 = tpu.vector_load %arg10[%parallel_loop3A_1016, %parallel_loop3A_1017, %parallel_loop3A_1018] {strides = array<i32>} : memref<2x64x200xf32, #tpu.memory_space<vmem>>, vector<16xf32>,
      tpu.vector_store %arg10[%parallel_loop3A_1016, %parallel_loop3A_1017, %parallel_loop3A_1018], %parallel_loop3A_1014 {strides = array<i32>} : memref<2x64x200xf32, #tpu.memory_space<vmem>>, vector<16xf32>,
      %parallel_loop3A_1020 = arith.constant 0 : i32
      %parallel_loop3A_1021 = arith.index_cast %parallel_loop3A_1020 : i32 to index
      %parallel_loop3A_1022 = arith.index_cast %parallel_loop3A_1008 : i32 to index
      %parallel_loop3A_1023 = arith.constant 16 : index
      %parallel_loop3A_1024 = tpu.vector_load %arg9[%parallel_loop3A_1021, %parallel_loop3A_1022, %parallel_loop3A_1023] {strides = array<i32>} : memref<2x64x200xi32, #tpu.memory_space<vmem>>, vector<16xi32>,
      %parallel_loop3A_1025 = tpu.vector_load_idx %arg8[%parallel_loop3A_1024] : memref<128xf32, #tpu.memory_space<vmem>>[vector<16xi32>], vector<16xf32>,
      %parallel_loop3A_1026 = arith.constant 0 : i32
      %parallel_loop3A_1027 = arith.index_cast %parallel_loop3A_1026 : i32 to index
      %parallel_loop3A_1028 = arith.index_cast %parallel_loop3A_1008 : i32 to index
      %parallel_loop3A_1029 = arith.constant 16 : index
      %parallel_loop3A_1030 = tpu.vector_load %arg10[%parallel_loop3A_1027, %parallel_loop3A_1028, %parallel_loop3A_1029] {strides = array<i32>} : memref<2x64x200xf32, #tpu.memory_space<vmem>>, vector<16xf32>,
      tpu.vector_store %arg10[%parallel_loop3A_1027, %parallel_loop3A_1028, %parallel_loop3A_1029], %parallel_loop3A_1025 {strides = array<i32>} : memref<2x64x200xf32, #tpu.memory_space<vmem>>, vector<16xf32>,
      %parallel_loop3A_1031 = arith.constant 0 : i32
      %parallel_loop3A_1032 = arith.index_cast %parallel_loop3A_1031 : i32 to index
      %parallel_loop3A_1033 = arith.index_cast %parallel_loop3A_1008 : i32 to index
      %parallel_loop3A_1034 = arith.constant 32 : index
      %parallel_loop3A_1035 = tpu.vector_load %arg9[%parallel_loop3A_1032, %parallel_loop3A_1033, %parallel_loop3A_1034] {strides = array<i32>} : memref<2x64x200xi32, #tpu.memory_space<vmem>>, vector<16xi32>,
      %parallel_loop3A_1036 = tpu.vector_load_idx %arg8[%parallel_loop3A_1035] : memref<128xf32, #tpu.memory_space<vmem>>[vector<16xi32>], vector<16xf32>,
      %parallel_loop3A_1037 = arith.constant 0 : i32
      %parallel_loop3A_1038 = arith.index_cast %parallel_loop3A_1037 : i32 to index
      %parallel_loop3A_1039 = arith.index_cast %parallel_loop3A_1008 : i32 to index
      %parallel_loop3A_1040 = arith.constant 32 : index
      %parallel_loop3A_1041 = tpu.vector_load %arg10[%parallel_loop3A_1038, %parallel_loop3A_1039, %parallel_loop3A_1040] {strides = array<i32>} : memref<2x64x200xf32, #tpu.memory_space<vmem>>, vector<16xf32>,
      tpu.vector_store %arg10[%parallel_loop3A_1038, %parallel_loop3A_1039, %parallel_loop3A_1040], %parallel_loop3A_1036 {strides = array<i32>} : memref<2x64x200xf32, #tpu.memory_space<vmem>>, vector<16xf32>,
      %parallel_loop3A_1042 = arith.constant 0 : i32
      %parallel_loop3A_1043 = arith.index_cast %parallel_loop3A_1042 : i32 to index
      %parallel_loop3A_1044 = arith.index_cast %parallel_loop3A_1008 : i32 to index
      %parallel_loop3A_1045 = arith.constant 48 : index
      %parallel_loop3A_1046 = tpu.vector_load %arg9[%parallel_loop3A_1043, %parallel_loop3A_1044, %parallel_loop3A_1045] {strides = array<i32>} : memref<2x64x200xi32, #tpu.memory_space<vmem>>, vector<16xi32>,
      %parallel_loop3A_1047 = tpu.vector_load_idx %arg8[%parallel_loop3A_1046] : memref<128xf32, #tpu.memory_space<vmem>>[vector<16xi32>], vector<16xf32>,
      %parallel_loop3A_1048 = arith.constant 0 : i32
      %parallel_loop3A_1049 = arith.index_cast %parallel_loop3A_1048 : i32 to index
      %parallel_loop3A_1050 = arith.index_cast %parallel_loop3A_1008 : i32 to index
      %parallel_loop3A_1051 = arith.constant 48 : index
      %parallel_loop3A_1052 = tpu.vector_load %arg10[%parallel_loop3A_1049, %parallel_loop3A_1050, %parallel_loop3A_1051] {strides = array<i32>} : memref<2x64x200xf32, #tpu.memory_space<vmem>>, vector<16xf32>,
      tpu.vector_store %arg10[%parallel_loop3A_1049, %parallel_loop3A_1050, %parallel_loop3A_1051], %parallel_loop3A_1047 {strides = array<i32>} : memref<2x64x200xf32, #tpu.memory_space<vmem>>, vector<16xf32>,
      %parallel_loop3A_1053 = arith.constant 0 : i32
      %parallel_loop3A_1054 = arith.index_cast %parallel_loop3A_1053 : i32 to index
      %parallel_loop3A_1055 = arith.index_cast %parallel_loop3A_1008 : i32 to index
      %parallel_loop3A_1056 = arith.constant 64 : index
      %parallel_loop3A_1057 = tpu.vector_load %arg9[%parallel_loop3A_1054, %parallel_loop3A_1055, %parallel_loop3A_1056] {strides = array<i32>} : memref<2x64x200xi32, #tpu.memory_space<vmem>>, vector<16xi32>,
      %parallel_loop3A_1058 = tpu.vector_load_idx %arg8[%parallel_loop3A_1057] : memref<128xf32, #tpu.memory_space<vmem>>[vector<16xi32>], vector<16xf32>,
      %parallel_loop3A_1059 = arith.constant 0 : i32
      %parallel_loop3A_1060 = arith.index_cast %parallel_loop3A_1059 : i32 to index
      %parallel_loop3A_1061 = arith.index_cast %parallel_loop3A_1008 : i32 to index
      %parallel_loop3A_1062 = arith.constant 64 : index
      %parallel_loop3A_1063 = tpu.vector_load %arg10[%parallel_loop3A_1060, %parallel_loop3A_1061, %parallel_loop3A_1062] {strides = array<i32>} : memref<2x64x200xf32, #tpu.memory_space<vmem>>, vector<16xf32>,
      tpu.vector_store %arg10[%parallel_loop3A_1060, %parallel_loop3A_1061, %parallel_loop3A_1062], %parallel_loop3A_1058 {strides = array<i32>} : memref<2x64x200xf32, #tpu.memory_space<vmem>>, vector<16xf32>,
      %parallel_loop3A_1064 = arith.constant 0 : i32
      %parallel_loop3A_1065 = arith.index_cast %parallel_loop3A_1064 : i32 to index
      %parallel_loop3A_1066 = arith.index_cast %parallel_loop3A_1008 : i32 to index
      %parallel_loop3A_1067 = arith.constant 80 : index
      %parallel_loop3A_1068 = tpu.vector_load %arg9[%parallel_loop3A_1065, %parallel_loop3A_1066, %parallel_loop3A_1067] {strides = array<i32>} : memref<2x64x200xi32, #tpu.memory_space<vmem>>, vector<16xi32>,
      %parallel_loop3A_1069 = tpu.vector_load_idx %arg8[%parallel_loop3A_1068] : memref<128xf32, #tpu.memory_space<vmem>>[vector<16xi32>], vector<16xf32>,
      %parallel_loop3A_1070 = arith.constant 0 : i32
      %parallel_loop3A_1071 = arith.index_cast %parallel_loop3A_1070 : i32 to index
      %parallel_loop3A_1072 = arith.index_cast %parallel_loop3A_1008 : i32 to index
      %parallel_loop3A_1073 = arith.constant 80 : index
      %parallel_loop3A_1074 = tpu.vector_load %arg10[%parallel_loop3A_1071, %parallel_loop3A_1072, %parallel_loop3A_1073] {strides = array<i32>} : memref<2x64x200xf32, #tpu.memory_space<vmem>>, vector<16xf32>,
      tpu.vector_store %arg10[%parallel_loop3A_1071, %parallel_loop3A_1072, %parallel_loop3A_1073], %parallel_loop3A_1069 {strides = array<i32>} : memref<2x64x200xf32, #tpu.memory_space<vmem>>, vector<16xf32>,
      %parallel_loop3A_1075 = arith.constant 0 : i32
      %parallel_loop3A_1076 = arith.index_cast %parallel_loop3A_1075 : i32 to index
      %parallel_loop3A_1077 = arith.index_cast %parallel_loop3A_1008 : i32 to index
      %parallel_loop3A_1078 = arith.constant 96 : index
      %parallel_loop3A_1079 = tpu.vector_load %arg9[%parallel_loop3A_1076, %parallel_loop3A_1077, %parallel_loop3A_1078] {strides = array<i32>} : memref<2x64x200xi32, #tpu.memory_space<vmem>>, vector<16xi32>,
      %parallel_loop3A_1080 = tpu.vector_load_idx %arg8[%parallel_loop3A_1079] : memref<128xf32, #tpu.memory_space<vmem>>[vector<16xi32>], vector<16xf32>,
      %parallel_loop3A_1081 = arith.constant 0 : i32
      %parallel_loop3A_1082 = arith.index_cast %parallel_loop3A_1081 : i32 to index
      %parallel_loop3A_1083 = arith.index_cast %parallel_loop3A_1008 : i32 to index
      %parallel_loop3A_1084 = arith.constant 96 : index
      %parallel_loop3A_1085 = tpu.vector_load %arg10[%parallel_loop3A_1082, %parallel_loop3A_1083, %parallel_loop3A_1084] {strides = array<i32>} : memref<2x64x200xf32, #tpu.memory_space<vmem>>, vector<16xf32>,
      tpu.vector_store %arg10[%parallel_loop3A_1082, %parallel_loop3A_1083, %parallel_loop3A_1084], %parallel_loop3A_1080 {strides = array<i32>} : memref<2x64x200xf32, #tpu.memory_space<vmem>>, vector<16xf32>,
      %parallel_loop3A_1086 = arith.constant 0 : i32
      %parallel_loop3A_1087 = arith.index_cast %parallel_loop3A_1086 : i32 to index
      %parallel_loop3A_1088 = arith.index_cast %parallel_loop3A_1008 : i32 to index
      %parallel_loop3A_1089 = arith.constant 112 : index
      %parallel_loop3A_1090 = tpu.vector_load %arg9[%parallel_loop3A_1087, %parallel_loop3A_1088, %parallel_loop3A_1089] {strides = array<i32>} : memref<2x64x200xi32, #tpu.memory_space<vmem>>, vector<16xi32>,
      %parallel_loop3A_1091 = tpu.vector_load_idx %arg8[%parallel_loop3A_1090] : memref<128xf32, #tpu.memory_space<vmem>>[vector<16xi32>], vector<16xf32>,
      %parallel_loop3A_1092 = arith.constant 0 : i32
      %parallel_loop3A_1093 = arith.index_cast %parallel_loop3A_1092 : i32 to index
      %parallel_loop3A_1094 = arith.index_cast %parallel_loop3A_1008 : i32 to index
      %parallel_loop3A_1095 = arith.constant 112 : index
      %parallel_loop3A_1096 = tpu.vector_load %arg10[%parallel_loop3A_1093, %parallel_loop3A_1094, %parallel_loop3A_1095] {strides = array<i32>} : memref<2x64x200xf32, #tpu.memory_space<vmem>>, vector<16xf32>,
      tpu.vector_store %arg10[%parallel_loop3A_1093, %parallel_loop3A_1094, %parallel_loop3A_1095], %parallel_loop3A_1091 {strides = array<i32>} : memref<2x64x200xf32, #tpu.memory_space<vmem>>, vector<16xf32>,
      %parallel_loop3A_1097 = arith.constant 0 : i32
      %parallel_loop3A_1098 = arith.index_cast %parallel_loop3A_1097 : i32 to index
      %parallel_loop3A_1099 = arith.index_cast %parallel_loop3A_1008 : i32 to index
      %parallel_loop3A_1100 = arith.constant 128 : index
      %parallel_loop3A_1101 = tpu.vector_load %arg9[%parallel_loop3A_1098, %parallel_loop3A_1099, %parallel_loop3A_1100] {strides = array<i32>} : memref<2x64x200xi32, #tpu.memory_space<vmem>>, vector<16xi32>,
      %parallel_loop3A_1102 = tpu.vector_load_idx %arg8[%parallel_loop3A_1101] : memref<128xf32, #tpu.memory_space<vmem>>[vector<16xi32>], vector<16xf32>,
      %parallel_loop3A_1103 = arith.constant 0 : i32
      %parallel_loop3A_1104 = arith.index_cast %parallel_loop3A_1103 : i32 to index
      %parallel_loop3A_1105 = arith.index_cast %parallel_loop3A_1008 : i32 to index
      %parallel_loop3A_1106 = arith.constant 128 : index
      %parallel_loop3A_1107 = tpu.vector_load %arg10[%parallel_loop3A_1104, %parallel_loop3A_1105, %parallel_loop3A_1106] {strides = array<i32>} : memref<2x64x200xf32, #tpu.memory_space<vmem>>, vector<16xf32>,
      tpu.vector_store %arg10[%parallel_loop3A_1104, %parallel_loop3A_1105, %parallel_loop3A_1106], %parallel_loop3A_1102 {strides = array<i32>} : memref<2x64x200xf32, #tpu.memory_space<vmem>>, vector<16xf32>,
      %parallel_loop3A_1108 = arith.constant 0 : i32
      %parallel_loop3A_1109 = arith.index_cast %parallel_loop3A_1108 : i32 to index
      %parallel_loop3A_1110 = arith.index_cast %parallel_loop3A_1008 : i32 to index
      %parallel_loop3A_1111 = arith.constant 144 : index
      %parallel_loop3A_1112 = tpu.vector_load %arg9[%parallel_loop3A_1109, %parallel_loop3A_1110, %parallel_loop3A_1111] {strides = array<i32>} : memref<2x64x200xi32, #tpu.memory_space<vmem>>, vector<16xi32>,
      %parallel_loop3A_1113 = tpu.vector_load_idx %arg8[%parallel_loop3A_1112] : memref<128xf32, #tpu.memory_space<vmem>>[vector<16xi32>], vector<16xf32>,
      %parallel_loop3A_1114 = arith.constant 0 : i32
      %parallel_loop3A_1115 = arith.index_cast %parallel_loop3A_1114 : i32 to index
      %parallel_loop3A_1116 = arith.index_cast %parallel_loop3A_1008 : i32 to index
      %parallel_loop3A_1117 = arith.constant 144 : index
      %parallel_loop3A_1118 = tpu.vector_load %arg10[%parallel_loop3A_1115, %parallel_loop3A_1116, %parallel_loop3A_1117] {strides = array<i32>} : memref<2x64x200xf32, #tpu.memory_space<vmem>>, vector<16xf32>,
      tpu.vector_store %arg10[%parallel_loop3A_1115, %parallel_loop3A_1116, %parallel_loop3A_1117], %parallel_loop3A_1113 {strides = array<i32>} : memref<2x64x200xf32, #tpu.memory_space<vmem>>, vector<16xf32>,
      %parallel_loop3A_1119 = arith.constant 0 : i32
      %parallel_loop3A_1120 = arith.index_cast %parallel_loop3A_1119 : i32 to index
      %parallel_loop3A_1121 = arith.index_cast %parallel_loop3A_1008 : i32 to index
      %parallel_loop3A_1122 = arith.constant 160 : index
      %parallel_loop3A_1123 = tpu.vector_load %arg9[%parallel_loop3A_1120, %parallel_loop3A_1121, %parallel_loop3A_1122] {strides = array<i32>} : memref<2x64x200xi32, #tpu.memory_space<vmem>>, vector<16xi32>,
      %parallel_loop3A_1124 = tpu.vector_load_idx %arg8[%parallel_loop3A_1123] : memref<128xf32, #tpu.memory_space<vmem>>[vector<16xi32>], vector<16xf32>,
      %parallel_loop3A_1125 = arith.constant 0 : i32
      %parallel_loop3A_1126 = arith.index_cast %parallel_loop3A_1125 : i32 to index
      %parallel_loop3A_1127 = arith.index_cast %parallel_loop3A_1008 : i32 to index
      %parallel_loop3A_1128 = arith.constant 160 : index
      %parallel_loop3A_1129 = tpu.vector_load %arg10[%parallel_loop3A_1126, %parallel_loop3A_1127, %parallel_loop3A_1128] {strides = array<i32>} : memref<2x64x200xf32, #tpu.memory_space<vmem>>, vector<16xf32>,
      tpu.vector_store %arg10[%parallel_loop3A_1126, %parallel_loop3A_1127, %parallel_loop3A_1128], %parallel_loop3A_1124 {strides = array<i32>} : memref<2x64x200xf32, #tpu.memory_space<vmem>>, vector<16xf32>,
      %parallel_loop3A_1130 = arith.constant 0 : i32
      %parallel_loop3A_1131 = arith.index_cast %parallel_loop3A_1130 : i32 to index
      %parallel_loop3A_1132 = arith.index_cast %parallel_loop3A_1008 : i32 to index
      %parallel_loop3A_1133 = arith.constant 176 : index
      %parallel_loop3A_1134 = tpu.vector_load %arg9[%parallel_loop3A_1131, %parallel_loop3A_1132, %parallel_loop3A_1133] {strides = array<i32>} : memref<2x64x200xi32, #tpu.memory_space<vmem>>, vector<16xi32>,
      %parallel_loop3A_1135 = tpu.vector_load_idx %arg8[%parallel_loop3A_1134] : memref<128xf32, #tpu.memory_space<vmem>>[vector<16xi32>], vector<16xf32>,
      %parallel_loop3A_1136 = arith.constant 0 : i32
      %parallel_loop3A_1137 = arith.index_cast %parallel_loop3A_1136 : i32 to index
      %parallel_loop3A_1138 = arith.index_cast %parallel_loop3A_1008 : i32 to index
      %parallel_loop3A_1139 = arith.constant 176 : index
      %parallel_loop3A_1140 = tpu.vector_load %arg10[%parallel_loop3A_1137, %parallel_loop3A_1138, %parallel_loop3A_1139] {strides = array<i32>} : memref<2x64x200xf32, #tpu.memory_space<vmem>>, vector<16xf32>,
      tpu.vector_store %arg10[%parallel_loop3A_1137, %parallel_loop3A_1138, %parallel_loop3A_1139], %parallel_loop3A_1135 {strides = array<i32>} : memref<2x64x200xf32, #tpu.memory_space<vmem>>, vector<16xf32>,
      %parallel_loop3A_1141 = arith.constant 0 : i32
      %parallel_loop3A_1142 = arith.index_cast %parallel_loop3A_1141 : i32 to index
      %parallel_loop3A_1143 = arith.index_cast %parallel_loop3A_1008 : i32 to index
      %parallel_loop3A_1144 = arith.constant 184 : index
      %parallel_loop3A_1145 = tpu.vector_load %arg9[%parallel_loop3A_1142, %parallel_loop3A_1143, %parallel_loop3A_1144] {strides = array<i32>} : memref<2x64x200xi32, #tpu.memory_space<vmem>>, vector<16xi32>,
      %parallel_loop3A_1146 = tpu.vector_load_idx %arg8[%parallel_loop3A_1145] : memref<128xf32, #tpu.memory_space<vmem>>[vector<16xi32>], vector<16xf32>,
      %parallel_loop3A_1147 = arith.constant 0 : i32
      %parallel_loop3A_1148 = arith.index_cast %parallel_loop3A_1147 : i32 to index
      %parallel_loop3A_1149 = arith.index_cast %parallel_loop3A_1008 : i32 to index
      %parallel_loop3A_1150 = arith.constant 184 : index
      %parallel_loop3A_1151 = tpu.vector_load %arg10[%parallel_loop3A_1148, %parallel_loop3A_1149, %parallel_loop3A_1150] {strides = array<i32>} : memref<2x64x200xf32, #tpu.memory_space<vmem>>, vector<16xf32>,
      tpu.vector_store %arg10[%parallel_loop3A_1148, %parallel_loop3A_1149, %parallel_loop3A_1150], %parallel_loop3A_1146 {strides = array<i32>} : memref<2x64x200xf32, #tpu.memory_space<vmem>>, vector<16xf32>,
    } {sc.loop_unroll_factor = 2 : i64, sc.parallel_access}
    %add3A_687 = arith.constant 128 : i32
    %add3A_688 = arith.addi %mul3A_2, %add3A_687 : i32
    %dma_start3A_689 = arith.constant 0 : i32
    %dma_start3A_690 = arith.constant 0 : i32
    %dma_start3A_691 = arith.constant 0 : i32
    %dma_start3A_692 = tpu.memref_slice %arg10[%dma_start3A_689, %dma_start3A_690, %dma_start3A_691] : memref<2x64x200xf32, #tpu.memory_space<vmem>> -> memref<1x64x200xf32, #tpu.memory_space<vmem>>
    %dma_start3A_693 = tpu.memref_squeeze %dma_start3A_692 : memref<1x64x200xf32, #tpu.memory_space<vmem>> -> memref<64x200xf32, #tpu.memory_space<vmem>>
    %dma_start3A_694 = arith.constant 0 : i32
    %dma_start3A_695 = tpu.memref_slice %arg5[%add3A_688, %dma_start3A_694] : memref<16384x200xf32, #tpu.memory_space<hbm>> -> memref<64x200xf32, #tpu.memory_space<hbm>>
    %dma_start3A_696 = arith.constant 0 : i32
    %dma_start3A_697 = tpu.memref_slice %arg5[%add3A_688, %dma_start3A_696] : memref<16384x200xf32, #tpu.memory_space<hbm>> -> memref<64x200xf32, #tpu.memory_space<hbm>>
    %dma_start3A_698 = arith.constant 0 : i32
    %dma_start3A_699 = arith.constant 0 : i32
    %dma_start3A_700 = tpu.memref_slice %arg10[%dma_start3A_689, %dma_start3A_698, %dma_start3A_699] : memref<2x64x200xf32, #tpu.memory_space<vmem>> -> memref<1x64x200xf32, #tpu.memory_space<vmem>>
    %dma_start3A_701 = tpu.memref_squeeze %dma_start3A_700 : memref<1x64x200xf32, #tpu.memory_space<vmem>> -> memref<64x200xf32, #tpu.memory_space<vmem>>
    tpu.enqueue_dma source(%dma_start3A_701 : memref<64x200xf32, #tpu.memory_space<vmem>>) target(%dma_start3A_697 : memref<64x200xf32, #tpu.memory_space<hbm>>) target_semaphore(%arg13 : memref<!tpu.dma_semaphore, #tpu.memory_space<semaphore_mem>>)
    %add3A_702 = arith.constant 256 : i32
    %add3A_703 = arith.addi %mul3A_2, %add3A_702 : i32
    %dma_start3A_704 = arith.constant 0 : i32
    %dma_start3A_705 = arith.constant 0 : i32
    %dma_start3A_706 = arith.constant 0 : i32
    %dma_start3A_707 = tpu.memref_slice %arg9[%dma_start3A_704, %dma_start3A_705, %dma_start3A_706] : memref<2x64x200xi32, #tpu.memory_space<vmem>> -> memref<1x64x200xi32, #tpu.memory_space<vmem>>
    %dma_start3A_708 = tpu.memref_squeeze %dma_start3A_707 : memref<1x64x200xi32, #tpu.memory_space<vmem>> -> memref<64x200xi32, #tpu.memory_space<vmem>>
    %dma_start3A_709 = arith.constant 0 : i32
    %dma_start3A_710 = tpu.memref_slice %arg4[%add3A_703, %dma_start3A_709] : memref<16384x200xi32, #tpu.memory_space<hbm>> -> memref<64x200xi32, #tpu.memory_space<hbm>>
    %dma_start3A_711 = arith.constant 0 : i32
    %dma_start3A_712 = arith.constant 0 : i32
    %dma_start3A_713 = tpu.memref_slice %arg9[%dma_start3A_704, %dma_start3A_711, %dma_start3A_712] : memref<2x64x200xi32, #tpu.memory_space<vmem>> -> memref<1x64x200xi32, #tpu.memory_space<vmem>>
    %dma_start3A_714 = tpu.memref_squeeze %dma_start3A_713 : memref<1x64x200xi32, #tpu.memory_space<vmem>> -> memref<64x200xi32, #tpu.memory_space<vmem>>
    %dma_start3A_715 = arith.constant 0 : i32
    %dma_start3A_716 = tpu.memref_slice %arg4[%add3A_703, %dma_start3A_715] : memref<16384x200xi32, #tpu.memory_space<hbm>> -> memref<64x200xi32, #tpu.memory_space<hbm>>
    tpu.enqueue_dma source(%dma_start3A_716 : memref<64x200xi32, #tpu.memory_space<hbm>>) target(%dma_start3A_714 : memref<64x200xi32, #tpu.memory_space<vmem>>) target_semaphore(%arg11 : memref<!tpu.dma_semaphore, #tpu.memory_space<semaphore_mem>>)
    %dma_wait3A_717 = arith.constant 1 : i32
    %dma_wait3A_718 = arith.constant 0 : i32
    %dma_wait3A_719 = arith.constant 0 : i32
    %dma_wait3A_720 = tpu.memref_slice %arg9[%dma_wait3A_717, %dma_wait3A_718, %dma_wait3A_719] : memref<2x64x200xi32, #tpu.memory_space<vmem>> -> memref<1x64x200xi32, #tpu.memory_space<vmem>>
    %dma_wait3A_721 = tpu.memref_squeeze %dma_wait3A_720 : memref<1x64x200xi32, #tpu.memory_space<vmem>> -> memref<64x200xi32, #tpu.memory_space<vmem>>
    %dma_wait3A_722 = arith.constant 0 : i32
    %dma_wait3A_723 = tpu.memref_slice %arg4[%add3A_644, %dma_wait3A_722] : memref<16384x200xi32, #tpu.memory_space<hbm>> -> memref<64x200xi32, #tpu.memory_space<hbm>>
    %dma_wait3A_724 = arith.constant 0 : i32
    %dma_wait3A_725 = arith.constant 0 : i32
    %dma_wait3A_726 = tpu.memref_slice %arg9[%dma_wait3A_717, %dma_wait3A_724, %dma_wait3A_725] : memref<2x64x200xi32, #tpu.memory_space<vmem>> -> memref<1x64x200xi32, #tpu.memory_space<vmem>>
    %dma_wait3A_727 = tpu.memref_squeeze %dma_wait3A_726 : memref<1x64x200xi32, #tpu.memory_space<vmem>> -> memref<64x200xi32, #tpu.memory_space<vmem>>
    %dma_wait3A_728 = arith.constant 0 : i32
    %dma_wait3A_729 = tpu.memref_slice %arg4[%add3A_644, %dma_wait3A_728] : memref<16384x200xi32, #tpu.memory_space<hbm>> -> memref<64x200xi32, #tpu.memory_space<hbm>>
    tpu.wait_dma2 semaphore(%arg12 : memref<!tpu.dma_semaphore, #tpu.memory_space<semaphore_mem>>) src(%dma_wait3A_729 : memref<64x200xi32, #tpu.memory_space<hbm>>) dst(%dma_wait3A_727 : memref<64x200xi32, #tpu.memory_space<vmem>>)
    %dma_wait3A_730 = arith.constant 1 : i32
    %dma_wait3A_731 = arith.constant 0 : i32
    %dma_wait3A_732 = arith.constant 0 : i32
    %dma_wait3A_733 = tpu.memref_slice %arg10[%dma_wait3A_730, %dma_wait3A_731, %dma_wait3A_732] : memref<2x64x200xf32, #tpu.memory_space<vmem>> -> memref<1x64x200xf32, #tpu.memory_space<vmem>>
    %dma_wait3A_734 = tpu.memref_squeeze %dma_wait3A_733 : memref<1x64x200xf32, #tpu.memory_space<vmem>> -> memref<64x200xf32, #tpu.memory_space<vmem>>
    %dma_wait3A_735 = arith.constant 0 : i32
    %dma_wait3A_736 = tpu.memref_slice %arg5[%add3A_629, %dma_wait3A_735] : memref<16384x200xf32, #tpu.memory_space<hbm>> -> memref<64x200xf32, #tpu.memory_space<hbm>>
    %dma_wait3A_737 = arith.constant 0 : i32
    %dma_wait3A_738 = tpu.memref_slice %arg5[%add3A_629, %dma_wait3A_737] : memref<16384x200xf32, #tpu.memory_space<hbm>> -> memref<64x200xf32, #tpu.memory_space<hbm>>
    %dma_wait3A_739 = arith.constant 0 : i32
    %dma_wait3A_740 = arith.constant 0 : i32
    %dma_wait3A_741 = tpu.memref_slice %arg10[%dma_wait3A_730, %dma_wait3A_739, %dma_wait3A_740] : memref<2x64x200xf32, #tpu.memory_space<vmem>> -> memref<1x64x200xf32, #tpu.memory_space<vmem>>
    %dma_wait3A_742 = tpu.memref_squeeze %dma_wait3A_741 : memref<1x64x200xf32, #tpu.memory_space<vmem>> -> memref<64x200xf32, #tpu.memory_space<vmem>>
    tpu.wait_dma2 semaphore(%arg14 : memref<!tpu.dma_semaphore, #tpu.memory_space<semaphore_mem>>) src(%dma_wait3A_742 : memref<64x200xf32, #tpu.memory_space<vmem>>) dst(%dma_wait3A_738 : memref<64x200xf32, #tpu.memory_space<hbm>>)
    %parallel_loop3A_743 = arith.constant 0 : i32
    %parallel_loop3A_744 = arith.constant 64 : i32
    %parallel_loop3A_745 = arith.constant 1 : i32
    scf.for %parallel_loop3A_1008 = %parallel_loop3A_743 to %parallel_loop3A_744 step %parallel_loop3A_745  : i32 {
      %parallel_loop3A_1009 = arith.constant 1 : i32
      %parallel_loop3A_1010 = arith.index_cast %parallel_loop3A_1009 : i32 to index
      %parallel_loop3A_1011 = arith.index_cast %parallel_loop3A_1008 : i32 to index
      %parallel_loop3A_1012 = arith.constant 0 : index
      %parallel_loop3A_1013 = tpu.vector_load %arg9[%parallel_loop3A_1010, %parallel_loop3A_1011, %parallel_loop3A_1012] {strides = array<i32>} : memref<2x64x200xi32, #tpu.memory_space<vmem>>, vector<16xi32>,
      %parallel_loop3A_1014 = tpu.vector_load_idx %arg8[%parallel_loop3A_1013] : memref<128xf32, #tpu.memory_space<vmem>>[vector<16xi32>], vector<16xf32>,
      %parallel_loop3A_1015 = arith.constant 1 : i32
      %parallel_loop3A_1016 = arith.index_cast %parallel_loop3A_1015 : i32 to index
      %parallel_loop3A_1017 = arith.index_cast %parallel_loop3A_1008 : i32 to index
      %parallel_loop3A_1018 = arith.constant 0 : index
      %parallel_loop3A_1019 = tpu.vector_load %arg10[%parallel_loop3A_1016, %parallel_loop3A_1017, %parallel_loop3A_1018] {strides = array<i32>} : memref<2x64x200xf32, #tpu.memory_space<vmem>>, vector<16xf32>,
      tpu.vector_store %arg10[%parallel_loop3A_1016, %parallel_loop3A_1017, %parallel_loop3A_1018], %parallel_loop3A_1014 {strides = array<i32>} : memref<2x64x200xf32, #tpu.memory_space<vmem>>, vector<16xf32>,
      %parallel_loop3A_1020 = arith.constant 1 : i32
      %parallel_loop3A_1021 = arith.index_cast %parallel_loop3A_1020 : i32 to index
      %parallel_loop3A_1022 = arith.index_cast %parallel_loop3A_1008 : i32 to index
      %parallel_loop3A_1023 = arith.constant 16 : index
      %parallel_loop3A_1024 = tpu.vector_load %arg9[%parallel_loop3A_1021, %parallel_loop3A_1022, %parallel_loop3A_1023] {strides = array<i32>} : memref<2x64x200xi32, #tpu.memory_space<vmem>>, vector<16xi32>,
      %parallel_loop3A_1025 = tpu.vector_load_idx %arg8[%parallel_loop3A_1024] : memref<128xf32, #tpu.memory_space<vmem>>[vector<16xi32>], vector<16xf32>,
      %parallel_loop3A_1026 = arith.constant 1 : i32
      %parallel_loop3A_1027 = arith.index_cast %parallel_loop3A_1026 : i32 to index
      %parallel_loop3A_1028 = arith.index_cast %parallel_loop3A_1008 : i32 to index
      %parallel_loop3A_1029 = arith.constant 16 : index
      %parallel_loop3A_1030 = tpu.vector_load %arg10[%parallel_loop3A_1027, %parallel_loop3A_1028, %parallel_loop3A_1029] {strides = array<i32>} : memref<2x64x200xf32, #tpu.memory_space<vmem>>, vector<16xf32>,
      tpu.vector_store %arg10[%parallel_loop3A_1027, %parallel_loop3A_1028, %parallel_loop3A_1029], %parallel_loop3A_1025 {strides = array<i32>} : memref<2x64x200xf32, #tpu.memory_space<vmem>>, vector<16xf32>,
      %parallel_loop3A_1031 = arith.constant 1 : i32
      %parallel_loop3A_1032 = arith.index_cast %parallel_loop3A_1031 : i32 to index
      %parallel_loop3A_1033 = arith.index_cast %parallel_loop3A_1008 : i32 to index
      %parallel_loop3A_1034 = arith.constant 32 : index
      %parallel_loop3A_1035 = tpu.vector_load %arg9[%parallel_loop3A_1032, %parallel_loop3A_1033, %parallel_loop3A_1034] {strides = array<i32>} : memref<2x64x200xi32, #tpu.memory_space<vmem>>, vector<16xi32>,
      %parallel_loop3A_1036 = tpu.vector_load_idx %arg8[%parallel_loop3A_1035] : memref<128xf32, #tpu.memory_space<vmem>>[vector<16xi32>], vector<16xf32>,
      %parallel_loop3A_1037 = arith.constant 1 : i32
      %parallel_loop3A_1038 = arith.index_cast %parallel_loop3A_1037 : i32 to index
      %parallel_loop3A_1039 = arith.index_cast %parallel_loop3A_1008 : i32 to index
      %parallel_loop3A_1040 = arith.constant 32 : index
      %parallel_loop3A_1041 = tpu.vector_load %arg10[%parallel_loop3A_1038, %parallel_loop3A_1039, %parallel_loop3A_1040] {strides = array<i32>} : memref<2x64x200xf32, #tpu.memory_space<vmem>>, vector<16xf32>,
      tpu.vector_store %arg10[%parallel_loop3A_1038, %parallel_loop3A_1039, %parallel_loop3A_1040], %parallel_loop3A_1036 {strides = array<i32>} : memref<2x64x200xf32, #tpu.memory_space<vmem>>, vector<16xf32>,
      %parallel_loop3A_1042 = arith.constant 1 : i32
      %parallel_loop3A_1043 = arith.index_cast %parallel_loop3A_1042 : i32 to index
      %parallel_loop3A_1044 = arith.index_cast %parallel_loop3A_1008 : i32 to index
      %parallel_loop3A_1045 = arith.constant 48 : index
      %parallel_loop3A_1046 = tpu.vector_load %arg9[%parallel_loop3A_1043, %parallel_loop3A_1044, %parallel_loop3A_1045] {strides = array<i32>} : memref<2x64x200xi32, #tpu.memory_space<vmem>>, vector<16xi32>,
      %parallel_loop3A_1047 = tpu.vector_load_idx %arg8[%parallel_loop3A_1046] : memref<128xf32, #tpu.memory_space<vmem>>[vector<16xi32>], vector<16xf32>,
      %parallel_loop3A_1048 = arith.constant 1 : i32
      %parallel_loop3A_1049 = arith.index_cast %parallel_loop3A_1048 : i32 to index
      %parallel_loop3A_1050 = arith.index_cast %parallel_loop3A_1008 : i32 to index
      %parallel_loop3A_1051 = arith.constant 48 : index
      %parallel_loop3A_1052 = tpu.vector_load %arg10[%parallel_loop3A_1049, %parallel_loop3A_1050, %parallel_loop3A_1051] {strides = array<i32>} : memref<2x64x200xf32, #tpu.memory_space<vmem>>, vector<16xf32>,
      tpu.vector_store %arg10[%parallel_loop3A_1049, %parallel_loop3A_1050, %parallel_loop3A_1051], %parallel_loop3A_1047 {strides = array<i32>} : memref<2x64x200xf32, #tpu.memory_space<vmem>>, vector<16xf32>,
      %parallel_loop3A_1053 = arith.constant 1 : i32
      %parallel_loop3A_1054 = arith.index_cast %parallel_loop3A_1053 : i32 to index
      %parallel_loop3A_1055 = arith.index_cast %parallel_loop3A_1008 : i32 to index
      %parallel_loop3A_1056 = arith.constant 64 : index
      %parallel_loop3A_1057 = tpu.vector_load %arg9[%parallel_loop3A_1054, %parallel_loop3A_1055, %parallel_loop3A_1056] {strides = array<i32>} : memref<2x64x200xi32, #tpu.memory_space<vmem>>, vector<16xi32>,
      %parallel_loop3A_1058 = tpu.vector_load_idx %arg8[%parallel_loop3A_1057] : memref<128xf32, #tpu.memory_space<vmem>>[vector<16xi32>], vector<16xf32>,
      %parallel_loop3A_1059 = arith.constant 1 : i32
      %parallel_loop3A_1060 = arith.index_cast %parallel_loop3A_1059 : i32 to index
      %parallel_loop3A_1061 = arith.index_cast %parallel_loop3A_1008 : i32 to index
      %parallel_loop3A_1062 = arith.constant 64 : index
      %parallel_loop3A_1063 = tpu.vector_load %arg10[%parallel_loop3A_1060, %parallel_loop3A_1061, %parallel_loop3A_1062] {strides = array<i32>} : memref<2x64x200xf32, #tpu.memory_space<vmem>>, vector<16xf32>,
      tpu.vector_store %arg10[%parallel_loop3A_1060, %parallel_loop3A_1061, %parallel_loop3A_1062], %parallel_loop3A_1058 {strides = array<i32>} : memref<2x64x200xf32, #tpu.memory_space<vmem>>, vector<16xf32>,
      %parallel_loop3A_1064 = arith.constant 1 : i32
      %parallel_loop3A_1065 = arith.index_cast %parallel_loop3A_1064 : i32 to index
      %parallel_loop3A_1066 = arith.index_cast %parallel_loop3A_1008 : i32 to index
      %parallel_loop3A_1067 = arith.constant 80 : index
      %parallel_loop3A_1068 = tpu.vector_load %arg9[%parallel_loop3A_1065, %parallel_loop3A_1066, %parallel_loop3A_1067] {strides = array<i32>} : memref<2x64x200xi32, #tpu.memory_space<vmem>>, vector<16xi32>,
      %parallel_loop3A_1069 = tpu.vector_load_idx %arg8[%parallel_loop3A_1068] : memref<128xf32, #tpu.memory_space<vmem>>[vector<16xi32>], vector<16xf32>,
      %parallel_loop3A_1070 = arith.constant 1 : i32
      %parallel_loop3A_1071 = arith.index_cast %parallel_loop3A_1070 : i32 to index
      %parallel_loop3A_1072 = arith.index_cast %parallel_loop3A_1008 : i32 to index
      %parallel_loop3A_1073 = arith.constant 80 : index
      %parallel_loop3A_1074 = tpu.vector_load %arg10[%parallel_loop3A_1071, %parallel_loop3A_1072, %parallel_loop3A_1073] {strides = array<i32>} : memref<2x64x200xf32, #tpu.memory_space<vmem>>, vector<16xf32>,
      tpu.vector_store %arg10[%parallel_loop3A_1071, %parallel_loop3A_1072, %parallel_loop3A_1073], %parallel_loop3A_1069 {strides = array<i32>} : memref<2x64x200xf32, #tpu.memory_space<vmem>>, vector<16xf32>,
      %parallel_loop3A_1075 = arith.constant 1 : i32
      %parallel_loop3A_1076 = arith.index_cast %parallel_loop3A_1075 : i32 to index
      %parallel_loop3A_1077 = arith.index_cast %parallel_loop3A_1008 : i32 to index
      %parallel_loop3A_1078 = arith.constant 96 : index
      %parallel_loop3A_1079 = tpu.vector_load %arg9[%parallel_loop3A_1076, %parallel_loop3A_1077, %parallel_loop3A_1078] {strides = array<i32>} : memref<2x64x200xi32, #tpu.memory_space<vmem>>, vector<16xi32>,
      %parallel_loop3A_1080 = tpu.vector_load_idx %arg8[%parallel_loop3A_1079] : memref<128xf32, #tpu.memory_space<vmem>>[vector<16xi32>], vector<16xf32>,
      %parallel_loop3A_1081 = arith.constant 1 : i32
      %parallel_loop3A_1082 = arith.index_cast %parallel_loop3A_1081 : i32 to index
      %parallel_loop3A_1083 = arith.index_cast %parallel_loop3A_1008 : i32 to index
      %parallel_loop3A_1084 = arith.constant 96 : index
      %parallel_loop3A_1085 = tpu.vector_load %arg10[%parallel_loop3A_1082, %parallel_loop3A_1083, %parallel_loop3A_1084] {strides = array<i32>} : memref<2x64x200xf32, #tpu.memory_space<vmem>>, vector<16xf32>,
      tpu.vector_store %arg10[%parallel_loop3A_1082, %parallel_loop3A_1083, %parallel_loop3A_1084], %parallel_loop3A_1080 {strides = array<i32>} : memref<2x64x200xf32, #tpu.memory_space<vmem>>, vector<16xf32>,
      %parallel_loop3A_1086 = arith.constant 1 : i32
      %parallel_loop3A_1087 = arith.index_cast %parallel_loop3A_1086 : i32 to index
      %parallel_loop3A_1088 = arith.index_cast %parallel_loop3A_1008 : i32 to index
      %parallel_loop3A_1089 = arith.constant 112 : index
      %parallel_loop3A_1090 = tpu.vector_load %arg9[%parallel_loop3A_1087, %parallel_loop3A_1088, %parallel_loop3A_1089] {strides = array<i32>} : memref<2x64x200xi32, #tpu.memory_space<vmem>>, vector<16xi32>,
      %parallel_loop3A_1091 = tpu.vector_load_idx %arg8[%parallel_loop3A_1090] : memref<128xf32, #tpu.memory_space<vmem>>[vector<16xi32>], vector<16xf32>,
      %parallel_loop3A_1092 = arith.constant 1 : i32
      %parallel_loop3A_1093 = arith.index_cast %parallel_loop3A_1092 : i32 to index
      %parallel_loop3A_1094 = arith.index_cast %parallel_loop3A_1008 : i32 to index
      %parallel_loop3A_1095 = arith.constant 112 : index
      %parallel_loop3A_1096 = tpu.vector_load %arg10[%parallel_loop3A_1093, %parallel_loop3A_1094, %parallel_loop3A_1095] {strides = array<i32>} : memref<2x64x200xf32, #tpu.memory_space<vmem>>, vector<16xf32>,
      tpu.vector_store %arg10[%parallel_loop3A_1093, %parallel_loop3A_1094, %parallel_loop3A_1095], %parallel_loop3A_1091 {strides = array<i32>} : memref<2x64x200xf32, #tpu.memory_space<vmem>>, vector<16xf32>,
      %parallel_loop3A_1097 = arith.constant 1 : i32
      %parallel_loop3A_1098 = arith.index_cast %parallel_loop3A_1097 : i32 to index
      %parallel_loop3A_1099 = arith.index_cast %parallel_loop3A_1008 : i32 to index
      %parallel_loop3A_1100 = arith.constant 128 : index
      %parallel_loop3A_1101 = tpu.vector_load %arg9[%parallel_loop3A_1098, %parallel_loop3A_1099, %parallel_loop3A_1100] {strides = array<i32>} : memref<2x64x200xi32, #tpu.memory_space<vmem>>, vector<16xi32>,
      %parallel_loop3A_1102 = tpu.vector_load_idx %arg8[%parallel_loop3A_1101] : memref<128xf32, #tpu.memory_space<vmem>>[vector<16xi32>], vector<16xf32>,
      %parallel_loop3A_1103 = arith.constant 1 : i32
      %parallel_loop3A_1104 = arith.index_cast %parallel_loop3A_1103 : i32 to index
      %parallel_loop3A_1105 = arith.index_cast %parallel_loop3A_1008 : i32 to index
      %parallel_loop3A_1106 = arith.constant 128 : index
      %parallel_loop3A_1107 = tpu.vector_load %arg10[%parallel_loop3A_1104, %parallel_loop3A_1105, %parallel_loop3A_1106] {strides = array<i32>} : memref<2x64x200xf32, #tpu.memory_space<vmem>>, vector<16xf32>,
      tpu.vector_store %arg10[%parallel_loop3A_1104, %parallel_loop3A_1105, %parallel_loop3A_1106], %parallel_loop3A_1102 {strides = array<i32>} : memref<2x64x200xf32, #tpu.memory_space<vmem>>, vector<16xf32>,
      %parallel_loop3A_1108 = arith.constant 1 : i32
      %parallel_loop3A_1109 = arith.index_cast %parallel_loop3A_1108 : i32 to index
      %parallel_loop3A_1110 = arith.index_cast %parallel_loop3A_1008 : i32 to index
      %parallel_loop3A_1111 = arith.constant 144 : index
      %parallel_loop3A_1112 = tpu.vector_load %arg9[%parallel_loop3A_1109, %parallel_loop3A_1110, %parallel_loop3A_1111] {strides = array<i32>} : memref<2x64x200xi32, #tpu.memory_space<vmem>>, vector<16xi32>,
      %parallel_loop3A_1113 = tpu.vector_load_idx %arg8[%parallel_loop3A_1112] : memref<128xf32, #tpu.memory_space<vmem>>[vector<16xi32>], vector<16xf32>,
      %parallel_loop3A_1114 = arith.constant 1 : i32
      %parallel_loop3A_1115 = arith.index_cast %parallel_loop3A_1114 : i32 to index
      %parallel_loop3A_1116 = arith.index_cast %parallel_loop3A_1008 : i32 to index
      %parallel_loop3A_1117 = arith.constant 144 : index
      %parallel_loop3A_1118 = tpu.vector_load %arg10[%parallel_loop3A_1115, %parallel_loop3A_1116, %parallel_loop3A_1117] {strides = array<i32>} : memref<2x64x200xf32, #tpu.memory_space<vmem>>, vector<16xf32>,
      tpu.vector_store %arg10[%parallel_loop3A_1115, %parallel_loop3A_1116, %parallel_loop3A_1117], %parallel_loop3A_1113 {strides = array<i32>} : memref<2x64x200xf32, #tpu.memory_space<vmem>>, vector<16xf32>,
      %parallel_loop3A_1119 = arith.constant 1 : i32
      %parallel_loop3A_1120 = arith.index_cast %parallel_loop3A_1119 : i32 to index
      %parallel_loop3A_1121 = arith.index_cast %parallel_loop3A_1008 : i32 to index
      %parallel_loop3A_1122 = arith.constant 160 : index
      %parallel_loop3A_1123 = tpu.vector_load %arg9[%parallel_loop3A_1120, %parallel_loop3A_1121, %parallel_loop3A_1122] {strides = array<i32>} : memref<2x64x200xi32, #tpu.memory_space<vmem>>, vector<16xi32>,
      %parallel_loop3A_1124 = tpu.vector_load_idx %arg8[%parallel_loop3A_1123] : memref<128xf32, #tpu.memory_space<vmem>>[vector<16xi32>], vector<16xf32>,
      %parallel_loop3A_1125 = arith.constant 1 : i32
      %parallel_loop3A_1126 = arith.index_cast %parallel_loop3A_1125 : i32 to index
      %parallel_loop3A_1127 = arith.index_cast %parallel_loop3A_1008 : i32 to index
      %parallel_loop3A_1128 = arith.constant 160 : index
      %parallel_loop3A_1129 = tpu.vector_load %arg10[%parallel_loop3A_1126, %parallel_loop3A_1127, %parallel_loop3A_1128] {strides = array<i32>} : memref<2x64x200xf32, #tpu.memory_space<vmem>>, vector<16xf32>,
      tpu.vector_store %arg10[%parallel_loop3A_1126, %parallel_loop3A_1127, %parallel_loop3A_1128], %parallel_loop3A_1124 {strides = array<i32>} : memref<2x64x200xf32, #tpu.memory_space<vmem>>, vector<16xf32>,
      %parallel_loop3A_1130 = arith.constant 1 : i32
      %parallel_loop3A_1131 = arith.index_cast %parallel_loop3A_1130 : i32 to index
      %parallel_loop3A_1132 = arith.index_cast %parallel_loop3A_1008 : i32 to index
      %parallel_loop3A_1133 = arith.constant 176 : index
      %parallel_loop3A_1134 = tpu.vector_load %arg9[%parallel_loop3A_1131, %parallel_loop3A_1132, %parallel_loop3A_1133] {strides = array<i32>} : memref<2x64x200xi32, #tpu.memory_space<vmem>>, vector<16xi32>,
      %parallel_loop3A_1135 = tpu.vector_load_idx %arg8[%parallel_loop3A_1134] : memref<128xf32, #tpu.memory_space<vmem>>[vector<16xi32>], vector<16xf32>,
      %parallel_loop3A_1136 = arith.constant 1 : i32
      %parallel_loop3A_1137 = arith.index_cast %parallel_loop3A_1136 : i32 to index
      %parallel_loop3A_1138 = arith.index_cast %parallel_loop3A_1008 : i32 to index
      %parallel_loop3A_1139 = arith.constant 176 : index
      %parallel_loop3A_1140 = tpu.vector_load %arg10[%parallel_loop3A_1137, %parallel_loop3A_1138, %parallel_loop3A_1139] {strides = array<i32>} : memref<2x64x200xf32, #tpu.memory_space<vmem>>, vector<16xf32>,
      tpu.vector_store %arg10[%parallel_loop3A_1137, %parallel_loop3A_1138, %parallel_loop3A_1139], %parallel_loop3A_1135 {strides = array<i32>} : memref<2x64x200xf32, #tpu.memory_space<vmem>>, vector<16xf32>,
      %parallel_loop3A_1141 = arith.constant 1 : i32
      %parallel_loop3A_1142 = arith.index_cast %parallel_loop3A_1141 : i32 to index
      %parallel_loop3A_1143 = arith.index_cast %parallel_loop3A_1008 : i32 to index
      %parallel_loop3A_1144 = arith.constant 184 : index
      %parallel_loop3A_1145 = tpu.vector_load %arg9[%parallel_loop3A_1142, %parallel_loop3A_1143, %parallel_loop3A_1144] {strides = array<i32>} : memref<2x64x200xi32, #tpu.memory_space<vmem>>, vector<16xi32>,
      %parallel_loop3A_1146 = tpu.vector_load_idx %arg8[%parallel_loop3A_1145] : memref<128xf32, #tpu.memory_space<vmem>>[vector<16xi32>], vector<16xf32>,
      %parallel_loop3A_1147 = arith.constant 1 : i32
      %parallel_loop3A_1148 = arith.index_cast %parallel_loop3A_1147 : i32 to index
      %parallel_loop3A_1149 = arith.index_cast %parallel_loop3A_1008 : i32 to index
      %parallel_loop3A_1150 = arith.constant 184 : index
      %parallel_loop3A_1151 = tpu.vector_load %arg10[%parallel_loop3A_1148, %parallel_loop3A_1149, %parallel_loop3A_1150] {strides = array<i32>} : memref<2x64x200xf32, #tpu.memory_space<vmem>>, vector<16xf32>,
      tpu.vector_store %arg10[%parallel_loop3A_1148, %parallel_loop3A_1149, %parallel_loop3A_1150], %parallel_loop3A_1146 {strides = array<i32>} : memref<2x64x200xf32, #tpu.memory_space<vmem>>, vector<16xf32>,
    } {sc.loop_unroll_factor = 2 : i64, sc.parallel_access}
    %add3A_746 = arith.constant 192 : i32
    %add3A_747 = arith.addi %mul3A_2, %add3A_746 : i32
    %dma_start3A_748 = arith.constant 1 : i32
    %dma_start3A_749 = arith.constant 0 : i32
    %dma_start3A_750 = arith.constant 0 : i32
    %dma_start3A_751 = tpu.memref_slice %arg10[%dma_start3A_748, %dma_start3A_749, %dma_start3A_750] : memref<2x64x200xf32, #tpu.memory_space<vmem>> -> memref<1x64x200xf32, #tpu.memory_space<vmem>>
    %dma_start3A_752 = tpu.memref_squeeze %dma_start3A_751 : memref<1x64x200xf32, #tpu.memory_space<vmem>> -> memref<64x200xf32, #tpu.memory_space<vmem>>
    %dma_start3A_753 = arith.constant 0 : i32
    %dma_start3A_754 = tpu.memref_slice %arg5[%add3A_747, %dma_start3A_753] : memref<16384x200xf32, #tpu.memory_space<hbm>> -> memref<64x200xf32, #tpu.memory_space<hbm>>
    %dma_start3A_755 = arith.constant 0 : i32
    %dma_start3A_756 = tpu.memref_slice %arg5[%add3A_747, %dma_start3A_755] : memref<16384x200xf32, #tpu.memory_space<hbm>> -> memref<64x200xf32, #tpu.memory_space<hbm>>
    %dma_start3A_757 = arith.constant 0 : i32
    %dma_start3A_758 = arith.constant 0 : i32
    %dma_start3A_759 = tpu.memref_slice %arg10[%dma_start3A_748, %dma_start3A_757, %dma_start3A_758] : memref<2x64x200xf32, #tpu.memory_space<vmem>> -> memref<1x64x200xf32, #tpu.memory_space<vmem>>
    %dma_start3A_760 = tpu.memref_squeeze %dma_start3A_759 : memref<1x64x200xf32, #tpu.memory_space<vmem>> -> memref<64x200xf32, #tpu.memory_space<vmem>>
    tpu.enqueue_dma source(%dma_start3A_760 : memref<64x200xf32, #tpu.memory_space<vmem>>) target(%dma_start3A_756 : memref<64x200xf32, #tpu.memory_space<hbm>>) target_semaphore(%arg14 : memref<!tpu.dma_semaphore, #tpu.memory_space<semaphore_mem>>)
    %add3A_761 = arith.constant 320 : i32
    %add3A_762 = arith.addi %mul3A_2, %add3A_761 : i32
    %dma_start3A_763 = arith.constant 1 : i32
    %dma_start3A_764 = arith.constant 0 : i32
    %dma_start3A_765 = arith.constant 0 : i32
    %dma_start3A_766 = tpu.memref_slice %arg9[%dma_start3A_763, %dma_start3A_764, %dma_start3A_765] : memref<2x64x200xi32, #tpu.memory_space<vmem>> -> memref<1x64x200xi32, #tpu.memory_space<vmem>>
    %dma_start3A_767 = tpu.memref_squeeze %dma_start3A_766 : memref<1x64x200xi32, #tpu.memory_space<vmem>> -> memref<64x200xi32, #tpu.memory_space<vmem>>
    %dma_start3A_768 = arith.constant 0 : i32
    %dma_start3A_769 = tpu.memref_slice %arg4[%add3A_762, %dma_start3A_768] : memref<16384x200xi32, #tpu.memory_space<hbm>> -> memref<64x200xi32, #tpu.memory_space<hbm>>
    %dma_start3A_770 = arith.constant 0 : i32
    %dma_start3A_771 = arith.constant 0 : i32
    %dma_start3A_772 = tpu.memref_slice %arg9[%dma_start3A_763, %dma_start3A_770, %dma_start3A_771] : memref<2x64x200xi32, #tpu.memory_space<vmem>> -> memref<1x64x200xi32, #tpu.memory_space<vmem>>
    %dma_start3A_773 = tpu.memref_squeeze %dma_start3A_772 : memref<1x64x200xi32, #tpu.memory_space<vmem>> -> memref<64x200xi32, #tpu.memory_space<vmem>>
    %dma_start3A_774 = arith.constant 0 : i32
    %dma_start3A_775 = tpu.memref_slice %arg4[%add3A_762, %dma_start3A_774] : memref<16384x200xi32, #tpu.memory_space<hbm>> -> memref<64x200xi32, #tpu.memory_space<hbm>>
    tpu.enqueue_dma source(%dma_start3A_775 : memref<64x200xi32, #tpu.memory_space<hbm>>) target(%dma_start3A_773 : memref<64x200xi32, #tpu.memory_space<vmem>>) target_semaphore(%arg12 : memref<!tpu.dma_semaphore, #tpu.memory_space<semaphore_mem>>)
    %dma_wait3A_776 = arith.constant 0 : i32
    %dma_wait3A_777 = arith.constant 0 : i32
    %dma_wait3A_778 = arith.constant 0 : i32
    %dma_wait3A_779 = tpu.memref_slice %arg9[%dma_wait3A_776, %dma_wait3A_777, %dma_wait3A_778] : memref<2x64x200xi32, #tpu.memory_space<vmem>> -> memref<1x64x200xi32, #tpu.memory_space<vmem>>
    %dma_wait3A_780 = tpu.memref_squeeze %dma_wait3A_779 : memref<1x64x200xi32, #tpu.memory_space<vmem>> -> memref<64x200xi32, #tpu.memory_space<vmem>>
    %dma_wait3A_781 = arith.constant 0 : i32
    %dma_wait3A_782 = tpu.memref_slice %arg4[%add3A_703, %dma_wait3A_781] : memref<16384x200xi32, #tpu.memory_space<hbm>> -> memref<64x200xi32, #tpu.memory_space<hbm>>
    %dma_wait3A_783 = arith.constant 0 : i32
    %dma_wait3A_784 = arith.constant 0 : i32
    %dma_wait3A_785 = tpu.memref_slice %arg9[%dma_wait3A_776, %dma_wait3A_783, %dma_wait3A_784] : memref<2x64x200xi32, #tpu.memory_space<vmem>> -> memref<1x64x200xi32, #tpu.memory_space<vmem>>
    %dma_wait3A_786 = tpu.memref_squeeze %dma_wait3A_785 : memref<1x64x200xi32, #tpu.memory_space<vmem>> -> memref<64x200xi32, #tpu.memory_space<vmem>>
    %dma_wait3A_787 = arith.constant 0 : i32
    %dma_wait3A_788 = tpu.memref_slice %arg4[%add3A_703, %dma_wait3A_787] : memref<16384x200xi32, #tpu.memory_space<hbm>> -> memref<64x200xi32, #tpu.memory_space<hbm>>
    tpu.wait_dma2 semaphore(%arg11 : memref<!tpu.dma_semaphore, #tpu.memory_space<semaphore_mem>>) src(%dma_wait3A_788 : memref<64x200xi32, #tpu.memory_space<hbm>>) dst(%dma_wait3A_786 : memref<64x200xi32, #tpu.memory_space<vmem>>)
    %dma_wait3A_789 = arith.constant 0 : i32
    %dma_wait3A_790 = arith.constant 0 : i32
    %dma_wait3A_791 = arith.constant 0 : i32
    %dma_wait3A_792 = tpu.memref_slice %arg10[%dma_wait3A_789, %dma_wait3A_790, %dma_wait3A_791] : memref<2x64x200xf32, #tpu.memory_space<vmem>> -> memref<1x64x200xf32, #tpu.memory_space<vmem>>
    %dma_wait3A_793 = tpu.memref_squeeze %dma_wait3A_792 : memref<1x64x200xf32, #tpu.memory_space<vmem>> -> memref<64x200xf32, #tpu.memory_space<vmem>>
    %dma_wait3A_794 = arith.constant 0 : i32
    %dma_wait3A_795 = tpu.memref_slice %arg5[%add3A_688, %dma_wait3A_794] : memref<16384x200xf32, #tpu.memory_space<hbm>> -> memref<64x200xf32, #tpu.memory_space<hbm>>
    %dma_wait3A_796 = arith.constant 0 : i32
    %dma_wait3A_797 = tpu.memref_slice %arg5[%add3A_688, %dma_wait3A_796] : memref<16384x200xf32, #tpu.memory_space<hbm>> -> memref<64x200xf32, #tpu.memory_space<hbm>>
    %dma_wait3A_798 = arith.constant 0 : i32
    %dma_wait3A_799 = arith.constant 0 : i32
    %dma_wait3A_800 = tpu.memref_slice %arg10[%dma_wait3A_789, %dma_wait3A_798, %dma_wait3A_799] : memref<2x64x200xf32, #tpu.memory_space<vmem>> -> memref<1x64x200xf32, #tpu.memory_space<vmem>>
    %dma_wait3A_801 = tpu.memref_squeeze %dma_wait3A_800 : memref<1x64x200xf32, #tpu.memory_space<vmem>> -> memref<64x200xf32, #tpu.memory_space<vmem>>
    tpu.wait_dma2 semaphore(%arg13 : memref<!tpu.dma_semaphore, #tpu.memory_space<semaphore_mem>>) src(%dma_wait3A_801 : memref<64x200xf32, #tpu.memory_space<vmem>>) dst(%dma_wait3A_797 : memref<64x200xf32, #tpu.memory_space<hbm>>)
    %parallel_loop3A_802 = arith.constant 0 : i32
    %parallel_loop3A_803 = arith.constant 64 : i32
    %parallel_loop3A_804 = arith.constant 1 : i32
    scf.for %parallel_loop3A_1008 = %parallel_loop3A_802 to %parallel_loop3A_803 step %parallel_loop3A_804  : i32 {
      %parallel_loop3A_1009 = arith.constant 0 : i32
      %parallel_loop3A_1010 = arith.index_cast %parallel_loop3A_1009 : i32 to index
      %parallel_loop3A_1011 = arith.index_cast %parallel_loop3A_1008 : i32 to index
      %parallel_loop3A_1012 = arith.constant 0 : index
      %parallel_loop3A_1013 = tpu.vector_load %arg9[%parallel_loop3A_1010, %parallel_loop3A_1011, %parallel_loop3A_1012] {strides = array<i32>} : memref<2x64x200xi32, #tpu.memory_space<vmem>>, vector<16xi32>,
      %parallel_loop3A_1014 = tpu.vector_load_idx %arg8[%parallel_loop3A_1013] : memref<128xf32, #tpu.memory_space<vmem>>[vector<16xi32>], vector<16xf32>,
      %parallel_loop3A_1015 = arith.constant 0 : i32
      %parallel_loop3A_1016 = arith.index_cast %parallel_loop3A_1015 : i32 to index
      %parallel_loop3A_1017 = arith.index_cast %parallel_loop3A_1008 : i32 to index
      %parallel_loop3A_1018 = arith.constant 0 : index
      %parallel_loop3A_1019 = tpu.vector_load %arg10[%parallel_loop3A_1016, %parallel_loop3A_1017, %parallel_loop3A_1018] {strides = array<i32>} : memref<2x64x200xf32, #tpu.memory_space<vmem>>, vector<16xf32>,
      tpu.vector_store %arg10[%parallel_loop3A_1016, %parallel_loop3A_1017, %parallel_loop3A_1018], %parallel_loop3A_1014 {strides = array<i32>} : memref<2x64x200xf32, #tpu.memory_space<vmem>>, vector<16xf32>,
      %parallel_loop3A_1020 = arith.constant 0 : i32
      %parallel_loop3A_1021 = arith.index_cast %parallel_loop3A_1020 : i32 to index
      %parallel_loop3A_1022 = arith.index_cast %parallel_loop3A_1008 : i32 to index
      %parallel_loop3A_1023 = arith.constant 16 : index
      %parallel_loop3A_1024 = tpu.vector_load %arg9[%parallel_loop3A_1021, %parallel_loop3A_1022, %parallel_loop3A_1023] {strides = array<i32>} : memref<2x64x200xi32, #tpu.memory_space<vmem>>, vector<16xi32>,
      %parallel_loop3A_1025 = tpu.vector_load_idx %arg8[%parallel_loop3A_1024] : memref<128xf32, #tpu.memory_space<vmem>>[vector<16xi32>], vector<16xf32>,
      %parallel_loop3A_1026 = arith.constant 0 : i32
      %parallel_loop3A_1027 = arith.index_cast %parallel_loop3A_1026 : i32 to index
      %parallel_loop3A_1028 = arith.index_cast %parallel_loop3A_1008 : i32 to index
      %parallel_loop3A_1029 = arith.constant 16 : index
      %parallel_loop3A_1030 = tpu.vector_load %arg10[%parallel_loop3A_1027, %parallel_loop3A_1028, %parallel_loop3A_1029] {strides = array<i32>} : memref<2x64x200xf32, #tpu.memory_space<vmem>>, vector<16xf32>,
      tpu.vector_store %arg10[%parallel_loop3A_1027, %parallel_loop3A_1028, %parallel_loop3A_1029], %parallel_loop3A_1025 {strides = array<i32>} : memref<2x64x200xf32, #tpu.memory_space<vmem>>, vector<16xf32>,
      %parallel_loop3A_1031 = arith.constant 0 : i32
      %parallel_loop3A_1032 = arith.index_cast %parallel_loop3A_1031 : i32 to index
      %parallel_loop3A_1033 = arith.index_cast %parallel_loop3A_1008 : i32 to index
      %parallel_loop3A_1034 = arith.constant 32 : index
      %parallel_loop3A_1035 = tpu.vector_load %arg9[%parallel_loop3A_1032, %parallel_loop3A_1033, %parallel_loop3A_1034] {strides = array<i32>} : memref<2x64x200xi32, #tpu.memory_space<vmem>>, vector<16xi32>,
      %parallel_loop3A_1036 = tpu.vector_load_idx %arg8[%parallel_loop3A_1035] : memref<128xf32, #tpu.memory_space<vmem>>[vector<16xi32>], vector<16xf32>,
      %parallel_loop3A_1037 = arith.constant 0 : i32
      %parallel_loop3A_1038 = arith.index_cast %parallel_loop3A_1037 : i32 to index
      %parallel_loop3A_1039 = arith.index_cast %parallel_loop3A_1008 : i32 to index
      %parallel_loop3A_1040 = arith.constant 32 : index
      %parallel_loop3A_1041 = tpu.vector_load %arg10[%parallel_loop3A_1038, %parallel_loop3A_1039, %parallel_loop3A_1040] {strides = array<i32>} : memref<2x64x200xf32, #tpu.memory_space<vmem>>, vector<16xf32>,
      tpu.vector_store %arg10[%parallel_loop3A_1038, %parallel_loop3A_1039, %parallel_loop3A_1040], %parallel_loop3A_1036 {strides = array<i32>} : memref<2x64x200xf32, #tpu.memory_space<vmem>>, vector<16xf32>,
      %parallel_loop3A_1042 = arith.constant 0 : i32
      %parallel_loop3A_1043 = arith.index_cast %parallel_loop3A_1042 : i32 to index
      %parallel_loop3A_1044 = arith.index_cast %parallel_loop3A_1008 : i32 to index
      %parallel_loop3A_1045 = arith.constant 48 : index
      %parallel_loop3A_1046 = tpu.vector_load %arg9[%parallel_loop3A_1043, %parallel_loop3A_1044, %parallel_loop3A_1045] {strides = array<i32>} : memref<2x64x200xi32, #tpu.memory_space<vmem>>, vector<16xi32>,
      %parallel_loop3A_1047 = tpu.vector_load_idx %arg8[%parallel_loop3A_1046] : memref<128xf32, #tpu.memory_space<vmem>>[vector<16xi32>], vector<16xf32>,
      %parallel_loop3A_1048 = arith.constant 0 : i32
      %parallel_loop3A_1049 = arith.index_cast %parallel_loop3A_1048 : i32 to index
      %parallel_loop3A_1050 = arith.index_cast %parallel_loop3A_1008 : i32 to index
      %parallel_loop3A_1051 = arith.constant 48 : index
      %parallel_loop3A_1052 = tpu.vector_load %arg10[%parallel_loop3A_1049, %parallel_loop3A_1050, %parallel_loop3A_1051] {strides = array<i32>} : memref<2x64x200xf32, #tpu.memory_space<vmem>>, vector<16xf32>,
      tpu.vector_store %arg10[%parallel_loop3A_1049, %parallel_loop3A_1050, %parallel_loop3A_1051], %parallel_loop3A_1047 {strides = array<i32>} : memref<2x64x200xf32, #tpu.memory_space<vmem>>, vector<16xf32>,
      %parallel_loop3A_1053 = arith.constant 0 : i32
      %parallel_loop3A_1054 = arith.index_cast %parallel_loop3A_1053 : i32 to index
      %parallel_loop3A_1055 = arith.index_cast %parallel_loop3A_1008 : i32 to index
      %parallel_loop3A_1056 = arith.constant 64 : index
      %parallel_loop3A_1057 = tpu.vector_load %arg9[%parallel_loop3A_1054, %parallel_loop3A_1055, %parallel_loop3A_1056] {strides = array<i32>} : memref<2x64x200xi32, #tpu.memory_space<vmem>>, vector<16xi32>,
      %parallel_loop3A_1058 = tpu.vector_load_idx %arg8[%parallel_loop3A_1057] : memref<128xf32, #tpu.memory_space<vmem>>[vector<16xi32>], vector<16xf32>,
      %parallel_loop3A_1059 = arith.constant 0 : i32
      %parallel_loop3A_1060 = arith.index_cast %parallel_loop3A_1059 : i32 to index
      %parallel_loop3A_1061 = arith.index_cast %parallel_loop3A_1008 : i32 to index
      %parallel_loop3A_1062 = arith.constant 64 : index
      %parallel_loop3A_1063 = tpu.vector_load %arg10[%parallel_loop3A_1060, %parallel_loop3A_1061, %parallel_loop3A_1062] {strides = array<i32>} : memref<2x64x200xf32, #tpu.memory_space<vmem>>, vector<16xf32>,
      tpu.vector_store %arg10[%parallel_loop3A_1060, %parallel_loop3A_1061, %parallel_loop3A_1062], %parallel_loop3A_1058 {strides = array<i32>} : memref<2x64x200xf32, #tpu.memory_space<vmem>>, vector<16xf32>,
      %parallel_loop3A_1064 = arith.constant 0 : i32
      %parallel_loop3A_1065 = arith.index_cast %parallel_loop3A_1064 : i32 to index
      %parallel_loop3A_1066 = arith.index_cast %parallel_loop3A_1008 : i32 to index
      %parallel_loop3A_1067 = arith.constant 80 : index
      %parallel_loop3A_1068 = tpu.vector_load %arg9[%parallel_loop3A_1065, %parallel_loop3A_1066, %parallel_loop3A_1067] {strides = array<i32>} : memref<2x64x200xi32, #tpu.memory_space<vmem>>, vector<16xi32>,
      %parallel_loop3A_1069 = tpu.vector_load_idx %arg8[%parallel_loop3A_1068] : memref<128xf32, #tpu.memory_space<vmem>>[vector<16xi32>], vector<16xf32>,
      %parallel_loop3A_1070 = arith.constant 0 : i32
      %parallel_loop3A_1071 = arith.index_cast %parallel_loop3A_1070 : i32 to index
      %parallel_loop3A_1072 = arith.index_cast %parallel_loop3A_1008 : i32 to index
      %parallel_loop3A_1073 = arith.constant 80 : index
      %parallel_loop3A_1074 = tpu.vector_load %arg10[%parallel_loop3A_1071, %parallel_loop3A_1072, %parallel_loop3A_1073] {strides = array<i32>} : memref<2x64x200xf32, #tpu.memory_space<vmem>>, vector<16xf32>,
      tpu.vector_store %arg10[%parallel_loop3A_1071, %parallel_loop3A_1072, %parallel_loop3A_1073], %parallel_loop3A_1069 {strides = array<i32>} : memref<2x64x200xf32, #tpu.memory_space<vmem>>, vector<16xf32>,
      %parallel_loop3A_1075 = arith.constant 0 : i32
      %parallel_loop3A_1076 = arith.index_cast %parallel_loop3A_1075 : i32 to index
      %parallel_loop3A_1077 = arith.index_cast %parallel_loop3A_1008 : i32 to index
      %parallel_loop3A_1078 = arith.constant 96 : index
      %parallel_loop3A_1079 = tpu.vector_load %arg9[%parallel_loop3A_1076, %parallel_loop3A_1077, %parallel_loop3A_1078] {strides = array<i32>} : memref<2x64x200xi32, #tpu.memory_space<vmem>>, vector<16xi32>,
      %parallel_loop3A_1080 = tpu.vector_load_idx %arg8[%parallel_loop3A_1079] : memref<128xf32, #tpu.memory_space<vmem>>[vector<16xi32>], vector<16xf32>,
      %parallel_loop3A_1081 = arith.constant 0 : i32
      %parallel_loop3A_1082 = arith.index_cast %parallel_loop3A_1081 : i32 to index
      %parallel_loop3A_1083 = arith.index_cast %parallel_loop3A_1008 : i32 to index
      %parallel_loop3A_1084 = arith.constant 96 : index
      %parallel_loop3A_1085 = tpu.vector_load %arg10[%parallel_loop3A_1082, %parallel_loop3A_1083, %parallel_loop3A_1084] {strides = array<i32>} : memref<2x64x200xf32, #tpu.memory_space<vmem>>, vector<16xf32>,
      tpu.vector_store %arg10[%parallel_loop3A_1082, %parallel_loop3A_1083, %parallel_loop3A_1084], %parallel_loop3A_1080 {strides = array<i32>} : memref<2x64x200xf32, #tpu.memory_space<vmem>>, vector<16xf32>,
      %parallel_loop3A_1086 = arith.constant 0 : i32
      %parallel_loop3A_1087 = arith.index_cast %parallel_loop3A_1086 : i32 to index
      %parallel_loop3A_1088 = arith.index_cast %parallel_loop3A_1008 : i32 to index
      %parallel_loop3A_1089 = arith.constant 112 : index
      %parallel_loop3A_1090 = tpu.vector_load %arg9[%parallel_loop3A_1087, %parallel_loop3A_1088, %parallel_loop3A_1089] {strides = array<i32>} : memref<2x64x200xi32, #tpu.memory_space<vmem>>, vector<16xi32>,
      %parallel_loop3A_1091 = tpu.vector_load_idx %arg8[%parallel_loop3A_1090] : memref<128xf32, #tpu.memory_space<vmem>>[vector<16xi32>], vector<16xf32>,
      %parallel_loop3A_1092 = arith.constant 0 : i32
      %parallel_loop3A_1093 = arith.index_cast %parallel_loop3A_1092 : i32 to index
      %parallel_loop3A_1094 = arith.index_cast %parallel_loop3A_1008 : i32 to index
      %parallel_loop3A_1095 = arith.constant 112 : index
      %parallel_loop3A_1096 = tpu.vector_load %arg10[%parallel_loop3A_1093, %parallel_loop3A_1094, %parallel_loop3A_1095] {strides = array<i32>} : memref<2x64x200xf32, #tpu.memory_space<vmem>>, vector<16xf32>,
      tpu.vector_store %arg10[%parallel_loop3A_1093, %parallel_loop3A_1094, %parallel_loop3A_1095], %parallel_loop3A_1091 {strides = array<i32>} : memref<2x64x200xf32, #tpu.memory_space<vmem>>, vector<16xf32>,
      %parallel_loop3A_1097 = arith.constant 0 : i32
      %parallel_loop3A_1098 = arith.index_cast %parallel_loop3A_1097 : i32 to index
      %parallel_loop3A_1099 = arith.index_cast %parallel_loop3A_1008 : i32 to index
      %parallel_loop3A_1100 = arith.constant 128 : index
      %parallel_loop3A_1101 = tpu.vector_load %arg9[%parallel_loop3A_1098, %parallel_loop3A_1099, %parallel_loop3A_1100] {strides = array<i32>} : memref<2x64x200xi32, #tpu.memory_space<vmem>>, vector<16xi32>,
      %parallel_loop3A_1102 = tpu.vector_load_idx %arg8[%parallel_loop3A_1101] : memref<128xf32, #tpu.memory_space<vmem>>[vector<16xi32>], vector<16xf32>,
      %parallel_loop3A_1103 = arith.constant 0 : i32
      %parallel_loop3A_1104 = arith.index_cast %parallel_loop3A_1103 : i32 to index
      %parallel_loop3A_1105 = arith.index_cast %parallel_loop3A_1008 : i32 to index
      %parallel_loop3A_1106 = arith.constant 128 : index
      %parallel_loop3A_1107 = tpu.vector_load %arg10[%parallel_loop3A_1104, %parallel_loop3A_1105, %parallel_loop3A_1106] {strides = array<i32>} : memref<2x64x200xf32, #tpu.memory_space<vmem>>, vector<16xf32>,
      tpu.vector_store %arg10[%parallel_loop3A_1104, %parallel_loop3A_1105, %parallel_loop3A_1106], %parallel_loop3A_1102 {strides = array<i32>} : memref<2x64x200xf32, #tpu.memory_space<vmem>>, vector<16xf32>,
      %parallel_loop3A_1108 = arith.constant 0 : i32
      %parallel_loop3A_1109 = arith.index_cast %parallel_loop3A_1108 : i32 to index
      %parallel_loop3A_1110 = arith.index_cast %parallel_loop3A_1008 : i32 to index
      %parallel_loop3A_1111 = arith.constant 144 : index
      %parallel_loop3A_1112 = tpu.vector_load %arg9[%parallel_loop3A_1109, %parallel_loop3A_1110, %parallel_loop3A_1111] {strides = array<i32>} : memref<2x64x200xi32, #tpu.memory_space<vmem>>, vector<16xi32>,
      %parallel_loop3A_1113 = tpu.vector_load_idx %arg8[%parallel_loop3A_1112] : memref<128xf32, #tpu.memory_space<vmem>>[vector<16xi32>], vector<16xf32>,
      %parallel_loop3A_1114 = arith.constant 0 : i32
      %parallel_loop3A_1115 = arith.index_cast %parallel_loop3A_1114 : i32 to index
      %parallel_loop3A_1116 = arith.index_cast %parallel_loop3A_1008 : i32 to index
      %parallel_loop3A_1117 = arith.constant 144 : index
      %parallel_loop3A_1118 = tpu.vector_load %arg10[%parallel_loop3A_1115, %parallel_loop3A_1116, %parallel_loop3A_1117] {strides = array<i32>} : memref<2x64x200xf32, #tpu.memory_space<vmem>>, vector<16xf32>,
      tpu.vector_store %arg10[%parallel_loop3A_1115, %parallel_loop3A_1116, %parallel_loop3A_1117], %parallel_loop3A_1113 {strides = array<i32>} : memref<2x64x200xf32, #tpu.memory_space<vmem>>, vector<16xf32>,
      %parallel_loop3A_1119 = arith.constant 0 : i32
      %parallel_loop3A_1120 = arith.index_cast %parallel_loop3A_1119 : i32 to index
      %parallel_loop3A_1121 = arith.index_cast %parallel_loop3A_1008 : i32 to index
      %parallel_loop3A_1122 = arith.constant 160 : index
      %parallel_loop3A_1123 = tpu.vector_load %arg9[%parallel_loop3A_1120, %parallel_loop3A_1121, %parallel_loop3A_1122] {strides = array<i32>} : memref<2x64x200xi32, #tpu.memory_space<vmem>>, vector<16xi32>,
      %parallel_loop3A_1124 = tpu.vector_load_idx %arg8[%parallel_loop3A_1123] : memref<128xf32, #tpu.memory_space<vmem>>[vector<16xi32>], vector<16xf32>,
      %parallel_loop3A_1125 = arith.constant 0 : i32
      %parallel_loop3A_1126 = arith.index_cast %parallel_loop3A_1125 : i32 to index
      %parallel_loop3A_1127 = arith.index_cast %parallel_loop3A_1008 : i32 to index
      %parallel_loop3A_1128 = arith.constant 160 : index
      %parallel_loop3A_1129 = tpu.vector_load %arg10[%parallel_loop3A_1126, %parallel_loop3A_1127, %parallel_loop3A_1128] {strides = array<i32>} : memref<2x64x200xf32, #tpu.memory_space<vmem>>, vector<16xf32>,
      tpu.vector_store %arg10[%parallel_loop3A_1126, %parallel_loop3A_1127, %parallel_loop3A_1128], %parallel_loop3A_1124 {strides = array<i32>} : memref<2x64x200xf32, #tpu.memory_space<vmem>>, vector<16xf32>,
      %parallel_loop3A_1130 = arith.constant 0 : i32
      %parallel_loop3A_1131 = arith.index_cast %parallel_loop3A_1130 : i32 to index
      %parallel_loop3A_1132 = arith.index_cast %parallel_loop3A_1008 : i32 to index
      %parallel_loop3A_1133 = arith.constant 176 : index
      %parallel_loop3A_1134 = tpu.vector_load %arg9[%parallel_loop3A_1131, %parallel_loop3A_1132, %parallel_loop3A_1133] {strides = array<i32>} : memref<2x64x200xi32, #tpu.memory_space<vmem>>, vector<16xi32>,
      %parallel_loop3A_1135 = tpu.vector_load_idx %arg8[%parallel_loop3A_1134] : memref<128xf32, #tpu.memory_space<vmem>>[vector<16xi32>], vector<16xf32>,
      %parallel_loop3A_1136 = arith.constant 0 : i32
      %parallel_loop3A_1137 = arith.index_cast %parallel_loop3A_1136 : i32 to index
      %parallel_loop3A_1138 = arith.index_cast %parallel_loop3A_1008 : i32 to index
      %parallel_loop3A_1139 = arith.constant 176 : index
      %parallel_loop3A_1140 = tpu.vector_load %arg10[%parallel_loop3A_1137, %parallel_loop3A_1138, %parallel_loop3A_1139] {strides = array<i32>} : memref<2x64x200xf32, #tpu.memory_space<vmem>>, vector<16xf32>,
      tpu.vector_store %arg10[%parallel_loop3A_1137, %parallel_loop3A_1138, %parallel_loop3A_1139], %parallel_loop3A_1135 {strides = array<i32>} : memref<2x64x200xf32, #tpu.memory_space<vmem>>, vector<16xf32>,
      %parallel_loop3A_1141 = arith.constant 0 : i32
      %parallel_loop3A_1142 = arith.index_cast %parallel_loop3A_1141 : i32 to index
      %parallel_loop3A_1143 = arith.index_cast %parallel_loop3A_1008 : i32 to index
      %parallel_loop3A_1144 = arith.constant 184 : index
      %parallel_loop3A_1145 = tpu.vector_load %arg9[%parallel_loop3A_1142, %parallel_loop3A_1143, %parallel_loop3A_1144] {strides = array<i32>} : memref<2x64x200xi32, #tpu.memory_space<vmem>>, vector<16xi32>,
      %parallel_loop3A_1146 = tpu.vector_load_idx %arg8[%parallel_loop3A_1145] : memref<128xf32, #tpu.memory_space<vmem>>[vector<16xi32>], vector<16xf32>,
      %parallel_loop3A_1147 = arith.constant 0 : i32
      %parallel_loop3A_1148 = arith.index_cast %parallel_loop3A_1147 : i32 to index
      %parallel_loop3A_1149 = arith.index_cast %parallel_loop3A_1008 : i32 to index
      %parallel_loop3A_1150 = arith.constant 184 : index
      %parallel_loop3A_1151 = tpu.vector_load %arg10[%parallel_loop3A_1148, %parallel_loop3A_1149, %parallel_loop3A_1150] {strides = array<i32>} : memref<2x64x200xf32, #tpu.memory_space<vmem>>, vector<16xf32>,
      tpu.vector_store %arg10[%parallel_loop3A_1148, %parallel_loop3A_1149, %parallel_loop3A_1150], %parallel_loop3A_1146 {strides = array<i32>} : memref<2x64x200xf32, #tpu.memory_space<vmem>>, vector<16xf32>,
    } {sc.loop_unroll_factor = 2 : i64, sc.parallel_access}
    %add3A_805 = arith.constant 256 : i32
    %add3A_806 = arith.addi %mul3A_2, %add3A_805 : i32
    %dma_start3A_807 = arith.constant 0 : i32
    %dma_start3A_808 = arith.constant 0 : i32
    %dma_start3A_809 = arith.constant 0 : i32
    %dma_start3A_810 = tpu.memref_slice %arg10[%dma_start3A_807, %dma_start3A_808, %dma_start3A_809] : memref<2x64x200xf32, #tpu.memory_space<vmem>> -> memref<1x64x200xf32, #tpu.memory_space<vmem>>
    %dma_start3A_811 = tpu.memref_squeeze %dma_start3A_810 : memref<1x64x200xf32, #tpu.memory_space<vmem>> -> memref<64x200xf32, #tpu.memory_space<vmem>>
    %dma_start3A_812 = arith.constant 0 : i32
    %dma_start3A_813 = tpu.memref_slice %arg5[%add3A_806, %dma_start3A_812] : memref<16384x200xf32, #tpu.memory_space<hbm>> -> memref<64x200xf32, #tpu.memory_space<hbm>>
    %dma_start3A_814 = arith.constant 0 : i32
    %dma_start3A_815 = tpu.memref_slice %arg5[%add3A_806, %dma_start3A_814] : memref<16384x200xf32, #tpu.memory_space<hbm>> -> memref<64x200xf32, #tpu.memory_space<hbm>>
    %dma_start3A_816 = arith.constant 0 : i32
    %dma_start3A_817 = arith.constant 0 : i32
    %dma_start3A_818 = tpu.memref_slice %arg10[%dma_start3A_807, %dma_start3A_816, %dma_start3A_817] : memref<2x64x200xf32, #tpu.memory_space<vmem>> -> memref<1x64x200xf32, #tpu.memory_space<vmem>>
    %dma_start3A_819 = tpu.memref_squeeze %dma_start3A_818 : memref<1x64x200xf32, #tpu.memory_space<vmem>> -> memref<64x200xf32, #tpu.memory_space<vmem>>
    tpu.enqueue_dma source(%dma_start3A_819 : memref<64x200xf32, #tpu.memory_space<vmem>>) target(%dma_start3A_815 : memref<64x200xf32, #tpu.memory_space<hbm>>) target_semaphore(%arg13 : memref<!tpu.dma_semaphore, #tpu.memory_space<semaphore_mem>>)
    %add3A_820 = arith.constant 384 : i32
    %add3A_821 = arith.addi %mul3A_2, %add3A_820 : i32
    %dma_start3A_822 = arith.constant 0 : i32
    %dma_start3A_823 = arith.constant 0 : i32
    %dma_start3A_824 = arith.constant 0 : i32
    %dma_start3A_825 = tpu.memref_slice %arg9[%dma_start3A_822, %dma_start3A_823, %dma_start3A_824] : memref<2x64x200xi32, #tpu.memory_space<vmem>> -> memref<1x64x200xi32, #tpu.memory_space<vmem>>
    %dma_start3A_826 = tpu.memref_squeeze %dma_start3A_825 : memref<1x64x200xi32, #tpu.memory_space<vmem>> -> memref<64x200xi32, #tpu.memory_space<vmem>>
    %dma_start3A_827 = arith.constant 0 : i32
    %dma_start3A_828 = tpu.memref_slice %arg4[%add3A_821, %dma_start3A_827] : memref<16384x200xi32, #tpu.memory_space<hbm>> -> memref<64x200xi32, #tpu.memory_space<hbm>>
    %dma_start3A_829 = arith.constant 0 : i32
    %dma_start3A_830 = arith.constant 0 : i32
    %dma_start3A_831 = tpu.memref_slice %arg9[%dma_start3A_822, %dma_start3A_829, %dma_start3A_830] : memref<2x64x200xi32, #tpu.memory_space<vmem>> -> memref<1x64x200xi32, #tpu.memory_space<vmem>>
    %dma_start3A_832 = tpu.memref_squeeze %dma_start3A_831 : memref<1x64x200xi32, #tpu.memory_space<vmem>> -> memref<64x200xi32, #tpu.memory_space<vmem>>
    %dma_start3A_833 = arith.constant 0 : i32
    %dma_start3A_834 = tpu.memref_slice %arg4[%add3A_821, %dma_start3A_833] : memref<16384x200xi32, #tpu.memory_space<hbm>> -> memref<64x200xi32, #tpu.memory_space<hbm>>
    tpu.enqueue_dma source(%dma_start3A_834 : memref<64x200xi32, #tpu.memory_space<hbm>>) target(%dma_start3A_832 : memref<64x200xi32, #tpu.memory_space<vmem>>) target_semaphore(%arg11 : memref<!tpu.dma_semaphore, #tpu.memory_space<semaphore_mem>>)
    %dma_wait3A_835 = arith.constant 1 : i32
    %dma_wait3A_836 = arith.constant 0 : i32
    %dma_wait3A_837 = arith.constant 0 : i32
    %dma_wait3A_838 = tpu.memref_slice %arg9[%dma_wait3A_835, %dma_wait3A_836, %dma_wait3A_837] : memref<2x64x200xi32, #tpu.memory_space<vmem>> -> memref<1x64x200xi32, #tpu.memory_space<vmem>>
    %dma_wait3A_839 = tpu.memref_squeeze %dma_wait3A_838 : memref<1x64x200xi32, #tpu.memory_space<vmem>> -> memref<64x200xi32, #tpu.memory_space<vmem>>
    %dma_wait3A_840 = arith.constant 0 : i32
    %dma_wait3A_841 = tpu.memref_slice %arg4[%add3A_762, %dma_wait3A_840] : memref<16384x200xi32, #tpu.memory_space<hbm>> -> memref<64x200xi32, #tpu.memory_space<hbm>>
    %dma_wait3A_842 = arith.constant 0 : i32
    %dma_wait3A_843 = arith.constant 0 : i32
    %dma_wait3A_844 = tpu.memref_slice %arg9[%dma_wait3A_835, %dma_wait3A_842, %dma_wait3A_843] : memref<2x64x200xi32, #tpu.memory_space<vmem>> -> memref<1x64x200xi32, #tpu.memory_space<vmem>>
    %dma_wait3A_845 = tpu.memref_squeeze %dma_wait3A_844 : memref<1x64x200xi32, #tpu.memory_space<vmem>> -> memref<64x200xi32, #tpu.memory_space<vmem>>
    %dma_wait3A_846 = arith.constant 0 : i32
    %dma_wait3A_847 = tpu.memref_slice %arg4[%add3A_762, %dma_wait3A_846] : memref<16384x200xi32, #tpu.memory_space<hbm>> -> memref<64x200xi32, #tpu.memory_space<hbm>>
    tpu.wait_dma2 semaphore(%arg12 : memref<!tpu.dma_semaphore, #tpu.memory_space<semaphore_mem>>) src(%dma_wait3A_847 : memref<64x200xi32, #tpu.memory_space<hbm>>) dst(%dma_wait3A_845 : memref<64x200xi32, #tpu.memory_space<vmem>>)
    %dma_wait3A_848 = arith.constant 1 : i32
    %dma_wait3A_849 = arith.constant 0 : i32
    %dma_wait3A_850 = arith.constant 0 : i32
    %dma_wait3A_851 = tpu.memref_slice %arg10[%dma_wait3A_848, %dma_wait3A_849, %dma_wait3A_850] : memref<2x64x200xf32, #tpu.memory_space<vmem>> -> memref<1x64x200xf32, #tpu.memory_space<vmem>>
    %dma_wait3A_852 = tpu.memref_squeeze %dma_wait3A_851 : memref<1x64x200xf32, #tpu.memory_space<vmem>> -> memref<64x200xf32, #tpu.memory_space<vmem>>
    %dma_wait3A_853 = arith.constant 0 : i32
    %dma_wait3A_854 = tpu.memref_slice %arg5[%add3A_747, %dma_wait3A_853] : memref<16384x200xf32, #tpu.memory_space<hbm>> -> memref<64x200xf32, #tpu.memory_space<hbm>>
    %dma_wait3A_855 = arith.constant 0 : i32
    %dma_wait3A_856 = tpu.memref_slice %arg5[%add3A_747, %dma_wait3A_855] : memref<16384x200xf32, #tpu.memory_space<hbm>> -> memref<64x200xf32, #tpu.memory_space<hbm>>
    %dma_wait3A_857 = arith.constant 0 : i32
    %dma_wait3A_858 = arith.constant 0 : i32
    %dma_wait3A_859 = tpu.memref_slice %arg10[%dma_wait3A_848, %dma_wait3A_857, %dma_wait3A_858] : memref<2x64x200xf32, #tpu.memory_space<vmem>> -> memref<1x64x200xf32, #tpu.memory_space<vmem>>
    %dma_wait3A_860 = tpu.memref_squeeze %dma_wait3A_859 : memref<1x64x200xf32, #tpu.memory_space<vmem>> -> memref<64x200xf32, #tpu.memory_space<vmem>>
    tpu.wait_dma2 semaphore(%arg14 : memref<!tpu.dma_semaphore, #tpu.memory_space<semaphore_mem>>) src(%dma_wait3A_860 : memref<64x200xf32, #tpu.memory_space<vmem>>) dst(%dma_wait3A_856 : memref<64x200xf32, #tpu.memory_space<hbm>>)
    %parallel_loop3A_861 = arith.constant 0 : i32
    %parallel_loop3A_862 = arith.constant 64 : i32
    %parallel_loop3A_863 = arith.constant 1 : i32
    scf.for %parallel_loop3A_1008 = %parallel_loop3A_861 to %parallel_loop3A_862 step %parallel_loop3A_863  : i32 {
      %parallel_loop3A_1009 = arith.constant 1 : i32
      %parallel_loop3A_1010 = arith.index_cast %parallel_loop3A_1009 : i32 to index
      %parallel_loop3A_1011 = arith.index_cast %parallel_loop3A_1008 : i32 to index
      %parallel_loop3A_1012 = arith.constant 0 : index
      %parallel_loop3A_1013 = tpu.vector_load %arg9[%parallel_loop3A_1010, %parallel_loop3A_1011, %parallel_loop3A_1012] {strides = array<i32>} : memref<2x64x200xi32, #tpu.memory_space<vmem>>, vector<16xi32>,
      %parallel_loop3A_1014 = tpu.vector_load_idx %arg8[%parallel_loop3A_1013] : memref<128xf32, #tpu.memory_space<vmem>>[vector<16xi32>], vector<16xf32>,
      %parallel_loop3A_1015 = arith.constant 1 : i32
      %parallel_loop3A_1016 = arith.index_cast %parallel_loop3A_1015 : i32 to index
      %parallel_loop3A_1017 = arith.index_cast %parallel_loop3A_1008 : i32 to index
      %parallel_loop3A_1018 = arith.constant 0 : index
      %parallel_loop3A_1019 = tpu.vector_load %arg10[%parallel_loop3A_1016, %parallel_loop3A_1017, %parallel_loop3A_1018] {strides = array<i32>} : memref<2x64x200xf32, #tpu.memory_space<vmem>>, vector<16xf32>,
      tpu.vector_store %arg10[%parallel_loop3A_1016, %parallel_loop3A_1017, %parallel_loop3A_1018], %parallel_loop3A_1014 {strides = array<i32>} : memref<2x64x200xf32, #tpu.memory_space<vmem>>, vector<16xf32>,
      %parallel_loop3A_1020 = arith.constant 1 : i32
      %parallel_loop3A_1021 = arith.index_cast %parallel_loop3A_1020 : i32 to index
      %parallel_loop3A_1022 = arith.index_cast %parallel_loop3A_1008 : i32 to index
      %parallel_loop3A_1023 = arith.constant 16 : index
      %parallel_loop3A_1024 = tpu.vector_load %arg9[%parallel_loop3A_1021, %parallel_loop3A_1022, %parallel_loop3A_1023] {strides = array<i32>} : memref<2x64x200xi32, #tpu.memory_space<vmem>>, vector<16xi32>,
      %parallel_loop3A_1025 = tpu.vector_load_idx %arg8[%parallel_loop3A_1024] : memref<128xf32, #tpu.memory_space<vmem>>[vector<16xi32>], vector<16xf32>,
      %parallel_loop3A_1026 = arith.constant 1 : i32
      %parallel_loop3A_1027 = arith.index_cast %parallel_loop3A_1026 : i32 to index
      %parallel_loop3A_1028 = arith.index_cast %parallel_loop3A_1008 : i32 to index
      %parallel_loop3A_1029 = arith.constant 16 : index
      %parallel_loop3A_1030 = tpu.vector_load %arg10[%parallel_loop3A_1027, %parallel_loop3A_1028, %parallel_loop3A_1029] {strides = array<i32>} : memref<2x64x200xf32, #tpu.memory_space<vmem>>, vector<16xf32>,
      tpu.vector_store %arg10[%parallel_loop3A_1027, %parallel_loop3A_1028, %parallel_loop3A_1029], %parallel_loop3A_1025 {strides = array<i32>} : memref<2x64x200xf32, #tpu.memory_space<vmem>>, vector<16xf32>,
      %parallel_loop3A_1031 = arith.constant 1 : i32
      %parallel_loop3A_1032 = arith.index_cast %parallel_loop3A_1031 : i32 to index
      %parallel_loop3A_1033 = arith.index_cast %parallel_loop3A_1008 : i32 to index
      %parallel_loop3A_1034 = arith.constant 32 : index
      %parallel_loop3A_1035 = tpu.vector_load %arg9[%parallel_loop3A_1032, %parallel_loop3A_1033, %parallel_loop3A_1034] {strides = array<i32>} : memref<2x64x200xi32, #tpu.memory_space<vmem>>, vector<16xi32>,
      %parallel_loop3A_1036 = tpu.vector_load_idx %arg8[%parallel_loop3A_1035] : memref<128xf32, #tpu.memory_space<vmem>>[vector<16xi32>], vector<16xf32>,
      %parallel_loop3A_1037 = arith.constant 1 : i32
      %parallel_loop3A_1038 = arith.index_cast %parallel_loop3A_1037 : i32 to index
      %parallel_loop3A_1039 = arith.index_cast %parallel_loop3A_1008 : i32 to index
      %parallel_loop3A_1040 = arith.constant 32 : index
      %parallel_loop3A_1041 = tpu.vector_load %arg10[%parallel_loop3A_1038, %parallel_loop3A_1039, %parallel_loop3A_1040] {strides = array<i32>} : memref<2x64x200xf32, #tpu.memory_space<vmem>>, vector<16xf32>,
      tpu.vector_store %arg10[%parallel_loop3A_1038, %parallel_loop3A_1039, %parallel_loop3A_1040], %parallel_loop3A_1036 {strides = array<i32>} : memref<2x64x200xf32, #tpu.memory_space<vmem>>, vector<16xf32>,
      %parallel_loop3A_1042 = arith.constant 1 : i32
      %parallel_loop3A_1043 = arith.index_cast %parallel_loop3A_1042 : i32 to index
      %parallel_loop3A_1044 = arith.index_cast %parallel_loop3A_1008 : i32 to index
      %parallel_loop3A_1045 = arith.constant 48 : index
      %parallel_loop3A_1046 = tpu.vector_load %arg9[%parallel_loop3A_1043, %parallel_loop3A_1044, %parallel_loop3A_1045] {strides = array<i32>} : memref<2x64x200xi32, #tpu.memory_space<vmem>>, vector<16xi32>,
      %parallel_loop3A_1047 = tpu.vector_load_idx %arg8[%parallel_loop3A_1046] : memref<128xf32, #tpu.memory_space<vmem>>[vector<16xi32>], vector<16xf32>,
      %parallel_loop3A_1048 = arith.constant 1 : i32
      %parallel_loop3A_1049 = arith.index_cast %parallel_loop3A_1048 : i32 to index
      %parallel_loop3A_1050 = arith.index_cast %parallel_loop3A_1008 : i32 to index
      %parallel_loop3A_1051 = arith.constant 48 : index
      %parallel_loop3A_1052 = tpu.vector_load %arg10[%parallel_loop3A_1049, %parallel_loop3A_1050, %parallel_loop3A_1051] {strides = array<i32>} : memref<2x64x200xf32, #tpu.memory_space<vmem>>, vector<16xf32>,
      tpu.vector_store %arg10[%parallel_loop3A_1049, %parallel_loop3A_1050, %parallel_loop3A_1051], %parallel_loop3A_1047 {strides = array<i32>} : memref<2x64x200xf32, #tpu.memory_space<vmem>>, vector<16xf32>,
      %parallel_loop3A_1053 = arith.constant 1 : i32
      %parallel_loop3A_1054 = arith.index_cast %parallel_loop3A_1053 : i32 to index
      %parallel_loop3A_1055 = arith.index_cast %parallel_loop3A_1008 : i32 to index
      %parallel_loop3A_1056 = arith.constant 64 : index
      %parallel_loop3A_1057 = tpu.vector_load %arg9[%parallel_loop3A_1054, %parallel_loop3A_1055, %parallel_loop3A_1056] {strides = array<i32>} : memref<2x64x200xi32, #tpu.memory_space<vmem>>, vector<16xi32>,
      %parallel_loop3A_1058 = tpu.vector_load_idx %arg8[%parallel_loop3A_1057] : memref<128xf32, #tpu.memory_space<vmem>>[vector<16xi32>], vector<16xf32>,
      %parallel_loop3A_1059 = arith.constant 1 : i32
      %parallel_loop3A_1060 = arith.index_cast %parallel_loop3A_1059 : i32 to index
      %parallel_loop3A_1061 = arith.index_cast %parallel_loop3A_1008 : i32 to index
      %parallel_loop3A_1062 = arith.constant 64 : index
      %parallel_loop3A_1063 = tpu.vector_load %arg10[%parallel_loop3A_1060, %parallel_loop3A_1061, %parallel_loop3A_1062] {strides = array<i32>} : memref<2x64x200xf32, #tpu.memory_space<vmem>>, vector<16xf32>,
      tpu.vector_store %arg10[%parallel_loop3A_1060, %parallel_loop3A_1061, %parallel_loop3A_1062], %parallel_loop3A_1058 {strides = array<i32>} : memref<2x64x200xf32, #tpu.memory_space<vmem>>, vector<16xf32>,
      %parallel_loop3A_1064 = arith.constant 1 : i32
      %parallel_loop3A_1065 = arith.index_cast %parallel_loop3A_1064 : i32 to index
      %parallel_loop3A_1066 = arith.index_cast %parallel_loop3A_1008 : i32 to index
      %parallel_loop3A_1067 = arith.constant 80 : index
      %parallel_loop3A_1068 = tpu.vector_load %arg9[%parallel_loop3A_1065, %parallel_loop3A_1066, %parallel_loop3A_1067] {strides = array<i32>} : memref<2x64x200xi32, #tpu.memory_space<vmem>>, vector<16xi32>,
      %parallel_loop3A_1069 = tpu.vector_load_idx %arg8[%parallel_loop3A_1068] : memref<128xf32, #tpu.memory_space<vmem>>[vector<16xi32>], vector<16xf32>,
      %parallel_loop3A_1070 = arith.constant 1 : i32
      %parallel_loop3A_1071 = arith.index_cast %parallel_loop3A_1070 : i32 to index
      %parallel_loop3A_1072 = arith.index_cast %parallel_loop3A_1008 : i32 to index
      %parallel_loop3A_1073 = arith.constant 80 : index
      %parallel_loop3A_1074 = tpu.vector_load %arg10[%parallel_loop3A_1071, %parallel_loop3A_1072, %parallel_loop3A_1073] {strides = array<i32>} : memref<2x64x200xf32, #tpu.memory_space<vmem>>, vector<16xf32>,
      tpu.vector_store %arg10[%parallel_loop3A_1071, %parallel_loop3A_1072, %parallel_loop3A_1073], %parallel_loop3A_1069 {strides = array<i32>} : memref<2x64x200xf32, #tpu.memory_space<vmem>>, vector<16xf32>,
      %parallel_loop3A_1075 = arith.constant 1 : i32
      %parallel_loop3A_1076 = arith.index_cast %parallel_loop3A_1075 : i32 to index
      %parallel_loop3A_1077 = arith.index_cast %parallel_loop3A_1008 : i32 to index
      %parallel_loop3A_1078 = arith.constant 96 : index
      %parallel_loop3A_1079 = tpu.vector_load %arg9[%parallel_loop3A_1076, %parallel_loop3A_1077, %parallel_loop3A_1078] {strides = array<i32>} : memref<2x64x200xi32, #tpu.memory_space<vmem>>, vector<16xi32>,
      %parallel_loop3A_1080 = tpu.vector_load_idx %arg8[%parallel_loop3A_1079] : memref<128xf32, #tpu.memory_space<vmem>>[vector<16xi32>], vector<16xf32>,
      %parallel_loop3A_1081 = arith.constant 1 : i32
      %parallel_loop3A_1082 = arith.index_cast %parallel_loop3A_1081 : i32 to index
      %parallel_loop3A_1083 = arith.index_cast %parallel_loop3A_1008 : i32 to index
      %parallel_loop3A_1084 = arith.constant 96 : index
      %parallel_loop3A_1085 = tpu.vector_load %arg10[%parallel_loop3A_1082, %parallel_loop3A_1083, %parallel_loop3A_1084] {strides = array<i32>} : memref<2x64x200xf32, #tpu.memory_space<vmem>>, vector<16xf32>,
      tpu.vector_store %arg10[%parallel_loop3A_1082, %parallel_loop3A_1083, %parallel_loop3A_1084], %parallel_loop3A_1080 {strides = array<i32>} : memref<2x64x200xf32, #tpu.memory_space<vmem>>, vector<16xf32>,
      %parallel_loop3A_1086 = arith.constant 1 : i32
      %parallel_loop3A_1087 = arith.index_cast %parallel_loop3A_1086 : i32 to index
      %parallel_loop3A_1088 = arith.index_cast %parallel_loop3A_1008 : i32 to index
      %parallel_loop3A_1089 = arith.constant 112 : index
      %parallel_loop3A_1090 = tpu.vector_load %arg9[%parallel_loop3A_1087, %parallel_loop3A_1088, %parallel_loop3A_1089] {strides = array<i32>} : memref<2x64x200xi32, #tpu.memory_space<vmem>>, vector<16xi32>,
      %parallel_loop3A_1091 = tpu.vector_load_idx %arg8[%parallel_loop3A_1090] : memref<128xf32, #tpu.memory_space<vmem>>[vector<16xi32>], vector<16xf32>,
      %parallel_loop3A_1092 = arith.constant 1 : i32
      %parallel_loop3A_1093 = arith.index_cast %parallel_loop3A_1092 : i32 to index
      %parallel_loop3A_1094 = arith.index_cast %parallel_loop3A_1008 : i32 to index
      %parallel_loop3A_1095 = arith.constant 112 : index
      %parallel_loop3A_1096 = tpu.vector_load %arg10[%parallel_loop3A_1093, %parallel_loop3A_1094, %parallel_loop3A_1095] {strides = array<i32>} : memref<2x64x200xf32, #tpu.memory_space<vmem>>, vector<16xf32>,
      tpu.vector_store %arg10[%parallel_loop3A_1093, %parallel_loop3A_1094, %parallel_loop3A_1095], %parallel_loop3A_1091 {strides = array<i32>} : memref<2x64x200xf32, #tpu.memory_space<vmem>>, vector<16xf32>,
      %parallel_loop3A_1097 = arith.constant 1 : i32
      %parallel_loop3A_1098 = arith.index_cast %parallel_loop3A_1097 : i32 to index
      %parallel_loop3A_1099 = arith.index_cast %parallel_loop3A_1008 : i32 to index
      %parallel_loop3A_1100 = arith.constant 128 : index
      %parallel_loop3A_1101 = tpu.vector_load %arg9[%parallel_loop3A_1098, %parallel_loop3A_1099, %parallel_loop3A_1100] {strides = array<i32>} : memref<2x64x200xi32, #tpu.memory_space<vmem>>, vector<16xi32>,
      %parallel_loop3A_1102 = tpu.vector_load_idx %arg8[%parallel_loop3A_1101] : memref<128xf32, #tpu.memory_space<vmem>>[vector<16xi32>], vector<16xf32>,
      %parallel_loop3A_1103 = arith.constant 1 : i32
      %parallel_loop3A_1104 = arith.index_cast %parallel_loop3A_1103 : i32 to index
      %parallel_loop3A_1105 = arith.index_cast %parallel_loop3A_1008 : i32 to index
      %parallel_loop3A_1106 = arith.constant 128 : index
      %parallel_loop3A_1107 = tpu.vector_load %arg10[%parallel_loop3A_1104, %parallel_loop3A_1105, %parallel_loop3A_1106] {strides = array<i32>} : memref<2x64x200xf32, #tpu.memory_space<vmem>>, vector<16xf32>,
      tpu.vector_store %arg10[%parallel_loop3A_1104, %parallel_loop3A_1105, %parallel_loop3A_1106], %parallel_loop3A_1102 {strides = array<i32>} : memref<2x64x200xf32, #tpu.memory_space<vmem>>, vector<16xf32>,
      %parallel_loop3A_1108 = arith.constant 1 : i32
      %parallel_loop3A_1109 = arith.index_cast %parallel_loop3A_1108 : i32 to index
      %parallel_loop3A_1110 = arith.index_cast %parallel_loop3A_1008 : i32 to index
      %parallel_loop3A_1111 = arith.constant 144 : index
      %parallel_loop3A_1112 = tpu.vector_load %arg9[%parallel_loop3A_1109, %parallel_loop3A_1110, %parallel_loop3A_1111] {strides = array<i32>} : memref<2x64x200xi32, #tpu.memory_space<vmem>>, vector<16xi32>,
      %parallel_loop3A_1113 = tpu.vector_load_idx %arg8[%parallel_loop3A_1112] : memref<128xf32, #tpu.memory_space<vmem>>[vector<16xi32>], vector<16xf32>,
      %parallel_loop3A_1114 = arith.constant 1 : i32
      %parallel_loop3A_1115 = arith.index_cast %parallel_loop3A_1114 : i32 to index
      %parallel_loop3A_1116 = arith.index_cast %parallel_loop3A_1008 : i32 to index
      %parallel_loop3A_1117 = arith.constant 144 : index
      %parallel_loop3A_1118 = tpu.vector_load %arg10[%parallel_loop3A_1115, %parallel_loop3A_1116, %parallel_loop3A_1117] {strides = array<i32>} : memref<2x64x200xf32, #tpu.memory_space<vmem>>, vector<16xf32>,
      tpu.vector_store %arg10[%parallel_loop3A_1115, %parallel_loop3A_1116, %parallel_loop3A_1117], %parallel_loop3A_1113 {strides = array<i32>} : memref<2x64x200xf32, #tpu.memory_space<vmem>>, vector<16xf32>,
      %parallel_loop3A_1119 = arith.constant 1 : i32
      %parallel_loop3A_1120 = arith.index_cast %parallel_loop3A_1119 : i32 to index
      %parallel_loop3A_1121 = arith.index_cast %parallel_loop3A_1008 : i32 to index
      %parallel_loop3A_1122 = arith.constant 160 : index
      %parallel_loop3A_1123 = tpu.vector_load %arg9[%parallel_loop3A_1120, %parallel_loop3A_1121, %parallel_loop3A_1122] {strides = array<i32>} : memref<2x64x200xi32, #tpu.memory_space<vmem>>, vector<16xi32>,
      %parallel_loop3A_1124 = tpu.vector_load_idx %arg8[%parallel_loop3A_1123] : memref<128xf32, #tpu.memory_space<vmem>>[vector<16xi32>], vector<16xf32>,
      %parallel_loop3A_1125 = arith.constant 1 : i32
      %parallel_loop3A_1126 = arith.index_cast %parallel_loop3A_1125 : i32 to index
      %parallel_loop3A_1127 = arith.index_cast %parallel_loop3A_1008 : i32 to index
      %parallel_loop3A_1128 = arith.constant 160 : index
      %parallel_loop3A_1129 = tpu.vector_load %arg10[%parallel_loop3A_1126, %parallel_loop3A_1127, %parallel_loop3A_1128] {strides = array<i32>} : memref<2x64x200xf32, #tpu.memory_space<vmem>>, vector<16xf32>,
      tpu.vector_store %arg10[%parallel_loop3A_1126, %parallel_loop3A_1127, %parallel_loop3A_1128], %parallel_loop3A_1124 {strides = array<i32>} : memref<2x64x200xf32, #tpu.memory_space<vmem>>, vector<16xf32>,
      %parallel_loop3A_1130 = arith.constant 1 : i32
      %parallel_loop3A_1131 = arith.index_cast %parallel_loop3A_1130 : i32 to index
      %parallel_loop3A_1132 = arith.index_cast %parallel_loop3A_1008 : i32 to index
      %parallel_loop3A_1133 = arith.constant 176 : index
      %parallel_loop3A_1134 = tpu.vector_load %arg9[%parallel_loop3A_1131, %parallel_loop3A_1132, %parallel_loop3A_1133] {strides = array<i32>} : memref<2x64x200xi32, #tpu.memory_space<vmem>>, vector<16xi32>,
      %parallel_loop3A_1135 = tpu.vector_load_idx %arg8[%parallel_loop3A_1134] : memref<128xf32, #tpu.memory_space<vmem>>[vector<16xi32>], vector<16xf32>,
      %parallel_loop3A_1136 = arith.constant 1 : i32
      %parallel_loop3A_1137 = arith.index_cast %parallel_loop3A_1136 : i32 to index
      %parallel_loop3A_1138 = arith.index_cast %parallel_loop3A_1008 : i32 to index
      %parallel_loop3A_1139 = arith.constant 176 : index
      %parallel_loop3A_1140 = tpu.vector_load %arg10[%parallel_loop3A_1137, %parallel_loop3A_1138, %parallel_loop3A_1139] {strides = array<i32>} : memref<2x64x200xf32, #tpu.memory_space<vmem>>, vector<16xf32>,
      tpu.vector_store %arg10[%parallel_loop3A_1137, %parallel_loop3A_1138, %parallel_loop3A_1139], %parallel_loop3A_1135 {strides = array<i32>} : memref<2x64x200xf32, #tpu.memory_space<vmem>>, vector<16xf32>,
      %parallel_loop3A_1141 = arith.constant 1 : i32
      %parallel_loop3A_1142 = arith.index_cast %parallel_loop3A_1141 : i32 to index
      %parallel_loop3A_1143 = arith.index_cast %parallel_loop3A_1008 : i32 to index
      %parallel_loop3A_1144 = arith.constant 184 : index
      %parallel_loop3A_1145 = tpu.vector_load %arg9[%parallel_loop3A_1142, %parallel_loop3A_1143, %parallel_loop3A_1144] {strides = array<i32>} : memref<2x64x200xi32, #tpu.memory_space<vmem>>, vector<16xi32>,
      %parallel_loop3A_1146 = tpu.vector_load_idx %arg8[%parallel_loop3A_1145] : memref<128xf32, #tpu.memory_space<vmem>>[vector<16xi32>], vector<16xf32>,
      %parallel_loop3A_1147 = arith.constant 1 : i32
      %parallel_loop3A_1148 = arith.index_cast %parallel_loop3A_1147 : i32 to index
      %parallel_loop3A_1149 = arith.index_cast %parallel_loop3A_1008 : i32 to index
      %parallel_loop3A_1150 = arith.constant 184 : index
      %parallel_loop3A_1151 = tpu.vector_load %arg10[%parallel_loop3A_1148, %parallel_loop3A_1149, %parallel_loop3A_1150] {strides = array<i32>} : memref<2x64x200xf32, #tpu.memory_space<vmem>>, vector<16xf32>,
      tpu.vector_store %arg10[%parallel_loop3A_1148, %parallel_loop3A_1149, %parallel_loop3A_1150], %parallel_loop3A_1146 {strides = array<i32>} : memref<2x64x200xf32, #tpu.memory_space<vmem>>, vector<16xf32>,
    } {sc.loop_unroll_factor = 2 : i64, sc.parallel_access}
    %add3A_864 = arith.constant 320 : i32
    %add3A_865 = arith.addi %mul3A_2, %add3A_864 : i32
    %dma_start3A_866 = arith.constant 1 : i32
    %dma_start3A_867 = arith.constant 0 : i32
    %dma_start3A_868 = arith.constant 0 : i32
    %dma_start3A_869 = tpu.memref_slice %arg10[%dma_start3A_866, %dma_start3A_867, %dma_start3A_868] : memref<2x64x200xf32, #tpu.memory_space<vmem>> -> memref<1x64x200xf32, #tpu.memory_space<vmem>>
    %dma_start3A_870 = tpu.memref_squeeze %dma_start3A_869 : memref<1x64x200xf32, #tpu.memory_space<vmem>> -> memref<64x200xf32, #tpu.memory_space<vmem>>
    %dma_start3A_871 = arith.constant 0 : i32
    %dma_start3A_872 = tpu.memref_slice %arg5[%add3A_865, %dma_start3A_871] : memref<16384x200xf32, #tpu.memory_space<hbm>> -> memref<64x200xf32, #tpu.memory_space<hbm>>
    %dma_start3A_873 = arith.constant 0 : i32
    %dma_start3A_874 = tpu.memref_slice %arg5[%add3A_865, %dma_start3A_873] : memref<16384x200xf32, #tpu.memory_space<hbm>> -> memref<64x200xf32, #tpu.memory_space<hbm>>
    %dma_start3A_875 = arith.constant 0 : i32
    %dma_start3A_876 = arith.constant 0 : i32
    %dma_start3A_877 = tpu.memref_slice %arg10[%dma_start3A_866, %dma_start3A_875, %dma_start3A_876] : memref<2x64x200xf32, #tpu.memory_space<vmem>> -> memref<1x64x200xf32, #tpu.memory_space<vmem>>
    %dma_start3A_878 = tpu.memref_squeeze %dma_start3A_877 : memref<1x64x200xf32, #tpu.memory_space<vmem>> -> memref<64x200xf32, #tpu.memory_space<vmem>>
    tpu.enqueue_dma source(%dma_start3A_878 : memref<64x200xf32, #tpu.memory_space<vmem>>) target(%dma_start3A_874 : memref<64x200xf32, #tpu.memory_space<hbm>>) target_semaphore(%arg14 : memref<!tpu.dma_semaphore, #tpu.memory_space<semaphore_mem>>)
    %add3A_879 = arith.constant 448 : i32
    %add3A_880 = arith.addi %mul3A_2, %add3A_879 : i32
    %dma_start3A_881 = arith.constant 1 : i32
    %dma_start3A_882 = arith.constant 0 : i32
    %dma_start3A_883 = arith.constant 0 : i32
    %dma_start3A_884 = tpu.memref_slice %arg9[%dma_start3A_881, %dma_start3A_882, %dma_start3A_883] : memref<2x64x200xi32, #tpu.memory_space<vmem>> -> memref<1x64x200xi32, #tpu.memory_space<vmem>>
    %dma_start3A_885 = tpu.memref_squeeze %dma_start3A_884 : memref<1x64x200xi32, #tpu.memory_space<vmem>> -> memref<64x200xi32, #tpu.memory_space<vmem>>
    %dma_start3A_886 = arith.constant 0 : i32
    %dma_start3A_887 = tpu.memref_slice %arg4[%add3A_880, %dma_start3A_886] : memref<16384x200xi32, #tpu.memory_space<hbm>> -> memref<64x200xi32, #tpu.memory_space<hbm>>
    %dma_start3A_888 = arith.constant 0 : i32
    %dma_start3A_889 = arith.constant 0 : i32
    %dma_start3A_890 = tpu.memref_slice %arg9[%dma_start3A_881, %dma_start3A_888, %dma_start3A_889] : memref<2x64x200xi32, #tpu.memory_space<vmem>> -> memref<1x64x200xi32, #tpu.memory_space<vmem>>
    %dma_start3A_891 = tpu.memref_squeeze %dma_start3A_890 : memref<1x64x200xi32, #tpu.memory_space<vmem>> -> memref<64x200xi32, #tpu.memory_space<vmem>>
    %dma_start3A_892 = arith.constant 0 : i32
    %dma_start3A_893 = tpu.memref_slice %arg4[%add3A_880, %dma_start3A_892] : memref<16384x200xi32, #tpu.memory_space<hbm>> -> memref<64x200xi32, #tpu.memory_space<hbm>>
    tpu.enqueue_dma source(%dma_start3A_893 : memref<64x200xi32, #tpu.memory_space<hbm>>) target(%dma_start3A_891 : memref<64x200xi32, #tpu.memory_space<vmem>>) target_semaphore(%arg12 : memref<!tpu.dma_semaphore, #tpu.memory_space<semaphore_mem>>)
    %dma_wait3A_894 = arith.constant 0 : i32
    %dma_wait3A_895 = arith.constant 0 : i32
    %dma_wait3A_896 = arith.constant 0 : i32
    %dma_wait3A_897 = tpu.memref_slice %arg9[%dma_wait3A_894, %dma_wait3A_895, %dma_wait3A_896] : memref<2x64x200xi32, #tpu.memory_space<vmem>> -> memref<1x64x200xi32, #tpu.memory_space<vmem>>
    %dma_wait3A_898 = tpu.memref_squeeze %dma_wait3A_897 : memref<1x64x200xi32, #tpu.memory_space<vmem>> -> memref<64x200xi32, #tpu.memory_space<vmem>>
    %dma_wait3A_899 = arith.constant 0 : i32
    %dma_wait3A_900 = tpu.memref_slice %arg4[%add3A_821, %dma_wait3A_899] : memref<16384x200xi32, #tpu.memory_space<hbm>> -> memref<64x200xi32, #tpu.memory_space<hbm>>
    %dma_wait3A_901 = arith.constant 0 : i32
    %dma_wait3A_902 = arith.constant 0 : i32
    %dma_wait3A_903 = tpu.memref_slice %arg9[%dma_wait3A_894, %dma_wait3A_901, %dma_wait3A_902] : memref<2x64x200xi32, #tpu.memory_space<vmem>> -> memref<1x64x200xi32, #tpu.memory_space<vmem>>
    %dma_wait3A_904 = tpu.memref_squeeze %dma_wait3A_903 : memref<1x64x200xi32, #tpu.memory_space<vmem>> -> memref<64x200xi32, #tpu.memory_space<vmem>>
    %dma_wait3A_905 = arith.constant 0 : i32
    %dma_wait3A_906 = tpu.memref_slice %arg4[%add3A_821, %dma_wait3A_905] : memref<16384x200xi32, #tpu.memory_space<hbm>> -> memref<64x200xi32, #tpu.memory_space<hbm>>
    tpu.wait_dma2 semaphore(%arg11 : memref<!tpu.dma_semaphore, #tpu.memory_space<semaphore_mem>>) src(%dma_wait3A_906 : memref<64x200xi32, #tpu.memory_space<hbm>>) dst(%dma_wait3A_904 : memref<64x200xi32, #tpu.memory_space<vmem>>)
    %dma_wait3A_907 = arith.constant 0 : i32
    %dma_wait3A_908 = arith.constant 0 : i32
    %dma_wait3A_909 = arith.constant 0 : i32
    %dma_wait3A_910 = tpu.memref_slice %arg10[%dma_wait3A_907, %dma_wait3A_908, %dma_wait3A_909] : memref<2x64x200xf32, #tpu.memory_space<vmem>> -> memref<1x64x200xf32, #tpu.memory_space<vmem>>
    %dma_wait3A_911 = tpu.memref_squeeze %dma_wait3A_910 : memref<1x64x200xf32, #tpu.memory_space<vmem>> -> memref<64x200xf32, #tpu.memory_space<vmem>>
    %dma_wait3A_912 = arith.constant 0 : i32
    %dma_wait3A_913 = tpu.memref_slice %arg5[%add3A_806, %dma_wait3A_912] : memref<16384x200xf32, #tpu.memory_space<hbm>> -> memref<64x200xf32, #tpu.memory_space<hbm>>
    %dma_wait3A_914 = arith.constant 0 : i32
    %dma_wait3A_915 = tpu.memref_slice %arg5[%add3A_806, %dma_wait3A_914] : memref<16384x200xf32, #tpu.memory_space<hbm>> -> memref<64x200xf32, #tpu.memory_space<hbm>>
    %dma_wait3A_916 = arith.constant 0 : i32
    %dma_wait3A_917 = arith.constant 0 : i32
    %dma_wait3A_918 = tpu.memref_slice %arg10[%dma_wait3A_907, %dma_wait3A_916, %dma_wait3A_917] : memref<2x64x200xf32, #tpu.memory_space<vmem>> -> memref<1x64x200xf32, #tpu.memory_space<vmem>>
    %dma_wait3A_919 = tpu.memref_squeeze %dma_wait3A_918 : memref<1x64x200xf32, #tpu.memory_space<vmem>> -> memref<64x200xf32, #tpu.memory_space<vmem>>
    tpu.wait_dma2 semaphore(%arg13 : memref<!tpu.dma_semaphore, #tpu.memory_space<semaphore_mem>>) src(%dma_wait3A_919 : memref<64x200xf32, #tpu.memory_space<vmem>>) dst(%dma_wait3A_915 : memref<64x200xf32, #tpu.memory_space<hbm>>)
    %parallel_loop3A_920 = arith.constant 0 : i32
    %parallel_loop3A_921 = arith.constant 64 : i32
    %parallel_loop3A_922 = arith.constant 1 : i32
    scf.for %parallel_loop3A_1008 = %parallel_loop3A_920 to %parallel_loop3A_921 step %parallel_loop3A_922  : i32 {
      %parallel_loop3A_1009 = arith.constant 0 : i32
      %parallel_loop3A_1010 = arith.index_cast %parallel_loop3A_1009 : i32 to index
      %parallel_loop3A_1011 = arith.index_cast %parallel_loop3A_1008 : i32 to index
      %parallel_loop3A_1012 = arith.constant 0 : index
      %parallel_loop3A_1013 = tpu.vector_load %arg9[%parallel_loop3A_1010, %parallel_loop3A_1011, %parallel_loop3A_1012] {strides = array<i32>} : memref<2x64x200xi32, #tpu.memory_space<vmem>>, vector<16xi32>,
      %parallel_loop3A_1014 = tpu.vector_load_idx %arg8[%parallel_loop3A_1013] : memref<128xf32, #tpu.memory_space<vmem>>[vector<16xi32>], vector<16xf32>,
      %parallel_loop3A_1015 = arith.constant 0 : i32
      %parallel_loop3A_1016 = arith.index_cast %parallel_loop3A_1015 : i32 to index
      %parallel_loop3A_1017 = arith.index_cast %parallel_loop3A_1008 : i32 to index
      %parallel_loop3A_1018 = arith.constant 0 : index
      %parallel_loop3A_1019 = tpu.vector_load %arg10[%parallel_loop3A_1016, %parallel_loop3A_1017, %parallel_loop3A_1018] {strides = array<i32>} : memref<2x64x200xf32, #tpu.memory_space<vmem>>, vector<16xf32>,
      tpu.vector_store %arg10[%parallel_loop3A_1016, %parallel_loop3A_1017, %parallel_loop3A_1018], %parallel_loop3A_1014 {strides = array<i32>} : memref<2x64x200xf32, #tpu.memory_space<vmem>>, vector<16xf32>,
      %parallel_loop3A_1020 = arith.constant 0 : i32
      %parallel_loop3A_1021 = arith.index_cast %parallel_loop3A_1020 : i32 to index
      %parallel_loop3A_1022 = arith.index_cast %parallel_loop3A_1008 : i32 to index
      %parallel_loop3A_1023 = arith.constant 16 : index
      %parallel_loop3A_1024 = tpu.vector_load %arg9[%parallel_loop3A_1021, %parallel_loop3A_1022, %parallel_loop3A_1023] {strides = array<i32>} : memref<2x64x200xi32, #tpu.memory_space<vmem>>, vector<16xi32>,
      %parallel_loop3A_1025 = tpu.vector_load_idx %arg8[%parallel_loop3A_1024] : memref<128xf32, #tpu.memory_space<vmem>>[vector<16xi32>], vector<16xf32>,
      %parallel_loop3A_1026 = arith.constant 0 : i32
      %parallel_loop3A_1027 = arith.index_cast %parallel_loop3A_1026 : i32 to index
      %parallel_loop3A_1028 = arith.index_cast %parallel_loop3A_1008 : i32 to index
      %parallel_loop3A_1029 = arith.constant 16 : index
      %parallel_loop3A_1030 = tpu.vector_load %arg10[%parallel_loop3A_1027, %parallel_loop3A_1028, %parallel_loop3A_1029] {strides = array<i32>} : memref<2x64x200xf32, #tpu.memory_space<vmem>>, vector<16xf32>,
      tpu.vector_store %arg10[%parallel_loop3A_1027, %parallel_loop3A_1028, %parallel_loop3A_1029], %parallel_loop3A_1025 {strides = array<i32>} : memref<2x64x200xf32, #tpu.memory_space<vmem>>, vector<16xf32>,
      %parallel_loop3A_1031 = arith.constant 0 : i32
      %parallel_loop3A_1032 = arith.index_cast %parallel_loop3A_1031 : i32 to index
      %parallel_loop3A_1033 = arith.index_cast %parallel_loop3A_1008 : i32 to index
      %parallel_loop3A_1034 = arith.constant 32 : index
      %parallel_loop3A_1035 = tpu.vector_load %arg9[%parallel_loop3A_1032, %parallel_loop3A_1033, %parallel_loop3A_1034] {strides = array<i32>} : memref<2x64x200xi32, #tpu.memory_space<vmem>>, vector<16xi32>,
      %parallel_loop3A_1036 = tpu.vector_load_idx %arg8[%parallel_loop3A_1035] : memref<128xf32, #tpu.memory_space<vmem>>[vector<16xi32>], vector<16xf32>,
      %parallel_loop3A_1037 = arith.constant 0 : i32
      %parallel_loop3A_1038 = arith.index_cast %parallel_loop3A_1037 : i32 to index
      %parallel_loop3A_1039 = arith.index_cast %parallel_loop3A_1008 : i32 to index
      %parallel_loop3A_1040 = arith.constant 32 : index
      %parallel_loop3A_1041 = tpu.vector_load %arg10[%parallel_loop3A_1038, %parallel_loop3A_1039, %parallel_loop3A_1040] {strides = array<i32>} : memref<2x64x200xf32, #tpu.memory_space<vmem>>, vector<16xf32>,
      tpu.vector_store %arg10[%parallel_loop3A_1038, %parallel_loop3A_1039, %parallel_loop3A_1040], %parallel_loop3A_1036 {strides = array<i32>} : memref<2x64x200xf32, #tpu.memory_space<vmem>>, vector<16xf32>,
      %parallel_loop3A_1042 = arith.constant 0 : i32
      %parallel_loop3A_1043 = arith.index_cast %parallel_loop3A_1042 : i32 to index
      %parallel_loop3A_1044 = arith.index_cast %parallel_loop3A_1008 : i32 to index
      %parallel_loop3A_1045 = arith.constant 48 : index
      %parallel_loop3A_1046 = tpu.vector_load %arg9[%parallel_loop3A_1043, %parallel_loop3A_1044, %parallel_loop3A_1045] {strides = array<i32>} : memref<2x64x200xi32, #tpu.memory_space<vmem>>, vector<16xi32>,
      %parallel_loop3A_1047 = tpu.vector_load_idx %arg8[%parallel_loop3A_1046] : memref<128xf32, #tpu.memory_space<vmem>>[vector<16xi32>], vector<16xf32>,
      %parallel_loop3A_1048 = arith.constant 0 : i32
      %parallel_loop3A_1049 = arith.index_cast %parallel_loop3A_1048 : i32 to index
      %parallel_loop3A_1050 = arith.index_cast %parallel_loop3A_1008 : i32 to index
      %parallel_loop3A_1051 = arith.constant 48 : index
      %parallel_loop3A_1052 = tpu.vector_load %arg10[%parallel_loop3A_1049, %parallel_loop3A_1050, %parallel_loop3A_1051] {strides = array<i32>} : memref<2x64x200xf32, #tpu.memory_space<vmem>>, vector<16xf32>,
      tpu.vector_store %arg10[%parallel_loop3A_1049, %parallel_loop3A_1050, %parallel_loop3A_1051], %parallel_loop3A_1047 {strides = array<i32>} : memref<2x64x200xf32, #tpu.memory_space<vmem>>, vector<16xf32>,
      %parallel_loop3A_1053 = arith.constant 0 : i32
      %parallel_loop3A_1054 = arith.index_cast %parallel_loop3A_1053 : i32 to index
      %parallel_loop3A_1055 = arith.index_cast %parallel_loop3A_1008 : i32 to index
      %parallel_loop3A_1056 = arith.constant 64 : index
      %parallel_loop3A_1057 = tpu.vector_load %arg9[%parallel_loop3A_1054, %parallel_loop3A_1055, %parallel_loop3A_1056] {strides = array<i32>} : memref<2x64x200xi32, #tpu.memory_space<vmem>>, vector<16xi32>,
      %parallel_loop3A_1058 = tpu.vector_load_idx %arg8[%parallel_loop3A_1057] : memref<128xf32, #tpu.memory_space<vmem>>[vector<16xi32>], vector<16xf32>,
      %parallel_loop3A_1059 = arith.constant 0 : i32
      %parallel_loop3A_1060 = arith.index_cast %parallel_loop3A_1059 : i32 to index
      %parallel_loop3A_1061 = arith.index_cast %parallel_loop3A_1008 : i32 to index
      %parallel_loop3A_1062 = arith.constant 64 : index
      %parallel_loop3A_1063 = tpu.vector_load %arg10[%parallel_loop3A_1060, %parallel_loop3A_1061, %parallel_loop3A_1062] {strides = array<i32>} : memref<2x64x200xf32, #tpu.memory_space<vmem>>, vector<16xf32>,
      tpu.vector_store %arg10[%parallel_loop3A_1060, %parallel_loop3A_1061, %parallel_loop3A_1062], %parallel_loop3A_1058 {strides = array<i32>} : memref<2x64x200xf32, #tpu.memory_space<vmem>>, vector<16xf32>,
      %parallel_loop3A_1064 = arith.constant 0 : i32
      %parallel_loop3A_1065 = arith.index_cast %parallel_loop3A_1064 : i32 to index
      %parallel_loop3A_1066 = arith.index_cast %parallel_loop3A_1008 : i32 to index
      %parallel_loop3A_1067 = arith.constant 80 : index
      %parallel_loop3A_1068 = tpu.vector_load %arg9[%parallel_loop3A_1065, %parallel_loop3A_1066, %parallel_loop3A_1067] {strides = array<i32>} : memref<2x64x200xi32, #tpu.memory_space<vmem>>, vector<16xi32>,
      %parallel_loop3A_1069 = tpu.vector_load_idx %arg8[%parallel_loop3A_1068] : memref<128xf32, #tpu.memory_space<vmem>>[vector<16xi32>], vector<16xf32>,
      %parallel_loop3A_1070 = arith.constant 0 : i32
      %parallel_loop3A_1071 = arith.index_cast %parallel_loop3A_1070 : i32 to index
      %parallel_loop3A_1072 = arith.index_cast %parallel_loop3A_1008 : i32 to index
      %parallel_loop3A_1073 = arith.constant 80 : index
      %parallel_loop3A_1074 = tpu.vector_load %arg10[%parallel_loop3A_1071, %parallel_loop3A_1072, %parallel_loop3A_1073] {strides = array<i32>} : memref<2x64x200xf32, #tpu.memory_space<vmem>>, vector<16xf32>,
      tpu.vector_store %arg10[%parallel_loop3A_1071, %parallel_loop3A_1072, %parallel_loop3A_1073], %parallel_loop3A_1069 {strides = array<i32>} : memref<2x64x200xf32, #tpu.memory_space<vmem>>, vector<16xf32>,
      %parallel_loop3A_1075 = arith.constant 0 : i32
      %parallel_loop3A_1076 = arith.index_cast %parallel_loop3A_1075 : i32 to index
      %parallel_loop3A_1077 = arith.index_cast %parallel_loop3A_1008 : i32 to index
      %parallel_loop3A_1078 = arith.constant 96 : index
      %parallel_loop3A_1079 = tpu.vector_load %arg9[%parallel_loop3A_1076, %parallel_loop3A_1077, %parallel_loop3A_1078] {strides = array<i32>} : memref<2x64x200xi32, #tpu.memory_space<vmem>>, vector<16xi32>,
      %parallel_loop3A_1080 = tpu.vector_load_idx %arg8[%parallel_loop3A_1079] : memref<128xf32, #tpu.memory_space<vmem>>[vector<16xi32>], vector<16xf32>,
      %parallel_loop3A_1081 = arith.constant 0 : i32
      %parallel_loop3A_1082 = arith.index_cast %parallel_loop3A_1081 : i32 to index
      %parallel_loop3A_1083 = arith.index_cast %parallel_loop3A_1008 : i32 to index
      %parallel_loop3A_1084 = arith.constant 96 : index
      %parallel_loop3A_1085 = tpu.vector_load %arg10[%parallel_loop3A_1082, %parallel_loop3A_1083, %parallel_loop3A_1084] {strides = array<i32>} : memref<2x64x200xf32, #tpu.memory_space<vmem>>, vector<16xf32>,
      tpu.vector_store %arg10[%parallel_loop3A_1082, %parallel_loop3A_1083, %parallel_loop3A_1084], %parallel_loop3A_1080 {strides = array<i32>} : memref<2x64x200xf32, #tpu.memory_space<vmem>>, vector<16xf32>,
      %parallel_loop3A_1086 = arith.constant 0 : i32
      %parallel_loop3A_1087 = arith.index_cast %parallel_loop3A_1086 : i32 to index
      %parallel_loop3A_1088 = arith.index_cast %parallel_loop3A_1008 : i32 to index
      %parallel_loop3A_1089 = arith.constant 112 : index
      %parallel_loop3A_1090 = tpu.vector_load %arg9[%parallel_loop3A_1087, %parallel_loop3A_1088, %parallel_loop3A_1089] {strides = array<i32>} : memref<2x64x200xi32, #tpu.memory_space<vmem>>, vector<16xi32>,
      %parallel_loop3A_1091 = tpu.vector_load_idx %arg8[%parallel_loop3A_1090] : memref<128xf32, #tpu.memory_space<vmem>>[vector<16xi32>], vector<16xf32>,
      %parallel_loop3A_1092 = arith.constant 0 : i32
      %parallel_loop3A_1093 = arith.index_cast %parallel_loop3A_1092 : i32 to index
      %parallel_loop3A_1094 = arith.index_cast %parallel_loop3A_1008 : i32 to index
      %parallel_loop3A_1095 = arith.constant 112 : index
      %parallel_loop3A_1096 = tpu.vector_load %arg10[%parallel_loop3A_1093, %parallel_loop3A_1094, %parallel_loop3A_1095] {strides = array<i32>} : memref<2x64x200xf32, #tpu.memory_space<vmem>>, vector<16xf32>,
      tpu.vector_store %arg10[%parallel_loop3A_1093, %parallel_loop3A_1094, %parallel_loop3A_1095], %parallel_loop3A_1091 {strides = array<i32>} : memref<2x64x200xf32, #tpu.memory_space<vmem>>, vector<16xf32>,
      %parallel_loop3A_1097 = arith.constant 0 : i32
      %parallel_loop3A_1098 = arith.index_cast %parallel_loop3A_1097 : i32 to index
      %parallel_loop3A_1099 = arith.index_cast %parallel_loop3A_1008 : i32 to index
      %parallel_loop3A_1100 = arith.constant 128 : index
      %parallel_loop3A_1101 = tpu.vector_load %arg9[%parallel_loop3A_1098, %parallel_loop3A_1099, %parallel_loop3A_1100] {strides = array<i32>} : memref<2x64x200xi32, #tpu.memory_space<vmem>>, vector<16xi32>,
      %parallel_loop3A_1102 = tpu.vector_load_idx %arg8[%parallel_loop3A_1101] : memref<128xf32, #tpu.memory_space<vmem>>[vector<16xi32>], vector<16xf32>,
      %parallel_loop3A_1103 = arith.constant 0 : i32
      %parallel_loop3A_1104 = arith.index_cast %parallel_loop3A_1103 : i32 to index
      %parallel_loop3A_1105 = arith.index_cast %parallel_loop3A_1008 : i32 to index
      %parallel_loop3A_1106 = arith.constant 128 : index
      %parallel_loop3A_1107 = tpu.vector_load %arg10[%parallel_loop3A_1104, %parallel_loop3A_1105, %parallel_loop3A_1106] {strides = array<i32>} : memref<2x64x200xf32, #tpu.memory_space<vmem>>, vector<16xf32>,
      tpu.vector_store %arg10[%parallel_loop3A_1104, %parallel_loop3A_1105, %parallel_loop3A_1106], %parallel_loop3A_1102 {strides = array<i32>} : memref<2x64x200xf32, #tpu.memory_space<vmem>>, vector<16xf32>,
      %parallel_loop3A_1108 = arith.constant 0 : i32
      %parallel_loop3A_1109 = arith.index_cast %parallel_loop3A_1108 : i32 to index
      %parallel_loop3A_1110 = arith.index_cast %parallel_loop3A_1008 : i32 to index
      %parallel_loop3A_1111 = arith.constant 144 : index
      %parallel_loop3A_1112 = tpu.vector_load %arg9[%parallel_loop3A_1109, %parallel_loop3A_1110, %parallel_loop3A_1111] {strides = array<i32>} : memref<2x64x200xi32, #tpu.memory_space<vmem>>, vector<16xi32>,
      %parallel_loop3A_1113 = tpu.vector_load_idx %arg8[%parallel_loop3A_1112] : memref<128xf32, #tpu.memory_space<vmem>>[vector<16xi32>], vector<16xf32>,
      %parallel_loop3A_1114 = arith.constant 0 : i32
      %parallel_loop3A_1115 = arith.index_cast %parallel_loop3A_1114 : i32 to index
      %parallel_loop3A_1116 = arith.index_cast %parallel_loop3A_1008 : i32 to index
      %parallel_loop3A_1117 = arith.constant 144 : index
      %parallel_loop3A_1118 = tpu.vector_load %arg10[%parallel_loop3A_1115, %parallel_loop3A_1116, %parallel_loop3A_1117] {strides = array<i32>} : memref<2x64x200xf32, #tpu.memory_space<vmem>>, vector<16xf32>,
      tpu.vector_store %arg10[%parallel_loop3A_1115, %parallel_loop3A_1116, %parallel_loop3A_1117], %parallel_loop3A_1113 {strides = array<i32>} : memref<2x64x200xf32, #tpu.memory_space<vmem>>, vector<16xf32>,
      %parallel_loop3A_1119 = arith.constant 0 : i32
      %parallel_loop3A_1120 = arith.index_cast %parallel_loop3A_1119 : i32 to index
      %parallel_loop3A_1121 = arith.index_cast %parallel_loop3A_1008 : i32 to index
      %parallel_loop3A_1122 = arith.constant 160 : index
      %parallel_loop3A_1123 = tpu.vector_load %arg9[%parallel_loop3A_1120, %parallel_loop3A_1121, %parallel_loop3A_1122] {strides = array<i32>} : memref<2x64x200xi32, #tpu.memory_space<vmem>>, vector<16xi32>,
      %parallel_loop3A_1124 = tpu.vector_load_idx %arg8[%parallel_loop3A_1123] : memref<128xf32, #tpu.memory_space<vmem>>[vector<16xi32>], vector<16xf32>,
      %parallel_loop3A_1125 = arith.constant 0 : i32
      %parallel_loop3A_1126 = arith.index_cast %parallel_loop3A_1125 : i32 to index
      %parallel_loop3A_1127 = arith.index_cast %parallel_loop3A_1008 : i32 to index
      %parallel_loop3A_1128 = arith.constant 160 : index
      %parallel_loop3A_1129 = tpu.vector_load %arg10[%parallel_loop3A_1126, %parallel_loop3A_1127, %parallel_loop3A_1128] {strides = array<i32>} : memref<2x64x200xf32, #tpu.memory_space<vmem>>, vector<16xf32>,
      tpu.vector_store %arg10[%parallel_loop3A_1126, %parallel_loop3A_1127, %parallel_loop3A_1128], %parallel_loop3A_1124 {strides = array<i32>} : memref<2x64x200xf32, #tpu.memory_space<vmem>>, vector<16xf32>,
      %parallel_loop3A_1130 = arith.constant 0 : i32
      %parallel_loop3A_1131 = arith.index_cast %parallel_loop3A_1130 : i32 to index
      %parallel_loop3A_1132 = arith.index_cast %parallel_loop3A_1008 : i32 to index
      %parallel_loop3A_1133 = arith.constant 176 : index
      %parallel_loop3A_1134 = tpu.vector_load %arg9[%parallel_loop3A_1131, %parallel_loop3A_1132, %parallel_loop3A_1133] {strides = array<i32>} : memref<2x64x200xi32, #tpu.memory_space<vmem>>, vector<16xi32>,
      %parallel_loop3A_1135 = tpu.vector_load_idx %arg8[%parallel_loop3A_1134] : memref<128xf32, #tpu.memory_space<vmem>>[vector<16xi32>], vector<16xf32>,
      %parallel_loop3A_1136 = arith.constant 0 : i32
      %parallel_loop3A_1137 = arith.index_cast %parallel_loop3A_1136 : i32 to index
      %parallel_loop3A_1138 = arith.index_cast %parallel_loop3A_1008 : i32 to index
      %parallel_loop3A_1139 = arith.constant 176 : index
      %parallel_loop3A_1140 = tpu.vector_load %arg10[%parallel_loop3A_1137, %parallel_loop3A_1138, %parallel_loop3A_1139] {strides = array<i32>} : memref<2x64x200xf32, #tpu.memory_space<vmem>>, vector<16xf32>,
      tpu.vector_store %arg10[%parallel_loop3A_1137, %parallel_loop3A_1138, %parallel_loop3A_1139], %parallel_loop3A_1135 {strides = array<i32>} : memref<2x64x200xf32, #tpu.memory_space<vmem>>, vector<16xf32>,
      %parallel_loop3A_1141 = arith.constant 0 : i32
      %parallel_loop3A_1142 = arith.index_cast %parallel_loop3A_1141 : i32 to index
      %parallel_loop3A_1143 = arith.index_cast %parallel_loop3A_1008 : i32 to index
      %parallel_loop3A_1144 = arith.constant 184 : index
      %parallel_loop3A_1145 = tpu.vector_load %arg9[%parallel_loop3A_1142, %parallel_loop3A_1143, %parallel_loop3A_1144] {strides = array<i32>} : memref<2x64x200xi32, #tpu.memory_space<vmem>>, vector<16xi32>,
      %parallel_loop3A_1146 = tpu.vector_load_idx %arg8[%parallel_loop3A_1145] : memref<128xf32, #tpu.memory_space<vmem>>[vector<16xi32>], vector<16xf32>,
      %parallel_loop3A_1147 = arith.constant 0 : i32
      %parallel_loop3A_1148 = arith.index_cast %parallel_loop3A_1147 : i32 to index
      %parallel_loop3A_1149 = arith.index_cast %parallel_loop3A_1008 : i32 to index
      %parallel_loop3A_1150 = arith.constant 184 : index
      %parallel_loop3A_1151 = tpu.vector_load %arg10[%parallel_loop3A_1148, %parallel_loop3A_1149, %parallel_loop3A_1150] {strides = array<i32>} : memref<2x64x200xf32, #tpu.memory_space<vmem>>, vector<16xf32>,
      tpu.vector_store %arg10[%parallel_loop3A_1148, %parallel_loop3A_1149, %parallel_loop3A_1150], %parallel_loop3A_1146 {strides = array<i32>} : memref<2x64x200xf32, #tpu.memory_space<vmem>>, vector<16xf32>,
    } {sc.loop_unroll_factor = 2 : i64, sc.parallel_access}
    %add3A_923 = arith.constant 384 : i32
    %add3A_924 = arith.addi %mul3A_2, %add3A_923 : i32
    %dma_start3A_925 = arith.constant 0 : i32
    %dma_start3A_926 = arith.constant 0 : i32
    %dma_start3A_927 = arith.constant 0 : i32
    %dma_start3A_928 = tpu.memref_slice %arg10[%dma_start3A_925, %dma_start3A_926, %dma_start3A_927] : memref<2x64x200xf32, #tpu.memory_space<vmem>> -> memref<1x64x200xf32, #tpu.memory_space<vmem>>
    %dma_start3A_929 = tpu.memref_squeeze %dma_start3A_928 : memref<1x64x200xf32, #tpu.memory_space<vmem>> -> memref<64x200xf32, #tpu.memory_space<vmem>>
    %dma_start3A_930 = arith.constant 0 : i32
    %dma_start3A_931 = tpu.memref_slice %arg5[%add3A_924, %dma_start3A_930] : memref<16384x200xf32, #tpu.memory_space<hbm>> -> memref<64x200xf32, #tpu.memory_space<hbm>>
    %dma_start3A_932 = arith.constant 0 : i32
    %dma_start3A_933 = tpu.memref_slice %arg5[%add3A_924, %dma_start3A_932] : memref<16384x200xf32, #tpu.memory_space<hbm>> -> memref<64x200xf32, #tpu.memory_space<hbm>>
    %dma_start3A_934 = arith.constant 0 : i32
    %dma_start3A_935 = arith.constant 0 : i32
    %dma_start3A_936 = tpu.memref_slice %arg10[%dma_start3A_925, %dma_start3A_934, %dma_start3A_935] : memref<2x64x200xf32, #tpu.memory_space<vmem>> -> memref<1x64x200xf32, #tpu.memory_space<vmem>>
    %dma_start3A_937 = tpu.memref_squeeze %dma_start3A_936 : memref<1x64x200xf32, #tpu.memory_space<vmem>> -> memref<64x200xf32, #tpu.memory_space<vmem>>
    tpu.enqueue_dma source(%dma_start3A_937 : memref<64x200xf32, #tpu.memory_space<vmem>>) target(%dma_start3A_933 : memref<64x200xf32, #tpu.memory_space<hbm>>) target_semaphore(%arg13 : memref<!tpu.dma_semaphore, #tpu.memory_space<semaphore_mem>>)
    %dma_wait3A_938 = arith.constant 1 : i32
    %dma_wait3A_939 = arith.constant 0 : i32
    %dma_wait3A_940 = arith.constant 0 : i32
    %dma_wait3A_941 = tpu.memref_slice %arg9[%dma_wait3A_938, %dma_wait3A_939, %dma_wait3A_940] : memref<2x64x200xi32, #tpu.memory_space<vmem>> -> memref<1x64x200xi32, #tpu.memory_space<vmem>>
    %dma_wait3A_942 = tpu.memref_squeeze %dma_wait3A_941 : memref<1x64x200xi32, #tpu.memory_space<vmem>> -> memref<64x200xi32, #tpu.memory_space<vmem>>
    %dma_wait3A_943 = arith.constant 0 : i32
    %dma_wait3A_944 = tpu.memref_slice %arg4[%add3A_880, %dma_wait3A_943] : memref<16384x200xi32, #tpu.memory_space<hbm>> -> memref<64x200xi32, #tpu.memory_space<hbm>>
    %dma_wait3A_945 = arith.constant 0 : i32
    %dma_wait3A_946 = arith.constant 0 : i32
    %dma_wait3A_947 = tpu.memref_slice %arg9[%dma_wait3A_938, %dma_wait3A_945, %dma_wait3A_946] : memref<2x64x200xi32, #tpu.memory_space<vmem>> -> memref<1x64x200xi32, #tpu.memory_space<vmem>>
    %dma_wait3A_948 = tpu.memref_squeeze %dma_wait3A_947 : memref<1x64x200xi32, #tpu.memory_space<vmem>> -> memref<64x200xi32, #tpu.memory_space<vmem>>
    %dma_wait3A_949 = arith.constant 0 : i32
    %dma_wait3A_950 = tpu.memref_slice %arg4[%add3A_880, %dma_wait3A_949] : memref<16384x200xi32, #tpu.memory_space<hbm>> -> memref<64x200xi32, #tpu.memory_space<hbm>>
    tpu.wait_dma2 semaphore(%arg12 : memref<!tpu.dma_semaphore, #tpu.memory_space<semaphore_mem>>) src(%dma_wait3A_950 : memref<64x200xi32, #tpu.memory_space<hbm>>) dst(%dma_wait3A_948 : memref<64x200xi32, #tpu.memory_space<vmem>>)
    %dma_wait3A_951 = arith.constant 1 : i32
    %dma_wait3A_952 = arith.constant 0 : i32
    %dma_wait3A_953 = arith.constant 0 : i32
    %dma_wait3A_954 = tpu.memref_slice %arg10[%dma_wait3A_951, %dma_wait3A_952, %dma_wait3A_953] : memref<2x64x200xf32, #tpu.memory_space<vmem>> -> memref<1x64x200xf32, #tpu.memory_space<vmem>>
    %dma_wait3A_955 = tpu.memref_squeeze %dma_wait3A_954 : memref<1x64x200xf32, #tpu.memory_space<vmem>> -> memref<64x200xf32, #tpu.memory_space<vmem>>
    %dma_wait3A_956 = arith.constant 0 : i32
    %dma_wait3A_957 = tpu.memref_slice %arg5[%add3A_865, %dma_wait3A_956] : memref<16384x200xf32, #tpu.memory_space<hbm>> -> memref<64x200xf32, #tpu.memory_space<hbm>>
    %dma_wait3A_958 = arith.constant 0 : i32
    %dma_wait3A_959 = tpu.memref_slice %arg5[%add3A_865, %dma_wait3A_958] : memref<16384x200xf32, #tpu.memory_space<hbm>> -> memref<64x200xf32, #tpu.memory_space<hbm>>
    %dma_wait3A_960 = arith.constant 0 : i32
    %dma_wait3A_961 = arith.constant 0 : i32
    %dma_wait3A_962 = tpu.memref_slice %arg10[%dma_wait3A_951, %dma_wait3A_960, %dma_wait3A_961] : memref<2x64x200xf32, #tpu.memory_space<vmem>> -> memref<1x64x200xf32, #tpu.memory_space<vmem>>
    %dma_wait3A_963 = tpu.memref_squeeze %dma_wait3A_962 : memref<1x64x200xf32, #tpu.memory_space<vmem>> -> memref<64x200xf32, #tpu.memory_space<vmem>>
    tpu.wait_dma2 semaphore(%arg14 : memref<!tpu.dma_semaphore, #tpu.memory_space<semaphore_mem>>) src(%dma_wait3A_963 : memref<64x200xf32, #tpu.memory_space<vmem>>) dst(%dma_wait3A_959 : memref<64x200xf32, #tpu.memory_space<hbm>>)
    %parallel_loop3A_964 = arith.constant 0 : i32
    %parallel_loop3A_965 = arith.constant 64 : i32
    %parallel_loop3A_966 = arith.constant 1 : i32
    scf.for %parallel_loop3A_1008 = %parallel_loop3A_964 to %parallel_loop3A_965 step %parallel_loop3A_966  : i32 {
      %parallel_loop3A_1009 = arith.constant 1 : i32
      %parallel_loop3A_1010 = arith.index_cast %parallel_loop3A_1009 : i32 to index
      %parallel_loop3A_1011 = arith.index_cast %parallel_loop3A_1008 : i32 to index
      %parallel_loop3A_1012 = arith.constant 0 : index
      %parallel_loop3A_1013 = tpu.vector_load %arg9[%parallel_loop3A_1010, %parallel_loop3A_1011, %parallel_loop3A_1012] {strides = array<i32>} : memref<2x64x200xi32, #tpu.memory_space<vmem>>, vector<16xi32>,
      %parallel_loop3A_1014 = tpu.vector_load_idx %arg8[%parallel_loop3A_1013] : memref<128xf32, #tpu.memory_space<vmem>>[vector<16xi32>], vector<16xf32>,
      %parallel_loop3A_1015 = arith.constant 1 : i32
      %parallel_loop3A_1016 = arith.index_cast %parallel_loop3A_1015 : i32 to index
      %parallel_loop3A_1017 = arith.index_cast %parallel_loop3A_1008 : i32 to index
      %parallel_loop3A_1018 = arith.constant 0 : index
      %parallel_loop3A_1019 = tpu.vector_load %arg10[%parallel_loop3A_1016, %parallel_loop3A_1017, %parallel_loop3A_1018] {strides = array<i32>} : memref<2x64x200xf32, #tpu.memory_space<vmem>>, vector<16xf32>,
      tpu.vector_store %arg10[%parallel_loop3A_1016, %parallel_loop3A_1017, %parallel_loop3A_1018], %parallel_loop3A_1014 {strides = array<i32>} : memref<2x64x200xf32, #tpu.memory_space<vmem>>, vector<16xf32>,
      %parallel_loop3A_1020 = arith.constant 1 : i32
      %parallel_loop3A_1021 = arith.index_cast %parallel_loop3A_1020 : i32 to index
      %parallel_loop3A_1022 = arith.index_cast %parallel_loop3A_1008 : i32 to index
      %parallel_loop3A_1023 = arith.constant 16 : index
      %parallel_loop3A_1024 = tpu.vector_load %arg9[%parallel_loop3A_1021, %parallel_loop3A_1022, %parallel_loop3A_1023] {strides = array<i32>} : memref<2x64x200xi32, #tpu.memory_space<vmem>>, vector<16xi32>,
      %parallel_loop3A_1025 = tpu.vector_load_idx %arg8[%parallel_loop3A_1024] : memref<128xf32, #tpu.memory_space<vmem>>[vector<16xi32>], vector<16xf32>,
      %parallel_loop3A_1026 = arith.constant 1 : i32
      %parallel_loop3A_1027 = arith.index_cast %parallel_loop3A_1026 : i32 to index
      %parallel_loop3A_1028 = arith.index_cast %parallel_loop3A_1008 : i32 to index
      %parallel_loop3A_1029 = arith.constant 16 : index
      %parallel_loop3A_1030 = tpu.vector_load %arg10[%parallel_loop3A_1027, %parallel_loop3A_1028, %parallel_loop3A_1029] {strides = array<i32>} : memref<2x64x200xf32, #tpu.memory_space<vmem>>, vector<16xf32>,
      tpu.vector_store %arg10[%parallel_loop3A_1027, %parallel_loop3A_1028, %parallel_loop3A_1029], %parallel_loop3A_1025 {strides = array<i32>} : memref<2x64x200xf32, #tpu.memory_space<vmem>>, vector<16xf32>,
      %parallel_loop3A_1031 = arith.constant 1 : i32
      %parallel_loop3A_1032 = arith.index_cast %parallel_loop3A_1031 : i32 to index
      %parallel_loop3A_1033 = arith.index_cast %parallel_loop3A_1008 : i32 to index
      %parallel_loop3A_1034 = arith.constant 32 : index
      %parallel_loop3A_1035 = tpu.vector_load %arg9[%parallel_loop3A_1032, %parallel_loop3A_1033, %parallel_loop3A_1034] {strides = array<i32>} : memref<2x64x200xi32, #tpu.memory_space<vmem>>, vector<16xi32>,
      %parallel_loop3A_1036 = tpu.vector_load_idx %arg8[%parallel_loop3A_1035] : memref<128xf32, #tpu.memory_space<vmem>>[vector<16xi32>], vector<16xf32>,
      %parallel_loop3A_1037 = arith.constant 1 : i32
      %parallel_loop3A_1038 = arith.index_cast %parallel_loop3A_1037 : i32 to index
      %parallel_loop3A_1039 = arith.index_cast %parallel_loop3A_1008 : i32 to index
      %parallel_loop3A_1040 = arith.constant 32 : index
      %parallel_loop3A_1041 = tpu.vector_load %arg10[%parallel_loop3A_1038, %parallel_loop3A_1039, %parallel_loop3A_1040] {strides = array<i32>} : memref<2x64x200xf32, #tpu.memory_space<vmem>>, vector<16xf32>,
      tpu.vector_store %arg10[%parallel_loop3A_1038, %parallel_loop3A_1039, %parallel_loop3A_1040], %parallel_loop3A_1036 {strides = array<i32>} : memref<2x64x200xf32, #tpu.memory_space<vmem>>, vector<16xf32>,
      %parallel_loop3A_1042 = arith.constant 1 : i32
      %parallel_loop3A_1043 = arith.index_cast %parallel_loop3A_1042 : i32 to index
      %parallel_loop3A_1044 = arith.index_cast %parallel_loop3A_1008 : i32 to index
      %parallel_loop3A_1045 = arith.constant 48 : index
      %parallel_loop3A_1046 = tpu.vector_load %arg9[%parallel_loop3A_1043, %parallel_loop3A_1044, %parallel_loop3A_1045] {strides = array<i32>} : memref<2x64x200xi32, #tpu.memory_space<vmem>>, vector<16xi32>,
      %parallel_loop3A_1047 = tpu.vector_load_idx %arg8[%parallel_loop3A_1046] : memref<128xf32, #tpu.memory_space<vmem>>[vector<16xi32>], vector<16xf32>,
      %parallel_loop3A_1048 = arith.constant 1 : i32
      %parallel_loop3A_1049 = arith.index_cast %parallel_loop3A_1048 : i32 to index
      %parallel_loop3A_1050 = arith.index_cast %parallel_loop3A_1008 : i32 to index
      %parallel_loop3A_1051 = arith.constant 48 : index
      %parallel_loop3A_1052 = tpu.vector_load %arg10[%parallel_loop3A_1049, %parallel_loop3A_1050, %parallel_loop3A_1051] {strides = array<i32>} : memref<2x64x200xf32, #tpu.memory_space<vmem>>, vector<16xf32>,
      tpu.vector_store %arg10[%parallel_loop3A_1049, %parallel_loop3A_1050, %parallel_loop3A_1051], %parallel_loop3A_1047 {strides = array<i32>} : memref<2x64x200xf32, #tpu.memory_space<vmem>>, vector<16xf32>,
      %parallel_loop3A_1053 = arith.constant 1 : i32
      %parallel_loop3A_1054 = arith.index_cast %parallel_loop3A_1053 : i32 to index
      %parallel_loop3A_1055 = arith.index_cast %parallel_loop3A_1008 : i32 to index
      %parallel_loop3A_1056 = arith.constant 64 : index
      %parallel_loop3A_1057 = tpu.vector_load %arg9[%parallel_loop3A_1054, %parallel_loop3A_1055, %parallel_loop3A_1056] {strides = array<i32>} : memref<2x64x200xi32, #tpu.memory_space<vmem>>, vector<16xi32>,
      %parallel_loop3A_1058 = tpu.vector_load_idx %arg8[%parallel_loop3A_1057] : memref<128xf32, #tpu.memory_space<vmem>>[vector<16xi32>], vector<16xf32>,
      %parallel_loop3A_1059 = arith.constant 1 : i32
      %parallel_loop3A_1060 = arith.index_cast %parallel_loop3A_1059 : i32 to index
      %parallel_loop3A_1061 = arith.index_cast %parallel_loop3A_1008 : i32 to index
      %parallel_loop3A_1062 = arith.constant 64 : index
      %parallel_loop3A_1063 = tpu.vector_load %arg10[%parallel_loop3A_1060, %parallel_loop3A_1061, %parallel_loop3A_1062] {strides = array<i32>} : memref<2x64x200xf32, #tpu.memory_space<vmem>>, vector<16xf32>,
      tpu.vector_store %arg10[%parallel_loop3A_1060, %parallel_loop3A_1061, %parallel_loop3A_1062], %parallel_loop3A_1058 {strides = array<i32>} : memref<2x64x200xf32, #tpu.memory_space<vmem>>, vector<16xf32>,
      %parallel_loop3A_1064 = arith.constant 1 : i32
      %parallel_loop3A_1065 = arith.index_cast %parallel_loop3A_1064 : i32 to index
      %parallel_loop3A_1066 = arith.index_cast %parallel_loop3A_1008 : i32 to index
      %parallel_loop3A_1067 = arith.constant 80 : index
      %parallel_loop3A_1068 = tpu.vector_load %arg9[%parallel_loop3A_1065, %parallel_loop3A_1066, %parallel_loop3A_1067] {strides = array<i32>} : memref<2x64x200xi32, #tpu.memory_space<vmem>>, vector<16xi32>,
      %parallel_loop3A_1069 = tpu.vector_load_idx %arg8[%parallel_loop3A_1068] : memref<128xf32, #tpu.memory_space<vmem>>[vector<16xi32>], vector<16xf32>,
      %parallel_loop3A_1070 = arith.constant 1 : i32
      %parallel_loop3A_1071 = arith.index_cast %parallel_loop3A_1070 : i32 to index
      %parallel_loop3A_1072 = arith.index_cast %parallel_loop3A_1008 : i32 to index
      %parallel_loop3A_1073 = arith.constant 80 : index
      %parallel_loop3A_1074 = tpu.vector_load %arg10[%parallel_loop3A_1071, %parallel_loop3A_1072, %parallel_loop3A_1073] {strides = array<i32>} : memref<2x64x200xf32, #tpu.memory_space<vmem>>, vector<16xf32>,
      tpu.vector_store %arg10[%parallel_loop3A_1071, %parallel_loop3A_1072, %parallel_loop3A_1073], %parallel_loop3A_1069 {strides = array<i32>} : memref<2x64x200xf32, #tpu.memory_space<vmem>>, vector<16xf32>,
      %parallel_loop3A_1075 = arith.constant 1 : i32
      %parallel_loop3A_1076 = arith.index_cast %parallel_loop3A_1075 : i32 to index
      %parallel_loop3A_1077 = arith.index_cast %parallel_loop3A_1008 : i32 to index
      %parallel_loop3A_1078 = arith.constant 96 : index
      %parallel_loop3A_1079 = tpu.vector_load %arg9[%parallel_loop3A_1076, %parallel_loop3A_1077, %parallel_loop3A_1078] {strides = array<i32>} : memref<2x64x200xi32, #tpu.memory_space<vmem>>, vector<16xi32>,
      %parallel_loop3A_1080 = tpu.vector_load_idx %arg8[%parallel_loop3A_1079] : memref<128xf32, #tpu.memory_space<vmem>>[vector<16xi32>], vector<16xf32>,
      %parallel_loop3A_1081 = arith.constant 1 : i32
      %parallel_loop3A_1082 = arith.index_cast %parallel_loop3A_1081 : i32 to index
      %parallel_loop3A_1083 = arith.index_cast %parallel_loop3A_1008 : i32 to index
      %parallel_loop3A_1084 = arith.constant 96 : index
      %parallel_loop3A_1085 = tpu.vector_load %arg10[%parallel_loop3A_1082, %parallel_loop3A_1083, %parallel_loop3A_1084] {strides = array<i32>} : memref<2x64x200xf32, #tpu.memory_space<vmem>>, vector<16xf32>,
      tpu.vector_store %arg10[%parallel_loop3A_1082, %parallel_loop3A_1083, %parallel_loop3A_1084], %parallel_loop3A_1080 {strides = array<i32>} : memref<2x64x200xf32, #tpu.memory_space<vmem>>, vector<16xf32>,
      %parallel_loop3A_1086 = arith.constant 1 : i32
      %parallel_loop3A_1087 = arith.index_cast %parallel_loop3A_1086 : i32 to index
      %parallel_loop3A_1088 = arith.index_cast %parallel_loop3A_1008 : i32 to index
      %parallel_loop3A_1089 = arith.constant 112 : index
      %parallel_loop3A_1090 = tpu.vector_load %arg9[%parallel_loop3A_1087, %parallel_loop3A_1088, %parallel_loop3A_1089] {strides = array<i32>} : memref<2x64x200xi32, #tpu.memory_space<vmem>>, vector<16xi32>,
      %parallel_loop3A_1091 = tpu.vector_load_idx %arg8[%parallel_loop3A_1090] : memref<128xf32, #tpu.memory_space<vmem>>[vector<16xi32>], vector<16xf32>,
      %parallel_loop3A_1092 = arith.constant 1 : i32
      %parallel_loop3A_1093 = arith.index_cast %parallel_loop3A_1092 : i32 to index
      %parallel_loop3A_1094 = arith.index_cast %parallel_loop3A_1008 : i32 to index
      %parallel_loop3A_1095 = arith.constant 112 : index
      %parallel_loop3A_1096 = tpu.vector_load %arg10[%parallel_loop3A_1093, %parallel_loop3A_1094, %parallel_loop3A_1095] {strides = array<i32>} : memref<2x64x200xf32, #tpu.memory_space<vmem>>, vector<16xf32>,
      tpu.vector_store %arg10[%parallel_loop3A_1093, %parallel_loop3A_1094, %parallel_loop3A_1095], %parallel_loop3A_1091 {strides = array<i32>} : memref<2x64x200xf32, #tpu.memory_space<vmem>>, vector<16xf32>,
      %parallel_loop3A_1097 = arith.constant 1 : i32
      %parallel_loop3A_1098 = arith.index_cast %parallel_loop3A_1097 : i32 to index
      %parallel_loop3A_1099 = arith.index_cast %parallel_loop3A_1008 : i32 to index
      %parallel_loop3A_1100 = arith.constant 128 : index
      %parallel_loop3A_1101 = tpu.vector_load %arg9[%parallel_loop3A_1098, %parallel_loop3A_1099, %parallel_loop3A_1100] {strides = array<i32>} : memref<2x64x200xi32, #tpu.memory_space<vmem>>, vector<16xi32>,
      %parallel_loop3A_1102 = tpu.vector_load_idx %arg8[%parallel_loop3A_1101] : memref<128xf32, #tpu.memory_space<vmem>>[vector<16xi32>], vector<16xf32>,
      %parallel_loop3A_1103 = arith.constant 1 : i32
      %parallel_loop3A_1104 = arith.index_cast %parallel_loop3A_1103 : i32 to index
      %parallel_loop3A_1105 = arith.index_cast %parallel_loop3A_1008 : i32 to index
      %parallel_loop3A_1106 = arith.constant 128 : index
      %parallel_loop3A_1107 = tpu.vector_load %arg10[%parallel_loop3A_1104, %parallel_loop3A_1105, %parallel_loop3A_1106] {strides = array<i32>} : memref<2x64x200xf32, #tpu.memory_space<vmem>>, vector<16xf32>,
      tpu.vector_store %arg10[%parallel_loop3A_1104, %parallel_loop3A_1105, %parallel_loop3A_1106], %parallel_loop3A_1102 {strides = array<i32>} : memref<2x64x200xf32, #tpu.memory_space<vmem>>, vector<16xf32>,
      %parallel_loop3A_1108 = arith.constant 1 : i32
      %parallel_loop3A_1109 = arith.index_cast %parallel_loop3A_1108 : i32 to index
      %parallel_loop3A_1110 = arith.index_cast %parallel_loop3A_1008 : i32 to index
      %parallel_loop3A_1111 = arith.constant 144 : index
      %parallel_loop3A_1112 = tpu.vector_load %arg9[%parallel_loop3A_1109, %parallel_loop3A_1110, %parallel_loop3A_1111] {strides = array<i32>} : memref<2x64x200xi32, #tpu.memory_space<vmem>>, vector<16xi32>,
      %parallel_loop3A_1113 = tpu.vector_load_idx %arg8[%parallel_loop3A_1112] : memref<128xf32, #tpu.memory_space<vmem>>[vector<16xi32>], vector<16xf32>,
      %parallel_loop3A_1114 = arith.constant 1 : i32
      %parallel_loop3A_1115 = arith.index_cast %parallel_loop3A_1114 : i32 to index
      %parallel_loop3A_1116 = arith.index_cast %parallel_loop3A_1008 : i32 to index
      %parallel_loop3A_1117 = arith.constant 144 : index
      %parallel_loop3A_1118 = tpu.vector_load %arg10[%parallel_loop3A_1115, %parallel_loop3A_1116, %parallel_loop3A_1117] {strides = array<i32>} : memref<2x64x200xf32, #tpu.memory_space<vmem>>, vector<16xf32>,
      tpu.vector_store %arg10[%parallel_loop3A_1115, %parallel_loop3A_1116, %parallel_loop3A_1117], %parallel_loop3A_1113 {strides = array<i32>} : memref<2x64x200xf32, #tpu.memory_space<vmem>>, vector<16xf32>,
      %parallel_loop3A_1119 = arith.constant 1 : i32
      %parallel_loop3A_1120 = arith.index_cast %parallel_loop3A_1119 : i32 to index
      %parallel_loop3A_1121 = arith.index_cast %parallel_loop3A_1008 : i32 to index
      %parallel_loop3A_1122 = arith.constant 160 : index
      %parallel_loop3A_1123 = tpu.vector_load %arg9[%parallel_loop3A_1120, %parallel_loop3A_1121, %parallel_loop3A_1122] {strides = array<i32>} : memref<2x64x200xi32, #tpu.memory_space<vmem>>, vector<16xi32>,
      %parallel_loop3A_1124 = tpu.vector_load_idx %arg8[%parallel_loop3A_1123] : memref<128xf32, #tpu.memory_space<vmem>>[vector<16xi32>], vector<16xf32>,
      %parallel_loop3A_1125 = arith.constant 1 : i32
      %parallel_loop3A_1126 = arith.index_cast %parallel_loop3A_1125 : i32 to index
      %parallel_loop3A_1127 = arith.index_cast %parallel_loop3A_1008 : i32 to index
      %parallel_loop3A_1128 = arith.constant 160 : index
      %parallel_loop3A_1129 = tpu.vector_load %arg10[%parallel_loop3A_1126, %parallel_loop3A_1127, %parallel_loop3A_1128] {strides = array<i32>} : memref<2x64x200xf32, #tpu.memory_space<vmem>>, vector<16xf32>,
      tpu.vector_store %arg10[%parallel_loop3A_1126, %parallel_loop3A_1127, %parallel_loop3A_1128], %parallel_loop3A_1124 {strides = array<i32>} : memref<2x64x200xf32, #tpu.memory_space<vmem>>, vector<16xf32>,
      %parallel_loop3A_1130 = arith.constant 1 : i32
      %parallel_loop3A_1131 = arith.index_cast %parallel_loop3A_1130 : i32 to index
      %parallel_loop3A_1132 = arith.index_cast %parallel_loop3A_1008 : i32 to index
      %parallel_loop3A_1133 = arith.constant 176 : index
      %parallel_loop3A_1134 = tpu.vector_load %arg9[%parallel_loop3A_1131, %parallel_loop3A_1132, %parallel_loop3A_1133] {strides = array<i32>} : memref<2x64x200xi32, #tpu.memory_space<vmem>>, vector<16xi32>,
      %parallel_loop3A_1135 = tpu.vector_load_idx %arg8[%parallel_loop3A_1134] : memref<128xf32, #tpu.memory_space<vmem>>[vector<16xi32>], vector<16xf32>,
      %parallel_loop3A_1136 = arith.constant 1 : i32
      %parallel_loop3A_1137 = arith.index_cast %parallel_loop3A_1136 : i32 to index
      %parallel_loop3A_1138 = arith.index_cast %parallel_loop3A_1008 : i32 to index
      %parallel_loop3A_1139 = arith.constant 176 : index
      %parallel_loop3A_1140 = tpu.vector_load %arg10[%parallel_loop3A_1137, %parallel_loop3A_1138, %parallel_loop3A_1139] {strides = array<i32>} : memref<2x64x200xf32, #tpu.memory_space<vmem>>, vector<16xf32>,
      tpu.vector_store %arg10[%parallel_loop3A_1137, %parallel_loop3A_1138, %parallel_loop3A_1139], %parallel_loop3A_1135 {strides = array<i32>} : memref<2x64x200xf32, #tpu.memory_space<vmem>>, vector<16xf32>,
      %parallel_loop3A_1141 = arith.constant 1 : i32
      %parallel_loop3A_1142 = arith.index_cast %parallel_loop3A_1141 : i32 to index
      %parallel_loop3A_1143 = arith.index_cast %parallel_loop3A_1008 : i32 to index
      %parallel_loop3A_1144 = arith.constant 184 : index
      %parallel_loop3A_1145 = tpu.vector_load %arg9[%parallel_loop3A_1142, %parallel_loop3A_1143, %parallel_loop3A_1144] {strides = array<i32>} : memref<2x64x200xi32, #tpu.memory_space<vmem>>, vector<16xi32>,
      %parallel_loop3A_1146 = tpu.vector_load_idx %arg8[%parallel_loop3A_1145] : memref<128xf32, #tpu.memory_space<vmem>>[vector<16xi32>], vector<16xf32>,
      %parallel_loop3A_1147 = arith.constant 1 : i32
      %parallel_loop3A_1148 = arith.index_cast %parallel_loop3A_1147 : i32 to index
      %parallel_loop3A_1149 = arith.index_cast %parallel_loop3A_1008 : i32 to index
      %parallel_loop3A_1150 = arith.constant 184 : index
      %parallel_loop3A_1151 = tpu.vector_load %arg10[%parallel_loop3A_1148, %parallel_loop3A_1149, %parallel_loop3A_1150] {strides = array<i32>} : memref<2x64x200xf32, #tpu.memory_space<vmem>>, vector<16xf32>,
      tpu.vector_store %arg10[%parallel_loop3A_1148, %parallel_loop3A_1149, %parallel_loop3A_1150], %parallel_loop3A_1146 {strides = array<i32>} : memref<2x64x200xf32, #tpu.memory_space<vmem>>, vector<16xf32>,
    } {sc.loop_unroll_factor = 2 : i64, sc.parallel_access}
    %add3A_967 = arith.constant 448 : i32
    %add3A_968 = arith.addi %mul3A_2, %add3A_967 : i32
    %dma_start3A_969 = arith.constant 1 : i32
    %dma_start3A_970 = arith.constant 0 : i32
    %dma_start3A_971 = arith.constant 0 : i32
    %dma_start3A_972 = tpu.memref_slice %arg10[%dma_start3A_969, %dma_start3A_970, %dma_start3A_971] : memref<2x64x200xf32, #tpu.memory_space<vmem>> -> memref<1x64x200xf32, #tpu.memory_space<vmem>>
    %dma_start3A_973 = tpu.memref_squeeze %dma_start3A_972 : memref<1x64x200xf32, #tpu.memory_space<vmem>> -> memref<64x200xf32, #tpu.memory_space<vmem>>
    %dma_start3A_974 = arith.constant 0 : i32
    %dma_start3A_975 = tpu.memref_slice %arg5[%add3A_968, %dma_start3A_974] : memref<16384x200xf32, #tpu.memory_space<hbm>> -> memref<64x200xf32, #tpu.memory_space<hbm>>
    %dma_start3A_976 = arith.constant 0 : i32
    %dma_start3A_977 = tpu.memref_slice %arg5[%add3A_968, %dma_start3A_976] : memref<16384x200xf32, #tpu.memory_space<hbm>> -> memref<64x200xf32, #tpu.memory_space<hbm>>
    %dma_start3A_978 = arith.constant 0 : i32
    %dma_start3A_979 = arith.constant 0 : i32
    %dma_start3A_980 = tpu.memref_slice %arg10[%dma_start3A_969, %dma_start3A_978, %dma_start3A_979] : memref<2x64x200xf32, #tpu.memory_space<vmem>> -> memref<1x64x200xf32, #tpu.memory_space<vmem>>
    %dma_start3A_981 = tpu.memref_squeeze %dma_start3A_980 : memref<1x64x200xf32, #tpu.memory_space<vmem>> -> memref<64x200xf32, #tpu.memory_space<vmem>>
    tpu.enqueue_dma source(%dma_start3A_981 : memref<64x200xf32, #tpu.memory_space<vmem>>) target(%dma_start3A_977 : memref<64x200xf32, #tpu.memory_space<hbm>>) target_semaphore(%arg14 : memref<!tpu.dma_semaphore, #tpu.memory_space<semaphore_mem>>)
    %dma_wait3A_982 = arith.constant 0 : i32
    %dma_wait3A_983 = arith.constant 0 : i32
    %dma_wait3A_984 = arith.constant 0 : i32
    %dma_wait3A_985 = tpu.memref_slice %arg10[%dma_wait3A_982, %dma_wait3A_983, %dma_wait3A_984] : memref<2x64x200xf32, #tpu.memory_space<vmem>> -> memref<1x64x200xf32, #tpu.memory_space<vmem>>
    %dma_wait3A_986 = tpu.memref_squeeze %dma_wait3A_985 : memref<1x64x200xf32, #tpu.memory_space<vmem>> -> memref<64x200xf32, #tpu.memory_space<vmem>>
    %dma_wait3A_987 = arith.constant 0 : i32
    %dma_wait3A_988 = tpu.memref_slice %arg5[%add3A_924, %dma_wait3A_987] : memref<16384x200xf32, #tpu.memory_space<hbm>> -> memref<64x200xf32, #tpu.memory_space<hbm>>
    %dma_wait3A_989 = arith.constant 0 : i32
    %dma_wait3A_990 = tpu.memref_slice %arg5[%add3A_924, %dma_wait3A_989] : memref<16384x200xf32, #tpu.memory_space<hbm>> -> memref<64x200xf32, #tpu.memory_space<hbm>>
    %dma_wait3A_991 = arith.constant 0 : i32
    %dma_wait3A_992 = arith.constant 0 : i32
    %dma_wait3A_993 = tpu.memref_slice %arg10[%dma_wait3A_982, %dma_wait3A_991, %dma_wait3A_992] : memref<2x64x200xf32, #tpu.memory_space<vmem>> -> memref<1x64x200xf32, #tpu.memory_space<vmem>>
    %dma_wait3A_994 = tpu.memref_squeeze %dma_wait3A_993 : memref<1x64x200xf32, #tpu.memory_space<vmem>> -> memref<64x200xf32, #tpu.memory_space<vmem>>
    tpu.wait_dma2 semaphore(%arg13 : memref<!tpu.dma_semaphore, #tpu.memory_space<semaphore_mem>>) src(%dma_wait3A_994 : memref<64x200xf32, #tpu.memory_space<vmem>>) dst(%dma_wait3A_990 : memref<64x200xf32, #tpu.memory_space<hbm>>)
    %dma_wait3A_995 = arith.constant 1 : i32
    %dma_wait3A_996 = arith.constant 0 : i32
    %dma_wait3A_997 = arith.constant 0 : i32
    %dma_wait3A_998 = tpu.memref_slice %arg10[%dma_wait3A_995, %dma_wait3A_996, %dma_wait3A_997] : memref<2x64x200xf32, #tpu.memory_space<vmem>> -> memref<1x64x200xf32, #tpu.memory_space<vmem>>
    %dma_wait3A_999 = tpu.memref_squeeze %dma_wait3A_998 : memref<1x64x200xf32, #tpu.memory_space<vmem>> -> memref<64x200xf32, #tpu.memory_space<vmem>>
    %dma_wait3A_1000 = arith.constant 0 : i32
    %dma_wait3A_1001 = tpu.memref_slice %arg5[%add3A_968, %dma_wait3A_1000] : memref<16384x200xf32, #tpu.memory_space<hbm>> -> memref<64x200xf32, #tpu.memory_space<hbm>>
    %dma_wait3A_1002 = arith.constant 0 : i32
    %dma_wait3A_1003 = tpu.memref_slice %arg5[%add3A_968, %dma_wait3A_1002] : memref<16384x200xf32, #tpu.memory_space<hbm>> -> memref<64x200xf32, #tpu.memory_space<hbm>>
    %dma_wait3A_1004 = arith.constant 0 : i32
    %dma_wait3A_1005 = arith.constant 0 : i32
    %dma_wait3A_1006 = tpu.memref_slice %arg10[%dma_wait3A_995, %dma_wait3A_1004, %dma_wait3A_1005] : memref<2x64x200xf32, #tpu.memory_space<vmem>> -> memref<1x64x200xf32, #tpu.memory_space<vmem>>
    %dma_wait3A_1007 = tpu.memref_squeeze %dma_wait3A_1006 : memref<1x64x200xf32, #tpu.memory_space<vmem>> -> memref<64x200xf32, #tpu.memory_space<vmem>>
    tpu.wait_dma2 semaphore(%arg14 : memref<!tpu.dma_semaphore, #tpu.memory_space<semaphore_mem>>) src(%dma_wait3A_1007 : memref<64x200xf32, #tpu.memory_space<vmem>>) dst(%dma_wait3A_1003 : memref<64x200xf32, #tpu.memory_space<hbm>>)
    return
  }
}

</mosaic_0001>

<sc_bundles>
// kernel: _gather_project.3.cloned.1.call-start
scs
__scs_entry_jumppad:
0x0: {  	(pc) =	sbr.rel $0x88, $3  }
0x1: {  	(tag) =	ssettag $0x0;
	lr =	simm.s32 $0x1  }
0x2: {  	[smem:$0x3F9E] =	sst lr;
	_ =	strace $0xD0000000  }
0x3: {  	_ = 	snop  }
0x4: {  	_ = 	snop  }
0x5: {  	_ = 	snop  }
0x6: {  	_ = 	snop  }
0x7: {  	_ = 	snop  }
__scs_overlays_trampoline_lowered:
0x8: {  	[smem:$0x3FAD] =	sst s0  }
0x9: {  	[smem:$0x3FAE] =	sst s1  }
0xa: {  	[smem:$0x3FAF] =	sst s2  }
0xb: {  	[smem:$0x3FB0] =	sst s3  }
0xc: {  	[smem:$0x3FB1] =	sst s4  }
0xd: {  	[smem:$0x3FB2] =	sst s5  }
0xe: {  	[smem:$0x3FB3] =	sst s6  }
0xf: {  	[smem:$0x3FB4] =	sst s7  }
0x10: {  	[smem:$0x3FB5] =	sst s8  }
0x11: {  	[smem:$0x3FB6] =	sst s9;
	s0 =	simm.s32 @!p0 $0x0  }
0x12: {  	s1 =	sld [smem:$0x3F9C];
	s0 =	simm.s32 @p0 $0x1  }
0x13: {  	[smem:$0x3FB7] =	sst s0;
	s0 =	simm.s32 @!p1 $0x0  }
0x14: {  	s2 =	sld [smem:$0x3F9B];
	s0 =	simm.s32 @p1 $0x1  }
0x15: {  	[smem:$0x3FB8] =	sst s0;
	s0 =	simm.s32 @!p2 $0x0  }
0x16: {  	s3 =	sld [smem:$0x3FDB];
	s0 =	simm.s32 @p2 $0x1  }
0x17: {  	s4 =	simm.s32 $0x1BF5;
	[smem:$0x3FBA] =	sst s0  }
0x18: {  	s0 =	sld [smem:$0x3F9D];
	_ =	swait.ge [sflag:s4], $0x0  }
0x19: {  	s7 =	sld [smem:$0x3F9E]  }
0x1a: {  	s8 =	sadd.s32 $0xFFFFE003, lr  }
0x1b: {  	s9 =	sadd.s32 $0xFFFFFEF7, lr;
	s5 =	simm.s32 $0xFFFFFFFF;
	p2 =	slt.u32 s8, $0xFFFFF086  }
0x1c: {  	p1 =	slt.u32 s9, $0xF7A;
	s5 =	simm.s32 @!p2 $0x0  }
0x1d: {  	s5 =	simm.s32 @p1 $0x1;
	p0 =	seq.s32 s7, s2  }
0x1e: {  	s7 =	smul.u32 @!p0 $0xF7A, s2;
	p2 =	seq.s32 @!p0 s5, $0x0  }
0x1f: {  	s9 =	smul.u32 $0xF7A, s1;
	s8 =	simm.s32 @!p0 $0x1BF5;
	p2 =	por !p2, p0  }
0x20: {  	[sflag:s8] =	ssyncset.s32 @!p0 $0xFFFFF086;
	s6 =	sadd.s32 @!p0 s3, s7;
	s7 =	simm.s32 @!p0 $0x108  }
0x21: {  	s3 =	sadd.s32 s3, s9;
	s6 =	sadd.s32 @!p0 $0x88, s6;
	s7 =	simm.s32 @p2 $0x1082  }
0x22: {  	[simem:s7], [sflag:s8] =	dma.local @!p0 [hbm:s6], $0xF7A  }
0x23: {  	s9 =	sor.u32 $0xD0000000, s2;
	s6 =	simm.s32 $0x108;
	_ =	swait.ge @!p0 [sflag:s8], $0x0  }
0x24: {  	s3 =	sadd.s32 $0x88, s3;
	s6 =	simm.s32 @!p1 $0x1082;
	[sflag:s4] =	ssyncset.s32 $0xFFFFF086  }
0x25: {  	[simem:s6], [sflag:s4] =	dma.local [hbm:s3], $0xF7A  }
0x26: {  	[smem:$0x3F9E] =	sst s1;
	(tag) =	ssettag s2;
	_ =	strace s9  }
0x27: {  	s1 =	sld [smem:$0x3FAE]  }
0x28: {  	s2 =	sld [smem:$0x3FAF]  }
0x29: {  	s4 =	sld [smem:$0x3FB1]  }
0x2a: {  	p0 =	seq.s32 s5, $0x0;
	s5 =	sld [smem:$0x3FB2]  }
0x2b: {  	s6 =	sld [smem:$0x3FB3]  }
0x2c: {  	s7 =	sld [smem:$0x3FB4]  }
0x2d: {  	s3 =	simm.s32 $0x108;
	s8 =	sld [smem:$0x3FB5]  }
0x2e: {  	s3 =	simm.s32 @!p0 $0x1082;
	s9 =	sld [smem:$0x3FB6]  }
0x2f: {  	lr =	sadd.s32 s0, s3;
	s0 =	sld [smem:$0x3FAD]  }
0x30: {  	s3 =	sld [smem:$0x3FB0]  }
0x31: {  	[smem:$0x3FB9] =	sst s10  }
0x32: {  	s10 =	sld [smem:$0x3FB7];
	_ =	sdelay $0x3  }
0x33: {  	p0 =	seq.s32 s10, $0x1;
	s10 =	sld [smem:$0x3FB9];
	_ =	sdelay $0x3  }
0x34: {  	[smem:$0x3FB9] =	sst s10  }
0x35: {  	s10 =	sld [smem:$0x3FB8];
	_ =	sdelay $0x3  }
0x36: {  	p1 =	seq.s32 s10, $0x1;
	s10 =	sld [smem:$0x3FB9];
	_ =	sdelay $0x3  }
0x37: {  	[smem:$0x3FB9] =	sst s10  }
0x38: {  	s10 =	sld [smem:$0x3FBA]  }
0x39: {  	_ = 	snop;
	(pc) =	sbr.ind lr, $3  }
0x3a: {  	_ = 	snop  }
0x3b: {  	_ = 	snop  }
0x3c: {  	p2 =	seq.s32 s10, $0x1;
	s10 =	sld [smem:$0x3FB9]  }
0x3d: {  	_ =	shalt  }
0x3e: {  	_ =	shalt  }
0x3f: {  	_ =	shalt  }
0x40: {  	_ =	shalt  }
0x41: {  	_ =	shalt  }
0x42: {  	_ =	shalt  }
0x43: {  	_ =	shalt  }
0x44: {  	_ =	shalt  }
0x45: {  	_ =	shalt  }
0x46: {  	_ =	shalt  }
0x47: {  	_ =	shalt  }
0x48: {  	_ =	shalt  }
0x49: {  	_ =	shalt  }
0x4a: {  	_ =	shalt  }
0x4b: {  	_ =	shalt  }
0x4c: {  	_ =	shalt  }
0x4d: {  	_ =	shalt  }
0x4e: {  	_ =	shalt  }
0x4f: {  	_ =	shalt  }
0x50: {  	_ =	shalt  }
0x51: {  	_ =	shalt  }
0x52: {  	_ =	shalt  }
0x53: {  	_ =	shalt  }
0x54: {  	_ =	shalt  }
0x55: {  	_ =	shalt  }
0x56: {  	_ =	shalt  }
0x57: {  	_ =	shalt  }
0x58: {  	_ =	shalt  }
0x59: {  	_ =	shalt  }
0x5a: {  	_ =	shalt  }
0x5b: {  	_ =	shalt  }
0x5c: {  	_ =	shalt  }
0x5d: {  	_ =	shalt  }
0x5e: {  	_ =	shalt  }
0x5f: {  	_ =	shalt  }
0x60: {  	_ =	shalt  }
0x61: {  	_ =	shalt  }
0x62: {  	_ =	shalt  }
0x63: {  	_ =	shalt  }
0x64: {  	_ =	shalt  }
0x65: {  	_ =	shalt  }
0x66: {  	_ =	shalt  }
0x67: {  	_ =	shalt  }
0x68: {  	_ =	shalt  }
0x69: {  	_ =	shalt  }
0x6a: {  	_ =	shalt  }
0x6b: {  	_ =	shalt  }
0x6c: {  	_ =	shalt  }
0x6d: {  	_ =	shalt  }
0x6e: {  	_ =	shalt  }
0x6f: {  	_ =	shalt  }
0x70: {  	_ =	shalt  }
0x71: {  	_ =	shalt  }
0x72: {  	_ =	shalt  }
0x73: {  	_ =	shalt  }
0x74: {  	_ =	shalt  }
0x75: {  	_ =	shalt  }
0x76: {  	_ =	shalt  }
0x77: {  	_ =	shalt  }
0x78: {  	_ =	shalt  }
0x79: {  	_ =	shalt  }
0x7a: {  	_ =	shalt  }
0x7b: {  	_ =	shalt  }
0x7c: {  	_ =	shalt  }
0x7d: {  	_ =	shalt  }
0x7e: {  	_ =	shalt  }
0x7f: {  	_ =	shalt  }
0x80: {  	_ =	shalt  }
0x81: {  	_ =	shalt  }
0x82: {  	_ =	shalt  }
0x83: {  	_ =	shalt  }
0x84: {  	_ =	shalt  }
0x85: {  	_ =	shalt  }
0x86: {  	_ =	shalt  }
0x87: {  	_ =	shalt  }
.Lfunc_end0:
.L_simem_size_0:
called_computation_lowered:
.L_overlay_start_0:
0x88: {  	s2 =	sld [smem:$0x3FD9]  }
0x89: {  	s3 =	sld [smem:$0x3FFE];
	_ =	sdelay $0x1  }
0x8a: {  	s1 =	srdreg.scid  }
0x8b: {  	s0 =	sand.u32 $0x1, s1  }
0x8c: {  	s17 =	sshll.u32 s0, $0xA;
	s2 =	sadd.s32 s3, s2  }
0x8d: {  	s2 =	sadd.s32 s2, s17  }
0x8e: {  	[smem:$0x3FC5] =	sst s2  }
0x8f: {  	_ = 	snop  }
0x90: {  	s2 =	sld [smem:$0x3FC9]  }
0x91: {  	s18 =	sld [smem:$0x3FC8];
	(tm) =	ssettm $0x1  }
0x92: {  	s4 =	sld [smem:$0x3FFB];
	_ =	sdelay $0x3  }
0x93: {  	_ =	strace s4  }
0x94: {  	s4 =	sld [smem:$0x3FFC];
	_ =	sdelay $0x3  }
0x95: {  	_ =	strace s4  }
0x96: {  	s4 =	sld [smem:$0x3FFD];
	_ =	sdelay $0x3  }
0x97: {  	_ =	strace s4  }
0x98: {  	_ =	strace $0x8FFFFFFF  }
0x99: {  	s19 =	sld [smem:$0x3FDB];
	_ =	sdelay $0x1  }
0x9a: {  	s5 =	simm.s32 $_scs_section_size  }
0x9b: {  	s6 =	simm.s32 $_size__tile_overlayer_lowered;
	s7 =	simm.s32 $_tile_overlayer_lowered  }
0x9c: {  	s22 =	simm.s32 $0x1BFF;
	s21 =	sshll.u32 s7, $0x1;
	s4 =	sadd.s32 s5, s19  }
0x9d: {  	s8 =	simm.s32 $0x0;
	s20 =	sshll.u32 s6, $0x1;
	s6 =	sadd.s32 s21, s4  }
0x9e: {  	[timem:s8], [sflag:s22] =	dma.local [hbm:s6], s20  }
0x9f: {  	_ =	swait.ge [sflag:s22], s20  }
0xa0: {  	s5 =	ssub.s32 $0x0, s20;
	[sflag:s22] =	ssyncset.done $0x0  }
0xa1: {  	[sflag:s22] =	ssyncadd.s32 s5;
	_ =	sdelay $0x1  }
0xa2: {  	s23 =	simm.s32 $0x1B8B  }
0xa3: {  	_ =	swait.ge [sflag:s23], $0x1  }
0xa4: {  	[sflag:s23] =	ssyncset.done $0x0  }
0xa5: {  	s25 =	simm.s32 $0x1B8E;
	s24 =	sld [smem:$0x3FFE];
	[sflag:s23] =	ssyncadd.s32 $0xFFFFFFFF  }
0xa6: {  	s26 =	simm.s32 $execute0_lowered;
	[smem:$0x3FD2] =	sst s25  }
0xa7: {  	s6 =	sshll.u32 s26, $0x1;
	_ =	strace $0x80000046;
	[dreg:$0x1] =	wrdreg $0xFFFFFFFF  }
0xa8: {  	s28 =	simm.s32 $_size_execute0_lowered;
	s4 =	sadd.s32 s4, s6;
	[dreg:$0x0] =	wrdreg $0x0  }
0xa9: {  	s6 =	sshll.u32 s28, $0x1;
	[dreg:$0x2] =	wrdreg s4  }
0xaa: {  	[dreg:$0x3] =	wrdreg s6  }
0xab: {  	[dreg:$0x4] =	wrdreg $0xC0  }
0xac: {  	_ =	task [dreg:s8], $0x5FFFF  }
0xad: {  	[dreg:$0x1] =	wrdreg $0xFFFFFFFF  }
0xae: {  	[dreg:$0x0] =	wrdreg $0x60  }
0xaf: {  	[dreg:$0x2] =	wrdreg s2  }
0xb0: {  	[dreg:$0x3] =	wrdreg s18  }
0xb1: {  	[dreg:$0x4] =	wrdreg s24  }
0xb2: {  	[dreg:$0x5] =	wrdreg $0x9  }
0xb3: {  	_ =	task.clear_ibuf [dreg:s8], $0x6FFFF;
	_ =	strace $0x90000046  }
0xb4: {  	s29 =	simm.s32 $0x9;
	_ =	strace $0x80000048  }
0xb5: {  	_ =	swait.ge [sflag:s29], $0x1  }
0xb6: {  	[sflag:s29] =	ssyncadd.s32 $0xFFFFFFFF  }
0xb7: {  	_ =	strace $0x90000048  }
0xb8: {  	_ =	sfence  }
0xb9: {  	s30 =	sld [smem:$0x0];
	_ =	sdelay $0x2  }
0xba: {  	s31 =	sshll.u32 s1, $0xD;
	s1 =	sshrl.u32 s1, $0x2  }
0xbb: {  	s3 =	sand.u32 $0x4000, s31;
	s1 =	sadd.s32 s1, s30  }
0xbc: {  	s0 =	sor.u32 s3, s0;
	s1 =	sshll.u32 s1, $0x11  }
0xbd: {  	s0 =	sor.u32 s1, s0  }
0xbe: {  	s0 =	sadd.s32 $0x8F2B, s0  }
0xbf: {  	[sflag:s0] =	ssyncadd.remote.s32 $0x1  }
0xc0: {  	_ =	sfence.sel $0xFFFF  }
0xc1: {  	[dreg:$0x0] =	wrdreg $0xFFFFFFFF;
	(pc) =	sbr.abs _section_cstart, $3  }
0xc2: {  	[dreg:$0x1] =	wrdreg $0xFFFFFFFF  }
0xc3: {  	_ =	task.clear_ibuf [dreg:s8], $0x2FFFF;
	_ =	strace $0x9FFFFFFF  }
0xc4: {  	(tm) =	ssettm $0x7FFFFFFF  }
0xc5: {  	_ =	shalt  }
tec
execute0_lowered:
.L_overlay_start_1:
0x0: {  	(tag) =	ssettag $0x1  }
0x1: {  	s0 =	rddreg [dreg:$0x2];
	s4 =	simm.s32 $0x0;
	s1 =	srdreg.scid  }
0x2: {  	s2 =	stileid.u32;
	s28 =	simm.s32 $0x1000;
	s29 =	simm.s32 $0x9080  }
0x3: {  	s30 =	simm.s32 $0x2;
	s31 =	simm.s32 $0xD080;
	[smem:$0x7FF] =	sst s4  }
0x4: {  	s1 =	sand.u32 $0x1, s1;
	s2 =	sshll.u32 s2, $0xF;
	s5 =	sadd.s32 $0x400, s0  }
0x5: {  	s0 =	sadd.s32 $0x80400, s0;
	s3 =	sshll.u32 s1, $0xE;
	s1 =	ssub.s32 $0x2, s1  }
0x6: {  	_ =	strace $0x80000047;
	s2 =	sor.u32 s3, s2;
	s18 =	sshrl.u32 s1, $0x1  }
0x7: {  	s6 =	sor.u32 $0x800, s2;
	s1 =	ssub.s32 s1, s18;
	s19 =	sadd.s32 s5, s2  }
0x8: {  	s21 =	sadd.s32 s0, s2;
	s22 =	sor.u32 $0x1000, s2;
	s7 =	sor.u32 $0x1800, s2  }
0x9: {  	s24 =	sor.u32 $0x2000, s2;
	s25 =	sor.u32 $0x2800, s2;
	s26 =	sor.u32 $0x3000, s2  }
0xa: {  	s2 =	sor.u32 $0x3800, s2;
	[dreg:$0x4] =	wrdreg s19;
	s20 =	sadd.s32 s5, s6  }
0xb: {  	[dreg:$0x6] =	wrdreg s21;
	s8 =	sadd.s32 s5, s22;
	s6 =	sadd.s32 s0, s6  }
0xc: {  	s23 =	sadd.s32 s5, s7;
	s3 =	sadd.s32 s0, s22;
	s12 =	sadd.s32 s5, s24  }
0xd: {  	s13 =	sadd.s32 s0, s7;
	s14 =	sadd.s32 s5, s25;
	s15 =	sadd.s32 s0, s24  }
0xe: {  	s16 =	sadd.s32 s5, s26;
	s17 =	sadd.s32 s0, s25;
	[dreg:$0x5] =	wrdreg s20  }
0xf: {  	s18 =	sadd.s32 s5, s2;
	s19 =	sadd.s32 s0, s26;
	[dreg:$0x7] =	wrdreg s8  }
0x10: {  	s21 =	smax.u32 s1, $0x1;
	s22 =	simm.s32 $0x1080;
	[dreg:$0x8] =	wrdreg s6  }
0x11: {  	s25 =	simm.s32 $0x5080;
	s26 =	simm.s32 $0x1;
	[dreg:$0x9] =	wrdreg s23  }
0x12: {  	s1 =	simm.s32 $0x0;
	[dreg:$0xa] =	wrdreg s3;
	s20 =	sadd.s32 s0, s2  }
0x13: {  	s23 =	simm.s32 $0x5;
	s0 =	simm.s32 $0x3;
	s3 =	simm.s32 $0x4  }
.LBB2_1:
0x14: {  	s2 =	rddreg [dreg:$0x4]  }
0x15: {  	[tilespmem:s22], [sflag:$0x1] =	stream.linear.gather [hbm4b:s2+s4], $0x4000, $0x38;
	[tilespmem:$0x11080] =	vst v63  }
0x16: {  	s11 =	rddreg [dreg:$0x0]  }
0x17: {  	[tilespmem:s4], [sflag:$0x5] =	stream.linear.gather [hbm4b:s11+s4], $0x500, $0x38;
	[tilespmem:$0x11080] =	vst v63  }
0x18: {  	_ =	swait.ge [sflag:s23], $0x500  }
0x19: {  	[sflag:s23] =	ssyncset.done $0x0  }
0x1a: {  	[sflag:s23] =	ssyncadd.s32 $0xFFFFFB00  }
0x1b: {  	s5 =	simm.s32 $0x800;
	s24 =	rddreg [dreg:$0x1]  }
0x1c: {  	[tilespmem:s5], [sflag:$0x5] =	stream.linear.gather [hbm4b:s24+s4], $0x580, $0x38;
	[tilespmem:$0x11080] =	vst v63  }
0x1d: {  	_ =	swait.ge [sflag:s23], $0x580  }
0x1e: {  	[sflag:s23] =	ssyncset.done $0x0  }
0x1f: {  	[sflag:s23] =	ssyncadd.s32 $0xFFFFFA80  }
0x20: {  	v8 =	vld [tilespmem:$0xD00]  }
0x21: {  	v10 =	vld [tilespmem:$0x800]  }
0x22: {  	v9 =	vld [tilespmem:$0x880]  }
0x23: {  	v7 =	vld [tilespmem:$0x900]  }
0x24: {  	v6 =	vld [tilespmem:$0x980]  }
0x25: {  	v5 =	vld [tilespmem:$0xA00]  }
0x26: {  	v4 =	vld [tilespmem:$0xA80]  }
0x27: {  	v3 =	vld [tilespmem:$0xB00]  }
0x28: {  	v2 =	vld [tilespmem:$0xB80]  }
0x29: {  	v1 =	vld [tilespmem:$0xC00]  }
0x2a: {  	v0 =	vld [tilespmem:$0xC80]  }
0x2b: {  	v11 =	vld [tilespmem:$0x0]  }
0x2c: {  	v12 =	vld [tilespmem:$0x80]  }
0x2d: {  	v13 =	vld [tilespmem:$0x100]  }
0x2e: {  	v14 =	vld [tilespmem:$0x180]  }
0x2f: {  	v15 =	vld [tilespmem:$0x200]  }
0x30: {  	v16 =	vld [tilespmem:$0x280]  }
0x31: {  	v17 =	vld [tilespmem:$0x300]  }
0x32: {  	v18 =	vld [tilespmem:$0x380]  }
0x33: {  	v19 =	vld [tilespmem:$0x400]  }
0x34: {  	v20 =	vld [tilespmem:$0x480]  }
0x35: {  	v21 =	vld [tilespmem:$0x10]  }
0x36: {  	v22 =	vld [tilespmem:$0x90]  }
0x37: {  	v23 =	vld [tilespmem:$0x110]  }
0x38: {  	v24 =	vld [tilespmem:$0x190]  }
0x39: {  	v25 =	vld [tilespmem:$0x210]  }
0x3a: {  	v26 =	vld [tilespmem:$0x290]  }
0x3b: {  	v27 =	vld [tilespmem:$0x310]  }
0x3c: {  	v28 =	vld [tilespmem:$0x390]  }
0x3d: {  	v29 =	vld [tilespmem:$0x410]  }
0x3e: {  	v30 =	vld [tilespmem:$0x490]  }
0x3f: {  	v31 =	vld [tilespmem:$0x20]  }
0x40: {  	v32 =	vld [tilespmem:$0xA0]  }
0x41: {  	v33 =	vld [tilespmem:$0x120]  }
0x42: {  	v34 =	vld [tilespmem:$0x1A0]  }
0x43: {  	v35 =	vld [tilespmem:$0x220]  }
0x44: {  	v36 =	vld [tilespmem:$0x2A0]  }
0x45: {  	v37 =	vld [tilespmem:$0x320]  }
0x46: {  	v38 =	vld [tilespmem:$0x3A0];
	v11 =	vmul.f32 v11, v10  }
0x47: {  	v39 =	vld [tilespmem:$0x420]  }
0x48: {  	v40 =	vld [tilespmem:$0x4A0];
	v12 =	vmul.f32 v12, v9;
	v11 =	vadd.f32 v11, v8  }
0x49: {  	v41 =	vld [tilespmem:$0xB0]  }
0x4a: {  	v56 =	vld [tilespmem:$0x1B0];
	v11 =	vadd.f32 v12, v11;
	v12 =	vmul.f32 v13, v7  }
0x4b: {  	v58 =	vld [tilespmem:$0x2B0]  }
0x4c: {  	v60 =	vld [tilespmem:$0x3B0];
	v11 =	vadd.f32 v12, v11;
	v12 =	vmul.f32 v14, v6  }
0x4d: {  	v62 =	vld [tilespmem:$0x40];
	v21 =	vmul.f32 v21, v10;
	v22 =	vmul.f32 v22, v9  }
0x4e: {  	v63 =	vld [tilespmem:$0xC0];
	v55 =	vmul.f32 v23, v7;
	v11 =	vadd.f32 v12, v11;
	v12 =	vmul.f32 v15, v5  }
0x4f: {  	v57 =	vmul.f32 v24, v6;
	v59 =	vmul.f32 v25, v5;
	v13 =	vld [tilespmem:$0x30]  }
0x50: {  	v42 =	vld [tilespmem:$0x140];
	v61 =	vmul.f32 v26, v4;
	v11 =	vadd.f32 v12, v11;
	v12 =	vmul.f32 v16, v4  }
0x51: {  	v45 =	vld [tilespmem:$0x240];
	v18 =	vmul.f32 v18, v2;
	v27 =	vmul.f32 v27, v3;
	v21 =	vadd.f32 v21, v8  }
0x52: {  	v50 =	vld [tilespmem:$0x50];
	v32 =	vmul.f32 v32, v9;
	v11 =	vadd.f32 v12, v11;
	v12 =	vmul.f32 v17, v3  }
0x53: {  	v44 =	vmul.f32 v33, v7;
	v19 =	vmul.f32 v19, v1;
	v21 =	vadd.f32 v22, v21;
	v14 =	vld [tilespmem:$0x130]  }
0x54: {  	v51 =	vld [tilespmem:$0xD0];
	v28 =	vmul.f32 v28, v2;
	v13 =	vmul.f32 v13, v10;
	v11 =	vadd.f32 v12, v11  }
0x55: {  	v53 =	vld [tilespmem:$0x150];
	v46 =	vmul.f32 v34, v6;
	v47 =	vmul.f32 v35, v5;
	v21 =	vadd.f32 v55, v21  }
0x56: {  	v26 =	vld [tilespmem:$0x4B0];
	v13 =	vadd.f32 v13, v8;
	v11 =	vadd.f32 v18, v11;
	v18 =	vmul.f32 v41, v9  }
0x57: {  	v20 =	vmul.f32 v20, v0;
	v48 =	vmul.f32 v29, v1;
	v15 =	vld [tilespmem:$0x230];
	v21 =	vadd.f32 v57, v21  }
0x58: {  	v33 =	vld [tilespmem:$0x340];
	v49 =	vmul.f32 v36, v4;
	v14 =	vmul.f32 v14, v7;
	v13 =	vadd.f32 v18, v13  }
0x59: {  	v52 =	vmul.f32 v37, v3;
	v54 =	vmul.f32 v30, v0;
	v36 =	vld [tilespmem:$0x450];
	v21 =	vadd.f32 v59, v21  }
0x5a: {  	v37 =	vld [tilespmem:$0x4D0];
	v40 =	vmul.f32 v40, v0;
	v13 =	vadd.f32 v14, v13;
	v14 =	vmul.f32 v56, v6  }
0x5b: {  	v43 =	vmul.f32 v45, v5;
	v22 =	vmul.f32 v63, v9;
	v16 =	vld [tilespmem:$0x330];
	v21 =	vadd.f32 v61, v21  }
0x5c: {  	v45 =	vld [tilespmem:$0xF0];
	v12 =	vmul.f32 v31, v10;
	v13 =	vadd.f32 v14, v13;
	v14 =	vmul.f32 v15, v5  }
0x5d: {  	v63 =	vmul.f32 v42, v7;
	v42 =	vld [tilespmem:$0x70];
	v26 =	vmul.f32 v26, v0;
	v21 =	vadd.f32 v27, v21  }
0x5e: {  	v17 =	vld [tilespmem:$0x430];
	v12 =	vadd.f32 v12, v8;
	v13 =	vadd.f32 v14, v13;
	v14 =	vmul.f32 v58, v4  }
0x5f: {  	v55 =	vmul.f32 v38, v2;
	v57 =	vld [tilespmem:$0x250];
	v61 =	vmul.f32 v39, v1;
	v21 =	vadd.f32 v28, v21  }
0x60: {  	v39 =	vld [tilespmem:$0x60];
	v12 =	vadd.f32 v32, v12;
	v13 =	vadd.f32 v14, v13;
	v14 =	vmul.f32 v16, v3  }
0x61: {  	v41 =	vld [tilespmem:$0x1C0];
	v11 =	vadd.f32 v19, v11;
	v21 =	vadd.f32 v48, v21;
	v56 =	vmul.f32 v62, v10  }
0x62: {  	v18 =	vld [tilespmem:$0x2C0];
	v12 =	vadd.f32 v44, v12;
	v13 =	vadd.f32 v14, v13;
	v14 =	vmul.f32 v60, v2  }
0x63: {  	v17 =	vmul.f32 v17, v1;
	v11 =	vadd.f32 v20, v11;
	v62 =	vld [tilespmem:$0x3D0];
	v59 =	vadd.f32 v56, v8  }
0x64: {  	v44 =	vld [tilespmem:$0xE0];
	v12 =	vadd.f32 v46, v12;
	v13 =	vadd.f32 v14, v13;
	v14 =	vmul.f32 v50, v10  }
0x65: {  	v23 =	vmul.f32 v39, v10;
	v21 =	vadd.f32 v54, v21;
	v22 =	vadd.f32 v22, v59;
	v16 =	vld [tilespmem:$0x1D0]  }
0x66: {  	v27 =	vld [tilespmem:$0x440];
	v20 =	vmul.f32 v51, v9;
	v12 =	vadd.f32 v47, v12;
	v14 =	vadd.f32 v14, v8  }
0x67: {  	v38 =	vmul.f32 v41, v6;
	v15 =	vld [tilespmem:$0x4C0];
	v13 =	vadd.f32 v17, v13;
	v17 =	vadd.f32 v63, v22  }
0x68: {  	v19 =	vld [tilespmem:$0x3C0];
	v41 =	vmul.f32 v53, v7;
	v18 =	vmul.f32 v18, v4;
	v14 =	vadd.f32 v20, v14  }
0x69: {  	v48 =	vld [tilespmem:$0x1E0];
	v54 =	vmul.f32 v62, v2;
	v12 =	vadd.f32 v49, v12;
	v17 =	vadd.f32 v38, v17  }
0x6a: {  	v58 =	vld [tilespmem:$0x2D0];
	v49 =	vmul.f32 v44, v9;
	v16 =	vmul.f32 v16, v6;
	v14 =	vadd.f32 v41, v14  }
0x6b: {  	v46 =	vld [tilespmem:$0x160];
	v9 =	vmul.f32 v45, v9;
	v12 =	vadd.f32 v52, v12;
	v17 =	vadd.f32 v43, v17  }
0x6c: {  	v47 =	vld [tilespmem:$0x170];
	v15 =	vmul.f32 v15, v0;
	v14 =	vadd.f32 v16, v14;
	v16 =	vmul.f32 v57, v5  }
0x6d: {  	v60 =	vld [tilespmem:$0x350];
	v12 =	vadd.f32 v55, v12;
	v10 =	vmul.f32 v42, v10;
	v17 =	vadd.f32 v18, v17  }
0x6e: {  	v50 =	vld [tilespmem:$0x1F0];
	v18 =	vmul.f32 v33, v3;
	v14 =	vadd.f32 v16, v14;
	v16 =	vadd.f32 v23, v8  }
0x6f: {  	v51 =	vld [tilespmem:$0x260];
	v12 =	vadd.f32 v61, v12;
	v8 =	vadd.f32 v10, v8;
	v10 =	vmul.f32 v58, v4  }
0x70: {  	v52 =	vld [tilespmem:$0x270];
	v17 =	vadd.f32 v18, v17;
	v18 =	vmul.f32 v46, v7;
	v16 =	vadd.f32 v49, v16  }
0x71: {  	v7 =	vmul.f32 v47, v7;
	v10 =	vadd.f32 v10, v14;
	v8 =	vadd.f32 v9, v8;
	v9 =	vld [tilespmem:$0x2E0]  }
0x72: {  	v14 =	vmul.f32 v19, v2;
	v19 =	vld [tilespmem:$0x2F0];
	v16 =	vadd.f32 v18, v16;
	v18 =	vmul.f32 v48, v6  }
0x73: {  	v53 =	vld [tilespmem:$0x360];
	v7 =	vadd.f32 v7, v8;
	v8 =	vmul.f32 v60, v3;
	v6 =	vmul.f32 v50, v6  }
0x74: {  	v14 =	vadd.f32 v14, v17;
	v17 =	vmul.f32 v51, v5;
	v16 =	vadd.f32 v18, v16;
	v18 =	vld [tilespmem:$0x370]  }
0x75: {  	v5 =	vmul.f32 v52, v5;
	v8 =	vadd.f32 v8, v10;
	v6 =	vadd.f32 v6, v7;
	v7 =	vld [tilespmem:$0x3E0]  }
0x76: {  	v10 =	vmul.f32 v27, v1;
	v9 =	vmul.f32 v9, v4;
	v16 =	vadd.f32 v17, v16;
	v17 =	vld [tilespmem:$0x3F0]  }
0x77: {  	v12 =	vadd.f32 v40, v12;
	v4 =	vmul.f32 v19, v4;
	v5 =	vadd.f32 v5, v6;
	v6 =	vld [tilespmem:$0x460]  }
0x78: {  	v10 =	vadd.f32 v10, v14;
	v14 =	vmul.f32 v53, v3;
	v9 =	vadd.f32 v9, v16;
	v16 =	vld [tilespmem:$0x470]  }
0x79: {  	v19 =	vld [tilespmem:$0x4E0];
	v8 =	vadd.f32 v54, v8;
	v4 =	vadd.f32 v4, v5;
	v3 =	vmul.f32 v18, v3  }
0x7a: {  	v5 =	vmul.f32 v36, v1;
	v7 =	vmul.f32 v7, v2;
	v9 =	vadd.f32 v14, v9;
	v14 =	vld [tilespmem:$0x4F0]  }
0x7b: {  	v13 =	vadd.f32 v26, v13;
	v3 =	vadd.f32 v3, v4;
	v2 =	vmul.f32 v17, v2  }
0x7c: {  	[tilespmem:$0x1000] =	vst v11;
	v4 =	vadd.f32 v5, v8;
	v6 =	vmul.f32 v6, v1;
	v5 =	vadd.f32 v7, v9  }
0x7d: {  	[tilespmem:$0x1010] =	vst v21;
	v7 =	vmul.f32 v37, v0;
	v2 =	vadd.f32 v2, v3;
	v1 =	vmul.f32 v16, v1  }
0x7e: {  	[tilespmem:$0x1020] =	vst v12;
	v3 =	vadd.f32 v15, v10;
	v5 =	vadd.f32 v6, v5;
	v6 =	vmul.f32 v19, v0  }
0x7f: {  	[tilespmem:$0x1030] =	vst v13;
	v4 =	vadd.f32 v7, v4;
	v1 =	vadd.f32 v1, v2;
	v0 =	vmul.f32 v14, v0  }
0x80: {  	[tilespmem:$0x1040] =	vst v3;
	v2 =	vadd.f32 v6, v5  }
0x81: {  	[tilespmem:$0x1050] =	vst v4;
	v0 =	vadd.f32 v0, v1  }
0x82: {  	[tilespmem:$0x1060] =	vst v2  }
0x83: {  	s5 =	rddreg [dreg:$0x5];
	[tilespmem:$0x1070] =	vst v0  }
0x84: {  	[tilespmem:s25], [sflag:$0x2] =	stream.linear.gather [hbm4b:s5+s4], $0x4000, $0x38;
	[tilespmem:$0x11080] =	vst v63  }
0x85: {  	_ =	swait.ge [sflag:s26], $0x4000  }
0x86: {  	s6 =	sand.u32 $0x3800, s4;
	s7 =	sand.u32 $0x300, s4;
	[sflag:s26] =	ssyncset.done $0x0  }
0x87: {  	s2 =	sor.u32 s7, s6;
	[sflag:s26] =	ssyncadd.s32 $0xFFFFC000  }
0x88: {  	v1 =	vld [tilespmem:s2+$0x1080];
	_ =	sdelay $0x1  }
0x89: {  	v0 =	vld [tilespmem:s2+$0x1100];
	_ =	sdelay $0x2  }
0x8a: {  	v2 =	vld [tilespmem:s2+$0x1110]  }
0x8b: {  	v3 =	vld [tilespmem:s2+$0x1090]  }
0x8c: {  	v4 =	vld [tilespmem:s2+$0x10A0]  }
0x8d: {  	v1 =	vld.idx.msk [tilespmem:v1+s28+$0x0], $0xffff  }
0x8e: {  	v5 =	vld [tilespmem:s2+$0x10B0]  }
0x8f: {  	v0 =	vld.idx.msk [tilespmem:v0+s28+$0x0], $0xffff  }
0x90: {  	v6 =	vld [tilespmem:s2+$0x10C0]  }
0x91: {  	v7 =	vld [tilespmem:s2+$0x10D0]  }
0x92: {  	v8 =	vld [tilespmem:s2+$0x10E0];
	[tilespmem:s2+$0x9080] =	vst v1  }
0x93: {  	v1 =	vld.idx.msk [tilespmem:v3+s28+$0x0], $0xffff  }
0x94: {  	s8 =	simm.s32 $0x100;
	s6 =	simm.s32 $0x200;
	[tilespmem:s2+$0x9100] =	vst v0;
	v0 =	vld [tilespmem:s2+$0x1120]  }
0x95: {  	s6 =	sand.u32 $0x3800, s6;
	s5 =	sand.u32 $0x300, s8;
	v9 =	vld [tilespmem:s2+$0x10F0]  }
0x96: {  	s24 =	sor.u32 s5, s6;
	v2 =	vld.idx.msk [tilespmem:v2+s28+$0x0], $0xffff  }
0x97: {  	v11 =	vld [tilespmem:s24+$0x1090]  }
0x98: {  	v12 =	vld [tilespmem:s24+$0x10A0];
	[tilespmem:s2+$0x9090] =	vst v1  }
0x99: {  	v1 =	vld.idx.msk [tilespmem:v4+s28+$0x0], $0xffff  }
0x9a: {  	v13 =	vld [tilespmem:s24+$0x10B0]  }
0x9b: {  	[tilespmem:s2+$0x9110] =	vst v2;
	v2 =	vld [tilespmem:s2+$0x1130]  }
0x9c: {  	v0 =	vld.idx.msk [tilespmem:v0+s28+$0x0], $0xffff  }
0x9d: {  	v14 =	vld [tilespmem:s24+$0x1110]  }
0x9e: {  	v15 =	vld [tilespmem:s24+$0x10C0];
	[tilespmem:s2+$0x90A0] =	vst v1  }
0x9f: {  	v1 =	vld.idx.msk [tilespmem:v5+s28+$0x0], $0xffff  }
0xa0: {  	v16 =	vld [tilespmem:s24+$0x10D0]  }
0xa1: {  	s9 =	simm.s32 $0x200;
	s10 =	simm.s32 $0x400;
	[tilespmem:s2+$0x9120] =	vst v0;
	v0 =	vld [tilespmem:s2+$0x1140]  }
0xa2: {  	s6 =	sand.u32 $0x3800, s10;
	s5 =	sand.u32 $0x300, s9;
	v17 =	vld [tilespmem:s24+$0x10F0]  }
0xa3: {  	s5 =	sor.u32 s5, s6;
	v2 =	vld.idx.msk [tilespmem:v2+s28+$0x0], $0xffff  }
0xa4: {  	v18 =	vld [tilespmem:s5+$0x10B0];
	[tilespmem:s2+$0x90B0] =	vst v1  }
0xa5: {  	v6 =	vld.idx.msk [tilespmem:v6+s28+$0x0], $0xffff  }
0xa6: {  	v19 =	vld [tilespmem:s5+$0x1110]  }
0xa7: {  	v3 =	vld [tilespmem:s2+$0x1150]  }
0xa8: {  	v55 =	vld [tilespmem:s5+$0x10C0];
	[tilespmem:s2+$0x9130] =	vst v2  }
0xa9: {  	v0 =	vld.idx.msk [tilespmem:v0+s28+$0x0], $0xffff  }
0xaa: {  	s7 =	simm.s32 $0x600;
	s11 =	simm.s32 $0x300;
	v56 =	vld [tilespmem:s5+$0x10D0];
	[tilespmem:s2+$0x90C0] =	vst v6  }
0xab: {  	s7 =	sand.u32 $0x3800, s7;
	s6 =	sand.u32 $0x300, s11;
	v6 =	vld.idx.msk [tilespmem:v7+s28+$0x0], $0xffff  }
0xac: {  	s6 =	sor.u32 s6, s7;
	v57 =	vld [tilespmem:s5+$0x10F0]  }
0xad: {  	v59 =	vld [tilespmem:s6+$0x10C0]  }
0xae: {  	v60 =	vld [tilespmem:s6+$0x10D0];
	[tilespmem:s2+$0x9140] =	vst v0  }
0xaf: {  	v10 =	vld.idx.msk [tilespmem:v3+s28+$0x0], $0xffff  }
0xb0: {  	v0 =	vld [tilespmem:s2+$0x1160];
	[tilespmem:s2+$0x90D0] =	vst v6  }
0xb1: {  	v6 =	vld.idx.msk [tilespmem:v8+s28+$0x0], $0xffff  }
0xb2: {  	v8 =	vld [tilespmem:s24+$0x1100]  }
0xb3: {  	v61 =	vld [tilespmem:s5+$0x1520]  }
0xb4: {  	[tilespmem:s2+$0x9150] =	vst v10;
	v10 =	vld [tilespmem:s24+$0x1080]  }
0xb5: {  	v63 =	vld [tilespmem:s6+$0x1140]  }
0xb6: {  	v4 =	vld [tilespmem:s2+$0x1480]  }
0xb7: {  	v5 =	vld [tilespmem:s2+$0x1490]  }
0xb8: {  	v7 =	vld [tilespmem:s2+$0x1170]  }
0xb9: {  	v0 =	vld.idx.msk [tilespmem:v0+s28+$0x0], $0xffff  }
0xba: {  	v8 =	vld.idx.msk [tilespmem:v8+s28+$0x0], $0xffff  }
0xbb: {  	v1 =	vld [tilespmem:s2+$0x14A0]  }
0xbc: {  	v10 =	vld.idx.msk [tilespmem:v10+s28+$0x0], $0xffff  }
0xbd: {  	v2 =	vld [tilespmem:s2+$0x14B0]  }
0xbe: {  	[tilespmem:s2+$0x9160] =	vst v0;
	v0 =	vld [tilespmem:s2+$0x1500]  }
0xbf: {  	[tilespmem:s24+$0x9100] =	vst v8;
	v8 =	vld [tilespmem:s24+$0x1120]  }
0xc0: {  	v7 =	vld.idx.msk [tilespmem:v7+s28+$0x0], $0xffff  }
0xc1: {  	[tilespmem:s24+$0x9080] =	vst v10;
	v10 =	vld.idx.msk [tilespmem:v14+s28+$0x0], $0xffff  }
0xc2: {  	v3 =	vld [tilespmem:s2+$0x14B8];
	[tilespmem:s2+$0x90E0] =	vst v6  }
0xc3: {  	v9 =	vld.idx.msk [tilespmem:v9+s28+$0x0], $0xffff  }
0xc4: {  	v11 =	vld.idx.msk [tilespmem:v11+s28+$0x0], $0xffff  }
0xc5: {  	[tilespmem:s2+$0x9170] =	vst v7;
	v7 =	vld [tilespmem:s2+$0x1510]  }
0xc6: {  	[tilespmem:s24+$0x9110] =	vst v10;
	v10 =	vld [tilespmem:s24+$0x1130]  }
0xc7: {  	v8 =	vld.idx.msk [tilespmem:v8+s28+$0x0], $0xffff  }
0xc8: {  	[tilespmem:s2+$0x90F0] =	vst v9;
	v0 =	vld.idx.msk [tilespmem:v0+s28+$0x0], $0xffff  }
0xc9: {  	v9 =	vld [tilespmem:s24+$0x14B0];
	[tilespmem:s24+$0x9090] =	vst v11  }
0xca: {  	v6 =	vld.idx.msk [tilespmem:v12+s28+$0x0], $0xffff  }
0xcb: {  	v4 =	vld.idx.msk [tilespmem:v4+s28+$0x0], $0xffff  }
0xcc: {  	[tilespmem:s24+$0x9120] =	vst v8;
	v8 =	vld [tilespmem:s24+$0x1140]  }
0xcd: {  	[tilespmem:s2+$0x9500] =	vst v0;
	v0 =	vld [tilespmem:s2+$0x1520]  }
0xce: {  	v10 =	vld.idx.msk [tilespmem:v10+s28+$0x0], $0xffff  }
0xcf: {  	v7 =	vld.idx.msk [tilespmem:v7+s28+$0x0], $0xffff;
	[tilespmem:s24+$0x90A0] =	vst v6  }
0xd0: {  	v6 =	vld.idx.msk [tilespmem:v13+s28+$0x0], $0xffff  }
0xd1: {  	v14 =	vld [tilespmem:s24+$0x10E0];
	[tilespmem:s2+$0x9480] =	vst v4  }
0xd2: {  	v5 =	vld.idx.msk [tilespmem:v5+s28+$0x0], $0xffff  }
0xd3: {  	[tilespmem:s24+$0x9130] =	vst v10;
	v10 =	vld [tilespmem:s24+$0x1150]  }
0xd4: {  	[tilespmem:s2+$0x9510] =	vst v7;
	v8 =	vld.idx.msk [tilespmem:v8+s28+$0x0], $0xffff  }
0xd5: {  	v7 =	vld [tilespmem:s2+$0x1530];
	[tilespmem:s24+$0x90B0] =	vst v6  }
0xd6: {  	v6 =	vld.idx.msk [tilespmem:v15+s28+$0x0], $0xffff  }
0xd7: {  	v12 =	vld [tilespmem:s24+$0x1480]  }
0xd8: {  	v0 =	vld.idx.msk [tilespmem:v0+s28+$0x0], $0xffff  }
0xd9: {  	[tilespmem:s24+$0x9140] =	vst v8;
	v8 =	vld [tilespmem:s24+$0x1160]  }
0xda: {  	v13 =	vld [tilespmem:s24+$0x1490]  }
0xdb: {  	[tilespmem:s24+$0x90C0] =	vst v6;
	v10 =	vld.idx.msk [tilespmem:v10+s28+$0x0], $0xffff  }
0xdc: {  	v4 =	vld.idx.msk [tilespmem:v16+s28+$0x0], $0xffff  }
0xdd: {  	v15 =	vld [tilespmem:s24+$0x14A0];
	[tilespmem:s2+$0x9520] =	vst v0  }
0xde: {  	v7 =	vld.idx.msk [tilespmem:v7+s28+$0x0], $0xffff  }
0xdf: {  	v6 =	vld [tilespmem:s24+$0x1170]  }
0xe0: {  	[tilespmem:s24+$0x9150] =	vst v10;
	v10 =	vld [tilespmem:s5+$0x1080]  }
0xe1: {  	[tilespmem:s24+$0x90D0] =	vst v4;
	v4 =	vld.idx.msk [tilespmem:v8+s28+$0x0], $0xffff  }
0xe2: {  	v0 =	vld [tilespmem:s2+$0x1538]  }
0xe3: {  	[tilespmem:s2+$0x9530] =	vst v7;
	v7 =	vld.idx.msk [tilespmem:v14+s28+$0x0], $0xffff  }
0xe4: {  	v8 =	vld [tilespmem:s5+$0x1100]  }
0xe5: {  	v14 =	vld [tilespmem:s5+$0x1090]  }
0xe6: {  	[tilespmem:s24+$0x9160] =	vst v4;
	v4 =	vld [tilespmem:s24+$0x1500]  }
0xe7: {  	v6 =	vld.idx.msk [tilespmem:v6+s28+$0x0], $0xffff  }
0xe8: {  	v10 =	vld.idx.msk [tilespmem:v10+s28+$0x0], $0xffff  }
0xe9: {  	v16 =	vld [tilespmem:s5+$0x10A0]  }
0xea: {  	v11 =	vld.idx.msk [tilespmem:v0+s28+$0x0], $0xffff  }
0xeb: {  	v0 =	vld [tilespmem:s24+$0x14B8]  }
0xec: {  	v8 =	vld.idx.msk [tilespmem:v8+s28+$0x0], $0xffff;
	[tilespmem:s24+$0x9170] =	vst v6  }
0xed: {  	v6 =	vld [tilespmem:s24+$0x1510];
	[tilespmem:s5+$0x9080] =	vst v10  }
0xee: {  	v14 =	vld.idx.msk [tilespmem:v14+s28+$0x0], $0xffff  }
0xef: {  	v4 =	vld.idx.msk [tilespmem:v4+s28+$0x0], $0xffff  }
0xf0: {  	[tilespmem:s2+$0x9538] =	vst v11;
	v11 =	vld [tilespmem:s6+$0x14B8]  }
0xf1: {  	[tilespmem:s5+$0x9100] =	vst v8;
	v8 =	vld [tilespmem:s5+$0x1120]  }
0xf2: {  	[tilespmem:s24+$0x90E0] =	vst v7;
	v10 =	vld.idx.msk [tilespmem:v19+s28+$0x0], $0xffff  }
0xf3: {  	[tilespmem:s5+$0x9090] =	vst v14;
	v14 =	vld.idx.msk [tilespmem:v17+s28+$0x0], $0xffff  }
0xf4: {  	[tilespmem:s24+$0x9500] =	vst v4;
	v4 =	vld [tilespmem:s24+$0x1520]  }
0xf5: {  	v7 =	vld.idx.msk [tilespmem:v16+s28+$0x0], $0xffff  }
0xf6: {  	v6 =	vld.idx.msk [tilespmem:v6+s28+$0x0], $0xffff  }
0xf7: {  	[tilespmem:s5+$0x9110] =	vst v10;
	v10 =	vld [tilespmem:s5+$0x1130]  }
0xf8: {  	v19 =	vld [tilespmem:s5+$0x10E0]  }
0xf9: {  	v8 =	vld.idx.msk [tilespmem:v8+s28+$0x0], $0xffff  }
0xfa: {  	v16 =	vld [tilespmem:s5+$0x1480];
	[tilespmem:s24+$0x90F0] =	vst v14  }
0xfb: {  	[tilespmem:s5+$0x90A0] =	vst v7;
	v7 =	vld.idx.msk [tilespmem:v12+s28+$0x0], $0xffff  }
0xfc: {  	[tilespmem:s24+$0x9510] =	vst v6;
	v6 =	vld [tilespmem:s24+$0x1530]  }
0xfd: {  	v4 =	vld.idx.msk [tilespmem:v4+s28+$0x0], $0xffff  }
0xfe: {  	[tilespmem:s5+$0x9120] =	vst v8;
	v8 =	vld [tilespmem:s5+$0x1140]  }
0xff: {  	[tilespmem:s2+$0x9490] =	vst v5;
	v5 =	vld.idx.msk [tilespmem:v10+s28+$0x0], $0xffff  }
0x100: {  	v10 =	vld.idx.msk [tilespmem:v1+s28+$0x0], $0xffff  }
0x101: {  	v1 =	vld.idx.msk [tilespmem:v18+s28+$0x0], $0xffff;
	[tilespmem:s24+$0x9480] =	vst v7  }
0x102: {  	v7 =	vld.idx.msk [tilespmem:v13+s28+$0x0], $0xffff  }
0x103: {  	[tilespmem:s24+$0x9520] =	vst v4;
	v4 =	vld [tilespmem:s24+$0x1538]  }
0x104: {  	[tilespmem:s5+$0x9130] =	vst v5;
	v5 =	vld [tilespmem:s5+$0x1150]  }
0x105: {  	v6 =	vld.idx.msk [tilespmem:v6+s28+$0x0], $0xffff  }
0x106: {  	v8 =	vld.idx.msk [tilespmem:v8+s28+$0x0], $0xffff  }
0x107: {  	v12 =	vld [tilespmem:s5+$0x1490];
	[tilespmem:s5+$0x90B0] =	vst v1  }
0x108: {  	v14 =	vld.idx.msk [tilespmem:v55+s28+$0x0], $0xffff  }
0x109: {  	v13 =	vld [tilespmem:s5+$0x14A0];
	[tilespmem:s24+$0x9490] =	vst v7  }
0x10a: {  	v7 =	vld [tilespmem:s6+$0x1100];
	[tilespmem:s24+$0x9530] =	vst v6  }
0x10b: {  	[tilespmem:s5+$0x9140] =	vst v8;
	v8 =	vld [tilespmem:s5+$0x1160]  }
0x10c: {  	v17 =	vld.idx.msk [tilespmem:v4+s28+$0x0], $0xffff  }
0x10d: {  	[tilespmem:s5+$0x90C0] =	vst v14;
	v5 =	vld.idx.msk [tilespmem:v5+s28+$0x0], $0xffff  }
0x10e: {  	v4 =	vld.idx.msk [tilespmem:v56+s28+$0x0], $0xffff  }
0x10f: {  	v1 =	vld [tilespmem:s5+$0x14B0]  }
0x110: {  	[tilespmem:s2+$0x94A0] =	vst v10;
	v10 =	vld [tilespmem:s6+$0x1090]  }
0x111: {  	v58 =	vld.idx.msk [tilespmem:v2+s28+$0x0], $0xffff  }
0x112: {  	[tilespmem:s5+$0x9150] =	vst v5;
	v5 =	vld [tilespmem:s5+$0x1170]  }
0x113: {  	[tilespmem:s5+$0x90D0] =	vst v4;
	v4 =	vld.idx.msk [tilespmem:v8+s28+$0x0], $0xffff  }
0x114: {  	v8 =	vld [tilespmem:s6+$0x1080]  }
0x115: {  	v2 =	vld [tilespmem:s5+$0x14B8]  }
0x116: {  	v7 =	vld.idx.msk [tilespmem:v7+s28+$0x0], $0xffff  }
0x117: {  	v6 =	vld.idx.msk [tilespmem:v19+s28+$0x0], $0xffff  }
0x118: {  	[tilespmem:s5+$0x9160] =	vst v4;
	v4 =	vld [tilespmem:s5+$0x1500]  }
0x119: {  	v19 =	vld [tilespmem:s6+$0x1110]  }
0x11a: {  	v5 =	vld.idx.msk [tilespmem:v5+s28+$0x0], $0xffff  }
0x11b: {  	v18 =	vld.idx.msk [tilespmem:v15+s28+$0x0], $0xffff  }
0x11c: {  	v8 =	vld.idx.msk [tilespmem:v8+s28+$0x0], $0xffff  }
0x11d: {  	v15 =	vld [tilespmem:s6+$0x10B0]  }
0x11e: {  	[tilespmem:s6+$0x9100] =	vst v7;
	v7 =	vld [tilespmem:s6+$0x1120]  }
0x11f: {  	[tilespmem:s5+$0x9170] =	vst v5;
	v5 =	vld [tilespmem:s5+$0x1510]  }
0x120: {  	v4 =	vld.idx.msk [tilespmem:v4+s28+$0x0], $0xffff  }
0x121: {  	[tilespmem:s6+$0x9080] =	vst v8;
	v8 =	vld.idx.msk [tilespmem:v19+s28+$0x0], $0xffff  }
0x122: {  	v14 =	vld [tilespmem:s6+$0x10A0]  }
0x123: {  	v19 =	vld.idx.msk [tilespmem:v10+s28+$0x0], $0xffff  }
0x124: {  	v10 =	vld [tilespmem:s6+$0x10E0]  }
0x125: {  	[tilespmem:s5+$0x9500] =	vst v4;
	v4 =	vld [tilespmem:s6+$0x10F0]  }
0x126: {  	[tilespmem:s6+$0x9110] =	vst v8;
	v8 =	vld [tilespmem:s6+$0x1130]  }
0x127: {  	v5 =	vld.idx.msk [tilespmem:v5+s28+$0x0], $0xffff  }
0x128: {  	v7 =	vld.idx.msk [tilespmem:v7+s28+$0x0], $0xffff  }
0x129: {  	[tilespmem:s6+$0x9090] =	vst v19;
	v19 =	vld [tilespmem:s5+$0x1530]  }
0x12a: {  	[tilespmem:s5+$0x90E0] =	vst v6;
	v6 =	vld.idx.msk [tilespmem:v14+s28+$0x0], $0xffff  }
0x12b: {  	v14 =	vld.idx.msk [tilespmem:v57+s28+$0x0], $0xffff  }
0x12c: {  	[tilespmem:s5+$0x9510] =	vst v5;
	v5 =	vld [tilespmem:s6+$0x1480]  }
0x12d: {  	v62 =	vld.idx.msk [tilespmem:v61+s28+$0x0], $0xffff  }
0x12e: {  	[tilespmem:s6+$0x9120] =	vst v7;
	v7 =	vld [tilespmem:s6+$0x1490]  }
0x12f: {  	[tilespmem:s6+$0x90A0] =	vst v6;
	v6 =	vld.idx.msk [tilespmem:v8+s28+$0x0], $0xffff  }
0x130: {  	[tilespmem:s5+$0x90F0] =	vst v14;
	v8 =	vld.idx.msk [tilespmem:v15+s28+$0x0], $0xffff  }
0x131: {  	v14 =	vld.idx.msk [tilespmem:v16+s28+$0x0], $0xffff  }
0x132: {  	v15 =	vld [tilespmem:s5+$0x1538];
	[tilespmem:s5+$0x9520] =	vst v62  }
0x133: {  	v16 =	vld.idx.msk [tilespmem:v19+s28+$0x0], $0xffff  }
0x134: {  	[tilespmem:s6+$0x9130] =	vst v6;
	v19 =	vld [tilespmem:s6+$0x1150]  }
0x135: {  	[tilespmem:s6+$0x90B0] =	vst v8;
	v8 =	vld [tilespmem:s6+$0x14A0]  }
0x136: {  	v6 =	vld.idx.msk [tilespmem:v63+s28+$0x0], $0xffff  }
0x137: {  	[tilespmem:s5+$0x9480] =	vst v14;
	v21 =	vld.idx.msk [tilespmem:v59+s28+$0x0], $0xffff  }
0x138: {  	v12 =	vld.idx.msk [tilespmem:v12+s28+$0x0], $0xffff  }
0x139: {  	v14 =	vld [tilespmem:s6+$0x1160];
	[tilespmem:s5+$0x9530] =	vst v16  }
0x13a: {  	[tilespmem:s2+$0x94B0] =	vst v58;
	v16 =	vld.idx.msk [tilespmem:v15+s28+$0x0], $0xffff  }
0x13b: {  	[tilespmem:s6+$0x9140] =	vst v6;
	v6 =	vld [tilespmem:s6+$0x14B0]  }
0x13c: {  	[tilespmem:s6+$0x90C0] =	vst v21;
	v19 =	vld.idx.msk [tilespmem:v19+s28+$0x0], $0xffff  }
0x13d: {  	[tilespmem:s5+$0x9490] =	vst v12;
	v15 =	vld.idx.msk [tilespmem:v60+s28+$0x0], $0xffff  }
0x13e: {  	[tilespmem:s24+$0x94A0] =	vst v18;
	v13 =	vld.idx.msk [tilespmem:v13+s28+$0x0], $0xffff  }
0x13f: {  	[tilespmem:s24+$0x9538] =	vst v17;
	v12 =	vld.idx.msk [tilespmem:v9+s28+$0x0], $0xffff  }
0x140: {  	v9 =	vld.idx.msk [tilespmem:v3+s28+$0x0], $0xffff;
	[tilespmem:s5+$0x9538] =	vst v16  }
0x141: {  	s8 =	simm.s32 $0x400;
	s9 =	simm.s32 $0x800;
	s7 =	simm.s32 $0x6;
	v16 =	vld [tilespmem:s6+$0x1170];
	[tilespmem:s6+$0x9150] =	vst v19  }
.LBB2_2:
0x142: {  	s10 =	sand.u32 $0x3800, s9;
	s11 =	sand.u32 $0x300, s8;
	s7 =	sadd.s32 $0x2, s7;
	[tilespmem:s6+$0x90D0] =	vst v15;
	v14 =	vld.idx.msk [tilespmem:v14+s28+$0x0], $0xffff  }
0x143: {  	s10 =	sor.u32 s11, s10;
	p0 =	slt.u32 s7, $0x3E;
	v10 =	vld.idx.msk [tilespmem:v10+s28+$0x0], $0xffff;
	[tilespmem:s5+$0x94A0] =	vst v13  }
0x144: {  	v13 =	vld [tilespmem:s10+$0x1100];
	[tilespmem:s24+$0x94B0] =	vst v12;
	v3 =	vmov v11  }
0x145: {  	v11 =	vld [tilespmem:s10+$0x1080]  }
0x146: {  	v12 =	vld [tilespmem:s10+$0x1090];
	[tilespmem:s2+$0x94B8] =	vst v9;
	s2 =	smov.u32 s24;
	s24 =	smov.u32 s5;
	s5 =	smov.u32 s6  }
0x147: {  	s6 =	smov.u32 s10;
	v9 =	vld [tilespmem:s10+$0x10A0]  }
0x148: {  	[tilespmem:s5+$0x9160] =	vst v14;
	v14 =	vld [tilespmem:s5+$0x1500]  }
0x149: {  	[tilespmem:s5+$0x90E0] =	vst v10;
	v10 =	vld.idx.msk [tilespmem:v16+s28+$0x0], $0xffff  }
0x14a: {  	v15 =	vld [tilespmem:s6+$0x10B0]  }
0x14b: {  	v16 =	vld [tilespmem:s6+$0x1110]  }
0x14c: {  	v13 =	vld.idx.msk [tilespmem:v13+s28+$0x0], $0xffff  }
0x14d: {  	v11 =	vld.idx.msk [tilespmem:v11+s28+$0x0], $0xffff  }
0x14e: {  	v17 =	vld [tilespmem:s6+$0x10C0]  }
0x14f: {  	[tilespmem:s5+$0x9170] =	vst v10;
	v18 =	vld [tilespmem:s5+$0x1510]  }
0x150: {  	v14 =	vld.idx.msk [tilespmem:v14+s28+$0x0], $0xffff  }
0x151: {  	v19 =	vld [tilespmem:s6+$0x10D0]  }
0x152: {  	[tilespmem:s6+$0x9100] =	vst v13;
	v13 =	vld [tilespmem:s6+$0x1120]  }
0x153: {  	[tilespmem:s6+$0x9080] =	vst v11;
	v11 =	vld.idx.msk [tilespmem:v16+s28+$0x0], $0xffff  }
0x154: {  	v12 =	vld.idx.msk [tilespmem:v12+s28+$0x0], $0xffff  }
0x155: {  	v10 =	vld [tilespmem:s6+$0x10E0]  }
0x156: {  	[tilespmem:s5+$0x9500] =	vst v14;
	v14 =	vld [tilespmem:s5+$0x1520]  }
0x157: {  	v16 =	vld.idx.msk [tilespmem:v18+s28+$0x0], $0xffff  }
0x158: {  	v18 =	vld [tilespmem:s6+$0x10F0]  }
0x159: {  	[tilespmem:s6+$0x9110] =	vst v11;
	v11 =	vld [tilespmem:s6+$0x1130]  }
0x15a: {  	[tilespmem:s6+$0x9090] =	vst v12;
	v12 =	vld.idx.msk [tilespmem:v13+s28+$0x0], $0xffff  }
0x15b: {  	v9 =	vld.idx.msk [tilespmem:v9+s28+$0x0], $0xffff  }
0x15c: {  	v13 =	vld.idx.msk [tilespmem:v4+s28+$0x0], $0xffff  }
0x15d: {  	[tilespmem:s5+$0x9510] =	vst v16;
	v16 =	vld [tilespmem:s5+$0x1530];
	v4 =	vmov v18  }
0x15e: {  	v14 =	vld.idx.msk [tilespmem:v14+s28+$0x0], $0xffff  }
0x15f: {  	v18 =	vld [tilespmem:s6+$0x1480]  }
0x160: {  	[tilespmem:s6+$0x9120] =	vst v12;
	v12 =	vld [tilespmem:s6+$0x1140]  }
0x161: {  	[tilespmem:s6+$0x90A0] =	vst v9;
	v9 =	vld.idx.msk [tilespmem:v11+s28+$0x0], $0xffff  }
0x162: {  	v11 =	vld.idx.msk [tilespmem:v15+s28+$0x0], $0xffff;
	[tilespmem:s5+$0x90F0] =	vst v13  }
0x163: {  	v13 =	vld.idx.msk [tilespmem:v5+s28+$0x0], $0xffff  }
0x164: {  	[tilespmem:s5+$0x9520] =	vst v14;
	v14 =	vld [tilespmem:s5+$0x1538];
	v5 =	vmov v18  }
0x165: {  	v15 =	vld.idx.msk [tilespmem:v16+s28+$0x0], $0xffff  }
0x166: {  	v16 =	vld [tilespmem:s6+$0x1490]  }
0x167: {  	[tilespmem:s6+$0x9130] =	vst v9;
	v9 =	vld [tilespmem:s6+$0x1150]  }
0x168: {  	[tilespmem:s6+$0x90B0] =	vst v11;
	v11 =	vld.idx.msk [tilespmem:v12+s28+$0x0], $0xffff  }
0x169: {  	v12 =	vld.idx.msk [tilespmem:v17+s28+$0x0], $0xffff;
	[tilespmem:s5+$0x9480] =	vst v13  }
0x16a: {  	v13 =	vld.idx.msk [tilespmem:v7+s28+$0x0], $0xffff  }
0x16b: {  	v17 =	vld [tilespmem:s6+$0x14A0];
	[tilespmem:s5+$0x9530] =	vst v15;
	v7 =	vmov v16  }
0x16c: {  	v16 =	vld.idx.msk [tilespmem:v14+s28+$0x0], $0xffff  }
0x16d: {  	v18 =	vld [tilespmem:s6+$0x14B0]  }
0x16e: {  	[tilespmem:s6+$0x9140] =	vst v11;
	v14 =	vld [tilespmem:s6+$0x1160]  }
0x16f: {  	[tilespmem:s6+$0x90C0] =	vst v12;
	v20 =	vld.idx.msk [tilespmem:v9+s28+$0x0], $0xffff  }
0x170: {  	v15 =	vld.idx.msk [tilespmem:v19+s28+$0x0], $0xffff;
	[tilespmem:s5+$0x9490] =	vst v13  }
.Ltmp0:
0x171: {  	v13 =	vld.idx.msk [tilespmem:v8+s28+$0x0], $0xffff;
	v8 =	vmov v17;
	(pc) =	sbr.rel @p0 .LBB2_2-.Ltmp0, $4  }
0x172: {  	[tilespmem:s5+$0x9538] =	vst v16;
	v12 =	vld.idx.msk [tilespmem:v1+s28+$0x0], $0xffff;
	v1 =	vmov v6;
	v6 =	vmov v18  }
0x173: {  	v11 =	vld [tilespmem:s6+$0x14B8]  }
0x174: {  	v9 =	vld.idx.msk [tilespmem:v0+s28+$0x0], $0xffff;
	v0 =	vmov v2;
	v2 =	vmov v3  }
0x175: {  	s8 =	sadd.s32 $0x100, s8;
	s9 =	sadd.s32 $0x200, s9;
	[tilespmem:s6+$0x9150] =	vst v20;
	v16 =	vld [tilespmem:s6+$0x1170]  }
0x176: {  	_ =	sdelay $0x3  }
0x177: {  	v3 =	vld.idx.msk [tilespmem:v14+s28+$0x0], $0xffff;
	_ =	sdelay $0x2  }
0x178: {  	[tilespmem:s6+$0x90D0] =	vst v15  }
0x179: {  	v10 =	vld.idx.msk [tilespmem:v10+s28+$0x0], $0xffff  }
0x17a: {  	[tilespmem:s6+$0x9160] =	vst v3;
	v3 =	vld [tilespmem:s6+$0x1500];
	_ =	sdelay $0x1  }
0x17b: {  	v14 =	vld.idx.msk [tilespmem:v16+s28+$0x0], $0xffff;
	_ =	sdelay $0x2  }
0x17c: {  	[tilespmem:s6+$0x90E0] =	vst v10  }
0x17d: {  	v4 =	vld.idx.msk [tilespmem:v4+s28+$0x0], $0xffff  }
0x17e: {  	[tilespmem:s6+$0x9170] =	vst v14;
	v14 =	vld [tilespmem:s6+$0x1510]  }
0x17f: {  	v3 =	vld.idx.msk [tilespmem:v3+s28+$0x0], $0xffff;
	_ =	sdelay $0x3  }
0x180: {  	[tilespmem:s6+$0x90F0] =	vst v4  }
0x181: {  	[tilespmem:s6+$0x9500] =	vst v3;
	v3 =	vld [tilespmem:s6+$0x1520]  }
0x182: {  	v4 =	vld.idx.msk [tilespmem:v5+s28+$0x0], $0xffff  }
0x183: {  	v10 =	vld.idx.msk [tilespmem:v14+s28+$0x0], $0xffff;
	_ =	sdelay $0x3  }
0x184: {  	[tilespmem:s6+$0x9480] =	vst v4  }
0x185: {  	v4 =	vld.idx.msk [tilespmem:v7+s28+$0x0], $0xffff;
	[tilespmem:s6+$0x9510] =	vst v10  }
0x186: {  	v3 =	vld.idx.msk [tilespmem:v3+s28+$0x0], $0xffff;
	_ =	sdelay $0x1  }
0x187: {  	v5 =	vld [tilespmem:s6+$0x1530];
	_ =	sdelay $0x1  }
0x188: {  	[tilespmem:s6+$0x9490] =	vst v4  }
0x189: {  	[tilespmem:s6+$0x9520] =	vst v3;
	v3 =	vld.idx.msk [tilespmem:v8+s28+$0x0], $0xffff;
	_ =	sdelay $0x2  }
0x18a: {  	[tilespmem:s5+$0x94A0] =	vst v13;
	v4 =	vld [tilespmem:s6+$0x1538]  }
0x18b: {  	v1 =	vld.idx.msk [tilespmem:v1+s28+$0x0], $0xffff  }
0x18c: {  	v5 =	vld.idx.msk [tilespmem:v5+s28+$0x0], $0xffff;
	[tilespmem:s6+$0x94A0] =	vst v3  }
0x18d: {  	v3 =	vld.idx.msk [tilespmem:v6+s28+$0x0], $0xffff;
	_ =	sdelay $0x1  }
0x18e: {  	[tilespmem:s24+$0x94B0] =	vst v12  }
0x18f: {  	v0 =	vld.idx.msk [tilespmem:v0+s28+$0x0], $0xffff;
	[tilespmem:s5+$0x94B0] =	vst v1  }
0x190: {  	v1 =	vld.idx.msk [tilespmem:v2+s28+$0x0], $0xffff;
	[tilespmem:s6+$0x9530] =	vst v5  }
0x191: {  	v4 =	vld.idx.msk [tilespmem:v4+s28+$0x0], $0xffff;
	[tilespmem:s6+$0x94B0] =	vst v3  }
0x192: {  	v2 =	vld.idx.msk [tilespmem:v11+s28+$0x0], $0xffff  }
0x193: {  	[tilespmem:s2+$0x94B8] =	vst v9  }
0x194: {  	[tilespmem:s24+$0x94B8] =	vst v0  }
0x195: {  	[tilespmem:s5+$0x94B8] =	vst v1  }
0x196: {  	[tilespmem:s6+$0x9538] =	vst v4  }
0x197: {  	[tilespmem:s6+$0x94B8] =	vst v2  }
0x198: {  	s11 =	simm.s32 $0x0;
	s5 =	rddreg [dreg:$0x6]  }
0x199: {  	[hbm4b:s5+s11] =	stream.linear.scatter [tilespmem:s29], [sflag:$0x3], $0x4000, $0x38;
	[tilespmem:$0x11080] =	vst v63  }
0x19a: {  	s24 =	rddreg [dreg:$0x7]  }
0x19b: {  	[tilespmem:s22], [sflag:$0x1] =	stream.linear.gather [hbm4b:s24+s11], $0x4000, $0x38;
	[tilespmem:$0x11080] =	vst v63  }
0x19c: {  	_ =	swait.ge [sflag:s30], $0x4000  }
0x19d: {  	s2 =	sand.u32 $0x300, s11;
	s6 =	sand.u32 $0x3800, s11;
	[sflag:s30] =	ssyncset.done $0x0  }
0x19e: {  	s2 =	sor.u32 s2, s6;
	[sflag:s30] =	ssyncadd.s32 $0xFFFFC000  }
0x19f: {  	v1 =	vld [tilespmem:s2+$0x5080];
	_ =	sdelay $0x1  }
0x1a0: {  	v0 =	vld [tilespmem:s2+$0x5100];
	_ =	sdelay $0x2  }
0x1a1: {  	v2 =	vld [tilespmem:s2+$0x5110]  }
0x1a2: {  	v3 =	vld [tilespmem:s2+$0x5090]  }
0x1a3: {  	v4 =	vld [tilespmem:s2+$0x50A0]  }
0x1a4: {  	v1 =	vld.idx.msk [tilespmem:v1+s28+$0x0], $0xffff  }
0x1a5: {  	v5 =	vld [tilespmem:s2+$0x50B0]  }
0x1a6: {  	v0 =	vld.idx.msk [tilespmem:v0+s28+$0x0], $0xffff  }
0x1a7: {  	v6 =	vld [tilespmem:s2+$0x50C0]  }
0x1a8: {  	v7 =	vld [tilespmem:s2+$0x50D0]  }
0x1a9: {  	v8 =	vld [tilespmem:s2+$0x50E0];
	[tilespmem:s2+$0xD080] =	vst v1  }
0x1aa: {  	v1 =	vld.idx.msk [tilespmem:v3+s28+$0x0], $0xffff  }
0x1ab: {  	s7 =	simm.s32 $0x100;
	s8 =	simm.s32 $0x200;
	[tilespmem:s2+$0xD100] =	vst v0;
	v0 =	vld [tilespmem:s2+$0x5120]  }
0x1ac: {  	s6 =	sand.u32 $0x3800, s8;
	s5 =	sand.u32 $0x300, s7;
	v9 =	vld [tilespmem:s2+$0x50F0]  }
0x1ad: {  	s24 =	sor.u32 s5, s6;
	v2 =	vld.idx.msk [tilespmem:v2+s28+$0x0], $0xffff  }
0x1ae: {  	v11 =	vld [tilespmem:s24+$0x5090]  }
0x1af: {  	v12 =	vld [tilespmem:s24+$0x50A0];
	[tilespmem:s2+$0xD090] =	vst v1  }
0x1b0: {  	v1 =	vld.idx.msk [tilespmem:v4+s28+$0x0], $0xffff  }
0x1b1: {  	v13 =	vld [tilespmem:s24+$0x50B0]  }
0x1b2: {  	[tilespmem:s2+$0xD110] =	vst v2;
	v2 =	vld [tilespmem:s2+$0x5130]  }
0x1b3: {  	v0 =	vld.idx.msk [tilespmem:v0+s28+$0x0], $0xffff  }
0x1b4: {  	v14 =	vld [tilespmem:s24+$0x5110]  }
0x1b5: {  	v15 =	vld [tilespmem:s24+$0x50C0];
	[tilespmem:s2+$0xD0A0] =	vst v1  }
0x1b6: {  	v1 =	vld.idx.msk [tilespmem:v5+s28+$0x0], $0xffff  }
0x1b7: {  	v16 =	vld [tilespmem:s24+$0x50D0]  }
0x1b8: {  	s9 =	simm.s32 $0x200;
	s10 =	simm.s32 $0x400;
	[tilespmem:s2+$0xD120] =	vst v0;
	v0 =	vld [tilespmem:s2+$0x5140]  }
0x1b9: {  	s6 =	sand.u32 $0x3800, s10;
	s5 =	sand.u32 $0x300, s9;
	v17 =	vld [tilespmem:s24+$0x50F0]  }
0x1ba: {  	s5 =	sor.u32 s5, s6;
	v2 =	vld.idx.msk [tilespmem:v2+s28+$0x0], $0xffff  }
0x1bb: {  	v18 =	vld [tilespmem:s5+$0x50B0];
	[tilespmem:s2+$0xD0B0] =	vst v1  }
0x1bc: {  	v6 =	vld.idx.msk [tilespmem:v6+s28+$0x0], $0xffff  }
0x1bd: {  	v19 =	vld [tilespmem:s5+$0x5110]  }
0x1be: {  	v3 =	vld [tilespmem:s2+$0x5150]  }
0x1bf: {  	v20 =	vld [tilespmem:s5+$0x50C0];
	[tilespmem:s2+$0xD130] =	vst v2  }
0x1c0: {  	v0 =	vld.idx.msk [tilespmem:v0+s28+$0x0], $0xffff  }
0x1c1: {  	s7 =	simm.s32 $0x600;
	s11 =	simm.s32 $0x300;
	v21 =	vld [tilespmem:s5+$0x50D0];
	[tilespmem:s2+$0xD0C0] =	vst v6  }
0x1c2: {  	s7 =	sand.u32 $0x3800, s7;
	s6 =	sand.u32 $0x300, s11;
	v6 =	vld.idx.msk [tilespmem:v7+s28+$0x0], $0xffff  }
0x1c3: {  	s6 =	sor.u32 s6, s7;
	v22 =	vld [tilespmem:s5+$0x50F0]  }
0x1c4: {  	v61 =	vld [tilespmem:s6+$0x50C0]  }
0x1c5: {  	v23 =	vld [tilespmem:s6+$0x50D0];
	[tilespmem:s2+$0xD140] =	vst v0  }
0x1c6: {  	v10 =	vld.idx.msk [tilespmem:v3+s28+$0x0], $0xffff  }
0x1c7: {  	v0 =	vld [tilespmem:s2+$0x5160];
	[tilespmem:s2+$0xD0D0] =	vst v6  }
0x1c8: {  	v6 =	vld.idx.msk [tilespmem:v8+s28+$0x0], $0xffff  }
0x1c9: {  	v8 =	vld [tilespmem:s24+$0x5100]  }
0x1ca: {  	v24 =	vld [tilespmem:s5+$0x5520]  }
0x1cb: {  	[tilespmem:s2+$0xD150] =	vst v10;
	v10 =	vld [tilespmem:s24+$0x5080]  }
0x1cc: {  	v63 =	vld [tilespmem:s6+$0x5140]  }
0x1cd: {  	v4 =	vld [tilespmem:s2+$0x5480]  }
0x1ce: {  	v5 =	vld [tilespmem:s2+$0x5490]  }
0x1cf: {  	v7 =	vld [tilespmem:s2+$0x5170]  }
0x1d0: {  	v0 =	vld.idx.msk [tilespmem:v0+s28+$0x0], $0xffff  }
0x1d1: {  	v8 =	vld.idx.msk [tilespmem:v8+s28+$0x0], $0xffff  }
0x1d2: {  	v1 =	vld [tilespmem:s2+$0x54A0]  }
0x1d3: {  	v10 =	vld.idx.msk [tilespmem:v10+s28+$0x0], $0xffff  }
0x1d4: {  	v2 =	vld [tilespmem:s2+$0x54B0]  }
0x1d5: {  	[tilespmem:s2+$0xD160] =	vst v0;
	v0 =	vld [tilespmem:s2+$0x5500]  }
0x1d6: {  	[tilespmem:s24+$0xD100] =	vst v8;
	v8 =	vld [tilespmem:s24+$0x5120]  }
0x1d7: {  	v7 =	vld.idx.msk [tilespmem:v7+s28+$0x0], $0xffff  }
0x1d8: {  	[tilespmem:s24+$0xD080] =	vst v10;
	v10 =	vld.idx.msk [tilespmem:v14+s28+$0x0], $0xffff  }
0x1d9: {  	v3 =	vld [tilespmem:s2+$0x54B8];
	[tilespmem:s2+$0xD0E0] =	vst v6  }
0x1da: {  	v9 =	vld.idx.msk [tilespmem:v9+s28+$0x0], $0xffff  }
0x1db: {  	v11 =	vld.idx.msk [tilespmem:v11+s28+$0x0], $0xffff  }
0x1dc: {  	[tilespmem:s2+$0xD170] =	vst v7;
	v7 =	vld [tilespmem:s2+$0x5510]  }
0x1dd: {  	[tilespmem:s24+$0xD110] =	vst v10;
	v10 =	vld [tilespmem:s24+$0x5130]  }
0x1de: {  	v8 =	vld.idx.msk [tilespmem:v8+s28+$0x0], $0xffff  }
0x1df: {  	[tilespmem:s2+$0xD0F0] =	vst v9;
	v0 =	vld.idx.msk [tilespmem:v0+s28+$0x0], $0xffff  }
0x1e0: {  	v9 =	vld [tilespmem:s24+$0x54B0];
	[tilespmem:s24+$0xD090] =	vst v11  }
0x1e1: {  	v6 =	vld.idx.msk [tilespmem:v12+s28+$0x0], $0xffff  }
0x1e2: {  	v4 =	vld.idx.msk [tilespmem:v4+s28+$0x0], $0xffff  }
0x1e3: {  	[tilespmem:s24+$0xD120] =	vst v8;
	v8 =	vld [tilespmem:s24+$0x5140]  }
0x1e4: {  	[tilespmem:s2+$0xD500] =	vst v0;
	v0 =	vld [tilespmem:s2+$0x5520]  }
0x1e5: {  	v10 =	vld.idx.msk [tilespmem:v10+s28+$0x0], $0xffff  }
0x1e6: {  	v7 =	vld.idx.msk [tilespmem:v7+s28+$0x0], $0xffff;
	[tilespmem:s24+$0xD0A0] =	vst v6  }
0x1e7: {  	v6 =	vld.idx.msk [tilespmem:v13+s28+$0x0], $0xffff  }
0x1e8: {  	v14 =	vld [tilespmem:s24+$0x50E0];
	[tilespmem:s2+$0xD480] =	vst v4  }
0x1e9: {  	v5 =	vld.idx.msk [tilespmem:v5+s28+$0x0], $0xffff  }
0x1ea: {  	[tilespmem:s24+$0xD130] =	vst v10;
	v10 =	vld [tilespmem:s24+$0x5150]  }
0x1eb: {  	[tilespmem:s2+$0xD510] =	vst v7;
	v8 =	vld.idx.msk [tilespmem:v8+s28+$0x0], $0xffff  }
0x1ec: {  	v7 =	vld [tilespmem:s2+$0x5530];
	[tilespmem:s24+$0xD0B0] =	vst v6  }
0x1ed: {  	v6 =	vld.idx.msk [tilespmem:v15+s28+$0x0], $0xffff  }
0x1ee: {  	v12 =	vld [tilespmem:s24+$0x5480]  }
0x1ef: {  	v0 =	vld.idx.msk [tilespmem:v0+s28+$0x0], $0xffff  }
0x1f0: {  	[tilespmem:s24+$0xD140] =	vst v8;
	v8 =	vld [tilespmem:s24+$0x5160]  }
0x1f1: {  	v13 =	vld [tilespmem:s24+$0x5490]  }
0x1f2: {  	[tilespmem:s24+$0xD0C0] =	vst v6;
	v10 =	vld.idx.msk [tilespmem:v10+s28+$0x0], $0xffff  }
0x1f3: {  	v4 =	vld.idx.msk [tilespmem:v16+s28+$0x0], $0xffff  }
0x1f4: {  	v15 =	vld [tilespmem:s24+$0x54A0];
	[tilespmem:s2+$0xD520] =	vst v0  }
0x1f5: {  	v7 =	vld.idx.msk [tilespmem:v7+s28+$0x0], $0xffff  }
0x1f6: {  	v6 =	vld [tilespmem:s24+$0x5170]  }
0x1f7: {  	[tilespmem:s24+$0xD150] =	vst v10;
	v10 =	vld [tilespmem:s5+$0x5080]  }
0x1f8: {  	[tilespmem:s24+$0xD0D0] =	vst v4;
	v4 =	vld.idx.msk [tilespmem:v8+s28+$0x0], $0xffff  }
0x1f9: {  	v0 =	vld [tilespmem:s2+$0x5538]  }
0x1fa: {  	[tilespmem:s2+$0xD530] =	vst v7;
	v7 =	vld.idx.msk [tilespmem:v14+s28+$0x0], $0xffff  }
0x1fb: {  	v8 =	vld [tilespmem:s5+$0x5100]  }
0x1fc: {  	v14 =	vld [tilespmem:s5+$0x5090]  }
0x1fd: {  	[tilespmem:s24+$0xD160] =	vst v4;
	v4 =	vld [tilespmem:s24+$0x5500]  }
0x1fe: {  	v6 =	vld.idx.msk [tilespmem:v6+s28+$0x0], $0xffff  }
0x1ff: {  	v10 =	vld.idx.msk [tilespmem:v10+s28+$0x0], $0xffff  }
0x200: {  	v16 =	vld [tilespmem:s5+$0x50A0]  }
0x201: {  	v11 =	vld.idx.msk [tilespmem:v0+s28+$0x0], $0xffff  }
0x202: {  	v0 =	vld [tilespmem:s24+$0x54B8]  }
0x203: {  	v8 =	vld.idx.msk [tilespmem:v8+s28+$0x0], $0xffff;
	[tilespmem:s24+$0xD170] =	vst v6  }
0x204: {  	v6 =	vld [tilespmem:s24+$0x5510];
	[tilespmem:s5+$0xD080] =	vst v10  }
0x205: {  	v14 =	vld.idx.msk [tilespmem:v14+s28+$0x0], $0xffff  }
0x206: {  	v4 =	vld.idx.msk [tilespmem:v4+s28+$0x0], $0xffff  }
0x207: {  	[tilespmem:s2+$0xD538] =	vst v11;
	v11 =	vld [tilespmem:s6+$0x54B8]  }
0x208: {  	[tilespmem:s5+$0xD100] =	vst v8;
	v8 =	vld [tilespmem:s5+$0x5120]  }
0x209: {  	[tilespmem:s24+$0xD0E0] =	vst v7;
	v10 =	vld.idx.msk [tilespmem:v19+s28+$0x0], $0xffff  }
0x20a: {  	[tilespmem:s5+$0xD090] =	vst v14;
	v14 =	vld.idx.msk [tilespmem:v17+s28+$0x0], $0xffff  }
0x20b: {  	[tilespmem:s24+$0xD500] =	vst v4;
	v4 =	vld [tilespmem:s24+$0x5520]  }
0x20c: {  	v7 =	vld.idx.msk [tilespmem:v16+s28+$0x0], $0xffff  }
0x20d: {  	v6 =	vld.idx.msk [tilespmem:v6+s28+$0x0], $0xffff  }
0x20e: {  	[tilespmem:s5+$0xD110] =	vst v10;
	v10 =	vld [tilespmem:s5+$0x5130]  }
0x20f: {  	v19 =	vld [tilespmem:s5+$0x50E0]  }
0x210: {  	v8 =	vld.idx.msk [tilespmem:v8+s28+$0x0], $0xffff  }
0x211: {  	v16 =	vld [tilespmem:s5+$0x5480];
	[tilespmem:s24+$0xD0F0] =	vst v14  }
0x212: {  	[tilespmem:s5+$0xD0A0] =	vst v7;
	v7 =	vld.idx.msk [tilespmem:v12+s28+$0x0], $0xffff  }
0x213: {  	[tilespmem:s24+$0xD510] =	vst v6;
	v6 =	vld [tilespmem:s24+$0x5530]  }
0x214: {  	v4 =	vld.idx.msk [tilespmem:v4+s28+$0x0], $0xffff  }
0x215: {  	[tilespmem:s5+$0xD120] =	vst v8;
	v8 =	vld [tilespmem:s5+$0x5140]  }
0x216: {  	[tilespmem:s2+$0xD490] =	vst v5;
	v5 =	vld.idx.msk [tilespmem:v10+s28+$0x0], $0xffff  }
0x217: {  	v10 =	vld.idx.msk [tilespmem:v1+s28+$0x0], $0xffff  }
0x218: {  	v1 =	vld.idx.msk [tilespmem:v18+s28+$0x0], $0xffff;
	[tilespmem:s24+$0xD480] =	vst v7  }
0x219: {  	v7 =	vld.idx.msk [tilespmem:v13+s28+$0x0], $0xffff  }
0x21a: {  	[tilespmem:s24+$0xD520] =	vst v4;
	v4 =	vld [tilespmem:s24+$0x5538]  }
0x21b: {  	[tilespmem:s5+$0xD130] =	vst v5;
	v5 =	vld [tilespmem:s5+$0x5150]  }
0x21c: {  	v6 =	vld.idx.msk [tilespmem:v6+s28+$0x0], $0xffff  }
0x21d: {  	v8 =	vld.idx.msk [tilespmem:v8+s28+$0x0], $0xffff  }
0x21e: {  	v12 =	vld [tilespmem:s5+$0x5490];
	[tilespmem:s5+$0xD0B0] =	vst v1  }
0x21f: {  	v14 =	vld.idx.msk [tilespmem:v20+s28+$0x0], $0xffff  }
0x220: {  	v13 =	vld [tilespmem:s5+$0x54A0];
	[tilespmem:s24+$0xD490] =	vst v7  }
0x221: {  	v7 =	vld [tilespmem:s6+$0x5100];
	[tilespmem:s24+$0xD530] =	vst v6  }
0x222: {  	[tilespmem:s5+$0xD140] =	vst v8;
	v8 =	vld [tilespmem:s5+$0x5160]  }
0x223: {  	v17 =	vld.idx.msk [tilespmem:v4+s28+$0x0], $0xffff  }
0x224: {  	[tilespmem:s5+$0xD0C0] =	vst v14;
	v5 =	vld.idx.msk [tilespmem:v5+s28+$0x0], $0xffff  }
0x225: {  	v4 =	vld.idx.msk [tilespmem:v21+s28+$0x0], $0xffff  }
0x226: {  	v1 =	vld [tilespmem:s5+$0x54B0]  }
0x227: {  	[tilespmem:s2+$0xD4A0] =	vst v10;
	v10 =	vld [tilespmem:s6+$0x5090]  }
0x228: {  	v60 =	vld.idx.msk [tilespmem:v2+s28+$0x0], $0xffff  }
0x229: {  	[tilespmem:s5+$0xD150] =	vst v5;
	v5 =	vld [tilespmem:s5+$0x5170]  }
0x22a: {  	[tilespmem:s5+$0xD0D0] =	vst v4;
	v4 =	vld.idx.msk [tilespmem:v8+s28+$0x0], $0xffff  }
0x22b: {  	v8 =	vld [tilespmem:s6+$0x5080]  }
0x22c: {  	v2 =	vld [tilespmem:s5+$0x54B8]  }
0x22d: {  	v7 =	vld.idx.msk [tilespmem:v7+s28+$0x0], $0xffff  }
0x22e: {  	v6 =	vld.idx.msk [tilespmem:v19+s28+$0x0], $0xffff  }
0x22f: {  	[tilespmem:s5+$0xD160] =	vst v4;
	v4 =	vld [tilespmem:s5+$0x5500]  }
0x230: {  	v19 =	vld [tilespmem:s6+$0x5110]  }
0x231: {  	v5 =	vld.idx.msk [tilespmem:v5+s28+$0x0], $0xffff  }
0x232: {  	v18 =	vld.idx.msk [tilespmem:v15+s28+$0x0], $0xffff  }
0x233: {  	v8 =	vld.idx.msk [tilespmem:v8+s28+$0x0], $0xffff  }
0x234: {  	v15 =	vld [tilespmem:s6+$0x50B0]  }
0x235: {  	[tilespmem:s6+$0xD100] =	vst v7;
	v7 =	vld [tilespmem:s6+$0x5120]  }
0x236: {  	[tilespmem:s5+$0xD170] =	vst v5;
	v5 =	vld [tilespmem:s5+$0x5510]  }
0x237: {  	v4 =	vld.idx.msk [tilespmem:v4+s28+$0x0], $0xffff  }
0x238: {  	[tilespmem:s6+$0xD080] =	vst v8;
	v8 =	vld.idx.msk [tilespmem:v19+s28+$0x0], $0xffff  }
0x239: {  	v14 =	vld [tilespmem:s6+$0x50A0]  }
0x23a: {  	v19 =	vld.idx.msk [tilespmem:v10+s28+$0x0], $0xffff  }
0x23b: {  	v10 =	vld [tilespmem:s6+$0x50E0]  }
0x23c: {  	[tilespmem:s5+$0xD500] =	vst v4;
	v4 =	vld [tilespmem:s6+$0x50F0]  }
0x23d: {  	[tilespmem:s6+$0xD110] =	vst v8;
	v8 =	vld [tilespmem:s6+$0x5130]  }
0x23e: {  	v5 =	vld.idx.msk [tilespmem:v5+s28+$0x0], $0xffff  }
0x23f: {  	v7 =	vld.idx.msk [tilespmem:v7+s28+$0x0], $0xffff  }
0x240: {  	[tilespmem:s6+$0xD090] =	vst v19;
	v19 =	vld [tilespmem:s5+$0x5530]  }
0x241: {  	[tilespmem:s5+$0xD0E0] =	vst v6;
	v6 =	vld.idx.msk [tilespmem:v14+s28+$0x0], $0xffff  }
0x242: {  	v14 =	vld.idx.msk [tilespmem:v22+s28+$0x0], $0xffff  }
0x243: {  	[tilespmem:s5+$0xD510] =	vst v5;
	v5 =	vld [tilespmem:s6+$0x5480]  }
0x244: {  	v62 =	vld.idx.msk [tilespmem:v24+s28+$0x0], $0xffff  }
0x245: {  	[tilespmem:s6+$0xD120] =	vst v7;
	v7 =	vld [tilespmem:s6+$0x5490]  }
0x246: {  	[tilespmem:s6+$0xD0A0] =	vst v6;
	v6 =	vld.idx.msk [tilespmem:v8+s28+$0x0], $0xffff  }
0x247: {  	[tilespmem:s5+$0xD0F0] =	vst v14;
	v8 =	vld.idx.msk [tilespmem:v15+s28+$0x0], $0xffff  }
0x248: {  	v14 =	vld.idx.msk [tilespmem:v16+s28+$0x0], $0xffff  }
0x249: {  	v15 =	vld [tilespmem:s5+$0x5538];
	[tilespmem:s5+$0xD520] =	vst v62  }
0x24a: {  	v16 =	vld.idx.msk [tilespmem:v19+s28+$0x0], $0xffff  }
0x24b: {  	[tilespmem:s6+$0xD130] =	vst v6;
	v19 =	vld [tilespmem:s6+$0x5150]  }
0x24c: {  	[tilespmem:s6+$0xD0B0] =	vst v8;
	v8 =	vld [tilespmem:s6+$0x54A0]  }
0x24d: {  	v6 =	vld.idx.msk [tilespmem:v63+s28+$0x0], $0xffff  }
0x24e: {  	[tilespmem:s5+$0xD480] =	vst v14;
	v21 =	vld.idx.msk [tilespmem:v61+s28+$0x0], $0xffff  }
0x24f: {  	v12 =	vld.idx.msk [tilespmem:v12+s28+$0x0], $0xffff  }
0x250: {  	v14 =	vld [tilespmem:s6+$0x5160];
	[tilespmem:s5+$0xD530] =	vst v16  }
0x251: {  	[tilespmem:s2+$0xD4B0] =	vst v60;
	v16 =	vld.idx.msk [tilespmem:v15+s28+$0x0], $0xffff  }
0x252: {  	[tilespmem:s6+$0xD140] =	vst v6;
	v6 =	vld [tilespmem:s6+$0x54B0]  }
0x253: {  	[tilespmem:s6+$0xD0C0] =	vst v21;
	v19 =	vld.idx.msk [tilespmem:v19+s28+$0x0], $0xffff  }
0x254: {  	[tilespmem:s5+$0xD490] =	vst v12;
	v15 =	vld.idx.msk [tilespmem:v23+s28+$0x0], $0xffff  }
0x255: {  	[tilespmem:s24+$0xD4A0] =	vst v18;
	v13 =	vld.idx.msk [tilespmem:v13+s28+$0x0], $0xffff  }
0x256: {  	[tilespmem:s24+$0xD538] =	vst v17;
	v12 =	vld.idx.msk [tilespmem:v9+s28+$0x0], $0xffff  }
0x257: {  	v9 =	vld.idx.msk [tilespmem:v3+s28+$0x0], $0xffff;
	[tilespmem:s5+$0xD538] =	vst v16  }
0x258: {  	s8 =	simm.s32 $0x400;
	s9 =	simm.s32 $0x800;
	s7 =	simm.s32 $0x6;
	v16 =	vld [tilespmem:s6+$0x5170];
	[tilespmem:s6+$0xD150] =	vst v19  }
.LBB2_4:
0x259: {  	s10 =	sand.u32 $0x3800, s9;
	s11 =	sand.u32 $0x300, s8;
	s7 =	sadd.s32 $0x2, s7;
	[tilespmem:s6+$0xD0D0] =	vst v15;
	v14 =	vld.idx.msk [tilespmem:v14+s28+$0x0], $0xffff  }
0x25a: {  	s10 =	sor.u32 s11, s10;
	p0 =	slt.u32 s7, $0x3E;
	v10 =	vld.idx.msk [tilespmem:v10+s28+$0x0], $0xffff;
	[tilespmem:s5+$0xD4A0] =	vst v13  }
0x25b: {  	v13 =	vld [tilespmem:s10+$0x5100];
	[tilespmem:s24+$0xD4B0] =	vst v12;
	v3 =	vmov v11  }
0x25c: {  	v11 =	vld [tilespmem:s10+$0x5080]  }
0x25d: {  	v12 =	vld [tilespmem:s10+$0x5090];
	[tilespmem:s2+$0xD4B8] =	vst v9;
	s2 =	smov.u32 s24;
	s24 =	smov.u32 s5;
	s5 =	smov.u32 s6  }
0x25e: {  	s6 =	smov.u32 s10;
	v9 =	vld [tilespmem:s10+$0x50A0]  }
0x25f: {  	[tilespmem:s5+$0xD160] =	vst v14;
	v14 =	vld [tilespmem:s5+$0x5500]  }
0x260: {  	[tilespmem:s5+$0xD0E0] =	vst v10;
	v10 =	vld.idx.msk [tilespmem:v16+s28+$0x0], $0xffff  }
0x261: {  	v15 =	vld [tilespmem:s6+$0x50B0]  }
0x262: {  	v16 =	vld [tilespmem:s6+$0x5110]  }
0x263: {  	v13 =	vld.idx.msk [tilespmem:v13+s28+$0x0], $0xffff  }
0x264: {  	v11 =	vld.idx.msk [tilespmem:v11+s28+$0x0], $0xffff  }
0x265: {  	v17 =	vld [tilespmem:s6+$0x50C0]  }
0x266: {  	[tilespmem:s5+$0xD170] =	vst v10;
	v18 =	vld [tilespmem:s5+$0x5510]  }
0x267: {  	v14 =	vld.idx.msk [tilespmem:v14+s28+$0x0], $0xffff  }
0x268: {  	v19 =	vld [tilespmem:s6+$0x50D0]  }
0x269: {  	[tilespmem:s6+$0xD100] =	vst v13;
	v13 =	vld [tilespmem:s6+$0x5120]  }
0x26a: {  	[tilespmem:s6+$0xD080] =	vst v11;
	v11 =	vld.idx.msk [tilespmem:v16+s28+$0x0], $0xffff  }
0x26b: {  	v12 =	vld.idx.msk [tilespmem:v12+s28+$0x0], $0xffff  }
0x26c: {  	v10 =	vld [tilespmem:s6+$0x50E0]  }
0x26d: {  	[tilespmem:s5+$0xD500] =	vst v14;
	v14 =	vld [tilespmem:s5+$0x5520]  }
0x26e: {  	v16 =	vld.idx.msk [tilespmem:v18+s28+$0x0], $0xffff  }
0x26f: {  	v18 =	vld [tilespmem:s6+$0x50F0]  }
0x270: {  	[tilespmem:s6+$0xD110] =	vst v11;
	v11 =	vld [tilespmem:s6+$0x5130]  }
0x271: {  	[tilespmem:s6+$0xD090] =	vst v12;
	v12 =	vld.idx.msk [tilespmem:v13+s28+$0x0], $0xffff  }
0x272: {  	v9 =	vld.idx.msk [tilespmem:v9+s28+$0x0], $0xffff  }
0x273: {  	v13 =	vld.idx.msk [tilespmem:v4+s28+$0x0], $0xffff  }
0x274: {  	[tilespmem:s5+$0xD510] =	vst v16;
	v16 =	vld [tilespmem:s5+$0x5530];
	v4 =	vmov v18  }
0x275: {  	v14 =	vld.idx.msk [tilespmem:v14+s28+$0x0], $0xffff  }
0x276: {  	v18 =	vld [tilespmem:s6+$0x5480]  }
0x277: {  	[tilespmem:s6+$0xD120] =	vst v12;
	v12 =	vld [tilespmem:s6+$0x5140]  }
0x278: {  	[tilespmem:s6+$0xD0A0] =	vst v9;
	v9 =	vld.idx.msk [tilespmem:v11+s28+$0x0], $0xffff  }
0x279: {  	v11 =	vld.idx.msk [tilespmem:v15+s28+$0x0], $0xffff;
	[tilespmem:s5+$0xD0F0] =	vst v13  }
0x27a: {  	v13 =	vld.idx.msk [tilespmem:v5+s28+$0x0], $0xffff  }
0x27b: {  	[tilespmem:s5+$0xD520] =	vst v14;
	v14 =	vld [tilespmem:s5+$0x5538];
	v5 =	vmov v18  }
0x27c: {  	v15 =	vld.idx.msk [tilespmem:v16+s28+$0x0], $0xffff  }
0x27d: {  	v16 =	vld [tilespmem:s6+$0x5490]  }
0x27e: {  	[tilespmem:s6+$0xD130] =	vst v9;
	v9 =	vld [tilespmem:s6+$0x5150]  }
0x27f: {  	[tilespmem:s6+$0xD0B0] =	vst v11;
	v11 =	vld.idx.msk [tilespmem:v12+s28+$0x0], $0xffff  }
0x280: {  	v12 =	vld.idx.msk [tilespmem:v17+s28+$0x0], $0xffff;
	[tilespmem:s5+$0xD480] =	vst v13  }
0x281: {  	v13 =	vld.idx.msk [tilespmem:v7+s28+$0x0], $0xffff  }
0x282: {  	v17 =	vld [tilespmem:s6+$0x54A0];
	[tilespmem:s5+$0xD530] =	vst v15;
	v7 =	vmov v16  }
0x283: {  	v16 =	vld.idx.msk [tilespmem:v14+s28+$0x0], $0xffff  }
0x284: {  	v18 =	vld [tilespmem:s6+$0x54B0]  }
0x285: {  	[tilespmem:s6+$0xD140] =	vst v11;
	v14 =	vld [tilespmem:s6+$0x5160]  }
0x286: {  	[tilespmem:s6+$0xD0C0] =	vst v12;
	v20 =	vld.idx.msk [tilespmem:v9+s28+$0x0], $0xffff  }
0x287: {  	v15 =	vld.idx.msk [tilespmem:v19+s28+$0x0], $0xffff;
	[tilespmem:s5+$0xD490] =	vst v13  }
.Ltmp1:
0x288: {  	v13 =	vld.idx.msk [tilespmem:v8+s28+$0x0], $0xffff;
	v8 =	vmov v17;
	(pc) =	sbr.rel @p0 .LBB2_4-.Ltmp1, $4  }
0x289: {  	[tilespmem:s5+$0xD538] =	vst v16;
	v12 =	vld.idx.msk [tilespmem:v1+s28+$0x0], $0xffff;
	v1 =	vmov v6;
	v6 =	vmov v18  }
0x28a: {  	v11 =	vld [tilespmem:s6+$0x54B8]  }
0x28b: {  	v9 =	vld.idx.msk [tilespmem:v0+s28+$0x0], $0xffff;
	v0 =	vmov v2;
	v2 =	vmov v3  }
0x28c: {  	s8 =	sadd.s32 $0x100, s8;
	s9 =	sadd.s32 $0x200, s9;
	[tilespmem:s6+$0xD150] =	vst v20;
	v16 =	vld [tilespmem:s6+$0x5170]  }
0x28d: {  	_ =	sdelay $0x3  }
0x28e: {  	v3 =	vld.idx.msk [tilespmem:v14+s28+$0x0], $0xffff;
	_ =	sdelay $0x2  }
0x28f: {  	[tilespmem:s6+$0xD0D0] =	vst v15  }
0x290: {  	v10 =	vld.idx.msk [tilespmem:v10+s28+$0x0], $0xffff  }
0x291: {  	[tilespmem:s6+$0xD160] =	vst v3;
	v3 =	vld [tilespmem:s6+$0x5500];
	_ =	sdelay $0x1  }
0x292: {  	v14 =	vld.idx.msk [tilespmem:v16+s28+$0x0], $0xffff;
	_ =	sdelay $0x2  }
0x293: {  	[tilespmem:s6+$0xD0E0] =	vst v10  }
0x294: {  	v4 =	vld.idx.msk [tilespmem:v4+s28+$0x0], $0xffff  }
0x295: {  	[tilespmem:s6+$0xD170] =	vst v14;
	v14 =	vld [tilespmem:s6+$0x5510]  }
0x296: {  	v3 =	vld.idx.msk [tilespmem:v3+s28+$0x0], $0xffff;
	_ =	sdelay $0x3  }
0x297: {  	[tilespmem:s6+$0xD0F0] =	vst v4  }
0x298: {  	[tilespmem:s6+$0xD500] =	vst v3;
	v3 =	vld [tilespmem:s6+$0x5520]  }
0x299: {  	v4 =	vld.idx.msk [tilespmem:v5+s28+$0x0], $0xffff  }
0x29a: {  	v10 =	vld.idx.msk [tilespmem:v14+s28+$0x0], $0xffff;
	_ =	sdelay $0x3  }
0x29b: {  	[tilespmem:s6+$0xD480] =	vst v4  }
0x29c: {  	v4 =	vld.idx.msk [tilespmem:v7+s28+$0x0], $0xffff;
	[tilespmem:s6+$0xD510] =	vst v10  }
0x29d: {  	v3 =	vld.idx.msk [tilespmem:v3+s28+$0x0], $0xffff;
	_ =	sdelay $0x1  }
0x29e: {  	v5 =	vld [tilespmem:s6+$0x5530];
	_ =	sdelay $0x1  }
0x29f: {  	[tilespmem:s6+$0xD490] =	vst v4  }
0x2a0: {  	[tilespmem:s6+$0xD520] =	vst v3;
	v3 =	vld.idx.msk [tilespmem:v8+s28+$0x0], $0xffff;
	_ =	sdelay $0x2  }
0x2a1: {  	[tilespmem:s5+$0xD4A0] =	vst v13;
	v4 =	vld [tilespmem:s6+$0x5538]  }
0x2a2: {  	v1 =	vld.idx.msk [tilespmem:v1+s28+$0x0], $0xffff  }
0x2a3: {  	v5 =	vld.idx.msk [tilespmem:v5+s28+$0x0], $0xffff;
	[tilespmem:s6+$0xD4A0] =	vst v3  }
0x2a4: {  	v3 =	vld.idx.msk [tilespmem:v6+s28+$0x0], $0xffff;
	_ =	sdelay $0x1  }
0x2a5: {  	[tilespmem:s24+$0xD4B0] =	vst v12  }
0x2a6: {  	v0 =	vld.idx.msk [tilespmem:v0+s28+$0x0], $0xffff;
	[tilespmem:s5+$0xD4B0] =	vst v1  }
0x2a7: {  	v1 =	vld.idx.msk [tilespmem:v2+s28+$0x0], $0xffff;
	[tilespmem:s6+$0xD530] =	vst v5  }
0x2a8: {  	v4 =	vld.idx.msk [tilespmem:v4+s28+$0x0], $0xffff;
	[tilespmem:s6+$0xD4B0] =	vst v3  }
0x2a9: {  	v2 =	vld.idx.msk [tilespmem:v11+s28+$0x0], $0xffff  }
0x2aa: {  	[tilespmem:s2+$0xD4B8] =	vst v9  }
0x2ab: {  	[tilespmem:s24+$0xD4B8] =	vst v0  }
0x2ac: {  	[tilespmem:s5+$0xD4B8] =	vst v1  }
0x2ad: {  	[tilespmem:s6+$0xD538] =	vst v4  }
0x2ae: {  	[tilespmem:s6+$0xD4B8] =	vst v2  }
0x2af: {  	s11 =	simm.s32 $0x0;
	s5 =	rddreg [dreg:$0x8]  }
0x2b0: {  	[hbm4b:s5+s11] =	stream.linear.scatter [tilespmem:s31], [sflag:$0x4], $0x4000, $0x38;
	[tilespmem:$0x11080] =	vst v63  }
0x2b1: {  	s24 =	rddreg [dreg:$0x9]  }
0x2b2: {  	[tilespmem:s25], [sflag:$0x2] =	stream.linear.gather [hbm4b:s24+s11], $0x4000, $0x38;
	[tilespmem:$0x11080] =	vst v63  }
0x2b3: {  	_ =	swait.ge [sflag:s26], $0x4000  }
0x2b4: {  	[sflag:s26] =	ssyncset.done $0x0  }
0x2b5: {  	[sflag:s26] =	ssyncadd.s32 $0xFFFFC000  }
0x2b6: {  	_ =	swait.ge [sflag:s0], $0x4000  }
0x2b7: {  	s2 =	sand.u32 $0x300, s11;
	s6 =	sand.u32 $0x3800, s11;
	[sflag:s0] =	ssyncset.done $0x0  }
0x2b8: {  	s2 =	sor.u32 s2, s6;
	[sflag:s0] =	ssyncadd.s32 $0xFFFFC000  }
0x2b9: {  	v1 =	vld [tilespmem:s2+$0x1080];
	_ =	sdelay $0x1  }
0x2ba: {  	v0 =	vld [tilespmem:s2+$0x1100];
	_ =	sdelay $0x2  }
0x2bb: {  	v2 =	vld [tilespmem:s2+$0x1110]  }
0x2bc: {  	v3 =	vld [tilespmem:s2+$0x1090]  }
0x2bd: {  	v4 =	vld [tilespmem:s2+$0x10A0]  }
0x2be: {  	v1 =	vld.idx.msk [tilespmem:v1+s28+$0x0], $0xffff  }
0x2bf: {  	v5 =	vld [tilespmem:s2+$0x10B0]  }
0x2c0: {  	v0 =	vld.idx.msk [tilespmem:v0+s28+$0x0], $0xffff  }
0x2c1: {  	v6 =	vld [tilespmem:s2+$0x10C0]  }
0x2c2: {  	v7 =	vld [tilespmem:s2+$0x10D0]  }
0x2c3: {  	v8 =	vld [tilespmem:s2+$0x10E0];
	[tilespmem:s2+$0x9080] =	vst v1  }
0x2c4: {  	v1 =	vld.idx.msk [tilespmem:v3+s28+$0x0], $0xffff  }
0x2c5: {  	s7 =	simm.s32 $0x100;
	s8 =	simm.s32 $0x200;
	[tilespmem:s2+$0x9100] =	vst v0;
	v0 =	vld [tilespmem:s2+$0x1120]  }
0x2c6: {  	s6 =	sand.u32 $0x3800, s8;
	s5 =	sand.u32 $0x300, s7;
	v9 =	vld [tilespmem:s2+$0x10F0]  }
0x2c7: {  	s24 =	sor.u32 s5, s6;
	v2 =	vld.idx.msk [tilespmem:v2+s28+$0x0], $0xffff  }
0x2c8: {  	v11 =	vld [tilespmem:s24+$0x1090]  }
0x2c9: {  	v12 =	vld [tilespmem:s24+$0x10A0];
	[tilespmem:s2+$0x9090] =	vst v1  }
0x2ca: {  	v1 =	vld.idx.msk [tilespmem:v4+s28+$0x0], $0xffff  }
0x2cb: {  	v13 =	vld [tilespmem:s24+$0x10B0]  }
0x2cc: {  	[tilespmem:s2+$0x9110] =	vst v2;
	v2 =	vld [tilespmem:s2+$0x1130]  }
0x2cd: {  	v0 =	vld.idx.msk [tilespmem:v0+s28+$0x0], $0xffff  }
0x2ce: {  	v14 =	vld [tilespmem:s24+$0x1110]  }
0x2cf: {  	v15 =	vld [tilespmem:s24+$0x10C0];
	[tilespmem:s2+$0x90A0] =	vst v1  }
0x2d0: {  	v1 =	vld.idx.msk [tilespmem:v5+s28+$0x0], $0xffff  }
0x2d1: {  	v16 =	vld [tilespmem:s24+$0x10D0]  }
0x2d2: {  	s9 =	simm.s32 $0x200;
	s10 =	simm.s32 $0x400;
	[tilespmem:s2+$0x9120] =	vst v0;
	v0 =	vld [tilespmem:s2+$0x1140]  }
0x2d3: {  	s6 =	sand.u32 $0x3800, s10;
	s5 =	sand.u32 $0x300, s9;
	v17 =	vld [tilespmem:s24+$0x10F0]  }
0x2d4: {  	s5 =	sor.u32 s5, s6;
	v2 =	vld.idx.msk [tilespmem:v2+s28+$0x0], $0xffff  }
0x2d5: {  	v18 =	vld [tilespmem:s5+$0x10B0];
	[tilespmem:s2+$0x90B0] =	vst v1  }
0x2d6: {  	v6 =	vld.idx.msk [tilespmem:v6+s28+$0x0], $0xffff  }
0x2d7: {  	v19 =	vld [tilespmem:s5+$0x1110]  }
0x2d8: {  	v3 =	vld [tilespmem:s2+$0x1150]  }
0x2d9: {  	v20 =	vld [tilespmem:s5+$0x10C0];
	[tilespmem:s2+$0x9130] =	vst v2  }
0x2da: {  	v0 =	vld.idx.msk [tilespmem:v0+s28+$0x0], $0xffff  }
0x2db: {  	s7 =	simm.s32 $0x600;
	s11 =	simm.s32 $0x300;
	v21 =	vld [tilespmem:s5+$0x10D0];
	[tilespmem:s2+$0x90C0] =	vst v6  }
0x2dc: {  	s7 =	sand.u32 $0x3800, s7;
	s6 =	sand.u32 $0x300, s11;
	v6 =	vld.idx.msk [tilespmem:v7+s28+$0x0], $0xffff  }
0x2dd: {  	s6 =	sor.u32 s6, s7;
	v22 =	vld [tilespmem:s5+$0x10F0]  }
0x2de: {  	v61 =	vld [tilespmem:s6+$0x10C0]  }
0x2df: {  	v23 =	vld [tilespmem:s6+$0x10D0];
	[tilespmem:s2+$0x9140] =	vst v0  }
0x2e0: {  	v10 =	vld.idx.msk [tilespmem:v3+s28+$0x0], $0xffff  }
0x2e1: {  	v0 =	vld [tilespmem:s2+$0x1160];
	[tilespmem:s2+$0x90D0] =	vst v6  }
0x2e2: {  	v6 =	vld.idx.msk [tilespmem:v8+s28+$0x0], $0xffff  }
0x2e3: {  	v8 =	vld [tilespmem:s24+$0x1100]  }
0x2e4: {  	v24 =	vld [tilespmem:s5+$0x1520]  }
0x2e5: {  	[tilespmem:s2+$0x9150] =	vst v10;
	v10 =	vld [tilespmem:s24+$0x1080]  }
0x2e6: {  	v63 =	vld [tilespmem:s6+$0x1140]  }
0x2e7: {  	v4 =	vld [tilespmem:s2+$0x1480]  }
0x2e8: {  	v5 =	vld [tilespmem:s2+$0x1490]  }
0x2e9: {  	v7 =	vld [tilespmem:s2+$0x1170]  }
0x2ea: {  	v0 =	vld.idx.msk [tilespmem:v0+s28+$0x0], $0xffff  }
0x2eb: {  	v8 =	vld.idx.msk [tilespmem:v8+s28+$0x0], $0xffff  }
0x2ec: {  	v1 =	vld [tilespmem:s2+$0x14A0]  }
0x2ed: {  	v10 =	vld.idx.msk [tilespmem:v10+s28+$0x0], $0xffff  }
0x2ee: {  	v2 =	vld [tilespmem:s2+$0x14B0]  }
0x2ef: {  	[tilespmem:s2+$0x9160] =	vst v0;
	v0 =	vld [tilespmem:s2+$0x1500]  }
0x2f0: {  	[tilespmem:s24+$0x9100] =	vst v8;
	v8 =	vld [tilespmem:s24+$0x1120]  }
0x2f1: {  	v7 =	vld.idx.msk [tilespmem:v7+s28+$0x0], $0xffff  }
0x2f2: {  	[tilespmem:s24+$0x9080] =	vst v10;
	v10 =	vld.idx.msk [tilespmem:v14+s28+$0x0], $0xffff  }
0x2f3: {  	v3 =	vld [tilespmem:s2+$0x14B8];
	[tilespmem:s2+$0x90E0] =	vst v6  }
0x2f4: {  	v9 =	vld.idx.msk [tilespmem:v9+s28+$0x0], $0xffff  }
0x2f5: {  	v11 =	vld.idx.msk [tilespmem:v11+s28+$0x0], $0xffff  }
0x2f6: {  	[tilespmem:s2+$0x9170] =	vst v7;
	v7 =	vld [tilespmem:s2+$0x1510]  }
0x2f7: {  	[tilespmem:s24+$0x9110] =	vst v10;
	v10 =	vld [tilespmem:s24+$0x1130]  }
0x2f8: {  	v8 =	vld.idx.msk [tilespmem:v8+s28+$0x0], $0xffff  }
0x2f9: {  	[tilespmem:s2+$0x90F0] =	vst v9;
	v0 =	vld.idx.msk [tilespmem:v0+s28+$0x0], $0xffff  }
0x2fa: {  	v9 =	vld [tilespmem:s24+$0x14B0];
	[tilespmem:s24+$0x9090] =	vst v11  }
0x2fb: {  	v6 =	vld.idx.msk [tilespmem:v12+s28+$0x0], $0xffff  }
0x2fc: {  	v4 =	vld.idx.msk [tilespmem:v4+s28+$0x0], $0xffff  }
0x2fd: {  	[tilespmem:s24+$0x9120] =	vst v8;
	v8 =	vld [tilespmem:s24+$0x1140]  }
0x2fe: {  	[tilespmem:s2+$0x9500] =	vst v0;
	v0 =	vld [tilespmem:s2+$0x1520]  }
0x2ff: {  	v10 =	vld.idx.msk [tilespmem:v10+s28+$0x0], $0xffff  }
0x300: {  	v7 =	vld.idx.msk [tilespmem:v7+s28+$0x0], $0xffff;
	[tilespmem:s24+$0x90A0] =	vst v6  }
0x301: {  	v6 =	vld.idx.msk [tilespmem:v13+s28+$0x0], $0xffff  }
0x302: {  	v14 =	vld [tilespmem:s24+$0x10E0];
	[tilespmem:s2+$0x9480] =	vst v4  }
0x303: {  	v5 =	vld.idx.msk [tilespmem:v5+s28+$0x0], $0xffff  }
0x304: {  	[tilespmem:s24+$0x9130] =	vst v10;
	v10 =	vld [tilespmem:s24+$0x1150]  }
0x305: {  	[tilespmem:s2+$0x9510] =	vst v7;
	v8 =	vld.idx.msk [tilespmem:v8+s28+$0x0], $0xffff  }
0x306: {  	v7 =	vld [tilespmem:s2+$0x1530];
	[tilespmem:s24+$0x90B0] =	vst v6  }
0x307: {  	v6 =	vld.idx.msk [tilespmem:v15+s28+$0x0], $0xffff  }
0x308: {  	v12 =	vld [tilespmem:s24+$0x1480]  }
0x309: {  	v0 =	vld.idx.msk [tilespmem:v0+s28+$0x0], $0xffff  }
0x30a: {  	[tilespmem:s24+$0x9140] =	vst v8;
	v8 =	vld [tilespmem:s24+$0x1160]  }
0x30b: {  	v13 =	vld [tilespmem:s24+$0x1490]  }
0x30c: {  	[tilespmem:s24+$0x90C0] =	vst v6;
	v10 =	vld.idx.msk [tilespmem:v10+s28+$0x0], $0xffff  }
0x30d: {  	v4 =	vld.idx.msk [tilespmem:v16+s28+$0x0], $0xffff  }
0x30e: {  	v15 =	vld [tilespmem:s24+$0x14A0];
	[tilespmem:s2+$0x9520] =	vst v0  }
0x30f: {  	v7 =	vld.idx.msk [tilespmem:v7+s28+$0x0], $0xffff  }
0x310: {  	v6 =	vld [tilespmem:s24+$0x1170]  }
0x311: {  	[tilespmem:s24+$0x9150] =	vst v10;
	v10 =	vld [tilespmem:s5+$0x1080]  }
0x312: {  	[tilespmem:s24+$0x90D0] =	vst v4;
	v4 =	vld.idx.msk [tilespmem:v8+s28+$0x0], $0xffff  }
0x313: {  	v0 =	vld [tilespmem:s2+$0x1538]  }
0x314: {  	[tilespmem:s2+$0x9530] =	vst v7;
	v7 =	vld.idx.msk [tilespmem:v14+s28+$0x0], $0xffff  }
0x315: {  	v8 =	vld [tilespmem:s5+$0x1100]  }
0x316: {  	v14 =	vld [tilespmem:s5+$0x1090]  }
0x317: {  	[tilespmem:s24+$0x9160] =	vst v4;
	v4 =	vld [tilespmem:s24+$0x1500]  }
0x318: {  	v6 =	vld.idx.msk [tilespmem:v6+s28+$0x0], $0xffff  }
0x319: {  	v10 =	vld.idx.msk [tilespmem:v10+s28+$0x0], $0xffff  }
0x31a: {  	v16 =	vld [tilespmem:s5+$0x10A0]  }
0x31b: {  	v11 =	vld.idx.msk [tilespmem:v0+s28+$0x0], $0xffff  }
0x31c: {  	v0 =	vld [tilespmem:s24+$0x14B8]  }
0x31d: {  	v8 =	vld.idx.msk [tilespmem:v8+s28+$0x0], $0xffff;
	[tilespmem:s24+$0x9170] =	vst v6  }
0x31e: {  	v6 =	vld [tilespmem:s24+$0x1510];
	[tilespmem:s5+$0x9080] =	vst v10  }
0x31f: {  	v14 =	vld.idx.msk [tilespmem:v14+s28+$0x0], $0xffff  }
0x320: {  	v4 =	vld.idx.msk [tilespmem:v4+s28+$0x0], $0xffff  }
0x321: {  	[tilespmem:s2+$0x9538] =	vst v11;
	v11 =	vld [tilespmem:s6+$0x14B8]  }
0x322: {  	[tilespmem:s5+$0x9100] =	vst v8;
	v8 =	vld [tilespmem:s5+$0x1120]  }
0x323: {  	[tilespmem:s24+$0x90E0] =	vst v7;
	v10 =	vld.idx.msk [tilespmem:v19+s28+$0x0], $0xffff  }
0x324: {  	[tilespmem:s5+$0x9090] =	vst v14;
	v14 =	vld.idx.msk [tilespmem:v17+s28+$0x0], $0xffff  }
0x325: {  	[tilespmem:s24+$0x9500] =	vst v4;
	v4 =	vld [tilespmem:s24+$0x1520]  }
0x326: {  	v7 =	vld.idx.msk [tilespmem:v16+s28+$0x0], $0xffff  }
0x327: {  	v6 =	vld.idx.msk [tilespmem:v6+s28+$0x0], $0xffff  }
0x328: {  	[tilespmem:s5+$0x9110] =	vst v10;
	v10 =	vld [tilespmem:s5+$0x1130]  }
0x329: {  	v19 =	vld [tilespmem:s5+$0x10E0]  }
0x32a: {  	v8 =	vld.idx.msk [tilespmem:v8+s28+$0x0], $0xffff  }
0x32b: {  	v16 =	vld [tilespmem:s5+$0x1480];
	[tilespmem:s24+$0x90F0] =	vst v14  }
0x32c: {  	[tilespmem:s5+$0x90A0] =	vst v7;
	v7 =	vld.idx.msk [tilespmem:v12+s28+$0x0], $0xffff  }
0x32d: {  	[tilespmem:s24+$0x9510] =	vst v6;
	v6 =	vld [tilespmem:s24+$0x1530]  }
0x32e: {  	v4 =	vld.idx.msk [tilespmem:v4+s28+$0x0], $0xffff  }
0x32f: {  	[tilespmem:s5+$0x9120] =	vst v8;
	v8 =	vld [tilespmem:s5+$0x1140]  }
0x330: {  	[tilespmem:s2+$0x9490] =	vst v5;
	v5 =	vld.idx.msk [tilespmem:v10+s28+$0x0], $0xffff  }
0x331: {  	v10 =	vld.idx.msk [tilespmem:v1+s28+$0x0], $0xffff  }
0x332: {  	v1 =	vld.idx.msk [tilespmem:v18+s28+$0x0], $0xffff;
	[tilespmem:s24+$0x9480] =	vst v7  }
0x333: {  	v7 =	vld.idx.msk [tilespmem:v13+s28+$0x0], $0xffff  }
0x334: {  	[tilespmem:s24+$0x9520] =	vst v4;
	v4 =	vld [tilespmem:s24+$0x1538]  }
0x335: {  	[tilespmem:s5+$0x9130] =	vst v5;
	v5 =	vld [tilespmem:s5+$0x1150]  }
0x336: {  	v6 =	vld.idx.msk [tilespmem:v6+s28+$0x0], $0xffff  }
0x337: {  	v8 =	vld.idx.msk [tilespmem:v8+s28+$0x0], $0xffff  }
0x338: {  	v12 =	vld [tilespmem:s5+$0x1490];
	[tilespmem:s5+$0x90B0] =	vst v1  }
0x339: {  	v14 =	vld.idx.msk [tilespmem:v20+s28+$0x0], $0xffff  }
0x33a: {  	v13 =	vld [tilespmem:s5+$0x14A0];
	[tilespmem:s24+$0x9490] =	vst v7  }
0x33b: {  	v7 =	vld [tilespmem:s6+$0x1100];
	[tilespmem:s24+$0x9530] =	vst v6  }
0x33c: {  	[tilespmem:s5+$0x9140] =	vst v8;
	v8 =	vld [tilespmem:s5+$0x1160]  }
0x33d: {  	v17 =	vld.idx.msk [tilespmem:v4+s28+$0x0], $0xffff  }
0x33e: {  	[tilespmem:s5+$0x90C0] =	vst v14;
	v5 =	vld.idx.msk [tilespmem:v5+s28+$0x0], $0xffff  }
0x33f: {  	v4 =	vld.idx.msk [tilespmem:v21+s28+$0x0], $0xffff  }
0x340: {  	v1 =	vld [tilespmem:s5+$0x14B0]  }
0x341: {  	[tilespmem:s2+$0x94A0] =	vst v10;
	v10 =	vld [tilespmem:s6+$0x1090]  }
0x342: {  	v60 =	vld.idx.msk [tilespmem:v2+s28+$0x0], $0xffff  }
0x343: {  	[tilespmem:s5+$0x9150] =	vst v5;
	v5 =	vld [tilespmem:s5+$0x1170]  }
0x344: {  	[tilespmem:s5+$0x90D0] =	vst v4;
	v4 =	vld.idx.msk [tilespmem:v8+s28+$0x0], $0xffff  }
0x345: {  	v8 =	vld [tilespmem:s6+$0x1080]  }
0x346: {  	v2 =	vld [tilespmem:s5+$0x14B8]  }
0x347: {  	v7 =	vld.idx.msk [tilespmem:v7+s28+$0x0], $0xffff  }
0x348: {  	v6 =	vld.idx.msk [tilespmem:v19+s28+$0x0], $0xffff  }
0x349: {  	[tilespmem:s5+$0x9160] =	vst v4;
	v4 =	vld [tilespmem:s5+$0x1500]  }
0x34a: {  	v19 =	vld [tilespmem:s6+$0x1110]  }
0x34b: {  	v5 =	vld.idx.msk [tilespmem:v5+s28+$0x0], $0xffff  }
0x34c: {  	v18 =	vld.idx.msk [tilespmem:v15+s28+$0x0], $0xffff  }
0x34d: {  	v8 =	vld.idx.msk [tilespmem:v8+s28+$0x0], $0xffff  }
0x34e: {  	v15 =	vld [tilespmem:s6+$0x10B0]  }
0x34f: {  	[tilespmem:s6+$0x9100] =	vst v7;
	v7 =	vld [tilespmem:s6+$0x1120]  }
0x350: {  	[tilespmem:s5+$0x9170] =	vst v5;
	v5 =	vld [tilespmem:s5+$0x1510]  }
0x351: {  	v4 =	vld.idx.msk [tilespmem:v4+s28+$0x0], $0xffff  }
0x352: {  	[tilespmem:s6+$0x9080] =	vst v8;
	v8 =	vld.idx.msk [tilespmem:v19+s28+$0x0], $0xffff  }
0x353: {  	v14 =	vld [tilespmem:s6+$0x10A0]  }
0x354: {  	v19 =	vld.idx.msk [tilespmem:v10+s28+$0x0], $0xffff  }
0x355: {  	v10 =	vld [tilespmem:s6+$0x10E0]  }
0x356: {  	[tilespmem:s5+$0x9500] =	vst v4;
	v4 =	vld [tilespmem:s6+$0x10F0]  }
0x357: {  	[tilespmem:s6+$0x9110] =	vst v8;
	v8 =	vld [tilespmem:s6+$0x1130]  }
0x358: {  	v5 =	vld.idx.msk [tilespmem:v5+s28+$0x0], $0xffff  }
0x359: {  	v7 =	vld.idx.msk [tilespmem:v7+s28+$0x0], $0xffff  }
0x35a: {  	[tilespmem:s6+$0x9090] =	vst v19;
	v19 =	vld [tilespmem:s5+$0x1530]  }
0x35b: {  	[tilespmem:s5+$0x90E0] =	vst v6;
	v6 =	vld.idx.msk [tilespmem:v14+s28+$0x0], $0xffff  }
0x35c: {  	v14 =	vld.idx.msk [tilespmem:v22+s28+$0x0], $0xffff  }
0x35d: {  	[tilespmem:s5+$0x9510] =	vst v5;
	v5 =	vld [tilespmem:s6+$0x1480]  }
0x35e: {  	v62 =	vld.idx.msk [tilespmem:v24+s28+$0x0], $0xffff  }
0x35f: {  	[tilespmem:s6+$0x9120] =	vst v7;
	v7 =	vld [tilespmem:s6+$0x1490]  }
0x360: {  	[tilespmem:s6+$0x90A0] =	vst v6;
	v6 =	vld.idx.msk [tilespmem:v8+s28+$0x0], $0xffff  }
0x361: {  	[tilespmem:s5+$0x90F0] =	vst v14;
	v8 =	vld.idx.msk [tilespmem:v15+s28+$0x0], $0xffff  }
0x362: {  	v14 =	vld.idx.msk [tilespmem:v16+s28+$0x0], $0xffff  }
0x363: {  	v15 =	vld [tilespmem:s5+$0x1538];
	[tilespmem:s5+$0x9520] =	vst v62  }
0x364: {  	v16 =	vld.idx.msk [tilespmem:v19+s28+$0x0], $0xffff  }
0x365: {  	[tilespmem:s6+$0x9130] =	vst v6;
	v19 =	vld [tilespmem:s6+$0x1150]  }
0x366: {  	[tilespmem:s6+$0x90B0] =	vst v8;
	v8 =	vld [tilespmem:s6+$0x14A0]  }
0x367: {  	v6 =	vld.idx.msk [tilespmem:v63+s28+$0x0], $0xffff  }
0x368: {  	[tilespmem:s5+$0x9480] =	vst v14;
	v21 =	vld.idx.msk [tilespmem:v61+s28+$0x0], $0xffff  }
0x369: {  	v12 =	vld.idx.msk [tilespmem:v12+s28+$0x0], $0xffff  }
0x36a: {  	v14 =	vld [tilespmem:s6+$0x1160];
	[tilespmem:s5+$0x9530] =	vst v16  }
0x36b: {  	[tilespmem:s2+$0x94B0] =	vst v60;
	v16 =	vld.idx.msk [tilespmem:v15+s28+$0x0], $0xffff  }
0x36c: {  	[tilespmem:s6+$0x9140] =	vst v6;
	v6 =	vld [tilespmem:s6+$0x14B0]  }
0x36d: {  	[tilespmem:s6+$0x90C0] =	vst v21;
	v19 =	vld.idx.msk [tilespmem:v19+s28+$0x0], $0xffff  }
0x36e: {  	[tilespmem:s5+$0x9490] =	vst v12;
	v15 =	vld.idx.msk [tilespmem:v23+s28+$0x0], $0xffff  }
0x36f: {  	[tilespmem:s24+$0x94A0] =	vst v18;
	v13 =	vld.idx.msk [tilespmem:v13+s28+$0x0], $0xffff  }
0x370: {  	[tilespmem:s24+$0x9538] =	vst v17;
	v12 =	vld.idx.msk [tilespmem:v9+s28+$0x0], $0xffff  }
0x371: {  	v9 =	vld.idx.msk [tilespmem:v3+s28+$0x0], $0xffff;
	[tilespmem:s5+$0x9538] =	vst v16  }
0x372: {  	s8 =	simm.s32 $0x400;
	s9 =	simm.s32 $0x800;
	s7 =	simm.s32 $0x6;
	v16 =	vld [tilespmem:s6+$0x1170];
	[tilespmem:s6+$0x9150] =	vst v19  }
.LBB2_6:
0x373: {  	s10 =	sand.u32 $0x3800, s9;
	s11 =	sand.u32 $0x300, s8;
	s7 =	sadd.s32 $0x2, s7;
	[tilespmem:s6+$0x90D0] =	vst v15;
	v14 =	vld.idx.msk [tilespmem:v14+s28+$0x0], $0xffff  }
0x374: {  	s10 =	sor.u32 s11, s10;
	p0 =	slt.u32 s7, $0x3E;
	v10 =	vld.idx.msk [tilespmem:v10+s28+$0x0], $0xffff;
	[tilespmem:s5+$0x94A0] =	vst v13  }
0x375: {  	v13 =	vld [tilespmem:s10+$0x1100];
	[tilespmem:s24+$0x94B0] =	vst v12;
	v3 =	vmov v11  }
0x376: {  	v11 =	vld [tilespmem:s10+$0x1080]  }
0x377: {  	v12 =	vld [tilespmem:s10+$0x1090];
	[tilespmem:s2+$0x94B8] =	vst v9;
	s2 =	smov.u32 s24;
	s24 =	smov.u32 s5;
	s5 =	smov.u32 s6  }
0x378: {  	s6 =	smov.u32 s10;
	v9 =	vld [tilespmem:s10+$0x10A0]  }
0x379: {  	[tilespmem:s5+$0x9160] =	vst v14;
	v14 =	vld [tilespmem:s5+$0x1500]  }
0x37a: {  	[tilespmem:s5+$0x90E0] =	vst v10;
	v10 =	vld.idx.msk [tilespmem:v16+s28+$0x0], $0xffff  }
0x37b: {  	v15 =	vld [tilespmem:s6+$0x10B0]  }
0x37c: {  	v16 =	vld [tilespmem:s6+$0x1110]  }
0x37d: {  	v13 =	vld.idx.msk [tilespmem:v13+s28+$0x0], $0xffff  }
0x37e: {  	v11 =	vld.idx.msk [tilespmem:v11+s28+$0x0], $0xffff  }
0x37f: {  	v17 =	vld [tilespmem:s6+$0x10C0]  }
0x380: {  	[tilespmem:s5+$0x9170] =	vst v10;
	v18 =	vld [tilespmem:s5+$0x1510]  }
0x381: {  	v14 =	vld.idx.msk [tilespmem:v14+s28+$0x0], $0xffff  }
0x382: {  	v19 =	vld [tilespmem:s6+$0x10D0]  }
0x383: {  	[tilespmem:s6+$0x9100] =	vst v13;
	v13 =	vld [tilespmem:s6+$0x1120]  }
0x384: {  	[tilespmem:s6+$0x9080] =	vst v11;
	v11 =	vld.idx.msk [tilespmem:v16+s28+$0x0], $0xffff  }
0x385: {  	v12 =	vld.idx.msk [tilespmem:v12+s28+$0x0], $0xffff  }
0x386: {  	v10 =	vld [tilespmem:s6+$0x10E0]  }
0x387: {  	[tilespmem:s5+$0x9500] =	vst v14;
	v14 =	vld [tilespmem:s5+$0x1520]  }
0x388: {  	v16 =	vld.idx.msk [tilespmem:v18+s28+$0x0], $0xffff  }
0x389: {  	v18 =	vld [tilespmem:s6+$0x10F0]  }
0x38a: {  	[tilespmem:s6+$0x9110] =	vst v11;
	v11 =	vld [tilespmem:s6+$0x1130]  }
0x38b: {  	[tilespmem:s6+$0x9090] =	vst v12;
	v12 =	vld.idx.msk [tilespmem:v13+s28+$0x0], $0xffff  }
0x38c: {  	v9 =	vld.idx.msk [tilespmem:v9+s28+$0x0], $0xffff  }
0x38d: {  	v13 =	vld.idx.msk [tilespmem:v4+s28+$0x0], $0xffff  }
0x38e: {  	[tilespmem:s5+$0x9510] =	vst v16;
	v16 =	vld [tilespmem:s5+$0x1530];
	v4 =	vmov v18  }
0x38f: {  	v14 =	vld.idx.msk [tilespmem:v14+s28+$0x0], $0xffff  }
0x390: {  	v18 =	vld [tilespmem:s6+$0x1480]  }
0x391: {  	[tilespmem:s6+$0x9120] =	vst v12;
	v12 =	vld [tilespmem:s6+$0x1140]  }
0x392: {  	[tilespmem:s6+$0x90A0] =	vst v9;
	v9 =	vld.idx.msk [tilespmem:v11+s28+$0x0], $0xffff  }
0x393: {  	v11 =	vld.idx.msk [tilespmem:v15+s28+$0x0], $0xffff;
	[tilespmem:s5+$0x90F0] =	vst v13  }
0x394: {  	v13 =	vld.idx.msk [tilespmem:v5+s28+$0x0], $0xffff  }
0x395: {  	[tilespmem:s5+$0x9520] =	vst v14;
	v14 =	vld [tilespmem:s5+$0x1538];
	v5 =	vmov v18  }
0x396: {  	v15 =	vld.idx.msk [tilespmem:v16+s28+$0x0], $0xffff  }
0x397: {  	v16 =	vld [tilespmem:s6+$0x1490]  }
0x398: {  	[tilespmem:s6+$0x9130] =	vst v9;
	v9 =	vld [tilespmem:s6+$0x1150]  }
0x399: {  	[tilespmem:s6+$0x90B0] =	vst v11;
	v11 =	vld.idx.msk [tilespmem:v12+s28+$0x0], $0xffff  }
0x39a: {  	v12 =	vld.idx.msk [tilespmem:v17+s28+$0x0], $0xffff;
	[tilespmem:s5+$0x9480] =	vst v13  }
0x39b: {  	v13 =	vld.idx.msk [tilespmem:v7+s28+$0x0], $0xffff  }
0x39c: {  	v17 =	vld [tilespmem:s6+$0x14A0];
	[tilespmem:s5+$0x9530] =	vst v15;
	v7 =	vmov v16  }
0x39d: {  	v16 =	vld.idx.msk [tilespmem:v14+s28+$0x0], $0xffff  }
0x39e: {  	v18 =	vld [tilespmem:s6+$0x14B0]  }
0x39f: {  	[tilespmem:s6+$0x9140] =	vst v11;
	v14 =	vld [tilespmem:s6+$0x1160]  }
0x3a0: {  	[tilespmem:s6+$0x90C0] =	vst v12;
	v20 =	vld.idx.msk [tilespmem:v9+s28+$0x0], $0xffff  }
0x3a1: {  	v15 =	vld.idx.msk [tilespmem:v19+s28+$0x0], $0xffff;
	[tilespmem:s5+$0x9490] =	vst v13  }
.Ltmp2:
0x3a2: {  	v13 =	vld.idx.msk [tilespmem:v8+s28+$0x0], $0xffff;
	v8 =	vmov v17;
	(pc) =	sbr.rel @p0 .LBB2_6-.Ltmp2, $4  }
0x3a3: {  	[tilespmem:s5+$0x9538] =	vst v16;
	v12 =	vld.idx.msk [tilespmem:v1+s28+$0x0], $0xffff;
	v1 =	vmov v6;
	v6 =	vmov v18  }
0x3a4: {  	v11 =	vld [tilespmem:s6+$0x14B8]  }
0x3a5: {  	v9 =	vld.idx.msk [tilespmem:v0+s28+$0x0], $0xffff;
	v0 =	vmov v2;
	v2 =	vmov v3  }
0x3a6: {  	s8 =	sadd.s32 $0x100, s8;
	s9 =	sadd.s32 $0x200, s9;
	[tilespmem:s6+$0x9150] =	vst v20;
	v16 =	vld [tilespmem:s6+$0x1170]  }
0x3a7: {  	_ =	sdelay $0x3  }
0x3a8: {  	v3 =	vld.idx.msk [tilespmem:v14+s28+$0x0], $0xffff;
	_ =	sdelay $0x2  }
0x3a9: {  	[tilespmem:s6+$0x90D0] =	vst v15  }
0x3aa: {  	v10 =	vld.idx.msk [tilespmem:v10+s28+$0x0], $0xffff  }
0x3ab: {  	[tilespmem:s6+$0x9160] =	vst v3;
	v3 =	vld [tilespmem:s6+$0x1500];
	_ =	sdelay $0x1  }
0x3ac: {  	v14 =	vld.idx.msk [tilespmem:v16+s28+$0x0], $0xffff;
	_ =	sdelay $0x2  }
0x3ad: {  	[tilespmem:s6+$0x90E0] =	vst v10  }
0x3ae: {  	v4 =	vld.idx.msk [tilespmem:v4+s28+$0x0], $0xffff  }
0x3af: {  	[tilespmem:s6+$0x9170] =	vst v14;
	v14 =	vld [tilespmem:s6+$0x1510]  }
0x3b0: {  	v3 =	vld.idx.msk [tilespmem:v3+s28+$0x0], $0xffff;
	_ =	sdelay $0x3  }
0x3b1: {  	[tilespmem:s6+$0x90F0] =	vst v4  }
0x3b2: {  	[tilespmem:s6+$0x9500] =	vst v3;
	v3 =	vld [tilespmem:s6+$0x1520]  }
0x3b3: {  	v4 =	vld.idx.msk [tilespmem:v5+s28+$0x0], $0xffff  }
0x3b4: {  	v10 =	vld.idx.msk [tilespmem:v14+s28+$0x0], $0xffff;
	_ =	sdelay $0x3  }
0x3b5: {  	[tilespmem:s6+$0x9480] =	vst v4  }
0x3b6: {  	v4 =	vld.idx.msk [tilespmem:v7+s28+$0x0], $0xffff;
	[tilespmem:s6+$0x9510] =	vst v10  }
0x3b7: {  	v3 =	vld.idx.msk [tilespmem:v3+s28+$0x0], $0xffff;
	_ =	sdelay $0x1  }
0x3b8: {  	v5 =	vld [tilespmem:s6+$0x1530];
	_ =	sdelay $0x1  }
0x3b9: {  	[tilespmem:s6+$0x9490] =	vst v4  }
0x3ba: {  	[tilespmem:s6+$0x9520] =	vst v3;
	v3 =	vld.idx.msk [tilespmem:v8+s28+$0x0], $0xffff;
	_ =	sdelay $0x2  }
0x3bb: {  	[tilespmem:s5+$0x94A0] =	vst v13;
	v4 =	vld [tilespmem:s6+$0x1538]  }
0x3bc: {  	v1 =	vld.idx.msk [tilespmem:v1+s28+$0x0], $0xffff  }
0x3bd: {  	v5 =	vld.idx.msk [tilespmem:v5+s28+$0x0], $0xffff;
	[tilespmem:s6+$0x94A0] =	vst v3  }
0x3be: {  	v3 =	vld.idx.msk [tilespmem:v6+s28+$0x0], $0xffff;
	_ =	sdelay $0x1  }
0x3bf: {  	[tilespmem:s24+$0x94B0] =	vst v12  }
0x3c0: {  	v0 =	vld.idx.msk [tilespmem:v0+s28+$0x0], $0xffff;
	[tilespmem:s5+$0x94B0] =	vst v1  }
0x3c1: {  	v1 =	vld.idx.msk [tilespmem:v2+s28+$0x0], $0xffff;
	[tilespmem:s6+$0x9530] =	vst v5  }
0x3c2: {  	v4 =	vld.idx.msk [tilespmem:v4+s28+$0x0], $0xffff;
	[tilespmem:s6+$0x94B0] =	vst v3  }
0x3c3: {  	v2 =	vld.idx.msk [tilespmem:v11+s28+$0x0], $0xffff  }
0x3c4: {  	[tilespmem:s2+$0x94B8] =	vst v9  }
0x3c5: {  	[tilespmem:s24+$0x94B8] =	vst v0  }
0x3c6: {  	[tilespmem:s5+$0x94B8] =	vst v1  }
0x3c7: {  	[tilespmem:s6+$0x9538] =	vst v4  }
0x3c8: {  	[tilespmem:s6+$0x94B8] =	vst v2  }
0x3c9: {  	s24 =	simm.s32 $0x0;
	s5 =	rddreg [dreg:$0xa]  }
0x3ca: {  	[hbm4b:s5+s24] =	stream.linear.scatter [tilespmem:s29], [sflag:$0x3], $0x4000, $0x38;
	[tilespmem:$0x11080] =	vst v63  }
0x3cb: {  	_ = 	snop  }
0x3cc: {  	[tilespmem:s22], [sflag:$0x1] =	stream.linear.gather [hbm4b:s12+s24], $0x4000, $0x38;
	[tilespmem:$0x11080] =	vst v63  }
0x3cd: {  	_ =	swait.ge [sflag:s30], $0x4000  }
0x3ce: {  	[sflag:s30] =	ssyncset.done $0x0  }
0x3cf: {  	[sflag:s30] =	ssyncadd.s32 $0xFFFFC000  }
0x3d0: {  	_ =	swait.ge [sflag:s3], $0x4000  }
0x3d1: {  	s2 =	sand.u32 $0x300, s24;
	s6 =	sand.u32 $0x3800, s24;
	[sflag:s3] =	ssyncset.done $0x0  }
0x3d2: {  	s2 =	sor.u32 s2, s6;
	[sflag:s3] =	ssyncadd.s32 $0xFFFFC000  }
0x3d3: {  	v1 =	vld [tilespmem:s2+$0x5080];
	_ =	sdelay $0x1  }
0x3d4: {  	v0 =	vld [tilespmem:s2+$0x5100];
	_ =	sdelay $0x2  }
0x3d5: {  	v2 =	vld [tilespmem:s2+$0x5110]  }
0x3d6: {  	v3 =	vld [tilespmem:s2+$0x5090]  }
0x3d7: {  	v4 =	vld [tilespmem:s2+$0x50A0]  }
0x3d8: {  	v1 =	vld.idx.msk [tilespmem:v1+s28+$0x0], $0xffff  }
0x3d9: {  	v5 =	vld [tilespmem:s2+$0x50B0]  }
0x3da: {  	v0 =	vld.idx.msk [tilespmem:v0+s28+$0x0], $0xffff  }
0x3db: {  	v6 =	vld [tilespmem:s2+$0x50C0]  }
0x3dc: {  	v7 =	vld [tilespmem:s2+$0x50D0]  }
0x3dd: {  	v8 =	vld [tilespmem:s2+$0x50E0];
	[tilespmem:s2+$0xD080] =	vst v1  }
0x3de: {  	v1 =	vld.idx.msk [tilespmem:v3+s28+$0x0], $0xffff  }
0x3df: {  	s7 =	simm.s32 $0x100;
	s8 =	simm.s32 $0x200;
	[tilespmem:s2+$0xD100] =	vst v0;
	v0 =	vld [tilespmem:s2+$0x5120]  }
0x3e0: {  	s6 =	sand.u32 $0x3800, s8;
	s5 =	sand.u32 $0x300, s7;
	v9 =	vld [tilespmem:s2+$0x50F0]  }
0x3e1: {  	s24 =	sor.u32 s5, s6;
	v2 =	vld.idx.msk [tilespmem:v2+s28+$0x0], $0xffff  }
0x3e2: {  	v11 =	vld [tilespmem:s24+$0x5090]  }
0x3e3: {  	v12 =	vld [tilespmem:s24+$0x50A0];
	[tilespmem:s2+$0xD090] =	vst v1  }
0x3e4: {  	v1 =	vld.idx.msk [tilespmem:v4+s28+$0x0], $0xffff  }
0x3e5: {  	v13 =	vld [tilespmem:s24+$0x50B0]  }
0x3e6: {  	[tilespmem:s2+$0xD110] =	vst v2;
	v2 =	vld [tilespmem:s2+$0x5130]  }
0x3e7: {  	v0 =	vld.idx.msk [tilespmem:v0+s28+$0x0], $0xffff  }
0x3e8: {  	v14 =	vld [tilespmem:s24+$0x5110]  }
0x3e9: {  	v15 =	vld [tilespmem:s24+$0x50C0];
	[tilespmem:s2+$0xD0A0] =	vst v1  }
0x3ea: {  	v1 =	vld.idx.msk [tilespmem:v5+s28+$0x0], $0xffff  }
0x3eb: {  	v16 =	vld [tilespmem:s24+$0x50D0]  }
0x3ec: {  	s9 =	simm.s32 $0x200;
	s10 =	simm.s32 $0x400;
	[tilespmem:s2+$0xD120] =	vst v0;
	v0 =	vld [tilespmem:s2+$0x5140]  }
0x3ed: {  	s6 =	sand.u32 $0x3800, s10;
	s5 =	sand.u32 $0x300, s9;
	v17 =	vld [tilespmem:s24+$0x50F0]  }
0x3ee: {  	s5 =	sor.u32 s5, s6;
	v2 =	vld.idx.msk [tilespmem:v2+s28+$0x0], $0xffff  }
0x3ef: {  	v18 =	vld [tilespmem:s5+$0x50B0];
	[tilespmem:s2+$0xD0B0] =	vst v1  }
0x3f0: {  	v6 =	vld.idx.msk [tilespmem:v6+s28+$0x0], $0xffff  }
0x3f1: {  	v19 =	vld [tilespmem:s5+$0x5110]  }
0x3f2: {  	v3 =	vld [tilespmem:s2+$0x5150]  }
0x3f3: {  	v20 =	vld [tilespmem:s5+$0x50C0];
	[tilespmem:s2+$0xD130] =	vst v2  }
0x3f4: {  	v0 =	vld.idx.msk [tilespmem:v0+s28+$0x0], $0xffff  }
0x3f5: {  	s11 =	simm.s32 $0x300;
	s7 =	simm.s32 $0x600;
	v21 =	vld [tilespmem:s5+$0x50D0];
	[tilespmem:s2+$0xD0C0] =	vst v6  }
0x3f6: {  	s7 =	sand.u32 $0x3800, s7;
	s6 =	sand.u32 $0x300, s11;
	v6 =	vld.idx.msk [tilespmem:v7+s28+$0x0], $0xffff  }
0x3f7: {  	s6 =	sor.u32 s6, s7;
	v22 =	vld [tilespmem:s5+$0x50F0]  }
0x3f8: {  	v61 =	vld [tilespmem:s6+$0x50C0]  }
0x3f9: {  	v23 =	vld [tilespmem:s6+$0x50D0];
	[tilespmem:s2+$0xD140] =	vst v0  }
0x3fa: {  	v10 =	vld.idx.msk [tilespmem:v3+s28+$0x0], $0xffff  }
0x3fb: {  	v0 =	vld [tilespmem:s2+$0x5160];
	[tilespmem:s2+$0xD0D0] =	vst v6  }
0x3fc: {  	v6 =	vld.idx.msk [tilespmem:v8+s28+$0x0], $0xffff  }
0x3fd: {  	v8 =	vld [tilespmem:s24+$0x5100]  }
0x3fe: {  	v24 =	vld [tilespmem:s5+$0x5520]  }
0x3ff: {  	[tilespmem:s2+$0xD150] =	vst v10;
	v10 =	vld [tilespmem:s24+$0x5080]  }
0x400: {  	v63 =	vld [tilespmem:s6+$0x5140]  }
0x401: {  	v4 =	vld [tilespmem:s2+$0x5480]  }
0x402: {  	v5 =	vld [tilespmem:s2+$0x5490]  }
0x403: {  	v7 =	vld [tilespmem:s2+$0x5170]  }
0x404: {  	v0 =	vld.idx.msk [tilespmem:v0+s28+$0x0], $0xffff  }
0x405: {  	v8 =	vld.idx.msk [tilespmem:v8+s28+$0x0], $0xffff  }
0x406: {  	v1 =	vld [tilespmem:s2+$0x54A0]  }
0x407: {  	v10 =	vld.idx.msk [tilespmem:v10+s28+$0x0], $0xffff  }
0x408: {  	v2 =	vld [tilespmem:s2+$0x54B0]  }
0x409: {  	[tilespmem:s2+$0xD160] =	vst v0;
	v0 =	vld [tilespmem:s2+$0x5500]  }
0x40a: {  	[tilespmem:s24+$0xD100] =	vst v8;
	v8 =	vld [tilespmem:s24+$0x5120]  }
0x40b: {  	v7 =	vld.idx.msk [tilespmem:v7+s28+$0x0], $0xffff  }
0x40c: {  	[tilespmem:s24+$0xD080] =	vst v10;
	v10 =	vld.idx.msk [tilespmem:v14+s28+$0x0], $0xffff  }
0x40d: {  	v3 =	vld [tilespmem:s2+$0x54B8];
	[tilespmem:s2+$0xD0E0] =	vst v6  }
0x40e: {  	v9 =	vld.idx.msk [tilespmem:v9+s28+$0x0], $0xffff  }
0x40f: {  	v11 =	vld.idx.msk [tilespmem:v11+s28+$0x0], $0xffff  }
0x410: {  	[tilespmem:s2+$0xD170] =	vst v7;
	v7 =	vld [tilespmem:s2+$0x5510]  }
0x411: {  	[tilespmem:s24+$0xD110] =	vst v10;
	v10 =	vld [tilespmem:s24+$0x5130]  }
0x412: {  	v8 =	vld.idx.msk [tilespmem:v8+s28+$0x0], $0xffff  }
0x413: {  	[tilespmem:s2+$0xD0F0] =	vst v9;
	v0 =	vld.idx.msk [tilespmem:v0+s28+$0x0], $0xffff  }
0x414: {  	v9 =	vld [tilespmem:s24+$0x54B0];
	[tilespmem:s24+$0xD090] =	vst v11  }
0x415: {  	v6 =	vld.idx.msk [tilespmem:v12+s28+$0x0], $0xffff  }
0x416: {  	v4 =	vld.idx.msk [tilespmem:v4+s28+$0x0], $0xffff  }
0x417: {  	[tilespmem:s24+$0xD120] =	vst v8;
	v8 =	vld [tilespmem:s24+$0x5140]  }
0x418: {  	[tilespmem:s2+$0xD500] =	vst v0;
	v0 =	vld [tilespmem:s2+$0x5520]  }
0x419: {  	v10 =	vld.idx.msk [tilespmem:v10+s28+$0x0], $0xffff  }
0x41a: {  	v7 =	vld.idx.msk [tilespmem:v7+s28+$0x0], $0xffff;
	[tilespmem:s24+$0xD0A0] =	vst v6  }
0x41b: {  	v6 =	vld.idx.msk [tilespmem:v13+s28+$0x0], $0xffff  }
0x41c: {  	v14 =	vld [tilespmem:s24+$0x50E0];
	[tilespmem:s2+$0xD480] =	vst v4  }
0x41d: {  	v5 =	vld.idx.msk [tilespmem:v5+s28+$0x0], $0xffff  }
0x41e: {  	[tilespmem:s24+$0xD130] =	vst v10;
	v10 =	vld [tilespmem:s24+$0x5150]  }
0x41f: {  	[tilespmem:s2+$0xD510] =	vst v7;
	v8 =	vld.idx.msk [tilespmem:v8+s28+$0x0], $0xffff  }
0x420: {  	v7 =	vld [tilespmem:s2+$0x5530];
	[tilespmem:s24+$0xD0B0] =	vst v6  }
0x421: {  	v6 =	vld.idx.msk [tilespmem:v15+s28+$0x0], $0xffff  }
0x422: {  	v12 =	vld [tilespmem:s24+$0x5480]  }
0x423: {  	v0 =	vld.idx.msk [tilespmem:v0+s28+$0x0], $0xffff  }
0x424: {  	[tilespmem:s24+$0xD140] =	vst v8;
	v8 =	vld [tilespmem:s24+$0x5160]  }
0x425: {  	v13 =	vld [tilespmem:s24+$0x5490]  }
0x426: {  	[tilespmem:s24+$0xD0C0] =	vst v6;
	v10 =	vld.idx.msk [tilespmem:v10+s28+$0x0], $0xffff  }
0x427: {  	v4 =	vld.idx.msk [tilespmem:v16+s28+$0x0], $0xffff  }
0x428: {  	v15 =	vld [tilespmem:s24+$0x54A0];
	[tilespmem:s2+$0xD520] =	vst v0  }
0x429: {  	v7 =	vld.idx.msk [tilespmem:v7+s28+$0x0], $0xffff  }
0x42a: {  	v6 =	vld [tilespmem:s24+$0x5170]  }
0x42b: {  	[tilespmem:s24+$0xD150] =	vst v10;
	v10 =	vld [tilespmem:s5+$0x5080]  }
0x42c: {  	[tilespmem:s24+$0xD0D0] =	vst v4;
	v4 =	vld.idx.msk [tilespmem:v8+s28+$0x0], $0xffff  }
0x42d: {  	v0 =	vld [tilespmem:s2+$0x5538]  }
0x42e: {  	[tilespmem:s2+$0xD530] =	vst v7;
	v7 =	vld.idx.msk [tilespmem:v14+s28+$0x0], $0xffff  }
0x42f: {  	v8 =	vld [tilespmem:s5+$0x5100]  }
0x430: {  	v14 =	vld [tilespmem:s5+$0x5090]  }
0x431: {  	[tilespmem:s24+$0xD160] =	vst v4;
	v4 =	vld [tilespmem:s24+$0x5500]  }
0x432: {  	v6 =	vld.idx.msk [tilespmem:v6+s28+$0x0], $0xffff  }
0x433: {  	v10 =	vld.idx.msk [tilespmem:v10+s28+$0x0], $0xffff  }
0x434: {  	v16 =	vld [tilespmem:s5+$0x50A0]  }
0x435: {  	v11 =	vld.idx.msk [tilespmem:v0+s28+$0x0], $0xffff  }
0x436: {  	v0 =	vld [tilespmem:s24+$0x54B8]  }
0x437: {  	v8 =	vld.idx.msk [tilespmem:v8+s28+$0x0], $0xffff;
	[tilespmem:s24+$0xD170] =	vst v6  }
0x438: {  	v6 =	vld [tilespmem:s24+$0x5510];
	[tilespmem:s5+$0xD080] =	vst v10  }
0x439: {  	v14 =	vld.idx.msk [tilespmem:v14+s28+$0x0], $0xffff  }
0x43a: {  	v4 =	vld.idx.msk [tilespmem:v4+s28+$0x0], $0xffff  }
0x43b: {  	[tilespmem:s2+$0xD538] =	vst v11;
	v11 =	vld [tilespmem:s6+$0x54B8]  }
0x43c: {  	[tilespmem:s5+$0xD100] =	vst v8;
	v8 =	vld [tilespmem:s5+$0x5120]  }
0x43d: {  	[tilespmem:s24+$0xD0E0] =	vst v7;
	v10 =	vld.idx.msk [tilespmem:v19+s28+$0x0], $0xffff  }
0x43e: {  	[tilespmem:s5+$0xD090] =	vst v14;
	v14 =	vld.idx.msk [tilespmem:v17+s28+$0x0], $0xffff  }
0x43f: {  	[tilespmem:s24+$0xD500] =	vst v4;
	v4 =	vld [tilespmem:s24+$0x5520]  }
0x440: {  	v7 =	vld.idx.msk [tilespmem:v16+s28+$0x0], $0xffff  }
0x441: {  	v6 =	vld.idx.msk [tilespmem:v6+s28+$0x0], $0xffff  }
0x442: {  	[tilespmem:s5+$0xD110] =	vst v10;
	v10 =	vld [tilespmem:s5+$0x5130]  }
0x443: {  	v19 =	vld [tilespmem:s5+$0x50E0]  }
0x444: {  	v8 =	vld.idx.msk [tilespmem:v8+s28+$0x0], $0xffff  }
0x445: {  	v16 =	vld [tilespmem:s5+$0x5480];
	[tilespmem:s24+$0xD0F0] =	vst v14  }
0x446: {  	[tilespmem:s5+$0xD0A0] =	vst v7;
	v7 =	vld.idx.msk [tilespmem:v12+s28+$0x0], $0xffff  }
0x447: {  	[tilespmem:s24+$0xD510] =	vst v6;
	v6 =	vld [tilespmem:s24+$0x5530]  }
0x448: {  	v4 =	vld.idx.msk [tilespmem:v4+s28+$0x0], $0xffff  }
0x449: {  	[tilespmem:s5+$0xD120] =	vst v8;
	v8 =	vld [tilespmem:s5+$0x5140]  }
0x44a: {  	[tilespmem:s2+$0xD490] =	vst v5;
	v5 =	vld.idx.msk [tilespmem:v10+s28+$0x0], $0xffff  }
0x44b: {  	v10 =	vld.idx.msk [tilespmem:v1+s28+$0x0], $0xffff  }
0x44c: {  	v1 =	vld.idx.msk [tilespmem:v18+s28+$0x0], $0xffff;
	[tilespmem:s24+$0xD480] =	vst v7  }
0x44d: {  	v7 =	vld.idx.msk [tilespmem:v13+s28+$0x0], $0xffff  }
0x44e: {  	[tilespmem:s24+$0xD520] =	vst v4;
	v4 =	vld [tilespmem:s24+$0x5538]  }
0x44f: {  	[tilespmem:s5+$0xD130] =	vst v5;
	v5 =	vld [tilespmem:s5+$0x5150]  }
0x450: {  	v6 =	vld.idx.msk [tilespmem:v6+s28+$0x0], $0xffff  }
0x451: {  	v8 =	vld.idx.msk [tilespmem:v8+s28+$0x0], $0xffff  }
0x452: {  	v12 =	vld [tilespmem:s5+$0x5490];
	[tilespmem:s5+$0xD0B0] =	vst v1  }
0x453: {  	v14 =	vld.idx.msk [tilespmem:v20+s28+$0x0], $0xffff  }
0x454: {  	v13 =	vld [tilespmem:s5+$0x54A0];
	[tilespmem:s24+$0xD490] =	vst v7  }
0x455: {  	v7 =	vld [tilespmem:s6+$0x5100];
	[tilespmem:s24+$0xD530] =	vst v6  }
0x456: {  	[tilespmem:s5+$0xD140] =	vst v8;
	v8 =	vld [tilespmem:s5+$0x5160]  }
0x457: {  	v17 =	vld.idx.msk [tilespmem:v4+s28+$0x0], $0xffff  }
0x458: {  	[tilespmem:s5+$0xD0C0] =	vst v14;
	v5 =	vld.idx.msk [tilespmem:v5+s28+$0x0], $0xffff  }
0x459: {  	v4 =	vld.idx.msk [tilespmem:v21+s28+$0x0], $0xffff  }
0x45a: {  	v1 =	vld [tilespmem:s5+$0x54B0]  }
0x45b: {  	[tilespmem:s2+$0xD4A0] =	vst v10;
	v10 =	vld [tilespmem:s6+$0x5090]  }
0x45c: {  	v60 =	vld.idx.msk [tilespmem:v2+s28+$0x0], $0xffff  }
0x45d: {  	[tilespmem:s5+$0xD150] =	vst v5;
	v5 =	vld [tilespmem:s5+$0x5170]  }
0x45e: {  	[tilespmem:s5+$0xD0D0] =	vst v4;
	v4 =	vld.idx.msk [tilespmem:v8+s28+$0x0], $0xffff  }
0x45f: {  	v8 =	vld [tilespmem:s6+$0x5080]  }
0x460: {  	v2 =	vld [tilespmem:s5+$0x54B8]  }
0x461: {  	v7 =	vld.idx.msk [tilespmem:v7+s28+$0x0], $0xffff  }
0x462: {  	v6 =	vld.idx.msk [tilespmem:v19+s28+$0x0], $0xffff  }
0x463: {  	[tilespmem:s5+$0xD160] =	vst v4;
	v4 =	vld [tilespmem:s5+$0x5500]  }
0x464: {  	v19 =	vld [tilespmem:s6+$0x5110]  }
0x465: {  	v5 =	vld.idx.msk [tilespmem:v5+s28+$0x0], $0xffff  }
0x466: {  	v18 =	vld.idx.msk [tilespmem:v15+s28+$0x0], $0xffff  }
0x467: {  	v8 =	vld.idx.msk [tilespmem:v8+s28+$0x0], $0xffff  }
0x468: {  	v15 =	vld [tilespmem:s6+$0x50B0]  }
0x469: {  	[tilespmem:s6+$0xD100] =	vst v7;
	v7 =	vld [tilespmem:s6+$0x5120]  }
0x46a: {  	[tilespmem:s5+$0xD170] =	vst v5;
	v5 =	vld [tilespmem:s5+$0x5510]  }
0x46b: {  	v4 =	vld.idx.msk [tilespmem:v4+s28+$0x0], $0xffff  }
0x46c: {  	[tilespmem:s6+$0xD080] =	vst v8;
	v8 =	vld.idx.msk [tilespmem:v19+s28+$0x0], $0xffff  }
0x46d: {  	v14 =	vld [tilespmem:s6+$0x50A0]  }
0x46e: {  	v19 =	vld.idx.msk [tilespmem:v10+s28+$0x0], $0xffff  }
0x46f: {  	v10 =	vld [tilespmem:s6+$0x50E0]  }
0x470: {  	[tilespmem:s5+$0xD500] =	vst v4;
	v4 =	vld [tilespmem:s6+$0x50F0]  }
0x471: {  	[tilespmem:s6+$0xD110] =	vst v8;
	v8 =	vld [tilespmem:s6+$0x5130]  }
0x472: {  	v5 =	vld.idx.msk [tilespmem:v5+s28+$0x0], $0xffff  }
0x473: {  	v7 =	vld.idx.msk [tilespmem:v7+s28+$0x0], $0xffff  }
0x474: {  	[tilespmem:s6+$0xD090] =	vst v19;
	v19 =	vld [tilespmem:s5+$0x5530]  }
0x475: {  	[tilespmem:s5+$0xD0E0] =	vst v6;
	v6 =	vld.idx.msk [tilespmem:v14+s28+$0x0], $0xffff  }
0x476: {  	v14 =	vld.idx.msk [tilespmem:v22+s28+$0x0], $0xffff  }
0x477: {  	[tilespmem:s5+$0xD510] =	vst v5;
	v5 =	vld [tilespmem:s6+$0x5480]  }
0x478: {  	v62 =	vld.idx.msk [tilespmem:v24+s28+$0x0], $0xffff  }
0x479: {  	[tilespmem:s6+$0xD120] =	vst v7;
	v7 =	vld [tilespmem:s6+$0x5490]  }
0x47a: {  	[tilespmem:s6+$0xD0A0] =	vst v6;
	v6 =	vld.idx.msk [tilespmem:v8+s28+$0x0], $0xffff  }
0x47b: {  	[tilespmem:s5+$0xD0F0] =	vst v14;
	v8 =	vld.idx.msk [tilespmem:v15+s28+$0x0], $0xffff  }
0x47c: {  	v14 =	vld.idx.msk [tilespmem:v16+s28+$0x0], $0xffff  }
0x47d: {  	v15 =	vld [tilespmem:s5+$0x5538];
	[tilespmem:s5+$0xD520] =	vst v62  }
0x47e: {  	v16 =	vld.idx.msk [tilespmem:v19+s28+$0x0], $0xffff  }
0x47f: {  	[tilespmem:s6+$0xD130] =	vst v6;
	v19 =	vld [tilespmem:s6+$0x5150]  }
0x480: {  	[tilespmem:s6+$0xD0B0] =	vst v8;
	v8 =	vld [tilespmem:s6+$0x54A0]  }
0x481: {  	v6 =	vld.idx.msk [tilespmem:v63+s28+$0x0], $0xffff  }
0x482: {  	[tilespmem:s5+$0xD480] =	vst v14;
	v21 =	vld.idx.msk [tilespmem:v61+s28+$0x0], $0xffff  }
0x483: {  	v12 =	vld.idx.msk [tilespmem:v12+s28+$0x0], $0xffff  }
0x484: {  	v14 =	vld [tilespmem:s6+$0x5160];
	[tilespmem:s5+$0xD530] =	vst v16  }
0x485: {  	[tilespmem:s2+$0xD4B0] =	vst v60;
	v16 =	vld.idx.msk [tilespmem:v15+s28+$0x0], $0xffff  }
0x486: {  	[tilespmem:s6+$0xD140] =	vst v6;
	v6 =	vld [tilespmem:s6+$0x54B0]  }
0x487: {  	[tilespmem:s6+$0xD0C0] =	vst v21;
	v19 =	vld.idx.msk [tilespmem:v19+s28+$0x0], $0xffff  }
0x488: {  	[tilespmem:s5+$0xD490] =	vst v12;
	v15 =	vld.idx.msk [tilespmem:v23+s28+$0x0], $0xffff  }
0x489: {  	[tilespmem:s24+$0xD4A0] =	vst v18;
	v13 =	vld.idx.msk [tilespmem:v13+s28+$0x0], $0xffff  }
0x48a: {  	[tilespmem:s24+$0xD538] =	vst v17;
	v12 =	vld.idx.msk [tilespmem:v9+s28+$0x0], $0xffff  }
0x48b: {  	v9 =	vld.idx.msk [tilespmem:v3+s28+$0x0], $0xffff;
	[tilespmem:s5+$0xD538] =	vst v16  }
0x48c: {  	s8 =	simm.s32 $0x400;
	s9 =	simm.s32 $0x800;
	s7 =	simm.s32 $0x6;
	v16 =	vld [tilespmem:s6+$0x5170];
	[tilespmem:s6+$0xD150] =	vst v19  }
.LBB2_8:
0x48d: {  	s10 =	sand.u32 $0x3800, s9;
	s11 =	sand.u32 $0x300, s8;
	s7 =	sadd.s32 $0x2, s7;
	[tilespmem:s6+$0xD0D0] =	vst v15;
	v14 =	vld.idx.msk [tilespmem:v14+s28+$0x0], $0xffff  }
0x48e: {  	s10 =	sor.u32 s11, s10;
	p0 =	slt.u32 s7, $0x3E;
	v10 =	vld.idx.msk [tilespmem:v10+s28+$0x0], $0xffff;
	[tilespmem:s5+$0xD4A0] =	vst v13  }
0x48f: {  	v13 =	vld [tilespmem:s10+$0x5100];
	[tilespmem:s24+$0xD4B0] =	vst v12;
	v3 =	vmov v11  }
0x490: {  	v11 =	vld [tilespmem:s10+$0x5080]  }
0x491: {  	v12 =	vld [tilespmem:s10+$0x5090];
	[tilespmem:s2+$0xD4B8] =	vst v9;
	s2 =	smov.u32 s24;
	s24 =	smov.u32 s5;
	s5 =	smov.u32 s6  }
0x492: {  	s6 =	smov.u32 s10;
	v9 =	vld [tilespmem:s10+$0x50A0]  }
0x493: {  	[tilespmem:s5+$0xD160] =	vst v14;
	v14 =	vld [tilespmem:s5+$0x5500]  }
0x494: {  	[tilespmem:s5+$0xD0E0] =	vst v10;
	v10 =	vld.idx.msk [tilespmem:v16+s28+$0x0], $0xffff  }
0x495: {  	v15 =	vld [tilespmem:s6+$0x50B0]  }
0x496: {  	v16 =	vld [tilespmem:s6+$0x5110]  }
0x497: {  	v13 =	vld.idx.msk [tilespmem:v13+s28+$0x0], $0xffff  }
0x498: {  	v11 =	vld.idx.msk [tilespmem:v11+s28+$0x0], $0xffff  }
0x499: {  	v17 =	vld [tilespmem:s6+$0x50C0]  }
0x49a: {  	[tilespmem:s5+$0xD170] =	vst v10;
	v18 =	vld [tilespmem:s5+$0x5510]  }
0x49b: {  	v14 =	vld.idx.msk [tilespmem:v14+s28+$0x0], $0xffff  }
0x49c: {  	v19 =	vld [tilespmem:s6+$0x50D0]  }
0x49d: {  	[tilespmem:s6+$0xD100] =	vst v13;
	v13 =	vld [tilespmem:s6+$0x5120]  }
0x49e: {  	[tilespmem:s6+$0xD080] =	vst v11;
	v11 =	vld.idx.msk [tilespmem:v16+s28+$0x0], $0xffff  }
0x49f: {  	v12 =	vld.idx.msk [tilespmem:v12+s28+$0x0], $0xffff  }
0x4a0: {  	v10 =	vld [tilespmem:s6+$0x50E0]  }
0x4a1: {  	[tilespmem:s5+$0xD500] =	vst v14;
	v14 =	vld [tilespmem:s5+$0x5520]  }
0x4a2: {  	v16 =	vld.idx.msk [tilespmem:v18+s28+$0x0], $0xffff  }
0x4a3: {  	v18 =	vld [tilespmem:s6+$0x50F0]  }
0x4a4: {  	[tilespmem:s6+$0xD110] =	vst v11;
	v11 =	vld [tilespmem:s6+$0x5130]  }
0x4a5: {  	[tilespmem:s6+$0xD090] =	vst v12;
	v12 =	vld.idx.msk [tilespmem:v13+s28+$0x0], $0xffff  }
0x4a6: {  	v9 =	vld.idx.msk [tilespmem:v9+s28+$0x0], $0xffff  }
0x4a7: {  	v13 =	vld.idx.msk [tilespmem:v4+s28+$0x0], $0xffff  }
0x4a8: {  	[tilespmem:s5+$0xD510] =	vst v16;
	v16 =	vld [tilespmem:s5+$0x5530];
	v4 =	vmov v18  }
0x4a9: {  	v14 =	vld.idx.msk [tilespmem:v14+s28+$0x0], $0xffff  }
0x4aa: {  	v18 =	vld [tilespmem:s6+$0x5480]  }
0x4ab: {  	[tilespmem:s6+$0xD120] =	vst v12;
	v12 =	vld [tilespmem:s6+$0x5140]  }
0x4ac: {  	[tilespmem:s6+$0xD0A0] =	vst v9;
	v9 =	vld.idx.msk [tilespmem:v11+s28+$0x0], $0xffff  }
0x4ad: {  	v11 =	vld.idx.msk [tilespmem:v15+s28+$0x0], $0xffff;
	[tilespmem:s5+$0xD0F0] =	vst v13  }
0x4ae: {  	v13 =	vld.idx.msk [tilespmem:v5+s28+$0x0], $0xffff  }
0x4af: {  	[tilespmem:s5+$0xD520] =	vst v14;
	v14 =	vld [tilespmem:s5+$0x5538];
	v5 =	vmov v18  }
0x4b0: {  	v15 =	vld.idx.msk [tilespmem:v16+s28+$0x0], $0xffff  }
0x4b1: {  	v16 =	vld [tilespmem:s6+$0x5490]  }
0x4b2: {  	[tilespmem:s6+$0xD130] =	vst v9;
	v9 =	vld [tilespmem:s6+$0x5150]  }
0x4b3: {  	[tilespmem:s6+$0xD0B0] =	vst v11;
	v11 =	vld.idx.msk [tilespmem:v12+s28+$0x0], $0xffff  }
0x4b4: {  	v12 =	vld.idx.msk [tilespmem:v17+s28+$0x0], $0xffff;
	[tilespmem:s5+$0xD480] =	vst v13  }
0x4b5: {  	v13 =	vld.idx.msk [tilespmem:v7+s28+$0x0], $0xffff  }
0x4b6: {  	v17 =	vld [tilespmem:s6+$0x54A0];
	[tilespmem:s5+$0xD530] =	vst v15;
	v7 =	vmov v16  }
0x4b7: {  	v16 =	vld.idx.msk [tilespmem:v14+s28+$0x0], $0xffff  }
0x4b8: {  	v18 =	vld [tilespmem:s6+$0x54B0]  }
0x4b9: {  	[tilespmem:s6+$0xD140] =	vst v11;
	v14 =	vld [tilespmem:s6+$0x5160]  }
0x4ba: {  	[tilespmem:s6+$0xD0C0] =	vst v12;
	v20 =	vld.idx.msk [tilespmem:v9+s28+$0x0], $0xffff  }
0x4bb: {  	v15 =	vld.idx.msk [tilespmem:v19+s28+$0x0], $0xffff;
	[tilespmem:s5+$0xD490] =	vst v13  }
.Ltmp3:
0x4bc: {  	v13 =	vld.idx.msk [tilespmem:v8+s28+$0x0], $0xffff;
	v8 =	vmov v17;
	(pc) =	sbr.rel @p0 .LBB2_8-.Ltmp3, $4  }
0x4bd: {  	[tilespmem:s5+$0xD538] =	vst v16;
	v12 =	vld.idx.msk [tilespmem:v1+s28+$0x0], $0xffff;
	v1 =	vmov v6;
	v6 =	vmov v18  }
0x4be: {  	v11 =	vld [tilespmem:s6+$0x54B8]  }
0x4bf: {  	v9 =	vld.idx.msk [tilespmem:v0+s28+$0x0], $0xffff;
	v0 =	vmov v2;
	v2 =	vmov v3  }
0x4c0: {  	s8 =	sadd.s32 $0x100, s8;
	s9 =	sadd.s32 $0x200, s9;
	[tilespmem:s6+$0xD150] =	vst v20;
	v16 =	vld [tilespmem:s6+$0x5170]  }
0x4c1: {  	_ =	sdelay $0x3  }
0x4c2: {  	v3 =	vld.idx.msk [tilespmem:v14+s28+$0x0], $0xffff;
	_ =	sdelay $0x2  }
0x4c3: {  	[tilespmem:s6+$0xD0D0] =	vst v15  }
0x4c4: {  	v10 =	vld.idx.msk [tilespmem:v10+s28+$0x0], $0xffff  }
0x4c5: {  	[tilespmem:s6+$0xD160] =	vst v3;
	v3 =	vld [tilespmem:s6+$0x5500];
	_ =	sdelay $0x1  }
0x4c6: {  	v14 =	vld.idx.msk [tilespmem:v16+s28+$0x0], $0xffff;
	_ =	sdelay $0x2  }
0x4c7: {  	[tilespmem:s6+$0xD0E0] =	vst v10  }
0x4c8: {  	v4 =	vld.idx.msk [tilespmem:v4+s28+$0x0], $0xffff  }
0x4c9: {  	[tilespmem:s6+$0xD170] =	vst v14;
	v14 =	vld [tilespmem:s6+$0x5510]  }
0x4ca: {  	v3 =	vld.idx.msk [tilespmem:v3+s28+$0x0], $0xffff;
	_ =	sdelay $0x3  }
0x4cb: {  	[tilespmem:s6+$0xD0F0] =	vst v4  }
0x4cc: {  	[tilespmem:s6+$0xD500] =	vst v3;
	v3 =	vld [tilespmem:s6+$0x5520]  }
0x4cd: {  	v4 =	vld.idx.msk [tilespmem:v5+s28+$0x0], $0xffff  }
0x4ce: {  	v10 =	vld.idx.msk [tilespmem:v14+s28+$0x0], $0xffff;
	_ =	sdelay $0x3  }
0x4cf: {  	[tilespmem:s6+$0xD480] =	vst v4  }
0x4d0: {  	v4 =	vld.idx.msk [tilespmem:v7+s28+$0x0], $0xffff;
	[tilespmem:s6+$0xD510] =	vst v10  }
0x4d1: {  	v3 =	vld.idx.msk [tilespmem:v3+s28+$0x0], $0xffff;
	_ =	sdelay $0x1  }
0x4d2: {  	v5 =	vld [tilespmem:s6+$0x5530];
	_ =	sdelay $0x1  }
0x4d3: {  	[tilespmem:s6+$0xD490] =	vst v4  }
0x4d4: {  	[tilespmem:s6+$0xD520] =	vst v3;
	v3 =	vld.idx.msk [tilespmem:v8+s28+$0x0], $0xffff;
	_ =	sdelay $0x2  }
0x4d5: {  	[tilespmem:s5+$0xD4A0] =	vst v13;
	v4 =	vld [tilespmem:s6+$0x5538]  }
0x4d6: {  	v1 =	vld.idx.msk [tilespmem:v1+s28+$0x0], $0xffff  }
0x4d7: {  	v5 =	vld.idx.msk [tilespmem:v5+s28+$0x0], $0xffff;
	[tilespmem:s6+$0xD4A0] =	vst v3  }
0x4d8: {  	v3 =	vld.idx.msk [tilespmem:v6+s28+$0x0], $0xffff;
	_ =	sdelay $0x1  }
0x4d9: {  	[tilespmem:s24+$0xD4B0] =	vst v12  }
0x4da: {  	v0 =	vld.idx.msk [tilespmem:v0+s28+$0x0], $0xffff;
	[tilespmem:s5+$0xD4B0] =	vst v1  }
0x4db: {  	v1 =	vld.idx.msk [tilespmem:v2+s28+$0x0], $0xffff;
	[tilespmem:s6+$0xD530] =	vst v5  }
0x4dc: {  	v4 =	vld.idx.msk [tilespmem:v4+s28+$0x0], $0xffff;
	[tilespmem:s6+$0xD4B0] =	vst v3  }
0x4dd: {  	v2 =	vld.idx.msk [tilespmem:v11+s28+$0x0], $0xffff  }
0x4de: {  	[tilespmem:s2+$0xD4B8] =	vst v9  }
0x4df: {  	[tilespmem:s24+$0xD4B8] =	vst v0  }
0x4e0: {  	[tilespmem:s5+$0xD4B8] =	vst v1  }
0x4e1: {  	[tilespmem:s6+$0xD538] =	vst v4  }
0x4e2: {  	s5 =	simm.s32 $0x0;
	[tilespmem:s6+$0xD4B8] =	vst v2  }
0x4e3: {  	[hbm4b:s13+s5] =	stream.linear.scatter [tilespmem:s31], [sflag:$0x4], $0x4000, $0x38;
	[tilespmem:$0x11080] =	vst v63  }
0x4e4: {  	_ = 	snop  }
0x4e5: {  	[tilespmem:s25], [sflag:$0x2] =	stream.linear.gather [hbm4b:s14+s5], $0x4000, $0x38;
	[tilespmem:$0x11080] =	vst v63  }
0x4e6: {  	_ =	swait.ge [sflag:s26], $0x4000  }
0x4e7: {  	[sflag:s26] =	ssyncset.done $0x0  }
0x4e8: {  	[sflag:s26] =	ssyncadd.s32 $0xFFFFC000  }
0x4e9: {  	_ =	swait.ge [sflag:s0], $0x4000  }
0x4ea: {  	s2 =	sand.u32 $0x300, s5;
	s6 =	sand.u32 $0x3800, s5;
	[sflag:s0] =	ssyncset.done $0x0  }
0x4eb: {  	s2 =	sor.u32 s2, s6;
	[sflag:s0] =	ssyncadd.s32 $0xFFFFC000  }
0x4ec: {  	v1 =	vld [tilespmem:s2+$0x1080];
	_ =	sdelay $0x1  }
0x4ed: {  	v0 =	vld [tilespmem:s2+$0x1100];
	_ =	sdelay $0x2  }
0x4ee: {  	v2 =	vld [tilespmem:s2+$0x1110]  }
0x4ef: {  	v3 =	vld [tilespmem:s2+$0x1090]  }
0x4f0: {  	v4 =	vld [tilespmem:s2+$0x10A0]  }
0x4f1: {  	v1 =	vld.idx.msk [tilespmem:v1+s28+$0x0], $0xffff  }
0x4f2: {  	v5 =	vld [tilespmem:s2+$0x10B0]  }
0x4f3: {  	v0 =	vld.idx.msk [tilespmem:v0+s28+$0x0], $0xffff  }
0x4f4: {  	v6 =	vld [tilespmem:s2+$0x10C0]  }
0x4f5: {  	v7 =	vld [tilespmem:s2+$0x10D0]  }
0x4f6: {  	v8 =	vld [tilespmem:s2+$0x10E0];
	[tilespmem:s2+$0x9080] =	vst v1  }
0x4f7: {  	v1 =	vld.idx.msk [tilespmem:v3+s28+$0x0], $0xffff  }
0x4f8: {  	s7 =	simm.s32 $0x100;
	s8 =	simm.s32 $0x200;
	[tilespmem:s2+$0x9100] =	vst v0;
	v0 =	vld [tilespmem:s2+$0x1120]  }
0x4f9: {  	s6 =	sand.u32 $0x3800, s8;
	s5 =	sand.u32 $0x300, s7;
	v9 =	vld [tilespmem:s2+$0x10F0]  }
0x4fa: {  	s24 =	sor.u32 s5, s6;
	v2 =	vld.idx.msk [tilespmem:v2+s28+$0x0], $0xffff  }
0x4fb: {  	v11 =	vld [tilespmem:s24+$0x1090]  }
0x4fc: {  	v12 =	vld [tilespmem:s24+$0x10A0];
	[tilespmem:s2+$0x9090] =	vst v1  }
0x4fd: {  	v1 =	vld.idx.msk [tilespmem:v4+s28+$0x0], $0xffff  }
0x4fe: {  	v13 =	vld [tilespmem:s24+$0x10B0]  }
0x4ff: {  	[tilespmem:s2+$0x9110] =	vst v2;
	v2 =	vld [tilespmem:s2+$0x1130]  }
0x500: {  	v0 =	vld.idx.msk [tilespmem:v0+s28+$0x0], $0xffff  }
0x501: {  	v14 =	vld [tilespmem:s24+$0x1110]  }
0x502: {  	v15 =	vld [tilespmem:s24+$0x10C0];
	[tilespmem:s2+$0x90A0] =	vst v1  }
0x503: {  	v1 =	vld.idx.msk [tilespmem:v5+s28+$0x0], $0xffff  }
0x504: {  	v16 =	vld [tilespmem:s24+$0x10D0]  }
0x505: {  	s9 =	simm.s32 $0x200;
	s10 =	simm.s32 $0x400;
	[tilespmem:s2+$0x9120] =	vst v0;
	v0 =	vld [tilespmem:s2+$0x1140]  }
0x506: {  	s6 =	sand.u32 $0x3800, s10;
	s5 =	sand.u32 $0x300, s9;
	v17 =	vld [tilespmem:s24+$0x10F0]  }
0x507: {  	s5 =	sor.u32 s5, s6;
	v2 =	vld.idx.msk [tilespmem:v2+s28+$0x0], $0xffff  }
0x508: {  	v18 =	vld [tilespmem:s5+$0x10B0];
	[tilespmem:s2+$0x90B0] =	vst v1  }
0x509: {  	v6 =	vld.idx.msk [tilespmem:v6+s28+$0x0], $0xffff  }
0x50a: {  	v19 =	vld [tilespmem:s5+$0x1110]  }
0x50b: {  	v3 =	vld [tilespmem:s2+$0x1150]  }
0x50c: {  	v20 =	vld [tilespmem:s5+$0x10C0];
	[tilespmem:s2+$0x9130] =	vst v2  }
0x50d: {  	v0 =	vld.idx.msk [tilespmem:v0+s28+$0x0], $0xffff  }
0x50e: {  	s11 =	simm.s32 $0x300;
	s7 =	simm.s32 $0x600;
	v21 =	vld [tilespmem:s5+$0x10D0];
	[tilespmem:s2+$0x90C0] =	vst v6  }
0x50f: {  	s7 =	sand.u32 $0x3800, s7;
	s6 =	sand.u32 $0x300, s11;
	v6 =	vld.idx.msk [tilespmem:v7+s28+$0x0], $0xffff  }
0x510: {  	s6 =	sor.u32 s6, s7;
	v22 =	vld [tilespmem:s5+$0x10F0]  }
0x511: {  	v61 =	vld [tilespmem:s6+$0x10C0]  }
0x512: {  	v23 =	vld [tilespmem:s6+$0x10D0];
	[tilespmem:s2+$0x9140] =	vst v0  }
0x513: {  	v10 =	vld.idx.msk [tilespmem:v3+s28+$0x0], $0xffff  }
0x514: {  	v0 =	vld [tilespmem:s2+$0x1160];
	[tilespmem:s2+$0x90D0] =	vst v6  }
0x515: {  	v6 =	vld.idx.msk [tilespmem:v8+s28+$0x0], $0xffff  }
0x516: {  	v8 =	vld [tilespmem:s24+$0x1100]  }
0x517: {  	v24 =	vld [tilespmem:s5+$0x1520]  }
0x518: {  	[tilespmem:s2+$0x9150] =	vst v10;
	v10 =	vld [tilespmem:s24+$0x1080]  }
0x519: {  	v63 =	vld [tilespmem:s6+$0x1140]  }
0x51a: {  	v4 =	vld [tilespmem:s2+$0x1480]  }
0x51b: {  	v5 =	vld [tilespmem:s2+$0x1490]  }
0x51c: {  	v7 =	vld [tilespmem:s2+$0x1170]  }
0x51d: {  	v0 =	vld.idx.msk [tilespmem:v0+s28+$0x0], $0xffff  }
0x51e: {  	v8 =	vld.idx.msk [tilespmem:v8+s28+$0x0], $0xffff  }
0x51f: {  	v1 =	vld [tilespmem:s2+$0x14A0]  }
0x520: {  	v10 =	vld.idx.msk [tilespmem:v10+s28+$0x0], $0xffff  }
0x521: {  	v2 =	vld [tilespmem:s2+$0x14B0]  }
0x522: {  	[tilespmem:s2+$0x9160] =	vst v0;
	v0 =	vld [tilespmem:s2+$0x1500]  }
0x523: {  	[tilespmem:s24+$0x9100] =	vst v8;
	v8 =	vld [tilespmem:s24+$0x1120]  }
0x524: {  	v7 =	vld.idx.msk [tilespmem:v7+s28+$0x0], $0xffff  }
0x525: {  	[tilespmem:s24+$0x9080] =	vst v10;
	v10 =	vld.idx.msk [tilespmem:v14+s28+$0x0], $0xffff  }
0x526: {  	v3 =	vld [tilespmem:s2+$0x14B8];
	[tilespmem:s2+$0x90E0] =	vst v6  }
0x527: {  	v9 =	vld.idx.msk [tilespmem:v9+s28+$0x0], $0xffff  }
0x528: {  	v11 =	vld.idx.msk [tilespmem:v11+s28+$0x0], $0xffff  }
0x529: {  	[tilespmem:s2+$0x9170] =	vst v7;
	v7 =	vld [tilespmem:s2+$0x1510]  }
0x52a: {  	[tilespmem:s24+$0x9110] =	vst v10;
	v10 =	vld [tilespmem:s24+$0x1130]  }
0x52b: {  	v8 =	vld.idx.msk [tilespmem:v8+s28+$0x0], $0xffff  }
0x52c: {  	[tilespmem:s2+$0x90F0] =	vst v9;
	v0 =	vld.idx.msk [tilespmem:v0+s28+$0x0], $0xffff  }
0x52d: {  	v9 =	vld [tilespmem:s24+$0x14B0];
	[tilespmem:s24+$0x9090] =	vst v11  }
0x52e: {  	v6 =	vld.idx.msk [tilespmem:v12+s28+$0x0], $0xffff  }
0x52f: {  	v4 =	vld.idx.msk [tilespmem:v4+s28+$0x0], $0xffff  }
0x530: {  	[tilespmem:s24+$0x9120] =	vst v8;
	v8 =	vld [tilespmem:s24+$0x1140]  }
0x531: {  	[tilespmem:s2+$0x9500] =	vst v0;
	v0 =	vld [tilespmem:s2+$0x1520]  }
0x532: {  	v10 =	vld.idx.msk [tilespmem:v10+s28+$0x0], $0xffff  }
0x533: {  	v7 =	vld.idx.msk [tilespmem:v7+s28+$0x0], $0xffff;
	[tilespmem:s24+$0x90A0] =	vst v6  }
0x534: {  	v6 =	vld.idx.msk [tilespmem:v13+s28+$0x0], $0xffff  }
0x535: {  	v14 =	vld [tilespmem:s24+$0x10E0];
	[tilespmem:s2+$0x9480] =	vst v4  }
0x536: {  	v5 =	vld.idx.msk [tilespmem:v5+s28+$0x0], $0xffff  }
0x537: {  	[tilespmem:s24+$0x9130] =	vst v10;
	v10 =	vld [tilespmem:s24+$0x1150]  }
0x538: {  	[tilespmem:s2+$0x9510] =	vst v7;
	v8 =	vld.idx.msk [tilespmem:v8+s28+$0x0], $0xffff  }
0x539: {  	v7 =	vld [tilespmem:s2+$0x1530];
	[tilespmem:s24+$0x90B0] =	vst v6  }
0x53a: {  	v6 =	vld.idx.msk [tilespmem:v15+s28+$0x0], $0xffff  }
0x53b: {  	v12 =	vld [tilespmem:s24+$0x1480]  }
0x53c: {  	v0 =	vld.idx.msk [tilespmem:v0+s28+$0x0], $0xffff  }
0x53d: {  	[tilespmem:s24+$0x9140] =	vst v8;
	v8 =	vld [tilespmem:s24+$0x1160]  }
0x53e: {  	v13 =	vld [tilespmem:s24+$0x1490]  }
0x53f: {  	[tilespmem:s24+$0x90C0] =	vst v6;
	v10 =	vld.idx.msk [tilespmem:v10+s28+$0x0], $0xffff  }
0x540: {  	v4 =	vld.idx.msk [tilespmem:v16+s28+$0x0], $0xffff  }
0x541: {  	v15 =	vld [tilespmem:s24+$0x14A0];
	[tilespmem:s2+$0x9520] =	vst v0  }
0x542: {  	v7 =	vld.idx.msk [tilespmem:v7+s28+$0x0], $0xffff  }
0x543: {  	v6 =	vld [tilespmem:s24+$0x1170]  }
0x544: {  	[tilespmem:s24+$0x9150] =	vst v10;
	v10 =	vld [tilespmem:s5+$0x1080]  }
0x545: {  	[tilespmem:s24+$0x90D0] =	vst v4;
	v4 =	vld.idx.msk [tilespmem:v8+s28+$0x0], $0xffff  }
0x546: {  	v0 =	vld [tilespmem:s2+$0x1538]  }
0x547: {  	[tilespmem:s2+$0x9530] =	vst v7;
	v7 =	vld.idx.msk [tilespmem:v14+s28+$0x0], $0xffff  }
0x548: {  	v8 =	vld [tilespmem:s5+$0x1100]  }
0x549: {  	v14 =	vld [tilespmem:s5+$0x1090]  }
0x54a: {  	[tilespmem:s24+$0x9160] =	vst v4;
	v4 =	vld [tilespmem:s24+$0x1500]  }
0x54b: {  	v6 =	vld.idx.msk [tilespmem:v6+s28+$0x0], $0xffff  }
0x54c: {  	v10 =	vld.idx.msk [tilespmem:v10+s28+$0x0], $0xffff  }
0x54d: {  	v16 =	vld [tilespmem:s5+$0x10A0]  }
0x54e: {  	v11 =	vld.idx.msk [tilespmem:v0+s28+$0x0], $0xffff  }
0x54f: {  	v0 =	vld [tilespmem:s24+$0x14B8]  }
0x550: {  	v8 =	vld.idx.msk [tilespmem:v8+s28+$0x0], $0xffff;
	[tilespmem:s24+$0x9170] =	vst v6  }
0x551: {  	v6 =	vld [tilespmem:s24+$0x1510];
	[tilespmem:s5+$0x9080] =	vst v10  }
0x552: {  	v14 =	vld.idx.msk [tilespmem:v14+s28+$0x0], $0xffff  }
0x553: {  	v4 =	vld.idx.msk [tilespmem:v4+s28+$0x0], $0xffff  }
0x554: {  	[tilespmem:s2+$0x9538] =	vst v11;
	v11 =	vld [tilespmem:s6+$0x14B8]  }
0x555: {  	[tilespmem:s5+$0x9100] =	vst v8;
	v8 =	vld [tilespmem:s5+$0x1120]  }
0x556: {  	[tilespmem:s24+$0x90E0] =	vst v7;
	v10 =	vld.idx.msk [tilespmem:v19+s28+$0x0], $0xffff  }
0x557: {  	[tilespmem:s5+$0x9090] =	vst v14;
	v14 =	vld.idx.msk [tilespmem:v17+s28+$0x0], $0xffff  }
0x558: {  	[tilespmem:s24+$0x9500] =	vst v4;
	v4 =	vld [tilespmem:s24+$0x1520]  }
0x559: {  	v7 =	vld.idx.msk [tilespmem:v16+s28+$0x0], $0xffff  }
0x55a: {  	v6 =	vld.idx.msk [tilespmem:v6+s28+$0x0], $0xffff  }
0x55b: {  	[tilespmem:s5+$0x9110] =	vst v10;
	v10 =	vld [tilespmem:s5+$0x1130]  }
0x55c: {  	v19 =	vld [tilespmem:s5+$0x10E0]  }
0x55d: {  	v8 =	vld.idx.msk [tilespmem:v8+s28+$0x0], $0xffff  }
0x55e: {  	v16 =	vld [tilespmem:s5+$0x1480];
	[tilespmem:s24+$0x90F0] =	vst v14  }
0x55f: {  	[tilespmem:s5+$0x90A0] =	vst v7;
	v7 =	vld.idx.msk [tilespmem:v12+s28+$0x0], $0xffff  }
0x560: {  	[tilespmem:s24+$0x9510] =	vst v6;
	v6 =	vld [tilespmem:s24+$0x1530]  }
0x561: {  	v4 =	vld.idx.msk [tilespmem:v4+s28+$0x0], $0xffff  }
0x562: {  	[tilespmem:s5+$0x9120] =	vst v8;
	v8 =	vld [tilespmem:s5+$0x1140]  }
0x563: {  	[tilespmem:s2+$0x9490] =	vst v5;
	v5 =	vld.idx.msk [tilespmem:v10+s28+$0x0], $0xffff  }
0x564: {  	v10 =	vld.idx.msk [tilespmem:v1+s28+$0x0], $0xffff  }
0x565: {  	v1 =	vld.idx.msk [tilespmem:v18+s28+$0x0], $0xffff;
	[tilespmem:s24+$0x9480] =	vst v7  }
0x566: {  	v7 =	vld.idx.msk [tilespmem:v13+s28+$0x0], $0xffff  }
0x567: {  	[tilespmem:s24+$0x9520] =	vst v4;
	v4 =	vld [tilespmem:s24+$0x1538]  }
0x568: {  	[tilespmem:s5+$0x9130] =	vst v5;
	v5 =	vld [tilespmem:s5+$0x1150]  }
0x569: {  	v6 =	vld.idx.msk [tilespmem:v6+s28+$0x0], $0xffff  }
0x56a: {  	v8 =	vld.idx.msk [tilespmem:v8+s28+$0x0], $0xffff  }
0x56b: {  	v12 =	vld [tilespmem:s5+$0x1490];
	[tilespmem:s5+$0x90B0] =	vst v1  }
0x56c: {  	v14 =	vld.idx.msk [tilespmem:v20+s28+$0x0], $0xffff  }
0x56d: {  	v13 =	vld [tilespmem:s5+$0x14A0];
	[tilespmem:s24+$0x9490] =	vst v7  }
0x56e: {  	v7 =	vld [tilespmem:s6+$0x1100];
	[tilespmem:s24+$0x9530] =	vst v6  }
0x56f: {  	[tilespmem:s5+$0x9140] =	vst v8;
	v8 =	vld [tilespmem:s5+$0x1160]  }
0x570: {  	v17 =	vld.idx.msk [tilespmem:v4+s28+$0x0], $0xffff  }
0x571: {  	[tilespmem:s5+$0x90C0] =	vst v14;
	v5 =	vld.idx.msk [tilespmem:v5+s28+$0x0], $0xffff  }
0x572: {  	v4 =	vld.idx.msk [tilespmem:v21+s28+$0x0], $0xffff  }
0x573: {  	v1 =	vld [tilespmem:s5+$0x14B0]  }
0x574: {  	[tilespmem:s2+$0x94A0] =	vst v10;
	v10 =	vld [tilespmem:s6+$0x1090]  }
0x575: {  	v60 =	vld.idx.msk [tilespmem:v2+s28+$0x0], $0xffff  }
0x576: {  	[tilespmem:s5+$0x9150] =	vst v5;
	v5 =	vld [tilespmem:s5+$0x1170]  }
0x577: {  	[tilespmem:s5+$0x90D0] =	vst v4;
	v4 =	vld.idx.msk [tilespmem:v8+s28+$0x0], $0xffff  }
0x578: {  	v8 =	vld [tilespmem:s6+$0x1080]  }
0x579: {  	v2 =	vld [tilespmem:s5+$0x14B8]  }
0x57a: {  	v7 =	vld.idx.msk [tilespmem:v7+s28+$0x0], $0xffff  }
0x57b: {  	v6 =	vld.idx.msk [tilespmem:v19+s28+$0x0], $0xffff  }
0x57c: {  	[tilespmem:s5+$0x9160] =	vst v4;
	v4 =	vld [tilespmem:s5+$0x1500]  }
0x57d: {  	v19 =	vld [tilespmem:s6+$0x1110]  }
0x57e: {  	v5 =	vld.idx.msk [tilespmem:v5+s28+$0x0], $0xffff  }
0x57f: {  	v18 =	vld.idx.msk [tilespmem:v15+s28+$0x0], $0xffff  }
0x580: {  	v8 =	vld.idx.msk [tilespmem:v8+s28+$0x0], $0xffff  }
0x581: {  	v15 =	vld [tilespmem:s6+$0x10B0]  }
0x582: {  	[tilespmem:s6+$0x9100] =	vst v7;
	v7 =	vld [tilespmem:s6+$0x1120]  }
0x583: {  	[tilespmem:s5+$0x9170] =	vst v5;
	v5 =	vld [tilespmem:s5+$0x1510]  }
0x584: {  	v4 =	vld.idx.msk [tilespmem:v4+s28+$0x0], $0xffff  }
0x585: {  	[tilespmem:s6+$0x9080] =	vst v8;
	v8 =	vld.idx.msk [tilespmem:v19+s28+$0x0], $0xffff  }
0x586: {  	v14 =	vld [tilespmem:s6+$0x10A0]  }
0x587: {  	v19 =	vld.idx.msk [tilespmem:v10+s28+$0x0], $0xffff  }
0x588: {  	v10 =	vld [tilespmem:s6+$0x10E0]  }
0x589: {  	[tilespmem:s5+$0x9500] =	vst v4;
	v4 =	vld [tilespmem:s6+$0x10F0]  }
0x58a: {  	[tilespmem:s6+$0x9110] =	vst v8;
	v8 =	vld [tilespmem:s6+$0x1130]  }
0x58b: {  	v5 =	vld.idx.msk [tilespmem:v5+s28+$0x0], $0xffff  }
0x58c: {  	v7 =	vld.idx.msk [tilespmem:v7+s28+$0x0], $0xffff  }
0x58d: {  	[tilespmem:s6+$0x9090] =	vst v19;
	v19 =	vld [tilespmem:s5+$0x1530]  }
0x58e: {  	[tilespmem:s5+$0x90E0] =	vst v6;
	v6 =	vld.idx.msk [tilespmem:v14+s28+$0x0], $0xffff  }
0x58f: {  	v14 =	vld.idx.msk [tilespmem:v22+s28+$0x0], $0xffff  }
0x590: {  	[tilespmem:s5+$0x9510] =	vst v5;
	v5 =	vld [tilespmem:s6+$0x1480]  }
0x591: {  	v62 =	vld.idx.msk [tilespmem:v24+s28+$0x0], $0xffff  }
0x592: {  	[tilespmem:s6+$0x9120] =	vst v7;
	v7 =	vld [tilespmem:s6+$0x1490]  }
0x593: {  	[tilespmem:s6+$0x90A0] =	vst v6;
	v6 =	vld.idx.msk [tilespmem:v8+s28+$0x0], $0xffff  }
0x594: {  	[tilespmem:s5+$0x90F0] =	vst v14;
	v8 =	vld.idx.msk [tilespmem:v15+s28+$0x0], $0xffff  }
0x595: {  	v14 =	vld.idx.msk [tilespmem:v16+s28+$0x0], $0xffff  }
0x596: {  	v15 =	vld [tilespmem:s5+$0x1538];
	[tilespmem:s5+$0x9520] =	vst v62  }
0x597: {  	v16 =	vld.idx.msk [tilespmem:v19+s28+$0x0], $0xffff  }
0x598: {  	[tilespmem:s6+$0x9130] =	vst v6;
	v19 =	vld [tilespmem:s6+$0x1150]  }
0x599: {  	[tilespmem:s6+$0x90B0] =	vst v8;
	v8 =	vld [tilespmem:s6+$0x14A0]  }
0x59a: {  	v6 =	vld.idx.msk [tilespmem:v63+s28+$0x0], $0xffff  }
0x59b: {  	[tilespmem:s5+$0x9480] =	vst v14;
	v21 =	vld.idx.msk [tilespmem:v61+s28+$0x0], $0xffff  }
0x59c: {  	v12 =	vld.idx.msk [tilespmem:v12+s28+$0x0], $0xffff  }
0x59d: {  	v14 =	vld [tilespmem:s6+$0x1160];
	[tilespmem:s5+$0x9530] =	vst v16  }
0x59e: {  	[tilespmem:s2+$0x94B0] =	vst v60;
	v16 =	vld.idx.msk [tilespmem:v15+s28+$0x0], $0xffff  }
0x59f: {  	[tilespmem:s6+$0x9140] =	vst v6;
	v6 =	vld [tilespmem:s6+$0x14B0]  }
0x5a0: {  	[tilespmem:s6+$0x90C0] =	vst v21;
	v19 =	vld.idx.msk [tilespmem:v19+s28+$0x0], $0xffff  }
0x5a1: {  	[tilespmem:s5+$0x9490] =	vst v12;
	v15 =	vld.idx.msk [tilespmem:v23+s28+$0x0], $0xffff  }
0x5a2: {  	[tilespmem:s24+$0x94A0] =	vst v18;
	v13 =	vld.idx.msk [tilespmem:v13+s28+$0x0], $0xffff  }
0x5a3: {  	[tilespmem:s24+$0x9538] =	vst v17;
	v12 =	vld.idx.msk [tilespmem:v9+s28+$0x0], $0xffff  }
0x5a4: {  	v9 =	vld.idx.msk [tilespmem:v3+s28+$0x0], $0xffff;
	[tilespmem:s5+$0x9538] =	vst v16  }
0x5a5: {  	s8 =	simm.s32 $0x400;
	s9 =	simm.s32 $0x800;
	s7 =	simm.s32 $0x6;
	v16 =	vld [tilespmem:s6+$0x1170];
	[tilespmem:s6+$0x9150] =	vst v19  }
.LBB2_10:
0x5a6: {  	s10 =	sand.u32 $0x3800, s9;
	s11 =	sand.u32 $0x300, s8;
	s7 =	sadd.s32 $0x2, s7;
	[tilespmem:s6+$0x90D0] =	vst v15;
	v14 =	vld.idx.msk [tilespmem:v14+s28+$0x0], $0xffff  }
0x5a7: {  	s10 =	sor.u32 s11, s10;
	p0 =	slt.u32 s7, $0x3E;
	v10 =	vld.idx.msk [tilespmem:v10+s28+$0x0], $0xffff;
	[tilespmem:s5+$0x94A0] =	vst v13  }
0x5a8: {  	v13 =	vld [tilespmem:s10+$0x1100];
	[tilespmem:s24+$0x94B0] =	vst v12;
	v3 =	vmov v11  }
0x5a9: {  	v11 =	vld [tilespmem:s10+$0x1080]  }
0x5aa: {  	v12 =	vld [tilespmem:s10+$0x1090];
	[tilespmem:s2+$0x94B8] =	vst v9;
	s2 =	smov.u32 s24;
	s24 =	smov.u32 s5;
	s5 =	smov.u32 s6  }
0x5ab: {  	s6 =	smov.u32 s10;
	v9 =	vld [tilespmem:s10+$0x10A0]  }
0x5ac: {  	[tilespmem:s5+$0x9160] =	vst v14;
	v14 =	vld [tilespmem:s5+$0x1500]  }
0x5ad: {  	[tilespmem:s5+$0x90E0] =	vst v10;
	v10 =	vld.idx.msk [tilespmem:v16+s28+$0x0], $0xffff  }
0x5ae: {  	v15 =	vld [tilespmem:s6+$0x10B0]  }
0x5af: {  	v16 =	vld [tilespmem:s6+$0x1110]  }
0x5b0: {  	v13 =	vld.idx.msk [tilespmem:v13+s28+$0x0], $0xffff  }
0x5b1: {  	v11 =	vld.idx.msk [tilespmem:v11+s28+$0x0], $0xffff  }
0x5b2: {  	v17 =	vld [tilespmem:s6+$0x10C0]  }
0x5b3: {  	[tilespmem:s5+$0x9170] =	vst v10;
	v18 =	vld [tilespmem:s5+$0x1510]  }
0x5b4: {  	v14 =	vld.idx.msk [tilespmem:v14+s28+$0x0], $0xffff  }
0x5b5: {  	v19 =	vld [tilespmem:s6+$0x10D0]  }
0x5b6: {  	[tilespmem:s6+$0x9100] =	vst v13;
	v13 =	vld [tilespmem:s6+$0x1120]  }
0x5b7: {  	[tilespmem:s6+$0x9080] =	vst v11;
	v11 =	vld.idx.msk [tilespmem:v16+s28+$0x0], $0xffff  }
0x5b8: {  	v12 =	vld.idx.msk [tilespmem:v12+s28+$0x0], $0xffff  }
0x5b9: {  	v10 =	vld [tilespmem:s6+$0x10E0]  }
0x5ba: {  	[tilespmem:s5+$0x9500] =	vst v14;
	v14 =	vld [tilespmem:s5+$0x1520]  }
0x5bb: {  	v16 =	vld.idx.msk [tilespmem:v18+s28+$0x0], $0xffff  }
0x5bc: {  	v18 =	vld [tilespmem:s6+$0x10F0]  }
0x5bd: {  	[tilespmem:s6+$0x9110] =	vst v11;
	v11 =	vld [tilespmem:s6+$0x1130]  }
0x5be: {  	[tilespmem:s6+$0x9090] =	vst v12;
	v12 =	vld.idx.msk [tilespmem:v13+s28+$0x0], $0xffff  }
0x5bf: {  	v9 =	vld.idx.msk [tilespmem:v9+s28+$0x0], $0xffff  }
0x5c0: {  	v13 =	vld.idx.msk [tilespmem:v4+s28+$0x0], $0xffff  }
0x5c1: {  	[tilespmem:s5+$0x9510] =	vst v16;
	v16 =	vld [tilespmem:s5+$0x1530];
	v4 =	vmov v18  }
0x5c2: {  	v14 =	vld.idx.msk [tilespmem:v14+s28+$0x0], $0xffff  }
0x5c3: {  	v18 =	vld [tilespmem:s6+$0x1480]  }
0x5c4: {  	[tilespmem:s6+$0x9120] =	vst v12;
	v12 =	vld [tilespmem:s6+$0x1140]  }
0x5c5: {  	[tilespmem:s6+$0x90A0] =	vst v9;
	v9 =	vld.idx.msk [tilespmem:v11+s28+$0x0], $0xffff  }
0x5c6: {  	v11 =	vld.idx.msk [tilespmem:v15+s28+$0x0], $0xffff;
	[tilespmem:s5+$0x90F0] =	vst v13  }
0x5c7: {  	v13 =	vld.idx.msk [tilespmem:v5+s28+$0x0], $0xffff  }
0x5c8: {  	[tilespmem:s5+$0x9520] =	vst v14;
	v14 =	vld [tilespmem:s5+$0x1538];
	v5 =	vmov v18  }
0x5c9: {  	v15 =	vld.idx.msk [tilespmem:v16+s28+$0x0], $0xffff  }
0x5ca: {  	v16 =	vld [tilespmem:s6+$0x1490]  }
0x5cb: {  	[tilespmem:s6+$0x9130] =	vst v9;
	v9 =	vld [tilespmem:s6+$0x1150]  }
0x5cc: {  	[tilespmem:s6+$0x90B0] =	vst v11;
	v11 =	vld.idx.msk [tilespmem:v12+s28+$0x0], $0xffff  }
0x5cd: {  	v12 =	vld.idx.msk [tilespmem:v17+s28+$0x0], $0xffff;
	[tilespmem:s5+$0x9480] =	vst v13  }
0x5ce: {  	v13 =	vld.idx.msk [tilespmem:v7+s28+$0x0], $0xffff  }
0x5cf: {  	v17 =	vld [tilespmem:s6+$0x14A0];
	[tilespmem:s5+$0x9530] =	vst v15;
	v7 =	vmov v16  }
0x5d0: {  	v16 =	vld.idx.msk [tilespmem:v14+s28+$0x0], $0xffff  }
0x5d1: {  	v18 =	vld [tilespmem:s6+$0x14B0]  }
0x5d2: {  	[tilespmem:s6+$0x9140] =	vst v11;
	v14 =	vld [tilespmem:s6+$0x1160]  }
0x5d3: {  	[tilespmem:s6+$0x90C0] =	vst v12;
	v20 =	vld.idx.msk [tilespmem:v9+s28+$0x0], $0xffff  }
0x5d4: {  	v15 =	vld.idx.msk [tilespmem:v19+s28+$0x0], $0xffff;
	[tilespmem:s5+$0x9490] =	vst v13  }
.Ltmp4:
0x5d5: {  	v13 =	vld.idx.msk [tilespmem:v8+s28+$0x0], $0xffff;
	v8 =	vmov v17;
	(pc) =	sbr.rel @p0 .LBB2_10-.Ltmp4, $4  }
0x5d6: {  	[tilespmem:s5+$0x9538] =	vst v16;
	v12 =	vld.idx.msk [tilespmem:v1+s28+$0x0], $0xffff;
	v1 =	vmov v6;
	v6 =	vmov v18  }
0x5d7: {  	v11 =	vld [tilespmem:s6+$0x14B8]  }
0x5d8: {  	v9 =	vld.idx.msk [tilespmem:v0+s28+$0x0], $0xffff;
	v0 =	vmov v2;
	v2 =	vmov v3  }
0x5d9: {  	s8 =	sadd.s32 $0x100, s8;
	s9 =	sadd.s32 $0x200, s9;
	[tilespmem:s6+$0x9150] =	vst v20;
	v16 =	vld [tilespmem:s6+$0x1170]  }
0x5da: {  	_ =	sdelay $0x3  }
0x5db: {  	v3 =	vld.idx.msk [tilespmem:v14+s28+$0x0], $0xffff;
	_ =	sdelay $0x2  }
0x5dc: {  	[tilespmem:s6+$0x90D0] =	vst v15  }
0x5dd: {  	v10 =	vld.idx.msk [tilespmem:v10+s28+$0x0], $0xffff  }
0x5de: {  	[tilespmem:s6+$0x9160] =	vst v3;
	v3 =	vld [tilespmem:s6+$0x1500];
	_ =	sdelay $0x1  }
0x5df: {  	v14 =	vld.idx.msk [tilespmem:v16+s28+$0x0], $0xffff;
	_ =	sdelay $0x2  }
0x5e0: {  	[tilespmem:s6+$0x90E0] =	vst v10  }
0x5e1: {  	v4 =	vld.idx.msk [tilespmem:v4+s28+$0x0], $0xffff  }
0x5e2: {  	[tilespmem:s6+$0x9170] =	vst v14;
	v14 =	vld [tilespmem:s6+$0x1510]  }
0x5e3: {  	v3 =	vld.idx.msk [tilespmem:v3+s28+$0x0], $0xffff;
	_ =	sdelay $0x3  }
0x5e4: {  	[tilespmem:s6+$0x90F0] =	vst v4  }
0x5e5: {  	[tilespmem:s6+$0x9500] =	vst v3;
	v3 =	vld [tilespmem:s6+$0x1520]  }
0x5e6: {  	v4 =	vld.idx.msk [tilespmem:v5+s28+$0x0], $0xffff  }
0x5e7: {  	v10 =	vld.idx.msk [tilespmem:v14+s28+$0x0], $0xffff;
	_ =	sdelay $0x3  }
0x5e8: {  	[tilespmem:s6+$0x9480] =	vst v4  }
0x5e9: {  	v4 =	vld.idx.msk [tilespmem:v7+s28+$0x0], $0xffff;
	[tilespmem:s6+$0x9510] =	vst v10  }
0x5ea: {  	v3 =	vld.idx.msk [tilespmem:v3+s28+$0x0], $0xffff;
	_ =	sdelay $0x1  }
0x5eb: {  	v5 =	vld [tilespmem:s6+$0x1530];
	_ =	sdelay $0x1  }
0x5ec: {  	[tilespmem:s6+$0x9490] =	vst v4  }
0x5ed: {  	[tilespmem:s6+$0x9520] =	vst v3;
	v3 =	vld.idx.msk [tilespmem:v8+s28+$0x0], $0xffff;
	_ =	sdelay $0x2  }
0x5ee: {  	[tilespmem:s5+$0x94A0] =	vst v13;
	v4 =	vld [tilespmem:s6+$0x1538]  }
0x5ef: {  	v1 =	vld.idx.msk [tilespmem:v1+s28+$0x0], $0xffff  }
0x5f0: {  	v5 =	vld.idx.msk [tilespmem:v5+s28+$0x0], $0xffff;
	[tilespmem:s6+$0x94A0] =	vst v3  }
0x5f1: {  	v3 =	vld.idx.msk [tilespmem:v6+s28+$0x0], $0xffff;
	_ =	sdelay $0x1  }
0x5f2: {  	[tilespmem:s24+$0x94B0] =	vst v12  }
0x5f3: {  	v0 =	vld.idx.msk [tilespmem:v0+s28+$0x0], $0xffff;
	[tilespmem:s5+$0x94B0] =	vst v1  }
0x5f4: {  	v1 =	vld.idx.msk [tilespmem:v2+s28+$0x0], $0xffff;
	[tilespmem:s6+$0x9530] =	vst v5  }
0x5f5: {  	v4 =	vld.idx.msk [tilespmem:v4+s28+$0x0], $0xffff;
	[tilespmem:s6+$0x94B0] =	vst v3  }
0x5f6: {  	v2 =	vld.idx.msk [tilespmem:v11+s28+$0x0], $0xffff  }
0x5f7: {  	[tilespmem:s2+$0x94B8] =	vst v9  }
0x5f8: {  	[tilespmem:s24+$0x94B8] =	vst v0  }
0x5f9: {  	[tilespmem:s5+$0x94B8] =	vst v1  }
0x5fa: {  	[tilespmem:s6+$0x9538] =	vst v4  }
0x5fb: {  	s5 =	simm.s32 $0x0;
	[tilespmem:s6+$0x94B8] =	vst v2  }
0x5fc: {  	[hbm4b:s15+s5] =	stream.linear.scatter [tilespmem:s29], [sflag:$0x3], $0x4000, $0x38;
	[tilespmem:$0x11080] =	vst v63  }
0x5fd: {  	_ = 	snop  }
0x5fe: {  	[tilespmem:s22], [sflag:$0x1] =	stream.linear.gather [hbm4b:s16+s5], $0x4000, $0x38;
	[tilespmem:$0x11080] =	vst v63  }
0x5ff: {  	_ =	swait.ge [sflag:s30], $0x4000  }
0x600: {  	[sflag:s30] =	ssyncset.done $0x0  }
0x601: {  	[sflag:s30] =	ssyncadd.s32 $0xFFFFC000  }
0x602: {  	_ =	swait.ge [sflag:s3], $0x4000  }
0x603: {  	s2 =	sand.u32 $0x300, s5;
	s6 =	sand.u32 $0x3800, s5;
	[sflag:s3] =	ssyncset.done $0x0  }
0x604: {  	s2 =	sor.u32 s2, s6;
	[sflag:s3] =	ssyncadd.s32 $0xFFFFC000  }
0x605: {  	v1 =	vld [tilespmem:s2+$0x5080];
	_ =	sdelay $0x1  }
0x606: {  	v0 =	vld [tilespmem:s2+$0x5100];
	_ =	sdelay $0x2  }
0x607: {  	v2 =	vld [tilespmem:s2+$0x5110]  }
0x608: {  	v3 =	vld [tilespmem:s2+$0x5090]  }
0x609: {  	v4 =	vld [tilespmem:s2+$0x50A0]  }
0x60a: {  	v1 =	vld.idx.msk [tilespmem:v1+s28+$0x0], $0xffff  }
0x60b: {  	v5 =	vld [tilespmem:s2+$0x50B0]  }
0x60c: {  	v0 =	vld.idx.msk [tilespmem:v0+s28+$0x0], $0xffff  }
0x60d: {  	v6 =	vld [tilespmem:s2+$0x50C0]  }
0x60e: {  	v7 =	vld [tilespmem:s2+$0x50D0]  }
0x60f: {  	v8 =	vld [tilespmem:s2+$0x50E0];
	[tilespmem:s2+$0xD080] =	vst v1  }
0x610: {  	v1 =	vld.idx.msk [tilespmem:v3+s28+$0x0], $0xffff  }
0x611: {  	s7 =	simm.s32 $0x100;
	s8 =	simm.s32 $0x200;
	[tilespmem:s2+$0xD100] =	vst v0;
	v0 =	vld [tilespmem:s2+$0x5120]  }
0x612: {  	s6 =	sand.u32 $0x3800, s8;
	s5 =	sand.u32 $0x300, s7;
	v9 =	vld [tilespmem:s2+$0x50F0]  }
0x613: {  	s24 =	sor.u32 s5, s6;
	v2 =	vld.idx.msk [tilespmem:v2+s28+$0x0], $0xffff  }
0x614: {  	v11 =	vld [tilespmem:s24+$0x5090]  }
0x615: {  	v12 =	vld [tilespmem:s24+$0x50A0];
	[tilespmem:s2+$0xD090] =	vst v1  }
0x616: {  	v1 =	vld.idx.msk [tilespmem:v4+s28+$0x0], $0xffff  }
0x617: {  	v13 =	vld [tilespmem:s24+$0x50B0]  }
0x618: {  	[tilespmem:s2+$0xD110] =	vst v2;
	v2 =	vld [tilespmem:s2+$0x5130]  }
0x619: {  	v0 =	vld.idx.msk [tilespmem:v0+s28+$0x0], $0xffff  }
0x61a: {  	v14 =	vld [tilespmem:s24+$0x5110]  }
0x61b: {  	v15 =	vld [tilespmem:s24+$0x50C0];
	[tilespmem:s2+$0xD0A0] =	vst v1  }
0x61c: {  	v1 =	vld.idx.msk [tilespmem:v5+s28+$0x0], $0xffff  }
0x61d: {  	v16 =	vld [tilespmem:s24+$0x50D0]  }
0x61e: {  	s9 =	simm.s32 $0x200;
	s10 =	simm.s32 $0x400;
	[tilespmem:s2+$0xD120] =	vst v0;
	v0 =	vld [tilespmem:s2+$0x5140]  }
0x61f: {  	s6 =	sand.u32 $0x3800, s10;
	s5 =	sand.u32 $0x300, s9;
	v17 =	vld [tilespmem:s24+$0x50F0]  }
0x620: {  	s5 =	sor.u32 s5, s6;
	v2 =	vld.idx.msk [tilespmem:v2+s28+$0x0], $0xffff  }
0x621: {  	v18 =	vld [tilespmem:s5+$0x50B0];
	[tilespmem:s2+$0xD0B0] =	vst v1  }
0x622: {  	v6 =	vld.idx.msk [tilespmem:v6+s28+$0x0], $0xffff  }
0x623: {  	v19 =	vld [tilespmem:s5+$0x5110]  }
0x624: {  	v3 =	vld [tilespmem:s2+$0x5150]  }
0x625: {  	v20 =	vld [tilespmem:s5+$0x50C0];
	[tilespmem:s2+$0xD130] =	vst v2  }
0x626: {  	v0 =	vld.idx.msk [tilespmem:v0+s28+$0x0], $0xffff  }
0x627: {  	s11 =	simm.s32 $0x300;
	s7 =	simm.s32 $0x600;
	v21 =	vld [tilespmem:s5+$0x50D0];
	[tilespmem:s2+$0xD0C0] =	vst v6  }
0x628: {  	s7 =	sand.u32 $0x3800, s7;
	s6 =	sand.u32 $0x300, s11;
	v6 =	vld.idx.msk [tilespmem:v7+s28+$0x0], $0xffff  }
0x629: {  	s6 =	sor.u32 s6, s7;
	v22 =	vld [tilespmem:s5+$0x50F0]  }
0x62a: {  	v61 =	vld [tilespmem:s6+$0x50C0]  }
0x62b: {  	v23 =	vld [tilespmem:s6+$0x50D0];
	[tilespmem:s2+$0xD140] =	vst v0  }
0x62c: {  	v10 =	vld.idx.msk [tilespmem:v3+s28+$0x0], $0xffff  }
0x62d: {  	v0 =	vld [tilespmem:s2+$0x5160];
	[tilespmem:s2+$0xD0D0] =	vst v6  }
0x62e: {  	v6 =	vld.idx.msk [tilespmem:v8+s28+$0x0], $0xffff  }
0x62f: {  	v8 =	vld [tilespmem:s24+$0x5100]  }
0x630: {  	v24 =	vld [tilespmem:s5+$0x5520]  }
0x631: {  	[tilespmem:s2+$0xD150] =	vst v10;
	v10 =	vld [tilespmem:s24+$0x5080]  }
0x632: {  	v63 =	vld [tilespmem:s6+$0x5140]  }
0x633: {  	v4 =	vld [tilespmem:s2+$0x5480]  }
0x634: {  	v5 =	vld [tilespmem:s2+$0x5490]  }
0x635: {  	v7 =	vld [tilespmem:s2+$0x5170]  }
0x636: {  	v0 =	vld.idx.msk [tilespmem:v0+s28+$0x0], $0xffff  }
0x637: {  	v8 =	vld.idx.msk [tilespmem:v8+s28+$0x0], $0xffff  }
0x638: {  	v1 =	vld [tilespmem:s2+$0x54A0]  }
0x639: {  	v10 =	vld.idx.msk [tilespmem:v10+s28+$0x0], $0xffff  }
0x63a: {  	v2 =	vld [tilespmem:s2+$0x54B0]  }
0x63b: {  	[tilespmem:s2+$0xD160] =	vst v0;
	v0 =	vld [tilespmem:s2+$0x5500]  }
0x63c: {  	[tilespmem:s24+$0xD100] =	vst v8;
	v8 =	vld [tilespmem:s24+$0x5120]  }
0x63d: {  	v7 =	vld.idx.msk [tilespmem:v7+s28+$0x0], $0xffff  }
0x63e: {  	[tilespmem:s24+$0xD080] =	vst v10;
	v10 =	vld.idx.msk [tilespmem:v14+s28+$0x0], $0xffff  }
0x63f: {  	v3 =	vld [tilespmem:s2+$0x54B8];
	[tilespmem:s2+$0xD0E0] =	vst v6  }
0x640: {  	v9 =	vld.idx.msk [tilespmem:v9+s28+$0x0], $0xffff  }
0x641: {  	v11 =	vld.idx.msk [tilespmem:v11+s28+$0x0], $0xffff  }
0x642: {  	[tilespmem:s2+$0xD170] =	vst v7;
	v7 =	vld [tilespmem:s2+$0x5510]  }
0x643: {  	[tilespmem:s24+$0xD110] =	vst v10;
	v10 =	vld [tilespmem:s24+$0x5130]  }
0x644: {  	v8 =	vld.idx.msk [tilespmem:v8+s28+$0x0], $0xffff  }
0x645: {  	[tilespmem:s2+$0xD0F0] =	vst v9;
	v0 =	vld.idx.msk [tilespmem:v0+s28+$0x0], $0xffff  }
0x646: {  	v9 =	vld [tilespmem:s24+$0x54B0];
	[tilespmem:s24+$0xD090] =	vst v11  }
0x647: {  	v6 =	vld.idx.msk [tilespmem:v12+s28+$0x0], $0xffff  }
0x648: {  	v4 =	vld.idx.msk [tilespmem:v4+s28+$0x0], $0xffff  }
0x649: {  	[tilespmem:s24+$0xD120] =	vst v8;
	v8 =	vld [tilespmem:s24+$0x5140]  }
0x64a: {  	[tilespmem:s2+$0xD500] =	vst v0;
	v0 =	vld [tilespmem:s2+$0x5520]  }
0x64b: {  	v10 =	vld.idx.msk [tilespmem:v10+s28+$0x0], $0xffff  }
0x64c: {  	v7 =	vld.idx.msk [tilespmem:v7+s28+$0x0], $0xffff;
	[tilespmem:s24+$0xD0A0] =	vst v6  }
0x64d: {  	v6 =	vld.idx.msk [tilespmem:v13+s28+$0x0], $0xffff  }
0x64e: {  	v14 =	vld [tilespmem:s24+$0x50E0];
	[tilespmem:s2+$0xD480] =	vst v4  }
0x64f: {  	v5 =	vld.idx.msk [tilespmem:v5+s28+$0x0], $0xffff  }
0x650: {  	[tilespmem:s24+$0xD130] =	vst v10;
	v10 =	vld [tilespmem:s24+$0x5150]  }
0x651: {  	[tilespmem:s2+$0xD510] =	vst v7;
	v8 =	vld.idx.msk [tilespmem:v8+s28+$0x0], $0xffff  }
0x652: {  	v7 =	vld [tilespmem:s2+$0x5530];
	[tilespmem:s24+$0xD0B0] =	vst v6  }
0x653: {  	v6 =	vld.idx.msk [tilespmem:v15+s28+$0x0], $0xffff  }
0x654: {  	v12 =	vld [tilespmem:s24+$0x5480]  }
0x655: {  	v0 =	vld.idx.msk [tilespmem:v0+s28+$0x0], $0xffff  }
0x656: {  	[tilespmem:s24+$0xD140] =	vst v8;
	v8 =	vld [tilespmem:s24+$0x5160]  }
0x657: {  	v13 =	vld [tilespmem:s24+$0x5490]  }
0x658: {  	[tilespmem:s24+$0xD0C0] =	vst v6;
	v10 =	vld.idx.msk [tilespmem:v10+s28+$0x0], $0xffff  }
0x659: {  	v4 =	vld.idx.msk [tilespmem:v16+s28+$0x0], $0xffff  }
0x65a: {  	v15 =	vld [tilespmem:s24+$0x54A0];
	[tilespmem:s2+$0xD520] =	vst v0  }
0x65b: {  	v7 =	vld.idx.msk [tilespmem:v7+s28+$0x0], $0xffff  }
0x65c: {  	v6 =	vld [tilespmem:s24+$0x5170]  }
0x65d: {  	[tilespmem:s24+$0xD150] =	vst v10;
	v10 =	vld [tilespmem:s5+$0x5080]  }
0x65e: {  	[tilespmem:s24+$0xD0D0] =	vst v4;
	v4 =	vld.idx.msk [tilespmem:v8+s28+$0x0], $0xffff  }
0x65f: {  	v0 =	vld [tilespmem:s2+$0x5538]  }
0x660: {  	[tilespmem:s2+$0xD530] =	vst v7;
	v7 =	vld.idx.msk [tilespmem:v14+s28+$0x0], $0xffff  }
0x661: {  	v8 =	vld [tilespmem:s5+$0x5100]  }
0x662: {  	v14 =	vld [tilespmem:s5+$0x5090]  }
0x663: {  	[tilespmem:s24+$0xD160] =	vst v4;
	v4 =	vld [tilespmem:s24+$0x5500]  }
0x664: {  	v6 =	vld.idx.msk [tilespmem:v6+s28+$0x0], $0xffff  }
0x665: {  	v10 =	vld.idx.msk [tilespmem:v10+s28+$0x0], $0xffff  }
0x666: {  	v16 =	vld [tilespmem:s5+$0x50A0]  }
0x667: {  	v11 =	vld.idx.msk [tilespmem:v0+s28+$0x0], $0xffff  }
0x668: {  	v0 =	vld [tilespmem:s24+$0x54B8]  }
0x669: {  	v8 =	vld.idx.msk [tilespmem:v8+s28+$0x0], $0xffff;
	[tilespmem:s24+$0xD170] =	vst v6  }
0x66a: {  	v6 =	vld [tilespmem:s24+$0x5510];
	[tilespmem:s5+$0xD080] =	vst v10  }
0x66b: {  	v14 =	vld.idx.msk [tilespmem:v14+s28+$0x0], $0xffff  }
0x66c: {  	v4 =	vld.idx.msk [tilespmem:v4+s28+$0x0], $0xffff  }
0x66d: {  	[tilespmem:s2+$0xD538] =	vst v11;
	v11 =	vld [tilespmem:s6+$0x54B8]  }
0x66e: {  	[tilespmem:s5+$0xD100] =	vst v8;
	v8 =	vld [tilespmem:s5+$0x5120]  }
0x66f: {  	[tilespmem:s24+$0xD0E0] =	vst v7;
	v10 =	vld.idx.msk [tilespmem:v19+s28+$0x0], $0xffff  }
0x670: {  	[tilespmem:s5+$0xD090] =	vst v14;
	v14 =	vld.idx.msk [tilespmem:v17+s28+$0x0], $0xffff  }
0x671: {  	[tilespmem:s24+$0xD500] =	vst v4;
	v4 =	vld [tilespmem:s24+$0x5520]  }
0x672: {  	v7 =	vld.idx.msk [tilespmem:v16+s28+$0x0], $0xffff  }
0x673: {  	v6 =	vld.idx.msk [tilespmem:v6+s28+$0x0], $0xffff  }
0x674: {  	[tilespmem:s5+$0xD110] =	vst v10;
	v10 =	vld [tilespmem:s5+$0x5130]  }
0x675: {  	v19 =	vld [tilespmem:s5+$0x50E0]  }
0x676: {  	v8 =	vld.idx.msk [tilespmem:v8+s28+$0x0], $0xffff  }
0x677: {  	v16 =	vld [tilespmem:s5+$0x5480];
	[tilespmem:s24+$0xD0F0] =	vst v14  }
0x678: {  	[tilespmem:s5+$0xD0A0] =	vst v7;
	v7 =	vld.idx.msk [tilespmem:v12+s28+$0x0], $0xffff  }
0x679: {  	[tilespmem:s24+$0xD510] =	vst v6;
	v6 =	vld [tilespmem:s24+$0x5530]  }
0x67a: {  	v4 =	vld.idx.msk [tilespmem:v4+s28+$0x0], $0xffff  }
0x67b: {  	[tilespmem:s5+$0xD120] =	vst v8;
	v8 =	vld [tilespmem:s5+$0x5140]  }
0x67c: {  	[tilespmem:s2+$0xD490] =	vst v5;
	v5 =	vld.idx.msk [tilespmem:v10+s28+$0x0], $0xffff  }
0x67d: {  	v10 =	vld.idx.msk [tilespmem:v1+s28+$0x0], $0xffff  }
0x67e: {  	v1 =	vld.idx.msk [tilespmem:v18+s28+$0x0], $0xffff;
	[tilespmem:s24+$0xD480] =	vst v7  }
0x67f: {  	v7 =	vld.idx.msk [tilespmem:v13+s28+$0x0], $0xffff  }
0x680: {  	[tilespmem:s24+$0xD520] =	vst v4;
	v4 =	vld [tilespmem:s24+$0x5538]  }
0x681: {  	[tilespmem:s5+$0xD130] =	vst v5;
	v5 =	vld [tilespmem:s5+$0x5150]  }
0x682: {  	v6 =	vld.idx.msk [tilespmem:v6+s28+$0x0], $0xffff  }
0x683: {  	v8 =	vld.idx.msk [tilespmem:v8+s28+$0x0], $0xffff  }
0x684: {  	v12 =	vld [tilespmem:s5+$0x5490];
	[tilespmem:s5+$0xD0B0] =	vst v1  }
0x685: {  	v14 =	vld.idx.msk [tilespmem:v20+s28+$0x0], $0xffff  }
0x686: {  	v13 =	vld [tilespmem:s5+$0x54A0];
	[tilespmem:s24+$0xD490] =	vst v7  }
0x687: {  	v7 =	vld [tilespmem:s6+$0x5100];
	[tilespmem:s24+$0xD530] =	vst v6  }
0x688: {  	[tilespmem:s5+$0xD140] =	vst v8;
	v8 =	vld [tilespmem:s5+$0x5160]  }
0x689: {  	v17 =	vld.idx.msk [tilespmem:v4+s28+$0x0], $0xffff  }
0x68a: {  	[tilespmem:s5+$0xD0C0] =	vst v14;
	v5 =	vld.idx.msk [tilespmem:v5+s28+$0x0], $0xffff  }
0x68b: {  	v4 =	vld.idx.msk [tilespmem:v21+s28+$0x0], $0xffff  }
0x68c: {  	v1 =	vld [tilespmem:s5+$0x54B0]  }
0x68d: {  	[tilespmem:s2+$0xD4A0] =	vst v10;
	v10 =	vld [tilespmem:s6+$0x5090]  }
0x68e: {  	v60 =	vld.idx.msk [tilespmem:v2+s28+$0x0], $0xffff  }
0x68f: {  	[tilespmem:s5+$0xD150] =	vst v5;
	v5 =	vld [tilespmem:s5+$0x5170]  }
0x690: {  	[tilespmem:s5+$0xD0D0] =	vst v4;
	v4 =	vld.idx.msk [tilespmem:v8+s28+$0x0], $0xffff  }
0x691: {  	v8 =	vld [tilespmem:s6+$0x5080]  }
0x692: {  	v2 =	vld [tilespmem:s5+$0x54B8]  }
0x693: {  	v7 =	vld.idx.msk [tilespmem:v7+s28+$0x0], $0xffff  }
0x694: {  	v6 =	vld.idx.msk [tilespmem:v19+s28+$0x0], $0xffff  }
0x695: {  	[tilespmem:s5+$0xD160] =	vst v4;
	v4 =	vld [tilespmem:s5+$0x5500]  }
0x696: {  	v19 =	vld [tilespmem:s6+$0x5110]  }
0x697: {  	v5 =	vld.idx.msk [tilespmem:v5+s28+$0x0], $0xffff  }
0x698: {  	v18 =	vld.idx.msk [tilespmem:v15+s28+$0x0], $0xffff  }
0x699: {  	v8 =	vld.idx.msk [tilespmem:v8+s28+$0x0], $0xffff  }
0x69a: {  	v15 =	vld [tilespmem:s6+$0x50B0]  }
0x69b: {  	[tilespmem:s6+$0xD100] =	vst v7;
	v7 =	vld [tilespmem:s6+$0x5120]  }
0x69c: {  	[tilespmem:s5+$0xD170] =	vst v5;
	v5 =	vld [tilespmem:s5+$0x5510]  }
0x69d: {  	v4 =	vld.idx.msk [tilespmem:v4+s28+$0x0], $0xffff  }
0x69e: {  	[tilespmem:s6+$0xD080] =	vst v8;
	v8 =	vld.idx.msk [tilespmem:v19+s28+$0x0], $0xffff  }
0x69f: {  	v14 =	vld [tilespmem:s6+$0x50A0]  }
0x6a0: {  	v19 =	vld.idx.msk [tilespmem:v10+s28+$0x0], $0xffff  }
0x6a1: {  	v10 =	vld [tilespmem:s6+$0x50E0]  }
0x6a2: {  	[tilespmem:s5+$0xD500] =	vst v4;
	v4 =	vld [tilespmem:s6+$0x50F0]  }
0x6a3: {  	[tilespmem:s6+$0xD110] =	vst v8;
	v8 =	vld [tilespmem:s6+$0x5130]  }
0x6a4: {  	v5 =	vld.idx.msk [tilespmem:v5+s28+$0x0], $0xffff  }
0x6a5: {  	v7 =	vld.idx.msk [tilespmem:v7+s28+$0x0], $0xffff  }
0x6a6: {  	[tilespmem:s6+$0xD090] =	vst v19;
	v19 =	vld [tilespmem:s5+$0x5530]  }
0x6a7: {  	[tilespmem:s5+$0xD0E0] =	vst v6;
	v6 =	vld.idx.msk [tilespmem:v14+s28+$0x0], $0xffff  }
0x6a8: {  	v14 =	vld.idx.msk [tilespmem:v22+s28+$0x0], $0xffff  }
0x6a9: {  	[tilespmem:s5+$0xD510] =	vst v5;
	v5 =	vld [tilespmem:s6+$0x5480]  }
0x6aa: {  	v62 =	vld.idx.msk [tilespmem:v24+s28+$0x0], $0xffff  }
0x6ab: {  	[tilespmem:s6+$0xD120] =	vst v7;
	v7 =	vld [tilespmem:s6+$0x5490]  }
0x6ac: {  	[tilespmem:s6+$0xD0A0] =	vst v6;
	v6 =	vld.idx.msk [tilespmem:v8+s28+$0x0], $0xffff  }
0x6ad: {  	[tilespmem:s5+$0xD0F0] =	vst v14;
	v8 =	vld.idx.msk [tilespmem:v15+s28+$0x0], $0xffff  }
0x6ae: {  	v14 =	vld.idx.msk [tilespmem:v16+s28+$0x0], $0xffff  }
0x6af: {  	v15 =	vld [tilespmem:s5+$0x5538];
	[tilespmem:s5+$0xD520] =	vst v62  }
0x6b0: {  	v16 =	vld.idx.msk [tilespmem:v19+s28+$0x0], $0xffff  }
0x6b1: {  	[tilespmem:s6+$0xD130] =	vst v6;
	v19 =	vld [tilespmem:s6+$0x5150]  }
0x6b2: {  	[tilespmem:s6+$0xD0B0] =	vst v8;
	v8 =	vld [tilespmem:s6+$0x54A0]  }
0x6b3: {  	v6 =	vld.idx.msk [tilespmem:v63+s28+$0x0], $0xffff  }
0x6b4: {  	[tilespmem:s5+$0xD480] =	vst v14;
	v21 =	vld.idx.msk [tilespmem:v61+s28+$0x0], $0xffff  }
0x6b5: {  	v12 =	vld.idx.msk [tilespmem:v12+s28+$0x0], $0xffff  }
0x6b6: {  	v14 =	vld [tilespmem:s6+$0x5160];
	[tilespmem:s5+$0xD530] =	vst v16  }
0x6b7: {  	[tilespmem:s2+$0xD4B0] =	vst v60;
	v16 =	vld.idx.msk [tilespmem:v15+s28+$0x0], $0xffff  }
0x6b8: {  	[tilespmem:s6+$0xD140] =	vst v6;
	v6 =	vld [tilespmem:s6+$0x54B0]  }
0x6b9: {  	[tilespmem:s6+$0xD0C0] =	vst v21;
	v19 =	vld.idx.msk [tilespmem:v19+s28+$0x0], $0xffff  }
0x6ba: {  	[tilespmem:s5+$0xD490] =	vst v12;
	v15 =	vld.idx.msk [tilespmem:v23+s28+$0x0], $0xffff  }
0x6bb: {  	[tilespmem:s24+$0xD4A0] =	vst v18;
	v13 =	vld.idx.msk [tilespmem:v13+s28+$0x0], $0xffff  }
0x6bc: {  	[tilespmem:s24+$0xD538] =	vst v17;
	v12 =	vld.idx.msk [tilespmem:v9+s28+$0x0], $0xffff  }
0x6bd: {  	v9 =	vld.idx.msk [tilespmem:v3+s28+$0x0], $0xffff;
	[tilespmem:s5+$0xD538] =	vst v16  }
0x6be: {  	s8 =	simm.s32 $0x400;
	s9 =	simm.s32 $0x800;
	s7 =	simm.s32 $0x6;
	v16 =	vld [tilespmem:s6+$0x5170];
	[tilespmem:s6+$0xD150] =	vst v19  }
.LBB2_12:
0x6bf: {  	s10 =	sand.u32 $0x3800, s9;
	s11 =	sand.u32 $0x300, s8;
	s7 =	sadd.s32 $0x2, s7;
	[tilespmem:s6+$0xD0D0] =	vst v15;
	v14 =	vld.idx.msk [tilespmem:v14+s28+$0x0], $0xffff  }
0x6c0: {  	s10 =	sor.u32 s11, s10;
	p0 =	slt.u32 s7, $0x3E;
	v10 =	vld.idx.msk [tilespmem:v10+s28+$0x0], $0xffff;
	[tilespmem:s5+$0xD4A0] =	vst v13  }
0x6c1: {  	v13 =	vld [tilespmem:s10+$0x5100];
	[tilespmem:s24+$0xD4B0] =	vst v12;
	v3 =	vmov v11  }
0x6c2: {  	v11 =	vld [tilespmem:s10+$0x5080]  }
0x6c3: {  	v12 =	vld [tilespmem:s10+$0x5090];
	[tilespmem:s2+$0xD4B8] =	vst v9;
	s2 =	smov.u32 s24;
	s24 =	smov.u32 s5;
	s5 =	smov.u32 s6  }
0x6c4: {  	s6 =	smov.u32 s10;
	v9 =	vld [tilespmem:s10+$0x50A0]  }
0x6c5: {  	[tilespmem:s5+$0xD160] =	vst v14;
	v14 =	vld [tilespmem:s5+$0x5500]  }
0x6c6: {  	[tilespmem:s5+$0xD0E0] =	vst v10;
	v10 =	vld.idx.msk [tilespmem:v16+s28+$0x0], $0xffff  }
0x6c7: {  	v15 =	vld [tilespmem:s6+$0x50B0]  }
0x6c8: {  	v16 =	vld [tilespmem:s6+$0x5110]  }
0x6c9: {  	v13 =	vld.idx.msk [tilespmem:v13+s28+$0x0], $0xffff  }
0x6ca: {  	v11 =	vld.idx.msk [tilespmem:v11+s28+$0x0], $0xffff  }
0x6cb: {  	v17 =	vld [tilespmem:s6+$0x50C0]  }
0x6cc: {  	[tilespmem:s5+$0xD170] =	vst v10;
	v18 =	vld [tilespmem:s5+$0x5510]  }
0x6cd: {  	v14 =	vld.idx.msk [tilespmem:v14+s28+$0x0], $0xffff  }
0x6ce: {  	v19 =	vld [tilespmem:s6+$0x50D0]  }
0x6cf: {  	[tilespmem:s6+$0xD100] =	vst v13;
	v13 =	vld [tilespmem:s6+$0x5120]  }
0x6d0: {  	[tilespmem:s6+$0xD080] =	vst v11;
	v11 =	vld.idx.msk [tilespmem:v16+s28+$0x0], $0xffff  }
0x6d1: {  	v12 =	vld.idx.msk [tilespmem:v12+s28+$0x0], $0xffff  }
0x6d2: {  	v10 =	vld [tilespmem:s6+$0x50E0]  }
0x6d3: {  	[tilespmem:s5+$0xD500] =	vst v14;
	v14 =	vld [tilespmem:s5+$0x5520]  }
0x6d4: {  	v16 =	vld.idx.msk [tilespmem:v18+s28+$0x0], $0xffff  }
0x6d5: {  	v18 =	vld [tilespmem:s6+$0x50F0]  }
0x6d6: {  	[tilespmem:s6+$0xD110] =	vst v11;
	v11 =	vld [tilespmem:s6+$0x5130]  }
0x6d7: {  	[tilespmem:s6+$0xD090] =	vst v12;
	v12 =	vld.idx.msk [tilespmem:v13+s28+$0x0], $0xffff  }
0x6d8: {  	v9 =	vld.idx.msk [tilespmem:v9+s28+$0x0], $0xffff  }
0x6d9: {  	v13 =	vld.idx.msk [tilespmem:v4+s28+$0x0], $0xffff  }
0x6da: {  	[tilespmem:s5+$0xD510] =	vst v16;
	v16 =	vld [tilespmem:s5+$0x5530];
	v4 =	vmov v18  }
0x6db: {  	v14 =	vld.idx.msk [tilespmem:v14+s28+$0x0], $0xffff  }
0x6dc: {  	v18 =	vld [tilespmem:s6+$0x5480]  }
0x6dd: {  	[tilespmem:s6+$0xD120] =	vst v12;
	v12 =	vld [tilespmem:s6+$0x5140]  }
0x6de: {  	[tilespmem:s6+$0xD0A0] =	vst v9;
	v9 =	vld.idx.msk [tilespmem:v11+s28+$0x0], $0xffff  }
0x6df: {  	v11 =	vld.idx.msk [tilespmem:v15+s28+$0x0], $0xffff;
	[tilespmem:s5+$0xD0F0] =	vst v13  }
0x6e0: {  	v13 =	vld.idx.msk [tilespmem:v5+s28+$0x0], $0xffff  }
0x6e1: {  	[tilespmem:s5+$0xD520] =	vst v14;
	v14 =	vld [tilespmem:s5+$0x5538];
	v5 =	vmov v18  }
0x6e2: {  	v15 =	vld.idx.msk [tilespmem:v16+s28+$0x0], $0xffff  }
0x6e3: {  	v16 =	vld [tilespmem:s6+$0x5490]  }
0x6e4: {  	[tilespmem:s6+$0xD130] =	vst v9;
	v9 =	vld [tilespmem:s6+$0x5150]  }
0x6e5: {  	[tilespmem:s6+$0xD0B0] =	vst v11;
	v11 =	vld.idx.msk [tilespmem:v12+s28+$0x0], $0xffff  }
0x6e6: {  	v12 =	vld.idx.msk [tilespmem:v17+s28+$0x0], $0xffff;
	[tilespmem:s5+$0xD480] =	vst v13  }
0x6e7: {  	v13 =	vld.idx.msk [tilespmem:v7+s28+$0x0], $0xffff  }
0x6e8: {  	v17 =	vld [tilespmem:s6+$0x54A0];
	[tilespmem:s5+$0xD530] =	vst v15;
	v7 =	vmov v16  }
0x6e9: {  	v16 =	vld.idx.msk [tilespmem:v14+s28+$0x0], $0xffff  }
0x6ea: {  	v18 =	vld [tilespmem:s6+$0x54B0]  }
0x6eb: {  	[tilespmem:s6+$0xD140] =	vst v11;
	v14 =	vld [tilespmem:s6+$0x5160]  }
0x6ec: {  	[tilespmem:s6+$0xD0C0] =	vst v12;
	v20 =	vld.idx.msk [tilespmem:v9+s28+$0x0], $0xffff  }
0x6ed: {  	v15 =	vld.idx.msk [tilespmem:v19+s28+$0x0], $0xffff;
	[tilespmem:s5+$0xD490] =	vst v13  }
.Ltmp5:
0x6ee: {  	v13 =	vld.idx.msk [tilespmem:v8+s28+$0x0], $0xffff;
	v8 =	vmov v17;
	(pc) =	sbr.rel @p0 .LBB2_12-.Ltmp5, $4  }
0x6ef: {  	[tilespmem:s5+$0xD538] =	vst v16;
	v12 =	vld.idx.msk [tilespmem:v1+s28+$0x0], $0xffff;
	v1 =	vmov v6;
	v6 =	vmov v18  }
0x6f0: {  	v11 =	vld [tilespmem:s6+$0x54B8]  }
0x6f1: {  	v9 =	vld.idx.msk [tilespmem:v0+s28+$0x0], $0xffff;
	v0 =	vmov v2;
	v2 =	vmov v3  }
0x6f2: {  	s8 =	sadd.s32 $0x100, s8;
	s9 =	sadd.s32 $0x200, s9;
	[tilespmem:s6+$0xD150] =	vst v20;
	v16 =	vld [tilespmem:s6+$0x5170]  }
0x6f3: {  	_ =	sdelay $0x3  }
0x6f4: {  	v3 =	vld.idx.msk [tilespmem:v14+s28+$0x0], $0xffff;
	_ =	sdelay $0x2  }
0x6f5: {  	[tilespmem:s6+$0xD0D0] =	vst v15  }
0x6f6: {  	v10 =	vld.idx.msk [tilespmem:v10+s28+$0x0], $0xffff  }
0x6f7: {  	[tilespmem:s6+$0xD160] =	vst v3;
	v3 =	vld [tilespmem:s6+$0x5500];
	_ =	sdelay $0x1  }
0x6f8: {  	v14 =	vld.idx.msk [tilespmem:v16+s28+$0x0], $0xffff;
	_ =	sdelay $0x2  }
0x6f9: {  	[tilespmem:s6+$0xD0E0] =	vst v10  }
0x6fa: {  	v4 =	vld.idx.msk [tilespmem:v4+s28+$0x0], $0xffff  }
0x6fb: {  	[tilespmem:s6+$0xD170] =	vst v14;
	v14 =	vld [tilespmem:s6+$0x5510]  }
0x6fc: {  	v3 =	vld.idx.msk [tilespmem:v3+s28+$0x0], $0xffff;
	_ =	sdelay $0x3  }
0x6fd: {  	[tilespmem:s6+$0xD0F0] =	vst v4  }
0x6fe: {  	[tilespmem:s6+$0xD500] =	vst v3;
	v3 =	vld [tilespmem:s6+$0x5520]  }
0x6ff: {  	v4 =	vld.idx.msk [tilespmem:v5+s28+$0x0], $0xffff  }
0x700: {  	v10 =	vld.idx.msk [tilespmem:v14+s28+$0x0], $0xffff;
	_ =	sdelay $0x3  }
0x701: {  	[tilespmem:s6+$0xD480] =	vst v4  }
0x702: {  	v4 =	vld.idx.msk [tilespmem:v7+s28+$0x0], $0xffff;
	[tilespmem:s6+$0xD510] =	vst v10  }
0x703: {  	v3 =	vld.idx.msk [tilespmem:v3+s28+$0x0], $0xffff;
	_ =	sdelay $0x1  }
0x704: {  	v5 =	vld [tilespmem:s6+$0x5530];
	_ =	sdelay $0x1  }
0x705: {  	[tilespmem:s6+$0xD490] =	vst v4  }
0x706: {  	[tilespmem:s6+$0xD520] =	vst v3;
	v3 =	vld.idx.msk [tilespmem:v8+s28+$0x0], $0xffff;
	_ =	sdelay $0x2  }
0x707: {  	[tilespmem:s5+$0xD4A0] =	vst v13;
	v4 =	vld [tilespmem:s6+$0x5538]  }
0x708: {  	v1 =	vld.idx.msk [tilespmem:v1+s28+$0x0], $0xffff  }
0x709: {  	v5 =	vld.idx.msk [tilespmem:v5+s28+$0x0], $0xffff;
	[tilespmem:s6+$0xD4A0] =	vst v3  }
0x70a: {  	v3 =	vld.idx.msk [tilespmem:v6+s28+$0x0], $0xffff;
	_ =	sdelay $0x1  }
0x70b: {  	[tilespmem:s24+$0xD4B0] =	vst v12  }
0x70c: {  	v0 =	vld.idx.msk [tilespmem:v0+s28+$0x0], $0xffff;
	[tilespmem:s5+$0xD4B0] =	vst v1  }
0x70d: {  	v1 =	vld.idx.msk [tilespmem:v2+s28+$0x0], $0xffff;
	[tilespmem:s6+$0xD530] =	vst v5  }
0x70e: {  	v4 =	vld.idx.msk [tilespmem:v4+s28+$0x0], $0xffff;
	[tilespmem:s6+$0xD4B0] =	vst v3  }
0x70f: {  	v2 =	vld.idx.msk [tilespmem:v11+s28+$0x0], $0xffff  }
0x710: {  	[tilespmem:s2+$0xD4B8] =	vst v9  }
0x711: {  	[tilespmem:s24+$0xD4B8] =	vst v0  }
0x712: {  	[tilespmem:s5+$0xD4B8] =	vst v1  }
0x713: {  	[tilespmem:s6+$0xD538] =	vst v4  }
0x714: {  	s5 =	simm.s32 $0x0;
	[tilespmem:s6+$0xD4B8] =	vst v2  }
0x715: {  	[hbm4b:s17+s5] =	stream.linear.scatter [tilespmem:s31], [sflag:$0x4], $0x4000, $0x38;
	[tilespmem:$0x11080] =	vst v63  }
0x716: {  	_ = 	snop  }
0x717: {  	[tilespmem:s25], [sflag:$0x2] =	stream.linear.gather [hbm4b:s18+s5], $0x4000, $0x38;
	[tilespmem:$0x11080] =	vst v63  }
0x718: {  	_ =	swait.ge [sflag:s26], $0x4000  }
0x719: {  	[sflag:s26] =	ssyncset.done $0x0  }
0x71a: {  	[sflag:s26] =	ssyncadd.s32 $0xFFFFC000  }
0x71b: {  	_ =	swait.ge [sflag:s0], $0x4000  }
0x71c: {  	s2 =	sand.u32 $0x300, s5;
	s6 =	sand.u32 $0x3800, s5;
	[sflag:s0] =	ssyncset.done $0x0  }
0x71d: {  	s2 =	sor.u32 s2, s6;
	[sflag:s0] =	ssyncadd.s32 $0xFFFFC000  }
0x71e: {  	v1 =	vld [tilespmem:s2+$0x1080];
	_ =	sdelay $0x1  }
0x71f: {  	v0 =	vld [tilespmem:s2+$0x1100];
	_ =	sdelay $0x2  }
0x720: {  	v2 =	vld [tilespmem:s2+$0x1110]  }
0x721: {  	v3 =	vld [tilespmem:s2+$0x1090]  }
0x722: {  	v4 =	vld [tilespmem:s2+$0x10A0]  }
0x723: {  	v1 =	vld.idx.msk [tilespmem:v1+s28+$0x0], $0xffff  }
0x724: {  	v5 =	vld [tilespmem:s2+$0x10B0]  }
0x725: {  	v0 =	vld.idx.msk [tilespmem:v0+s28+$0x0], $0xffff  }
0x726: {  	v6 =	vld [tilespmem:s2+$0x10C0]  }
0x727: {  	v7 =	vld [tilespmem:s2+$0x10D0]  }
0x728: {  	v8 =	vld [tilespmem:s2+$0x10E0];
	[tilespmem:s2+$0x9080] =	vst v1  }
0x729: {  	v1 =	vld.idx.msk [tilespmem:v3+s28+$0x0], $0xffff  }
0x72a: {  	s7 =	simm.s32 $0x100;
	s8 =	simm.s32 $0x200;
	[tilespmem:s2+$0x9100] =	vst v0;
	v0 =	vld [tilespmem:s2+$0x1120]  }
0x72b: {  	s6 =	sand.u32 $0x3800, s8;
	s5 =	sand.u32 $0x300, s7;
	v9 =	vld [tilespmem:s2+$0x10F0]  }
0x72c: {  	s24 =	sor.u32 s5, s6;
	v2 =	vld.idx.msk [tilespmem:v2+s28+$0x0], $0xffff  }
0x72d: {  	v11 =	vld [tilespmem:s24+$0x1090]  }
0x72e: {  	v12 =	vld [tilespmem:s24+$0x10A0];
	[tilespmem:s2+$0x9090] =	vst v1  }
0x72f: {  	v1 =	vld.idx.msk [tilespmem:v4+s28+$0x0], $0xffff  }
0x730: {  	v13 =	vld [tilespmem:s24+$0x10B0]  }
0x731: {  	[tilespmem:s2+$0x9110] =	vst v2;
	v2 =	vld [tilespmem:s2+$0x1130]  }
0x732: {  	v0 =	vld.idx.msk [tilespmem:v0+s28+$0x0], $0xffff  }
0x733: {  	v14 =	vld [tilespmem:s24+$0x1110]  }
0x734: {  	v15 =	vld [tilespmem:s24+$0x10C0];
	[tilespmem:s2+$0x90A0] =	vst v1  }
0x735: {  	v1 =	vld.idx.msk [tilespmem:v5+s28+$0x0], $0xffff  }
0x736: {  	v16 =	vld [tilespmem:s24+$0x10D0]  }
0x737: {  	s9 =	simm.s32 $0x200;
	s10 =	simm.s32 $0x400;
	[tilespmem:s2+$0x9120] =	vst v0;
	v0 =	vld [tilespmem:s2+$0x1140]  }
0x738: {  	s6 =	sand.u32 $0x3800, s10;
	s5 =	sand.u32 $0x300, s9;
	v17 =	vld [tilespmem:s24+$0x10F0]  }
0x739: {  	s5 =	sor.u32 s5, s6;
	v2 =	vld.idx.msk [tilespmem:v2+s28+$0x0], $0xffff  }
0x73a: {  	v18 =	vld [tilespmem:s5+$0x10B0];
	[tilespmem:s2+$0x90B0] =	vst v1  }
0x73b: {  	v6 =	vld.idx.msk [tilespmem:v6+s28+$0x0], $0xffff  }
0x73c: {  	v19 =	vld [tilespmem:s5+$0x1110]  }
0x73d: {  	v3 =	vld [tilespmem:s2+$0x1150]  }
0x73e: {  	v20 =	vld [tilespmem:s5+$0x10C0];
	[tilespmem:s2+$0x9130] =	vst v2  }
0x73f: {  	v0 =	vld.idx.msk [tilespmem:v0+s28+$0x0], $0xffff  }
0x740: {  	s11 =	simm.s32 $0x300;
	s7 =	simm.s32 $0x600;
	v21 =	vld [tilespmem:s5+$0x10D0];
	[tilespmem:s2+$0x90C0] =	vst v6  }
0x741: {  	s7 =	sand.u32 $0x3800, s7;
	s6 =	sand.u32 $0x300, s11;
	v6 =	vld.idx.msk [tilespmem:v7+s28+$0x0], $0xffff  }
0x742: {  	s6 =	sor.u32 s6, s7;
	v22 =	vld [tilespmem:s5+$0x10F0]  }
0x743: {  	v61 =	vld [tilespmem:s6+$0x10C0]  }
0x744: {  	v23 =	vld [tilespmem:s6+$0x10D0];
	[tilespmem:s2+$0x9140] =	vst v0  }
0x745: {  	v10 =	vld.idx.msk [tilespmem:v3+s28+$0x0], $0xffff  }
0x746: {  	v0 =	vld [tilespmem:s2+$0x1160];
	[tilespmem:s2+$0x90D0] =	vst v6  }
0x747: {  	v6 =	vld.idx.msk [tilespmem:v8+s28+$0x0], $0xffff  }
0x748: {  	v8 =	vld [tilespmem:s24+$0x1100]  }
0x749: {  	v24 =	vld [tilespmem:s5+$0x1520]  }
0x74a: {  	[tilespmem:s2+$0x9150] =	vst v10;
	v10 =	vld [tilespmem:s24+$0x1080]  }
0x74b: {  	v63 =	vld [tilespmem:s6+$0x1140]  }
0x74c: {  	v4 =	vld [tilespmem:s2+$0x1480]  }
0x74d: {  	v5 =	vld [tilespmem:s2+$0x1490]  }
0x74e: {  	v7 =	vld [tilespmem:s2+$0x1170]  }
0x74f: {  	v0 =	vld.idx.msk [tilespmem:v0+s28+$0x0], $0xffff  }
0x750: {  	v8 =	vld.idx.msk [tilespmem:v8+s28+$0x0], $0xffff  }
0x751: {  	v1 =	vld [tilespmem:s2+$0x14A0]  }
0x752: {  	v10 =	vld.idx.msk [tilespmem:v10+s28+$0x0], $0xffff  }
0x753: {  	v2 =	vld [tilespmem:s2+$0x14B0]  }
0x754: {  	[tilespmem:s2+$0x9160] =	vst v0;
	v0 =	vld [tilespmem:s2+$0x1500]  }
0x755: {  	[tilespmem:s24+$0x9100] =	vst v8;
	v8 =	vld [tilespmem:s24+$0x1120]  }
0x756: {  	v7 =	vld.idx.msk [tilespmem:v7+s28+$0x0], $0xffff  }
0x757: {  	[tilespmem:s24+$0x9080] =	vst v10;
	v10 =	vld.idx.msk [tilespmem:v14+s28+$0x0], $0xffff  }
0x758: {  	v3 =	vld [tilespmem:s2+$0x14B8];
	[tilespmem:s2+$0x90E0] =	vst v6  }
0x759: {  	v9 =	vld.idx.msk [tilespmem:v9+s28+$0x0], $0xffff  }
0x75a: {  	v11 =	vld.idx.msk [tilespmem:v11+s28+$0x0], $0xffff  }
0x75b: {  	[tilespmem:s2+$0x9170] =	vst v7;
	v7 =	vld [tilespmem:s2+$0x1510]  }
0x75c: {  	[tilespmem:s24+$0x9110] =	vst v10;
	v10 =	vld [tilespmem:s24+$0x1130]  }
0x75d: {  	v8 =	vld.idx.msk [tilespmem:v8+s28+$0x0], $0xffff  }
0x75e: {  	[tilespmem:s2+$0x90F0] =	vst v9;
	v0 =	vld.idx.msk [tilespmem:v0+s28+$0x0], $0xffff  }
0x75f: {  	v9 =	vld [tilespmem:s24+$0x14B0];
	[tilespmem:s24+$0x9090] =	vst v11  }
0x760: {  	v6 =	vld.idx.msk [tilespmem:v12+s28+$0x0], $0xffff  }
0x761: {  	v4 =	vld.idx.msk [tilespmem:v4+s28+$0x0], $0xffff  }
0x762: {  	[tilespmem:s24+$0x9120] =	vst v8;
	v8 =	vld [tilespmem:s24+$0x1140]  }
0x763: {  	[tilespmem:s2+$0x9500] =	vst v0;
	v0 =	vld [tilespmem:s2+$0x1520]  }
0x764: {  	v10 =	vld.idx.msk [tilespmem:v10+s28+$0x0], $0xffff  }
0x765: {  	v7 =	vld.idx.msk [tilespmem:v7+s28+$0x0], $0xffff;
	[tilespmem:s24+$0x90A0] =	vst v6  }
0x766: {  	v6 =	vld.idx.msk [tilespmem:v13+s28+$0x0], $0xffff  }
0x767: {  	v14 =	vld [tilespmem:s24+$0x10E0];
	[tilespmem:s2+$0x9480] =	vst v4  }
0x768: {  	v5 =	vld.idx.msk [tilespmem:v5+s28+$0x0], $0xffff  }
0x769: {  	[tilespmem:s24+$0x9130] =	vst v10;
	v10 =	vld [tilespmem:s24+$0x1150]  }
0x76a: {  	[tilespmem:s2+$0x9510] =	vst v7;
	v8 =	vld.idx.msk [tilespmem:v8+s28+$0x0], $0xffff  }
0x76b: {  	v7 =	vld [tilespmem:s2+$0x1530];
	[tilespmem:s24+$0x90B0] =	vst v6  }
0x76c: {  	v6 =	vld.idx.msk [tilespmem:v15+s28+$0x0], $0xffff  }
0x76d: {  	v12 =	vld [tilespmem:s24+$0x1480]  }
0x76e: {  	v0 =	vld.idx.msk [tilespmem:v0+s28+$0x0], $0xffff  }
0x76f: {  	[tilespmem:s24+$0x9140] =	vst v8;
	v8 =	vld [tilespmem:s24+$0x1160]  }
0x770: {  	v13 =	vld [tilespmem:s24+$0x1490]  }
0x771: {  	[tilespmem:s24+$0x90C0] =	vst v6;
	v10 =	vld.idx.msk [tilespmem:v10+s28+$0x0], $0xffff  }
0x772: {  	v4 =	vld.idx.msk [tilespmem:v16+s28+$0x0], $0xffff  }
0x773: {  	v15 =	vld [tilespmem:s24+$0x14A0];
	[tilespmem:s2+$0x9520] =	vst v0  }
0x774: {  	v7 =	vld.idx.msk [tilespmem:v7+s28+$0x0], $0xffff  }
0x775: {  	v6 =	vld [tilespmem:s24+$0x1170]  }
0x776: {  	[tilespmem:s24+$0x9150] =	vst v10;
	v10 =	vld [tilespmem:s5+$0x1080]  }
0x777: {  	[tilespmem:s24+$0x90D0] =	vst v4;
	v4 =	vld.idx.msk [tilespmem:v8+s28+$0x0], $0xffff  }
0x778: {  	v0 =	vld [tilespmem:s2+$0x1538]  }
0x779: {  	[tilespmem:s2+$0x9530] =	vst v7;
	v7 =	vld.idx.msk [tilespmem:v14+s28+$0x0], $0xffff  }
0x77a: {  	v8 =	vld [tilespmem:s5+$0x1100]  }
0x77b: {  	v14 =	vld [tilespmem:s5+$0x1090]  }
0x77c: {  	[tilespmem:s24+$0x9160] =	vst v4;
	v4 =	vld [tilespmem:s24+$0x1500]  }
0x77d: {  	v6 =	vld.idx.msk [tilespmem:v6+s28+$0x0], $0xffff  }
0x77e: {  	v10 =	vld.idx.msk [tilespmem:v10+s28+$0x0], $0xffff  }
0x77f: {  	v16 =	vld [tilespmem:s5+$0x10A0]  }
0x780: {  	v11 =	vld.idx.msk [tilespmem:v0+s28+$0x0], $0xffff  }
0x781: {  	v0 =	vld [tilespmem:s24+$0x14B8]  }
0x782: {  	v8 =	vld.idx.msk [tilespmem:v8+s28+$0x0], $0xffff;
	[tilespmem:s24+$0x9170] =	vst v6  }
0x783: {  	v6 =	vld [tilespmem:s24+$0x1510];
	[tilespmem:s5+$0x9080] =	vst v10  }
0x784: {  	v14 =	vld.idx.msk [tilespmem:v14+s28+$0x0], $0xffff  }
0x785: {  	v4 =	vld.idx.msk [tilespmem:v4+s28+$0x0], $0xffff  }
0x786: {  	[tilespmem:s2+$0x9538] =	vst v11;
	v11 =	vld [tilespmem:s6+$0x14B8]  }
0x787: {  	[tilespmem:s5+$0x9100] =	vst v8;
	v8 =	vld [tilespmem:s5+$0x1120]  }
0x788: {  	[tilespmem:s24+$0x90E0] =	vst v7;
	v10 =	vld.idx.msk [tilespmem:v19+s28+$0x0], $0xffff  }
0x789: {  	[tilespmem:s5+$0x9090] =	vst v14;
	v14 =	vld.idx.msk [tilespmem:v17+s28+$0x0], $0xffff  }
0x78a: {  	[tilespmem:s24+$0x9500] =	vst v4;
	v4 =	vld [tilespmem:s24+$0x1520]  }
0x78b: {  	v7 =	vld.idx.msk [tilespmem:v16+s28+$0x0], $0xffff  }
0x78c: {  	v6 =	vld.idx.msk [tilespmem:v6+s28+$0x0], $0xffff  }
0x78d: {  	[tilespmem:s5+$0x9110] =	vst v10;
	v10 =	vld [tilespmem:s5+$0x1130]  }
0x78e: {  	v19 =	vld [tilespmem:s5+$0x10E0]  }
0x78f: {  	v8 =	vld.idx.msk [tilespmem:v8+s28+$0x0], $0xffff  }
0x790: {  	v16 =	vld [tilespmem:s5+$0x1480];
	[tilespmem:s24+$0x90F0] =	vst v14  }
0x791: {  	[tilespmem:s5+$0x90A0] =	vst v7;
	v7 =	vld.idx.msk [tilespmem:v12+s28+$0x0], $0xffff  }
0x792: {  	[tilespmem:s24+$0x9510] =	vst v6;
	v6 =	vld [tilespmem:s24+$0x1530]  }
0x793: {  	v4 =	vld.idx.msk [tilespmem:v4+s28+$0x0], $0xffff  }
0x794: {  	[tilespmem:s5+$0x9120] =	vst v8;
	v8 =	vld [tilespmem:s5+$0x1140]  }
0x795: {  	[tilespmem:s2+$0x9490] =	vst v5;
	v5 =	vld.idx.msk [tilespmem:v10+s28+$0x0], $0xffff  }
0x796: {  	v10 =	vld.idx.msk [tilespmem:v1+s28+$0x0], $0xffff  }
0x797: {  	v1 =	vld.idx.msk [tilespmem:v18+s28+$0x0], $0xffff;
	[tilespmem:s24+$0x9480] =	vst v7  }
0x798: {  	v7 =	vld.idx.msk [tilespmem:v13+s28+$0x0], $0xffff  }
0x799: {  	[tilespmem:s24+$0x9520] =	vst v4;
	v4 =	vld [tilespmem:s24+$0x1538]  }
0x79a: {  	[tilespmem:s5+$0x9130] =	vst v5;
	v5 =	vld [tilespmem:s5+$0x1150]  }
0x79b: {  	v6 =	vld.idx.msk [tilespmem:v6+s28+$0x0], $0xffff  }
0x79c: {  	v8 =	vld.idx.msk [tilespmem:v8+s28+$0x0], $0xffff  }
0x79d: {  	v12 =	vld [tilespmem:s5+$0x1490];
	[tilespmem:s5+$0x90B0] =	vst v1  }
0x79e: {  	v14 =	vld.idx.msk [tilespmem:v20+s28+$0x0], $0xffff  }
0x79f: {  	v13 =	vld [tilespmem:s5+$0x14A0];
	[tilespmem:s24+$0x9490] =	vst v7  }
0x7a0: {  	v7 =	vld [tilespmem:s6+$0x1100];
	[tilespmem:s24+$0x9530] =	vst v6  }
0x7a1: {  	[tilespmem:s5+$0x9140] =	vst v8;
	v8 =	vld [tilespmem:s5+$0x1160]  }
0x7a2: {  	v17 =	vld.idx.msk [tilespmem:v4+s28+$0x0], $0xffff  }
0x7a3: {  	[tilespmem:s5+$0x90C0] =	vst v14;
	v5 =	vld.idx.msk [tilespmem:v5+s28+$0x0], $0xffff  }
0x7a4: {  	v4 =	vld.idx.msk [tilespmem:v21+s28+$0x0], $0xffff  }
0x7a5: {  	v1 =	vld [tilespmem:s5+$0x14B0]  }
0x7a6: {  	[tilespmem:s2+$0x94A0] =	vst v10;
	v10 =	vld [tilespmem:s6+$0x1090]  }
0x7a7: {  	v60 =	vld.idx.msk [tilespmem:v2+s28+$0x0], $0xffff  }
0x7a8: {  	[tilespmem:s5+$0x9150] =	vst v5;
	v5 =	vld [tilespmem:s5+$0x1170]  }
0x7a9: {  	[tilespmem:s5+$0x90D0] =	vst v4;
	v4 =	vld.idx.msk [tilespmem:v8+s28+$0x0], $0xffff  }
0x7aa: {  	v8 =	vld [tilespmem:s6+$0x1080]  }
0x7ab: {  	v2 =	vld [tilespmem:s5+$0x14B8]  }
0x7ac: {  	v7 =	vld.idx.msk [tilespmem:v7+s28+$0x0], $0xffff  }
0x7ad: {  	v6 =	vld.idx.msk [tilespmem:v19+s28+$0x0], $0xffff  }
0x7ae: {  	[tilespmem:s5+$0x9160] =	vst v4;
	v4 =	vld [tilespmem:s5+$0x1500]  }
0x7af: {  	v19 =	vld [tilespmem:s6+$0x1110]  }
0x7b0: {  	v5 =	vld.idx.msk [tilespmem:v5+s28+$0x0], $0xffff  }
0x7b1: {  	v18 =	vld.idx.msk [tilespmem:v15+s28+$0x0], $0xffff  }
0x7b2: {  	v8 =	vld.idx.msk [tilespmem:v8+s28+$0x0], $0xffff  }
0x7b3: {  	v15 =	vld [tilespmem:s6+$0x10B0]  }
0x7b4: {  	[tilespmem:s6+$0x9100] =	vst v7;
	v7 =	vld [tilespmem:s6+$0x1120]  }
0x7b5: {  	[tilespmem:s5+$0x9170] =	vst v5;
	v5 =	vld [tilespmem:s5+$0x1510]  }
0x7b6: {  	v4 =	vld.idx.msk [tilespmem:v4+s28+$0x0], $0xffff  }
0x7b7: {  	[tilespmem:s6+$0x9080] =	vst v8;
	v8 =	vld.idx.msk [tilespmem:v19+s28+$0x0], $0xffff  }
0x7b8: {  	v14 =	vld [tilespmem:s6+$0x10A0]  }
0x7b9: {  	v19 =	vld.idx.msk [tilespmem:v10+s28+$0x0], $0xffff  }
0x7ba: {  	v10 =	vld [tilespmem:s6+$0x10E0]  }
0x7bb: {  	[tilespmem:s5+$0x9500] =	vst v4;
	v4 =	vld [tilespmem:s6+$0x10F0]  }
0x7bc: {  	[tilespmem:s6+$0x9110] =	vst v8;
	v8 =	vld [tilespmem:s6+$0x1130]  }
0x7bd: {  	v5 =	vld.idx.msk [tilespmem:v5+s28+$0x0], $0xffff  }
0x7be: {  	v7 =	vld.idx.msk [tilespmem:v7+s28+$0x0], $0xffff  }
0x7bf: {  	[tilespmem:s6+$0x9090] =	vst v19;
	v19 =	vld [tilespmem:s5+$0x1530]  }
0x7c0: {  	[tilespmem:s5+$0x90E0] =	vst v6;
	v6 =	vld.idx.msk [tilespmem:v14+s28+$0x0], $0xffff  }
0x7c1: {  	v14 =	vld.idx.msk [tilespmem:v22+s28+$0x0], $0xffff  }
0x7c2: {  	[tilespmem:s5+$0x9510] =	vst v5;
	v5 =	vld [tilespmem:s6+$0x1480]  }
0x7c3: {  	v62 =	vld.idx.msk [tilespmem:v24+s28+$0x0], $0xffff  }
0x7c4: {  	[tilespmem:s6+$0x9120] =	vst v7;
	v7 =	vld [tilespmem:s6+$0x1490]  }
0x7c5: {  	[tilespmem:s6+$0x90A0] =	vst v6;
	v6 =	vld.idx.msk [tilespmem:v8+s28+$0x0], $0xffff  }
0x7c6: {  	[tilespmem:s5+$0x90F0] =	vst v14;
	v8 =	vld.idx.msk [tilespmem:v15+s28+$0x0], $0xffff  }
0x7c7: {  	v14 =	vld.idx.msk [tilespmem:v16+s28+$0x0], $0xffff  }
0x7c8: {  	v15 =	vld [tilespmem:s5+$0x1538];
	[tilespmem:s5+$0x9520] =	vst v62  }
0x7c9: {  	v16 =	vld.idx.msk [tilespmem:v19+s28+$0x0], $0xffff  }
0x7ca: {  	[tilespmem:s6+$0x9130] =	vst v6;
	v19 =	vld [tilespmem:s6+$0x1150]  }
0x7cb: {  	[tilespmem:s6+$0x90B0] =	vst v8;
	v8 =	vld [tilespmem:s6+$0x14A0]  }
0x7cc: {  	v6 =	vld.idx.msk [tilespmem:v63+s28+$0x0], $0xffff  }
0x7cd: {  	[tilespmem:s5+$0x9480] =	vst v14;
	v21 =	vld.idx.msk [tilespmem:v61+s28+$0x0], $0xffff  }
0x7ce: {  	v12 =	vld.idx.msk [tilespmem:v12+s28+$0x0], $0xffff  }
0x7cf: {  	v14 =	vld [tilespmem:s6+$0x1160];
	[tilespmem:s5+$0x9530] =	vst v16  }
0x7d0: {  	[tilespmem:s2+$0x94B0] =	vst v60;
	v16 =	vld.idx.msk [tilespmem:v15+s28+$0x0], $0xffff  }
0x7d1: {  	[tilespmem:s6+$0x9140] =	vst v6;
	v6 =	vld [tilespmem:s6+$0x14B0]  }
0x7d2: {  	[tilespmem:s6+$0x90C0] =	vst v21;
	v19 =	vld.idx.msk [tilespmem:v19+s28+$0x0], $0xffff  }
0x7d3: {  	[tilespmem:s5+$0x9490] =	vst v12;
	v15 =	vld.idx.msk [tilespmem:v23+s28+$0x0], $0xffff  }
0x7d4: {  	[tilespmem:s24+$0x94A0] =	vst v18;
	v13 =	vld.idx.msk [tilespmem:v13+s28+$0x0], $0xffff  }
0x7d5: {  	[tilespmem:s24+$0x9538] =	vst v17;
	v12 =	vld.idx.msk [tilespmem:v9+s28+$0x0], $0xffff  }
0x7d6: {  	v9 =	vld.idx.msk [tilespmem:v3+s28+$0x0], $0xffff;
	[tilespmem:s5+$0x9538] =	vst v16  }
0x7d7: {  	s8 =	simm.s32 $0x400;
	s9 =	simm.s32 $0x800;
	s7 =	simm.s32 $0x6;
	v16 =	vld [tilespmem:s6+$0x1170];
	[tilespmem:s6+$0x9150] =	vst v19  }
.LBB2_14:
0x7d8: {  	s10 =	sand.u32 $0x3800, s9;
	s11 =	sand.u32 $0x300, s8;
	s7 =	sadd.s32 $0x2, s7;
	[tilespmem:s6+$0x90D0] =	vst v15;
	v14 =	vld.idx.msk [tilespmem:v14+s28+$0x0], $0xffff  }
0x7d9: {  	s10 =	sor.u32 s11, s10;
	p0 =	slt.u32 s7, $0x3E;
	v10 =	vld.idx.msk [tilespmem:v10+s28+$0x0], $0xffff;
	[tilespmem:s5+$0x94A0] =	vst v13  }
0x7da: {  	v13 =	vld [tilespmem:s10+$0x1100];
	[tilespmem:s24+$0x94B0] =	vst v12;
	v3 =	vmov v11  }
0x7db: {  	v11 =	vld [tilespmem:s10+$0x1080]  }
0x7dc: {  	v12 =	vld [tilespmem:s10+$0x1090];
	[tilespmem:s2+$0x94B8] =	vst v9;
	s2 =	smov.u32 s24;
	s24 =	smov.u32 s5;
	s5 =	smov.u32 s6  }
0x7dd: {  	s6 =	smov.u32 s10;
	v9 =	vld [tilespmem:s10+$0x10A0]  }
0x7de: {  	[tilespmem:s5+$0x9160] =	vst v14;
	v14 =	vld [tilespmem:s5+$0x1500]  }
0x7df: {  	[tilespmem:s5+$0x90E0] =	vst v10;
	v10 =	vld.idx.msk [tilespmem:v16+s28+$0x0], $0xffff  }
0x7e0: {  	v15 =	vld [tilespmem:s6+$0x10B0]  }
0x7e1: {  	v16 =	vld [tilespmem:s6+$0x1110]  }
0x7e2: {  	v13 =	vld.idx.msk [tilespmem:v13+s28+$0x0], $0xffff  }
0x7e3: {  	v11 =	vld.idx.msk [tilespmem:v11+s28+$0x0], $0xffff  }
0x7e4: {  	v17 =	vld [tilespmem:s6+$0x10C0]  }
0x7e5: {  	[tilespmem:s5+$0x9170] =	vst v10;
	v18 =	vld [tilespmem:s5+$0x1510]  }
0x7e6: {  	v14 =	vld.idx.msk [tilespmem:v14+s28+$0x0], $0xffff  }
0x7e7: {  	v19 =	vld [tilespmem:s6+$0x10D0]  }
0x7e8: {  	[tilespmem:s6+$0x9100] =	vst v13;
	v13 =	vld [tilespmem:s6+$0x1120]  }
0x7e9: {  	[tilespmem:s6+$0x9080] =	vst v11;
	v11 =	vld.idx.msk [tilespmem:v16+s28+$0x0], $0xffff  }
0x7ea: {  	v12 =	vld.idx.msk [tilespmem:v12+s28+$0x0], $0xffff  }
0x7eb: {  	v10 =	vld [tilespmem:s6+$0x10E0]  }
0x7ec: {  	[tilespmem:s5+$0x9500] =	vst v14;
	v14 =	vld [tilespmem:s5+$0x1520]  }
0x7ed: {  	v16 =	vld.idx.msk [tilespmem:v18+s28+$0x0], $0xffff  }
0x7ee: {  	v18 =	vld [tilespmem:s6+$0x10F0]  }
0x7ef: {  	[tilespmem:s6+$0x9110] =	vst v11;
	v11 =	vld [tilespmem:s6+$0x1130]  }
0x7f0: {  	[tilespmem:s6+$0x9090] =	vst v12;
	v12 =	vld.idx.msk [tilespmem:v13+s28+$0x0], $0xffff  }
0x7f1: {  	v9 =	vld.idx.msk [tilespmem:v9+s28+$0x0], $0xffff  }
0x7f2: {  	v13 =	vld.idx.msk [tilespmem:v4+s28+$0x0], $0xffff  }
0x7f3: {  	[tilespmem:s5+$0x9510] =	vst v16;
	v16 =	vld [tilespmem:s5+$0x1530];
	v4 =	vmov v18  }
0x7f4: {  	v14 =	vld.idx.msk [tilespmem:v14+s28+$0x0], $0xffff  }
0x7f5: {  	v18 =	vld [tilespmem:s6+$0x1480]  }
0x7f6: {  	[tilespmem:s6+$0x9120] =	vst v12;
	v12 =	vld [tilespmem:s6+$0x1140]  }
0x7f7: {  	[tilespmem:s6+$0x90A0] =	vst v9;
	v9 =	vld.idx.msk [tilespmem:v11+s28+$0x0], $0xffff  }
0x7f8: {  	v11 =	vld.idx.msk [tilespmem:v15+s28+$0x0], $0xffff;
	[tilespmem:s5+$0x90F0] =	vst v13  }
0x7f9: {  	v13 =	vld.idx.msk [tilespmem:v5+s28+$0x0], $0xffff  }
0x7fa: {  	[tilespmem:s5+$0x9520] =	vst v14;
	v14 =	vld [tilespmem:s5+$0x1538];
	v5 =	vmov v18  }
0x7fb: {  	v15 =	vld.idx.msk [tilespmem:v16+s28+$0x0], $0xffff  }
0x7fc: {  	v16 =	vld [tilespmem:s6+$0x1490]  }
0x7fd: {  	[tilespmem:s6+$0x9130] =	vst v9;
	v9 =	vld [tilespmem:s6+$0x1150]  }
0x7fe: {  	[tilespmem:s6+$0x90B0] =	vst v11;
	v11 =	vld.idx.msk [tilespmem:v12+s28+$0x0], $0xffff  }
0x7ff: {  	v12 =	vld.idx.msk [tilespmem:v17+s28+$0x0], $0xffff;
	[tilespmem:s5+$0x9480] =	vst v13  }
0x800: {  	v13 =	vld.idx.msk [tilespmem:v7+s28+$0x0], $0xffff  }
0x801: {  	v17 =	vld [tilespmem:s6+$0x14A0];
	[tilespmem:s5+$0x9530] =	vst v15;
	v7 =	vmov v16  }
0x802: {  	v16 =	vld.idx.msk [tilespmem:v14+s28+$0x0], $0xffff  }
0x803: {  	v18 =	vld [tilespmem:s6+$0x14B0]  }
0x804: {  	[tilespmem:s6+$0x9140] =	vst v11;
	v14 =	vld [tilespmem:s6+$0x1160]  }
0x805: {  	[tilespmem:s6+$0x90C0] =	vst v12;
	v20 =	vld.idx.msk [tilespmem:v9+s28+$0x0], $0xffff  }
0x806: {  	v15 =	vld.idx.msk [tilespmem:v19+s28+$0x0], $0xffff;
	[tilespmem:s5+$0x9490] =	vst v13  }
.Ltmp6:
0x807: {  	v13 =	vld.idx.msk [tilespmem:v8+s28+$0x0], $0xffff;
	v8 =	vmov v17;
	(pc) =	sbr.rel @p0 .LBB2_14-.Ltmp6, $4  }
0x808: {  	[tilespmem:s5+$0x9538] =	vst v16;
	v12 =	vld.idx.msk [tilespmem:v1+s28+$0x0], $0xffff;
	v1 =	vmov v6;
	v6 =	vmov v18  }
0x809: {  	v11 =	vld [tilespmem:s6+$0x14B8]  }
0x80a: {  	v9 =	vld.idx.msk [tilespmem:v0+s28+$0x0], $0xffff;
	v0 =	vmov v2;
	v2 =	vmov v3  }
0x80b: {  	s8 =	sadd.s32 $0x100, s8;
	s9 =	sadd.s32 $0x200, s9;
	[tilespmem:s6+$0x9150] =	vst v20;
	v16 =	vld [tilespmem:s6+$0x1170]  }
0x80c: {  	_ =	sdelay $0x3  }
0x80d: {  	v3 =	vld.idx.msk [tilespmem:v14+s28+$0x0], $0xffff;
	_ =	sdelay $0x2  }
0x80e: {  	[tilespmem:s6+$0x90D0] =	vst v15  }
0x80f: {  	v10 =	vld.idx.msk [tilespmem:v10+s28+$0x0], $0xffff  }
0x810: {  	[tilespmem:s6+$0x9160] =	vst v3;
	v3 =	vld [tilespmem:s6+$0x1500];
	_ =	sdelay $0x1  }
0x811: {  	v14 =	vld.idx.msk [tilespmem:v16+s28+$0x0], $0xffff;
	_ =	sdelay $0x2  }
0x812: {  	[tilespmem:s6+$0x90E0] =	vst v10  }
0x813: {  	v4 =	vld.idx.msk [tilespmem:v4+s28+$0x0], $0xffff  }
0x814: {  	[tilespmem:s6+$0x9170] =	vst v14;
	v14 =	vld [tilespmem:s6+$0x1510]  }
0x815: {  	v3 =	vld.idx.msk [tilespmem:v3+s28+$0x0], $0xffff;
	_ =	sdelay $0x3  }
0x816: {  	[tilespmem:s6+$0x90F0] =	vst v4  }
0x817: {  	[tilespmem:s6+$0x9500] =	vst v3;
	v3 =	vld [tilespmem:s6+$0x1520]  }
0x818: {  	v4 =	vld.idx.msk [tilespmem:v5+s28+$0x0], $0xffff  }
0x819: {  	v10 =	vld.idx.msk [tilespmem:v14+s28+$0x0], $0xffff;
	_ =	sdelay $0x3  }
0x81a: {  	[tilespmem:s6+$0x9480] =	vst v4  }
0x81b: {  	v4 =	vld.idx.msk [tilespmem:v7+s28+$0x0], $0xffff;
	[tilespmem:s6+$0x9510] =	vst v10  }
0x81c: {  	v3 =	vld.idx.msk [tilespmem:v3+s28+$0x0], $0xffff;
	_ =	sdelay $0x1  }
0x81d: {  	v5 =	vld [tilespmem:s6+$0x1530];
	_ =	sdelay $0x1  }
0x81e: {  	[tilespmem:s6+$0x9490] =	vst v4  }
0x81f: {  	[tilespmem:s6+$0x9520] =	vst v3;
	v3 =	vld.idx.msk [tilespmem:v8+s28+$0x0], $0xffff;
	_ =	sdelay $0x2  }
0x820: {  	[tilespmem:s5+$0x94A0] =	vst v13;
	v4 =	vld [tilespmem:s6+$0x1538]  }
0x821: {  	v1 =	vld.idx.msk [tilespmem:v1+s28+$0x0], $0xffff  }
0x822: {  	v5 =	vld.idx.msk [tilespmem:v5+s28+$0x0], $0xffff;
	[tilespmem:s6+$0x94A0] =	vst v3  }
0x823: {  	v3 =	vld.idx.msk [tilespmem:v6+s28+$0x0], $0xffff;
	_ =	sdelay $0x1  }
0x824: {  	[tilespmem:s24+$0x94B0] =	vst v12  }
0x825: {  	v0 =	vld.idx.msk [tilespmem:v0+s28+$0x0], $0xffff;
	[tilespmem:s5+$0x94B0] =	vst v1  }
0x826: {  	v1 =	vld.idx.msk [tilespmem:v2+s28+$0x0], $0xffff;
	[tilespmem:s6+$0x9530] =	vst v5  }
0x827: {  	v4 =	vld.idx.msk [tilespmem:v4+s28+$0x0], $0xffff;
	[tilespmem:s6+$0x94B0] =	vst v3  }
0x828: {  	v2 =	vld.idx.msk [tilespmem:v11+s28+$0x0], $0xffff  }
0x829: {  	[tilespmem:s2+$0x94B8] =	vst v9  }
0x82a: {  	[tilespmem:s24+$0x94B8] =	vst v0  }
0x82b: {  	[tilespmem:s5+$0x94B8] =	vst v1  }
0x82c: {  	[tilespmem:s6+$0x9538] =	vst v4  }
0x82d: {  	s5 =	simm.s32 $0x0;
	[tilespmem:s6+$0x94B8] =	vst v2  }
0x82e: {  	[hbm4b:s19+s5] =	stream.linear.scatter [tilespmem:s29], [sflag:$0x3], $0x4000, $0x38;
	[tilespmem:$0x11080] =	vst v63  }
0x82f: {  	_ =	swait.ge [sflag:s30], $0x4000  }
0x830: {  	[sflag:s30] =	ssyncset.done $0x0  }
0x831: {  	[sflag:s30] =	ssyncadd.s32 $0xFFFFC000  }
0x832: {  	_ =	swait.ge [sflag:s3], $0x4000  }
0x833: {  	s2 =	sand.u32 $0x300, s5;
	s6 =	sand.u32 $0x3800, s5;
	[sflag:s3] =	ssyncset.done $0x0  }
0x834: {  	s2 =	sor.u32 s2, s6;
	[sflag:s3] =	ssyncadd.s32 $0xFFFFC000  }
0x835: {  	v1 =	vld [tilespmem:s2+$0x5080];
	_ =	sdelay $0x1  }
0x836: {  	v0 =	vld [tilespmem:s2+$0x5100];
	_ =	sdelay $0x2  }
0x837: {  	v2 =	vld [tilespmem:s2+$0x5110]  }
0x838: {  	v3 =	vld [tilespmem:s2+$0x5090]  }
0x839: {  	v4 =	vld [tilespmem:s2+$0x50A0]  }
0x83a: {  	v1 =	vld.idx.msk [tilespmem:v1+s28+$0x0], $0xffff  }
0x83b: {  	v5 =	vld [tilespmem:s2+$0x50B0]  }
0x83c: {  	v0 =	vld.idx.msk [tilespmem:v0+s28+$0x0], $0xffff  }
0x83d: {  	v6 =	vld [tilespmem:s2+$0x50C0]  }
0x83e: {  	v7 =	vld [tilespmem:s2+$0x50D0]  }
0x83f: {  	v8 =	vld [tilespmem:s2+$0x50E0];
	[tilespmem:s2+$0xD080] =	vst v1  }
0x840: {  	v1 =	vld.idx.msk [tilespmem:v3+s28+$0x0], $0xffff  }
0x841: {  	s7 =	simm.s32 $0x100;
	s8 =	simm.s32 $0x200;
	[tilespmem:s2+$0xD100] =	vst v0;
	v0 =	vld [tilespmem:s2+$0x5120]  }
0x842: {  	s6 =	sand.u32 $0x3800, s8;
	s5 =	sand.u32 $0x300, s7;
	v9 =	vld [tilespmem:s2+$0x50F0]  }
0x843: {  	s24 =	sor.u32 s5, s6;
	v2 =	vld.idx.msk [tilespmem:v2+s28+$0x0], $0xffff  }
0x844: {  	v11 =	vld [tilespmem:s24+$0x5090]  }
0x845: {  	v12 =	vld [tilespmem:s24+$0x50A0];
	[tilespmem:s2+$0xD090] =	vst v1  }
0x846: {  	v1 =	vld.idx.msk [tilespmem:v4+s28+$0x0], $0xffff  }
0x847: {  	v13 =	vld [tilespmem:s24+$0x50B0]  }
0x848: {  	[tilespmem:s2+$0xD110] =	vst v2;
	v2 =	vld [tilespmem:s2+$0x5130]  }
0x849: {  	v0 =	vld.idx.msk [tilespmem:v0+s28+$0x0], $0xffff  }
0x84a: {  	v14 =	vld [tilespmem:s24+$0x5110]  }
0x84b: {  	v15 =	vld [tilespmem:s24+$0x50C0];
	[tilespmem:s2+$0xD0A0] =	vst v1  }
0x84c: {  	v1 =	vld.idx.msk [tilespmem:v5+s28+$0x0], $0xffff  }
0x84d: {  	v16 =	vld [tilespmem:s24+$0x50D0]  }
0x84e: {  	s9 =	simm.s32 $0x200;
	s10 =	simm.s32 $0x400;
	[tilespmem:s2+$0xD120] =	vst v0;
	v0 =	vld [tilespmem:s2+$0x5140]  }
0x84f: {  	s6 =	sand.u32 $0x3800, s10;
	s5 =	sand.u32 $0x300, s9;
	v17 =	vld [tilespmem:s24+$0x50F0]  }
0x850: {  	s5 =	sor.u32 s5, s6;
	v2 =	vld.idx.msk [tilespmem:v2+s28+$0x0], $0xffff  }
0x851: {  	v18 =	vld [tilespmem:s5+$0x50B0];
	[tilespmem:s2+$0xD0B0] =	vst v1  }
0x852: {  	v6 =	vld.idx.msk [tilespmem:v6+s28+$0x0], $0xffff  }
0x853: {  	v19 =	vld [tilespmem:s5+$0x5110]  }
0x854: {  	v3 =	vld [tilespmem:s2+$0x5150]  }
0x855: {  	v20 =	vld [tilespmem:s5+$0x50C0];
	[tilespmem:s2+$0xD130] =	vst v2  }
0x856: {  	v0 =	vld.idx.msk [tilespmem:v0+s28+$0x0], $0xffff  }
0x857: {  	s11 =	simm.s32 $0x300;
	s7 =	simm.s32 $0x600;
	v21 =	vld [tilespmem:s5+$0x50D0];
	[tilespmem:s2+$0xD0C0] =	vst v6  }
0x858: {  	s7 =	sand.u32 $0x3800, s7;
	s6 =	sand.u32 $0x300, s11;
	v6 =	vld.idx.msk [tilespmem:v7+s28+$0x0], $0xffff  }
0x859: {  	s6 =	sor.u32 s6, s7;
	v22 =	vld [tilespmem:s5+$0x50F0]  }
0x85a: {  	v61 =	vld [tilespmem:s6+$0x50C0]  }
0x85b: {  	v23 =	vld [tilespmem:s6+$0x50D0];
	[tilespmem:s2+$0xD140] =	vst v0  }
0x85c: {  	v10 =	vld.idx.msk [tilespmem:v3+s28+$0x0], $0xffff  }
0x85d: {  	v0 =	vld [tilespmem:s2+$0x5160];
	[tilespmem:s2+$0xD0D0] =	vst v6  }
0x85e: {  	v6 =	vld.idx.msk [tilespmem:v8+s28+$0x0], $0xffff  }
0x85f: {  	v8 =	vld [tilespmem:s24+$0x5100]  }
0x860: {  	v24 =	vld [tilespmem:s5+$0x5520]  }
0x861: {  	[tilespmem:s2+$0xD150] =	vst v10;
	v10 =	vld [tilespmem:s24+$0x5080]  }
0x862: {  	v63 =	vld [tilespmem:s6+$0x5140]  }
0x863: {  	v4 =	vld [tilespmem:s2+$0x5480]  }
0x864: {  	v5 =	vld [tilespmem:s2+$0x5490]  }
0x865: {  	v7 =	vld [tilespmem:s2+$0x5170]  }
0x866: {  	v0 =	vld.idx.msk [tilespmem:v0+s28+$0x0], $0xffff  }
0x867: {  	v8 =	vld.idx.msk [tilespmem:v8+s28+$0x0], $0xffff  }
0x868: {  	v1 =	vld [tilespmem:s2+$0x54A0]  }
0x869: {  	v10 =	vld.idx.msk [tilespmem:v10+s28+$0x0], $0xffff  }
0x86a: {  	v2 =	vld [tilespmem:s2+$0x54B0]  }
0x86b: {  	[tilespmem:s2+$0xD160] =	vst v0;
	v0 =	vld [tilespmem:s2+$0x5500]  }
0x86c: {  	[tilespmem:s24+$0xD100] =	vst v8;
	v8 =	vld [tilespmem:s24+$0x5120]  }
0x86d: {  	v7 =	vld.idx.msk [tilespmem:v7+s28+$0x0], $0xffff  }
0x86e: {  	[tilespmem:s24+$0xD080] =	vst v10;
	v10 =	vld.idx.msk [tilespmem:v14+s28+$0x0], $0xffff  }
0x86f: {  	v3 =	vld [tilespmem:s2+$0x54B8];
	[tilespmem:s2+$0xD0E0] =	vst v6  }
0x870: {  	v9 =	vld.idx.msk [tilespmem:v9+s28+$0x0], $0xffff  }
0x871: {  	v11 =	vld.idx.msk [tilespmem:v11+s28+$0x0], $0xffff  }
0x872: {  	[tilespmem:s2+$0xD170] =	vst v7;
	v7 =	vld [tilespmem:s2+$0x5510]  }
0x873: {  	[tilespmem:s24+$0xD110] =	vst v10;
	v10 =	vld [tilespmem:s24+$0x5130]  }
0x874: {  	v8 =	vld.idx.msk [tilespmem:v8+s28+$0x0], $0xffff  }
0x875: {  	[tilespmem:s2+$0xD0F0] =	vst v9;
	v0 =	vld.idx.msk [tilespmem:v0+s28+$0x0], $0xffff  }
0x876: {  	v9 =	vld [tilespmem:s24+$0x54B0];
	[tilespmem:s24+$0xD090] =	vst v11  }
0x877: {  	v6 =	vld.idx.msk [tilespmem:v12+s28+$0x0], $0xffff  }
0x878: {  	v4 =	vld.idx.msk [tilespmem:v4+s28+$0x0], $0xffff  }
0x879: {  	[tilespmem:s24+$0xD120] =	vst v8;
	v8 =	vld [tilespmem:s24+$0x5140]  }
0x87a: {  	[tilespmem:s2+$0xD500] =	vst v0;
	v0 =	vld [tilespmem:s2+$0x5520]  }
0x87b: {  	v10 =	vld.idx.msk [tilespmem:v10+s28+$0x0], $0xffff  }
0x87c: {  	v7 =	vld.idx.msk [tilespmem:v7+s28+$0x0], $0xffff;
	[tilespmem:s24+$0xD0A0] =	vst v6  }
0x87d: {  	v6 =	vld.idx.msk [tilespmem:v13+s28+$0x0], $0xffff  }
0x87e: {  	v14 =	vld [tilespmem:s24+$0x50E0];
	[tilespmem:s2+$0xD480] =	vst v4  }
0x87f: {  	v5 =	vld.idx.msk [tilespmem:v5+s28+$0x0], $0xffff  }
0x880: {  	[tilespmem:s24+$0xD130] =	vst v10;
	v10 =	vld [tilespmem:s24+$0x5150]  }
0x881: {  	[tilespmem:s2+$0xD510] =	vst v7;
	v8 =	vld.idx.msk [tilespmem:v8+s28+$0x0], $0xffff  }
0x882: {  	v7 =	vld [tilespmem:s2+$0x5530];
	[tilespmem:s24+$0xD0B0] =	vst v6  }
0x883: {  	v6 =	vld.idx.msk [tilespmem:v15+s28+$0x0], $0xffff  }
0x884: {  	v12 =	vld [tilespmem:s24+$0x5480]  }
0x885: {  	v0 =	vld.idx.msk [tilespmem:v0+s28+$0x0], $0xffff  }
0x886: {  	[tilespmem:s24+$0xD140] =	vst v8;
	v8 =	vld [tilespmem:s24+$0x5160]  }
0x887: {  	v13 =	vld [tilespmem:s24+$0x5490]  }
0x888: {  	[tilespmem:s24+$0xD0C0] =	vst v6;
	v10 =	vld.idx.msk [tilespmem:v10+s28+$0x0], $0xffff  }
0x889: {  	v4 =	vld.idx.msk [tilespmem:v16+s28+$0x0], $0xffff  }
0x88a: {  	v15 =	vld [tilespmem:s24+$0x54A0];
	[tilespmem:s2+$0xD520] =	vst v0  }
0x88b: {  	v7 =	vld.idx.msk [tilespmem:v7+s28+$0x0], $0xffff  }
0x88c: {  	v6 =	vld [tilespmem:s24+$0x5170]  }
0x88d: {  	[tilespmem:s24+$0xD150] =	vst v10;
	v10 =	vld [tilespmem:s5+$0x5080]  }
0x88e: {  	[tilespmem:s24+$0xD0D0] =	vst v4;
	v4 =	vld.idx.msk [tilespmem:v8+s28+$0x0], $0xffff  }
0x88f: {  	v0 =	vld [tilespmem:s2+$0x5538]  }
0x890: {  	[tilespmem:s2+$0xD530] =	vst v7;
	v7 =	vld.idx.msk [tilespmem:v14+s28+$0x0], $0xffff  }
0x891: {  	v8 =	vld [tilespmem:s5+$0x5100]  }
0x892: {  	v14 =	vld [tilespmem:s5+$0x5090]  }
0x893: {  	[tilespmem:s24+$0xD160] =	vst v4;
	v4 =	vld [tilespmem:s24+$0x5500]  }
0x894: {  	v6 =	vld.idx.msk [tilespmem:v6+s28+$0x0], $0xffff  }
0x895: {  	v10 =	vld.idx.msk [tilespmem:v10+s28+$0x0], $0xffff  }
0x896: {  	v16 =	vld [tilespmem:s5+$0x50A0]  }
0x897: {  	v11 =	vld.idx.msk [tilespmem:v0+s28+$0x0], $0xffff  }
0x898: {  	v0 =	vld [tilespmem:s24+$0x54B8]  }
0x899: {  	v8 =	vld.idx.msk [tilespmem:v8+s28+$0x0], $0xffff;
	[tilespmem:s24+$0xD170] =	vst v6  }
0x89a: {  	v6 =	vld [tilespmem:s24+$0x5510];
	[tilespmem:s5+$0xD080] =	vst v10  }
0x89b: {  	v14 =	vld.idx.msk [tilespmem:v14+s28+$0x0], $0xffff  }
0x89c: {  	v4 =	vld.idx.msk [tilespmem:v4+s28+$0x0], $0xffff  }
0x89d: {  	[tilespmem:s2+$0xD538] =	vst v11;
	v11 =	vld [tilespmem:s6+$0x54B8]  }
0x89e: {  	[tilespmem:s5+$0xD100] =	vst v8;
	v8 =	vld [tilespmem:s5+$0x5120]  }
0x89f: {  	[tilespmem:s24+$0xD0E0] =	vst v7;
	v10 =	vld.idx.msk [tilespmem:v19+s28+$0x0], $0xffff  }
0x8a0: {  	[tilespmem:s5+$0xD090] =	vst v14;
	v14 =	vld.idx.msk [tilespmem:v17+s28+$0x0], $0xffff  }
0x8a1: {  	[tilespmem:s24+$0xD500] =	vst v4;
	v4 =	vld [tilespmem:s24+$0x5520]  }
0x8a2: {  	v7 =	vld.idx.msk [tilespmem:v16+s28+$0x0], $0xffff  }
0x8a3: {  	v6 =	vld.idx.msk [tilespmem:v6+s28+$0x0], $0xffff  }
0x8a4: {  	[tilespmem:s5+$0xD110] =	vst v10;
	v10 =	vld [tilespmem:s5+$0x5130]  }
0x8a5: {  	v19 =	vld [tilespmem:s5+$0x50E0]  }
0x8a6: {  	v8 =	vld.idx.msk [tilespmem:v8+s28+$0x0], $0xffff  }
0x8a7: {  	v16 =	vld [tilespmem:s5+$0x5480];
	[tilespmem:s24+$0xD0F0] =	vst v14  }
0x8a8: {  	[tilespmem:s5+$0xD0A0] =	vst v7;
	v7 =	vld.idx.msk [tilespmem:v12+s28+$0x0], $0xffff  }
0x8a9: {  	[tilespmem:s24+$0xD510] =	vst v6;
	v6 =	vld [tilespmem:s24+$0x5530]  }
0x8aa: {  	v4 =	vld.idx.msk [tilespmem:v4+s28+$0x0], $0xffff  }
0x8ab: {  	[tilespmem:s5+$0xD120] =	vst v8;
	v8 =	vld [tilespmem:s5+$0x5140]  }
0x8ac: {  	[tilespmem:s2+$0xD490] =	vst v5;
	v5 =	vld.idx.msk [tilespmem:v10+s28+$0x0], $0xffff  }
0x8ad: {  	v10 =	vld.idx.msk [tilespmem:v1+s28+$0x0], $0xffff  }
0x8ae: {  	v1 =	vld.idx.msk [tilespmem:v18+s28+$0x0], $0xffff;
	[tilespmem:s24+$0xD480] =	vst v7  }
0x8af: {  	v7 =	vld.idx.msk [tilespmem:v13+s28+$0x0], $0xffff  }
0x8b0: {  	[tilespmem:s24+$0xD520] =	vst v4;
	v4 =	vld [tilespmem:s24+$0x5538]  }
0x8b1: {  	[tilespmem:s5+$0xD130] =	vst v5;
	v5 =	vld [tilespmem:s5+$0x5150]  }
0x8b2: {  	v6 =	vld.idx.msk [tilespmem:v6+s28+$0x0], $0xffff  }
0x8b3: {  	v8 =	vld.idx.msk [tilespmem:v8+s28+$0x0], $0xffff  }
0x8b4: {  	v12 =	vld [tilespmem:s5+$0x5490];
	[tilespmem:s5+$0xD0B0] =	vst v1  }
0x8b5: {  	v14 =	vld.idx.msk [tilespmem:v20+s28+$0x0], $0xffff  }
0x8b6: {  	v13 =	vld [tilespmem:s5+$0x54A0];
	[tilespmem:s24+$0xD490] =	vst v7  }
0x8b7: {  	v7 =	vld [tilespmem:s6+$0x5100];
	[tilespmem:s24+$0xD530] =	vst v6  }
0x8b8: {  	[tilespmem:s5+$0xD140] =	vst v8;
	v8 =	vld [tilespmem:s5+$0x5160]  }
0x8b9: {  	v17 =	vld.idx.msk [tilespmem:v4+s28+$0x0], $0xffff  }
0x8ba: {  	[tilespmem:s5+$0xD0C0] =	vst v14;
	v5 =	vld.idx.msk [tilespmem:v5+s28+$0x0], $0xffff  }
0x8bb: {  	v4 =	vld.idx.msk [tilespmem:v21+s28+$0x0], $0xffff  }
0x8bc: {  	v1 =	vld [tilespmem:s5+$0x54B0]  }
0x8bd: {  	[tilespmem:s2+$0xD4A0] =	vst v10;
	v10 =	vld [tilespmem:s6+$0x5090]  }
0x8be: {  	v60 =	vld.idx.msk [tilespmem:v2+s28+$0x0], $0xffff  }
0x8bf: {  	[tilespmem:s5+$0xD150] =	vst v5;
	v5 =	vld [tilespmem:s5+$0x5170]  }
0x8c0: {  	[tilespmem:s5+$0xD0D0] =	vst v4;
	v4 =	vld.idx.msk [tilespmem:v8+s28+$0x0], $0xffff  }
0x8c1: {  	v8 =	vld [tilespmem:s6+$0x5080]  }
0x8c2: {  	v2 =	vld [tilespmem:s5+$0x54B8]  }
0x8c3: {  	v7 =	vld.idx.msk [tilespmem:v7+s28+$0x0], $0xffff  }
0x8c4: {  	v6 =	vld.idx.msk [tilespmem:v19+s28+$0x0], $0xffff  }
0x8c5: {  	[tilespmem:s5+$0xD160] =	vst v4;
	v4 =	vld [tilespmem:s5+$0x5500]  }
0x8c6: {  	v19 =	vld [tilespmem:s6+$0x5110]  }
0x8c7: {  	v5 =	vld.idx.msk [tilespmem:v5+s28+$0x0], $0xffff  }
0x8c8: {  	v18 =	vld.idx.msk [tilespmem:v15+s28+$0x0], $0xffff  }
0x8c9: {  	v8 =	vld.idx.msk [tilespmem:v8+s28+$0x0], $0xffff  }
0x8ca: {  	v15 =	vld [tilespmem:s6+$0x50B0]  }
0x8cb: {  	[tilespmem:s6+$0xD100] =	vst v7;
	v7 =	vld [tilespmem:s6+$0x5120]  }
0x8cc: {  	[tilespmem:s5+$0xD170] =	vst v5;
	v5 =	vld [tilespmem:s5+$0x5510]  }
0x8cd: {  	v4 =	vld.idx.msk [tilespmem:v4+s28+$0x0], $0xffff  }
0x8ce: {  	[tilespmem:s6+$0xD080] =	vst v8;
	v8 =	vld.idx.msk [tilespmem:v19+s28+$0x0], $0xffff  }
0x8cf: {  	v14 =	vld [tilespmem:s6+$0x50A0]  }
0x8d0: {  	v19 =	vld.idx.msk [tilespmem:v10+s28+$0x0], $0xffff  }
0x8d1: {  	v10 =	vld [tilespmem:s6+$0x50E0]  }
0x8d2: {  	[tilespmem:s5+$0xD500] =	vst v4;
	v4 =	vld [tilespmem:s6+$0x50F0]  }
0x8d3: {  	[tilespmem:s6+$0xD110] =	vst v8;
	v8 =	vld [tilespmem:s6+$0x5130]  }
0x8d4: {  	v5 =	vld.idx.msk [tilespmem:v5+s28+$0x0], $0xffff  }
0x8d5: {  	v7 =	vld.idx.msk [tilespmem:v7+s28+$0x0], $0xffff  }
0x8d6: {  	[tilespmem:s6+$0xD090] =	vst v19;
	v19 =	vld [tilespmem:s5+$0x5530]  }
0x8d7: {  	[tilespmem:s5+$0xD0E0] =	vst v6;
	v6 =	vld.idx.msk [tilespmem:v14+s28+$0x0], $0xffff  }
0x8d8: {  	v14 =	vld.idx.msk [tilespmem:v22+s28+$0x0], $0xffff  }
0x8d9: {  	[tilespmem:s5+$0xD510] =	vst v5;
	v5 =	vld [tilespmem:s6+$0x5480]  }
0x8da: {  	v62 =	vld.idx.msk [tilespmem:v24+s28+$0x0], $0xffff  }
0x8db: {  	[tilespmem:s6+$0xD120] =	vst v7;
	v7 =	vld [tilespmem:s6+$0x5490]  }
0x8dc: {  	[tilespmem:s6+$0xD0A0] =	vst v6;
	v6 =	vld.idx.msk [tilespmem:v8+s28+$0x0], $0xffff  }
0x8dd: {  	[tilespmem:s5+$0xD0F0] =	vst v14;
	v8 =	vld.idx.msk [tilespmem:v15+s28+$0x0], $0xffff  }
0x8de: {  	v14 =	vld.idx.msk [tilespmem:v16+s28+$0x0], $0xffff  }
0x8df: {  	v15 =	vld [tilespmem:s5+$0x5538];
	[tilespmem:s5+$0xD520] =	vst v62  }
0x8e0: {  	v16 =	vld.idx.msk [tilespmem:v19+s28+$0x0], $0xffff  }
0x8e1: {  	[tilespmem:s6+$0xD130] =	vst v6;
	v19 =	vld [tilespmem:s6+$0x5150]  }
0x8e2: {  	[tilespmem:s6+$0xD0B0] =	vst v8;
	v8 =	vld [tilespmem:s6+$0x54A0]  }
0x8e3: {  	v6 =	vld.idx.msk [tilespmem:v63+s28+$0x0], $0xffff  }
0x8e4: {  	[tilespmem:s5+$0xD480] =	vst v14;
	v21 =	vld.idx.msk [tilespmem:v61+s28+$0x0], $0xffff  }
0x8e5: {  	v12 =	vld.idx.msk [tilespmem:v12+s28+$0x0], $0xffff  }
0x8e6: {  	v14 =	vld [tilespmem:s6+$0x5160];
	[tilespmem:s5+$0xD530] =	vst v16  }
0x8e7: {  	[tilespmem:s2+$0xD4B0] =	vst v60;
	v16 =	vld.idx.msk [tilespmem:v15+s28+$0x0], $0xffff  }
0x8e8: {  	[tilespmem:s6+$0xD140] =	vst v6;
	v6 =	vld [tilespmem:s6+$0x54B0]  }
0x8e9: {  	[tilespmem:s6+$0xD0C0] =	vst v21;
	v19 =	vld.idx.msk [tilespmem:v19+s28+$0x0], $0xffff  }
0x8ea: {  	[tilespmem:s5+$0xD490] =	vst v12;
	v15 =	vld.idx.msk [tilespmem:v23+s28+$0x0], $0xffff  }
0x8eb: {  	[tilespmem:s24+$0xD4A0] =	vst v18;
	v13 =	vld.idx.msk [tilespmem:v13+s28+$0x0], $0xffff  }
0x8ec: {  	[tilespmem:s24+$0xD538] =	vst v17;
	v12 =	vld.idx.msk [tilespmem:v9+s28+$0x0], $0xffff  }
0x8ed: {  	v9 =	vld.idx.msk [tilespmem:v3+s28+$0x0], $0xffff;
	[tilespmem:s5+$0xD538] =	vst v16  }
0x8ee: {  	s8 =	simm.s32 $0x400;
	s9 =	simm.s32 $0x800;
	s7 =	simm.s32 $0x6;
	v16 =	vld [tilespmem:s6+$0x5170];
	[tilespmem:s6+$0xD150] =	vst v19  }
.LBB2_16:
0x8ef: {  	s10 =	sand.u32 $0x3800, s9;
	s11 =	sand.u32 $0x300, s8;
	s7 =	sadd.s32 $0x2, s7;
	[tilespmem:s6+$0xD0D0] =	vst v15;
	v14 =	vld.idx.msk [tilespmem:v14+s28+$0x0], $0xffff  }
0x8f0: {  	s10 =	sor.u32 s11, s10;
	p0 =	slt.u32 s7, $0x3E;
	v10 =	vld.idx.msk [tilespmem:v10+s28+$0x0], $0xffff;
	[tilespmem:s5+$0xD4A0] =	vst v13  }
0x8f1: {  	v13 =	vld [tilespmem:s10+$0x5100];
	[tilespmem:s24+$0xD4B0] =	vst v12;
	v3 =	vmov v11  }
0x8f2: {  	v11 =	vld [tilespmem:s10+$0x5080]  }
0x8f3: {  	v12 =	vld [tilespmem:s10+$0x5090];
	[tilespmem:s2+$0xD4B8] =	vst v9;
	s2 =	smov.u32 s24;
	s24 =	smov.u32 s5;
	s5 =	smov.u32 s6  }
0x8f4: {  	s6 =	smov.u32 s10;
	v9 =	vld [tilespmem:s10+$0x50A0]  }
0x8f5: {  	[tilespmem:s5+$0xD160] =	vst v14;
	v14 =	vld [tilespmem:s5+$0x5500]  }
0x8f6: {  	[tilespmem:s5+$0xD0E0] =	vst v10;
	v10 =	vld.idx.msk [tilespmem:v16+s28+$0x0], $0xffff  }
0x8f7: {  	v15 =	vld [tilespmem:s6+$0x50B0]  }
0x8f8: {  	v16 =	vld [tilespmem:s6+$0x5110]  }
0x8f9: {  	v13 =	vld.idx.msk [tilespmem:v13+s28+$0x0], $0xffff  }
0x8fa: {  	v11 =	vld.idx.msk [tilespmem:v11+s28+$0x0], $0xffff  }
0x8fb: {  	v17 =	vld [tilespmem:s6+$0x50C0]  }
0x8fc: {  	[tilespmem:s5+$0xD170] =	vst v10;
	v18 =	vld [tilespmem:s5+$0x5510]  }
0x8fd: {  	v14 =	vld.idx.msk [tilespmem:v14+s28+$0x0], $0xffff  }
0x8fe: {  	v19 =	vld [tilespmem:s6+$0x50D0]  }
0x8ff: {  	[tilespmem:s6+$0xD100] =	vst v13;
	v13 =	vld [tilespmem:s6+$0x5120]  }
0x900: {  	[tilespmem:s6+$0xD080] =	vst v11;
	v11 =	vld.idx.msk [tilespmem:v16+s28+$0x0], $0xffff  }
0x901: {  	v12 =	vld.idx.msk [tilespmem:v12+s28+$0x0], $0xffff  }
0x902: {  	v10 =	vld [tilespmem:s6+$0x50E0]  }
0x903: {  	[tilespmem:s5+$0xD500] =	vst v14;
	v14 =	vld [tilespmem:s5+$0x5520]  }
0x904: {  	v16 =	vld.idx.msk [tilespmem:v18+s28+$0x0], $0xffff  }
0x905: {  	v18 =	vld [tilespmem:s6+$0x50F0]  }
0x906: {  	[tilespmem:s6+$0xD110] =	vst v11;
	v11 =	vld [tilespmem:s6+$0x5130]  }
0x907: {  	[tilespmem:s6+$0xD090] =	vst v12;
	v12 =	vld.idx.msk [tilespmem:v13+s28+$0x0], $0xffff  }
0x908: {  	v9 =	vld.idx.msk [tilespmem:v9+s28+$0x0], $0xffff  }
0x909: {  	v13 =	vld.idx.msk [tilespmem:v4+s28+$0x0], $0xffff  }
0x90a: {  	[tilespmem:s5+$0xD510] =	vst v16;
	v16 =	vld [tilespmem:s5+$0x5530];
	v4 =	vmov v18  }
0x90b: {  	v14 =	vld.idx.msk [tilespmem:v14+s28+$0x0], $0xffff  }
0x90c: {  	v18 =	vld [tilespmem:s6+$0x5480]  }
0x90d: {  	[tilespmem:s6+$0xD120] =	vst v12;
	v12 =	vld [tilespmem:s6+$0x5140]  }
0x90e: {  	[tilespmem:s6+$0xD0A0] =	vst v9;
	v9 =	vld.idx.msk [tilespmem:v11+s28+$0x0], $0xffff  }
0x90f: {  	v11 =	vld.idx.msk [tilespmem:v15+s28+$0x0], $0xffff;
	[tilespmem:s5+$0xD0F0] =	vst v13  }
0x910: {  	v13 =	vld.idx.msk [tilespmem:v5+s28+$0x0], $0xffff  }
0x911: {  	[tilespmem:s5+$0xD520] =	vst v14;
	v14 =	vld [tilespmem:s5+$0x5538];
	v5 =	vmov v18  }
0x912: {  	v15 =	vld.idx.msk [tilespmem:v16+s28+$0x0], $0xffff  }
0x913: {  	v16 =	vld [tilespmem:s6+$0x5490]  }
0x914: {  	[tilespmem:s6+$0xD130] =	vst v9;
	v9 =	vld [tilespmem:s6+$0x5150]  }
0x915: {  	[tilespmem:s6+$0xD0B0] =	vst v11;
	v11 =	vld.idx.msk [tilespmem:v12+s28+$0x0], $0xffff  }
0x916: {  	v12 =	vld.idx.msk [tilespmem:v17+s28+$0x0], $0xffff;
	[tilespmem:s5+$0xD480] =	vst v13  }
0x917: {  	v13 =	vld.idx.msk [tilespmem:v7+s28+$0x0], $0xffff  }
0x918: {  	v17 =	vld [tilespmem:s6+$0x54A0];
	[tilespmem:s5+$0xD530] =	vst v15;
	v7 =	vmov v16  }
0x919: {  	v16 =	vld.idx.msk [tilespmem:v14+s28+$0x0], $0xffff  }
0x91a: {  	v18 =	vld [tilespmem:s6+$0x54B0]  }
0x91b: {  	[tilespmem:s6+$0xD140] =	vst v11;
	v14 =	vld [tilespmem:s6+$0x5160]  }
0x91c: {  	[tilespmem:s6+$0xD0C0] =	vst v12;
	v20 =	vld.idx.msk [tilespmem:v9+s28+$0x0], $0xffff  }
0x91d: {  	v15 =	vld.idx.msk [tilespmem:v19+s28+$0x0], $0xffff;
	[tilespmem:s5+$0xD490] =	vst v13  }
.Ltmp7:
0x91e: {  	v13 =	vld.idx.msk [tilespmem:v8+s28+$0x0], $0xffff;
	v8 =	vmov v17;
	(pc) =	sbr.rel @p0 .LBB2_16-.Ltmp7, $4  }
0x91f: {  	[tilespmem:s5+$0xD538] =	vst v16;
	v12 =	vld.idx.msk [tilespmem:v1+s28+$0x0], $0xffff;
	v1 =	vmov v6;
	v6 =	vmov v18  }
0x920: {  	v11 =	vld [tilespmem:s6+$0x54B8]  }
0x921: {  	v9 =	vld.idx.msk [tilespmem:v0+s28+$0x0], $0xffff;
	v0 =	vmov v2;
	v2 =	vmov v3  }
0x922: {  	s8 =	sadd.s32 $0x100, s8;
	s9 =	sadd.s32 $0x200, s9;
	[tilespmem:s6+$0xD150] =	vst v20;
	v16 =	vld [tilespmem:s6+$0x5170]  }
0x923: {  	_ =	sdelay $0x3  }
0x924: {  	v3 =	vld.idx.msk [tilespmem:v14+s28+$0x0], $0xffff;
	[tilespmem:s6+$0xD0D0] =	vst v15  }
0x925: {  	v10 =	vld.idx.msk [tilespmem:v10+s28+$0x0], $0xffff;
	_ =	sdelay $0x2  }
0x926: {  	v55 =	vld [tilespmem:s6+$0x5500]  }
0x927: {  	[tilespmem:s6+$0xD160] =	vst v3  }
0x928: {  	v56 =	vld.idx.msk [tilespmem:v16+s28+$0x0], $0xffff;
	[tilespmem:s6+$0xD0E0] =	vst v10  }
0x929: {  	v4 =	vld.idx.msk [tilespmem:v4+s28+$0x0], $0xffff;
	_ =	sdelay $0x2  }
0x92a: {  	v57 =	vld [tilespmem:s6+$0x5510]  }
0x92b: {  	[tilespmem:s6+$0xD170] =	vst v56  }
0x92c: {  	v3 =	vld.idx.msk [tilespmem:v55+s28+$0x0], $0xffff;
	[tilespmem:s6+$0xD0F0] =	vst v4  }
0x92d: {  	v4 =	vld.idx.msk [tilespmem:v5+s28+$0x0], $0xffff;
	_ =	sdelay $0x2  }
0x92e: {  	v58 =	vld [tilespmem:s6+$0x5520]  }
0x92f: {  	[tilespmem:s6+$0xD500] =	vst v3  }
0x930: {  	v59 =	vld.idx.msk [tilespmem:v57+s28+$0x0], $0xffff;
	[tilespmem:s6+$0xD480] =	vst v4  }
0x931: {  	v4 =	vld.idx.msk [tilespmem:v7+s28+$0x0], $0xffff;
	_ =	sdelay $0x2  }
0x932: {  	v60 =	vld [tilespmem:s6+$0x5530]  }
0x933: {  	[tilespmem:s6+$0xD510] =	vst v59  }
0x934: {  	v3 =	vld.idx.msk [tilespmem:v58+s28+$0x0], $0xffff;
	[tilespmem:s6+$0xD490] =	vst v4  }
0x935: {  	v61 =	vld.idx.msk [tilespmem:v8+s28+$0x0], $0xffff;
	_ =	sdelay $0x2  }
0x936: {  	v62 =	vld [tilespmem:s6+$0x5538];
	[tilespmem:s5+$0xD4A0] =	vst v13  }
0x937: {  	v1 =	vld.idx.msk [tilespmem:v1+s28+$0x0], $0xffff;
	[tilespmem:s6+$0xD520] =	vst v3  }
0x938: {  	v5 =	vld.idx.msk [tilespmem:v60+s28+$0x0], $0xffff;
	[tilespmem:s6+$0xD4A0] =	vst v61  }
0x939: {  	v3 =	vld.idx.msk [tilespmem:v6+s28+$0x0], $0xffff;
	_ =	sdelay $0x1  }
0x93a: {  	[tilespmem:s24+$0xD4B0] =	vst v12  }
0x93b: {  	v0 =	vld.idx.msk [tilespmem:v0+s28+$0x0], $0xffff;
	[tilespmem:s5+$0xD4B0] =	vst v1  }
0x93c: {  	v1 =	vld.idx.msk [tilespmem:v2+s28+$0x0], $0xffff;
	[tilespmem:s6+$0xD530] =	vst v5  }
0x93d: {  	v4 =	vld.idx.msk [tilespmem:v62+s28+$0x0], $0xffff;
	[tilespmem:s6+$0xD4B0] =	vst v3  }
0x93e: {  	v63 =	vld.idx.msk [tilespmem:v11+s28+$0x0], $0xffff  }
0x93f: {  	[tilespmem:s2+$0xD4B8] =	vst v9  }
0x940: {  	[tilespmem:s24+$0xD4B8] =	vst v0  }
0x941: {  	[tilespmem:s5+$0xD4B8] =	vst v1  }
0x942: {  	[tilespmem:s6+$0xD538] =	vst v4  }
0x943: {  	s1 =	sadd.s32 $0x1, s1;
	[tilespmem:s6+$0xD4B8] =	vst v63  }
0x944: {  	[hbm4b:s20+s4] =	stream.linear.scatter [tilespmem:s31], [sflag:$0x4], $0x4000, $0x38;
	[tilespmem:$0x11080] =	vst v63  }
0x945: {  	p0 =	sne.s32 s1, s21;
	_ =	swait.ge [sflag:s0], $0x4000  }
.Ltmp8:
0x946: {  	[sflag:s0] =	ssyncset.done $0x0;
	(pc) =	sbr.rel @p0 .LBB2_1-.Ltmp8, $4  }
0x947: {  	[sflag:s0] =	ssyncadd.s32 $0xFFFFC000  }
0x948: {  	_ =	swait.ge [sflag:s3], $0x4000  }
0x949: {  	[sflag:s3] =	ssyncset.done $0x0  }
0x94a: {  	[sflag:s3] =	ssyncadd.s32 $0xFFFFC000  }
0x94b: {  	_ =	sfence.sel $0x180000  }
0x94c: {  	[bflag:$0x0] =	sbarrier.arrive $0xFFFF  }
0x94d: {  	_ =	strace $0x90000047  }
0x94e: {  	s0 =	stileid.u32;
	[bflag:$0x2] =	sbarrier.arrive $0xFFFF  }
0x94f: {  	p0 =	sne.s32 s0, $0x0;
	s0 =	rddreg [dreg:$0x3]  }
0x950: {  	s0 =	sadd.s32 @!p0 $0x100000, s0  }
0x951: {  	[sflag:s0] =	ssyncadd.tile.s32 @!p0 $0x1;
	_ =	shalt  }
.Lfunc_end2:
_tile_overlayer_lowered:
.L_overlay_start_2:
0x952: {  	(tag) =	ssettag $0x2  }
0x953: {  	s0 =	rddreg [dreg:$0x0];
	s2 =	stileid.u32  }
0x954: {  	s1 =	rddreg [dreg:$0x1];
	p0 =	sne.s32 s2, $0x0  }
0x955: {  	s3 =	rddreg [dreg:$0x2];
	[bflag:$0x3] =	sbarrier.arrive $0xFFFF;
	s2 =	simm.s32 @!p0 $0x1C05  }
0x956: {  	[timem:s3], [sflag:s2] =	dma.local @!p0 [hbm:s0], s1  }
0x957: {  	s0 =	simm.s32 @!p0 $0x5  }
0x958: {  	_ =	swait.ge @!p0 [sflag:s0], s1  }
0x959: {  	s1 =	ssub.s32 @!p0 $0x0, s1;
	[sflag:s0] =	ssyncset.done @!p0 $0x0  }
0x95a: {  	[sflag:s0] =	ssyncadd.s32 @!p0 s1  }
0x95b: {  	[bflag:$0x3] =	sbarrier.arrive $0xFFFF  }
0x95c: {  	_ =	shalt  }

</sc_bundles>
